<compile_context>
chip_gen: v7x
topology: tpu7x:2x2x1
jax: 0.10.2.dev20260603
libtpu: 0.0.44.dev20260713+nightly
codegen_flags: <defaults>
</compile_context>

<pallas_src>
import functools

import jax
import jax.numpy as jnp
from jax import lax
from jax.experimental import pallas as pl
from jax.experimental.pallas import tpu as pltpu
from jax.experimental.pallas import tpu_sc as plsc

N_NODES = 10000
N_PAD = 10240
N_EDGES = 320000
N_GRAPHS = 16
NW = 32
BLK = 128
NBLK = 79
E_PER_W = BLK * NBLK
E_PAD = E_PER_W * NW

_MESH = plsc.VectorSubcoreMesh(core_axis_name="c", subcore_axis_name="s")


def _zero_fill(ref1d, nwords):
    z = jnp.zeros((16,), jnp.float32)

    def body(i, c):
        ref1d[pl.ds(i * 16, 16)] = z
        return c

    lax.fori_loop(0, nwords // 16, body, None)


def _sc_deg_body(dst_hbm, out_hbm, idx_v, idx2_v, ones_v, buf_v, acc_sh,
                 sem, sem2):
    cid = lax.axis_index("c")
    sid = lax.axis_index("s")
    wid = cid * 16 + sid

    ov = jnp.ones((16,), jnp.float32)

    def fill(i, c):
        ones_v[pl.ds(i * 16, 16)] = ov
        return c

    lax.fori_loop(0, BLK // 16, fill, None)
    _zero_fill(buf_v, 640)
    pltpu.sync_copy(buf_v, acc_sh.at[pl.ds(sid * 640, 640)])
    plsc.subcore_barrier()

    base0 = wid * E_PER_W

    pltpu.sync_copy(dst_hbm.at[pl.ds(base0, BLK)], idx_v)
    pltpu.make_async_copy(ones_v, acc_sh.at[idx_v], sem).start(add=True)

    def blk(j, c):
        b = base0 + (2 * j + 1) * BLK
        pltpu.sync_copy(dst_hbm.at[pl.ds(b, BLK)], idx2_v)
        pltpu.make_async_copy(ones_v, acc_sh.at[idx2_v], sem2).start(add=True)
        pltpu.make_async_copy(ones_v, acc_sh.at[idx_v], sem).wait()
        pltpu.sync_copy(dst_hbm.at[pl.ds(b + BLK, BLK)], idx_v)
        pltpu.make_async_copy(ones_v, acc_sh.at[idx_v], sem).start(add=True)
        pltpu.make_async_copy(ones_v, acc_sh.at[idx2_v], sem2).wait()
        return c

    lax.fori_loop(0, (NBLK - 1) // 2, blk, None)
    pltpu.make_async_copy(ones_v, acc_sh.at[idx_v], sem).wait()
    plsc.subcore_barrier()

    pltpu.sync_copy(acc_sh.at[pl.ds(sid * 640, 640)], buf_v)
    pltpu.sync_copy(buf_v, out_hbm.at[cid, pl.ds(sid * 640, 640)])


_sc_deg = pl.kernel(
    _sc_deg_body,
    out_type=jax.ShapeDtypeStruct((2, N_PAD), jnp.float32),
    mesh=_MESH,
    scratch_types=[
        pltpu.VMEM((BLK,), jnp.int32),
        pltpu.VMEM((BLK,), jnp.int32),
        pltpu.VMEM((BLK,), jnp.float32),
        pltpu.VMEM((640,), jnp.float32),
        pltpu.VMEM_SHARED((N_PAD,), jnp.float32),
        pltpu.SemaphoreType.DMA,
        pltpu.SemaphoreType.DMA,
    ],
)


def _zero_acc_slice(buf_v, acc_sh, sid):
    z = jnp.zeros((16,), jnp.float32)

    def zfill(i, c):
        buf_v[i // 8, pl.ds((i % 8) * 16, 16)] = z
        return c

    lax.fori_loop(0, 32 * 8, zfill, None)

    def zblk(j, c):
        pltpu.sync_copy(buf_v, acc_sh.at[pl.ds(sid * 640 + j * 32, 32)])
        return c

    lax.fori_loop(0, 20, zblk, None)


def _dump_acc_slice(buf_v, acc_sh, out_hbm, cid, sid):

    def dblk(j, c):
        r = sid * 640 + j * 32
        pltpu.sync_copy(acc_sh.at[pl.ds(r, 32)], buf_v)
        pltpu.sync_copy(buf_v, out_hbm.at[cid, pl.ds(r, 32)])
        return c

    lax.fori_loop(0, 20, dblk, None)


def _edge_ring(tab_hbm, src_hbm, dst_hbm, acc_sh, base0, nblk,
               sidx_v, didx_v, rows_v, sidx2_v, didx2_v, rows2_v, sem, sem2):

    def load_idx(b, si, di):
        pltpu.sync_copy(src_hbm.at[pl.ds(base0 + b * BLK, BLK)], si)
        pltpu.sync_copy(dst_hbm.at[pl.ds(base0 + b * BLK, BLK)], di)

    load_idx(0, sidx_v, didx_v)
    pltpu.make_async_copy(tab_hbm.at[sidx_v], rows_v, sem).start()

    def blk(j, c):
        load_idx(2 * j + 1, sidx2_v, didx2_v)
        pltpu.make_async_copy(tab_hbm.at[sidx2_v], rows2_v, sem2).start()
        pltpu.make_async_copy(tab_hbm.at[sidx_v], rows_v, sem).wait()
        pltpu.sync_copy(rows_v, acc_sh.at[didx_v], add=True)
        load_idx(2 * j + 2, sidx_v, didx_v)
        pltpu.make_async_copy(tab_hbm.at[sidx_v], rows_v, sem).start()
        pltpu.make_async_copy(tab_hbm.at[sidx2_v], rows2_v, sem2).wait()
        pltpu.sync_copy(rows2_v, acc_sh.at[didx2_v], add=True)
        return c

    npairs = (nblk - 1) // 2
    lax.fori_loop(0, npairs, blk, None)
    pltpu.make_async_copy(tab_hbm.at[sidx_v], rows_v, sem).wait()
    pltpu.sync_copy(rows_v, acc_sh.at[didx_v], add=True)
    if nblk - (2 * npairs + 1) == 1:
        load_idx(nblk - 1, sidx2_v, didx2_v)
        pltpu.make_async_copy(tab_hbm.at[sidx2_v], rows2_v, sem2).start()
        pltpu.make_async_copy(tab_hbm.at[sidx2_v], rows2_v, sem2).wait()
        pltpu.sync_copy(rows2_v, acc_sh.at[didx2_v], add=True)


_PROP_SCRATCH = [
    pltpu.VMEM((BLK,), jnp.int32),
    pltpu.VMEM((BLK,), jnp.int32),
    pltpu.VMEM((BLK, 128), jnp.float32),
    pltpu.VMEM((BLK,), jnp.int32),
    pltpu.VMEM((BLK,), jnp.int32),
    pltpu.VMEM((BLK, 128), jnp.float32),
    pltpu.VMEM((32, 128), jnp.float32),
    pltpu.VMEM_SHARED((N_PAD, 128), jnp.float32),
    pltpu.SemaphoreType.DMA,
    pltpu.SemaphoreType.DMA,
]

E_PER_T2 = E_PAD // 16
NBLK2 = E_PER_T2 // BLK


def _sc_prop2_body(ga_hbm, gb_hbm, src_hbm, dst_hbm, out_hbm,
                   sidx_v, didx_v, rows_v, sidx2_v, didx2_v, rows2_v,
                   buf_v, acc_sh, sem, sem2):
    cid = lax.axis_index("c")
    sid = lax.axis_index("s")

    _zero_acc_slice(buf_v, acc_sh, sid)
    plsc.subcore_barrier()
    base0 = sid * E_PER_T2

    @pl.when(cid == 0)
    def _():
        _edge_ring(ga_hbm, src_hbm, dst_hbm, acc_sh, base0, NBLK2,
                   sidx_v, didx_v, rows_v, sidx2_v, didx2_v, rows2_v,
                   sem, sem2)

    @pl.when(cid == 1)
    def _():
        _edge_ring(gb_hbm, src_hbm, dst_hbm, acc_sh, base0, NBLK2,
                   sidx_v, didx_v, rows_v, sidx2_v, didx2_v, rows2_v,
                   sem, sem2)

    plsc.subcore_barrier()
    _dump_acc_slice(buf_v, acc_sh, out_hbm, cid, sid)


_sc_prop2 = pl.kernel(
    _sc_prop2_body,
    out_type=jax.ShapeDtypeStruct((2, N_PAD, 128), jnp.float32),
    mesh=_MESH,
    scratch_types=list(_PROP_SCRATCH),
)


def _tc_mm1_body(x_ref, w1_ref, h0_ref):
    h0_ref[...] = jnp.dot(x_ref[...], w1_ref[...],
                          preferred_element_type=jnp.float32)


def _tc_pre_body(h0_ref, degt_ref, g0a_ref, g0b_ref, dinv_ref):
    deg = degt_ref[:, 0:1] + degt_ref[:, 1:2] + 1.0
    dinv = lax.rsqrt(deg)
    dinv_ref[...] = dinv
    g0 = dinv * h0_ref[...]
    g0a_ref[...] = g0[:, :128]
    g0b_ref[...] = g0[:, 128:]


def _tc_mid_body(t0a_ref, t0b_ref, g0a_ref, g0b_ref, dinv_ref, b1_ref,
                 w2_ref, g1a_ref, g1b_ref):
    dinv = dinv_ref[...]
    ph0 = jnp.concatenate([dinv * (t0a_ref[...] + g0a_ref[...]),
                           dinv * (t0b_ref[...] + g0b_ref[...])], axis=1)
    h1 = jnp.maximum(ph0 + b1_ref[...], 0.0)
    hw = jnp.dot(h1, w2_ref[...], preferred_element_type=jnp.float32)
    g1 = dinv * hw
    g1a_ref[...] = g1[:, :128]
    g1b_ref[...] = g1[:, 128:]


def _tc_final_body(t1a_ref, t1b_ref, g1a_ref, g1b_ref,
                   dinv_ref, b2_ref, wfc_ref, bfc_ref, bnd_ref,
                   out_ref, h2_s):
    dinv = dinv_ref[...]
    ph1 = jnp.concatenate([dinv * (t1a_ref[...] + g1a_ref[...]),
                           dinv * (t1b_ref[...] + g1b_ref[...])], axis=1)
    h2 = jnp.maximum(ph1 + b2_ref[...], 0.0)
    h2_s[:N_NODES, :] = h2
    h2_s[N_NODES:, :] = jnp.zeros((N_PAD - N_NODES, 256), jnp.float32)
    rows = []
    for g in range(N_GRAPHS):
        s = bnd_ref[g]
        e = bnd_ref[g + 1]
        sa = (s // 8) * 8
        nch = (e - sa + 7) // 8

        def chunk(j, acc, s=s, e=e, sa=sa):
            base = pl.multiple_of(sa + j * 8, 8)
            blk = h2_s[pl.ds(base, 8), :]
            rid = base + lax.broadcasted_iota(jnp.int32, (8, 256), 0)
            blk = jnp.where((rid >= s) & (rid < e), blk, 0.0)
            return acc + jnp.sum(blk, axis=0, keepdims=True)

        acc = lax.fori_loop(0, nch, chunk, jnp.zeros((1, 256), jnp.float32))
        cnt = jnp.maximum((e - s).astype(jnp.float32), 1.0)
        rows.append(acc / cnt)
    pooled = jnp.concatenate(rows, axis=0)
    out_ref[...] = (
        jnp.dot(pooled, wfc_ref[...], preferred_element_type=jnp.float32)
        + bfc_ref[...])


def kernel(x, edge_index, batch, W1, b1, W2, b2, Wfc, bfc):
    npad = E_PAD - N_EDGES
    spread = jnp.arange(npad, dtype=jnp.int32)
    src = jnp.concatenate([edge_index[0], spread % N_NODES])
    dst = jnp.concatenate(
        [edge_index[1], N_NODES + (spread % (N_PAD - N_NODES))])

    h0 = pl.pallas_call(
        _tc_mm1_body,
        out_shape=jax.ShapeDtypeStruct((N_NODES, 256), jnp.float32),
    )(x, W1)
    degp = _sc_deg(dst)
    degt = jnp.transpose(degp[:, :N_NODES])

    g0a, g0b, dinv = pl.pallas_call(
        _tc_pre_body,
        out_shape=(
            jax.ShapeDtypeStruct((N_NODES, 128), jnp.float32),
            jax.ShapeDtypeStruct((N_NODES, 128), jnp.float32),
            jax.ShapeDtypeStruct((N_NODES, 1), jnp.float32),
        ),
    )(h0, degt)

    t0 = _sc_prop2(g0a, g0b, src, dst)

    g1a, g1b = pl.pallas_call(
        _tc_mid_body,
        out_shape=(
            jax.ShapeDtypeStruct((N_NODES, 128), jnp.float32),
            jax.ShapeDtypeStruct((N_NODES, 128), jnp.float32),
        ),
    )(t0[0, :N_NODES], t0[1, :N_NODES], g0a, g0b, dinv,
      b1.reshape(1, 256), W2)

    t1 = _sc_prop2(g1a, g1b, src, dst)

    bnd = jnp.searchsorted(
        batch, jnp.arange(N_GRAPHS + 1, dtype=jnp.int32)).astype(jnp.int32)
    out = pl.pallas_call(
        _tc_final_body,
        out_shape=jax.ShapeDtypeStruct((N_GRAPHS, 1), jnp.float32),
        in_specs=[pl.BlockSpec(memory_space=pltpu.VMEM)] * 8
        + [pl.BlockSpec(memory_space=pltpu.SMEM)],
        scratch_shapes=[pltpu.VMEM((N_PAD, 256), jnp.float32)],
    )(t1[0, :N_NODES], t1[1, :N_NODES],
      g1a, g1b, dinv, b2.reshape(1, 256), Wfc,
      bfc.reshape(1, 1), bnd)
    return out[:, 0]

# --- scband reference (transcript-rebuilt; emitter-appended) ---
"""Pipeline reference for scband-deepfake-gnn-18511309045924 (READ-ONLY COPY).

The authoritative reference and input builder live on the scoring server;
editing this copy changes nothing except your own understanding.
"""

import jax, jax.numpy as jnp
import numpy as np

N_NODES = 10000
N_EDGES = 320000
IN_DIM = 128
HIDDEN_DIM = 256
N_GRAPHS = 16


def setup_inputs(seed: int = 0) -> dict:
    key = jax.random.key(seed)
    ks = jax.random.split(key, 10)
    x = jax.random.normal(ks[0], (N_NODES, IN_DIM), dtype=jnp.float32)
    edge_index = jax.random.randint(ks[1], (2, N_EDGES), 0, N_ODES if False else N_NODES, dtype=jnp.int64 if jax.config.jax_enable_x64 else jnp.int32).astype(jnp.int32)
    batch = jnp.sort(jax.random.randint(ks[2], (N_NODES,), 0, N_GRAPHS)).astype(jnp.int32)
    s1 = 1.0 / np.sqrt(IN_DIM)
    s2 = 1.0 / np.sqrt(HIDDEN_DIM)
    W1 = jax.random.uniform(ks[3], (IN_DIM, HIDDEN_DIM), jnp.float32, -s1, s1)
    b1 = jax.random.uniform(ks[4], (HIDDEN_DIM,), jnp.float32, -s1, s1)
    W2 = jax.random.uniform(ks[5], (HIDDEN_DIM, HIDDEN_DIM), jnp.float32, -s2, s2)
    b2 = jax.random.uniform(ks[6], (HIDDEN_DIM,), jnp.float32, -s2, s2)
    Wfc = jax.random.uniform(ks[7], (HIDDEN_DIM, 1), jnp.float32, -s2, s2)
    bfc = jax.random.uniform(ks[8], (1,), jnp.float32, -s2, s2)
    return {"x": x, "edge_index": edge_index, "batch": batch,
            "W1": W1, "b1": b1, "W2": W2, "b2": b2, "Wfc": Wfc, "bfc": bfc}


def _gcn_conv(x, src, dst, W, b, n):
    # PyG GCNConv: x' = D^{-1/2} (A + I) D^{-1/2} X W + b
    h = x @ W
    loop = jnp.arange(n, dtype=src.dtype)
    src2 = jnp.concatenate([src, loop])
    dst2 = jnp.concatenate([dst, loop])
    deg = jnp.zeros((n,), dtype=h.dtype).at[dst2].add(1.0)
    dinv = jax.lax.rsqrt(deg)  # deg >= 1 due to self loops
    norm = dinv[src2] * dinv[dst2]
    msg = jnp.take(h, src2, axis=0) * norm[:, None]
    agg = jax.ops.segment_sum(msg, dst2, num_segments=n)
    return agg + b


def reference(x, edge_index, batch, W1, b1, W2, b2, Wfc, bfc):
    n = x.shape[0]
    src = edge_index[0]
    dst = edge_index[1]
    h = jax.nn.relu(_gcn_conv(x, src, dst, W1, b1, n))
    h = jax.nn.relu(_gcn_conv(h, src, dst, W2, b2, n))
    # global_mean_pool over graph ids
    sums = jax.ops.segment_sum(h, batch, num_segments=N_GRAPHS)
    counts = jax.ops.segment_sum(jnp.ones((n,), dtype=h.dtype), batch, num_segments=N_GRAPHS)
    pooled = sums / jnp.clip(counts, 1.0, None)[:, None]
    out = pooled @ Wfc + bfc
    return out.squeeze(-1)

if __name__ == "__main__":
    import jax
    _d = setup_inputs()
    print(jax.jit(kernel)(*tuple(_d.values())))

</pallas_src>

<mosaic_0001>
#map = affine_map<(d0, d1) -> (0, 0)>
#map1 = affine_map<(d0, d1) -> (0)>
#map2 = affine_map<(d0, d1) -> (0, 0, 0)>
module attributes {stable_mosaic.version = 14 : i64} {
  func.func @_sc_prop2_body(%arg0: i32, %arg1: i32, %arg2: memref<10000x128xf32, #tpu.memory_space<hbm>>, %arg3: memref<10000x128xf32, #tpu.memory_space<hbm>>, %arg4: memref<323584xi32, #tpu.memory_space<hbm>>, %arg5: memref<323584xi32, #tpu.memory_space<hbm>>, %arg6: memref<2x10240x128xf32, #tpu.memory_space<hbm>>, %arg7: memref<128xi32, #tpu.memory_space<vmem>>, %arg8: memref<128xi32, #tpu.memory_space<vmem>>, %arg9: memref<128x128xf32, #tpu.memory_space<vmem>>, %arg10: memref<128xi32, #tpu.memory_space<vmem>>, %arg11: memref<128xi32, #tpu.memory_space<vmem>>, %arg12: memref<128x128xf32, #tpu.memory_space<vmem>>, %arg13: memref<32x128xf32, #tpu.memory_space<vmem>>, %arg14: memref<10240x128xf32, #tpu.memory_space<vmem_shared>>, %arg15: memref<!tpu.dma_semaphore, #tpu.memory_space<semaphore_mem>>, %arg16: memref<!tpu.dma_semaphore, #tpu.memory_space<semaphore_mem>>) attributes {dimension_semantics = [#tpu.dimension_semantics<core_parallel>, #tpu.dimension_semantics<subcore_parallel>], iteration_bounds = array<i64: 2, 16>, scalar_prefetch = 0 : i64, scratch_operands = 10 : i64, tpu.core_type = #tpu.core_type<sc_vector_subcore>, window_params = [{transform_indices = #map}, {transform_indices = #map}, {transform_indices = #map1}, {transform_indices = #map1}, {transform_indices = #map2}]} {
    %broadcast_in_dim3A = arith.constant 0.000000e+00 : f32
    %broadcast_in_dim3A_0 = vector.broadcast %broadcast_in_dim3A : f32 to vector<16xf32>
    %scan3A = arith.constant 0 : i32
    %scan3A_1 = arith.constant 256 : i32
    %scan3A_2 = arith.addi %scan3A, %scan3A_1 : i32
    %scan3A_3 = arith.constant 1 : i32
    scf.for %scan3A_24 = %scan3A to %scan3A_2 step %scan3A_3  : i32 {
      %jit3A = arith.constant 8 : i32
      %div3A = arith.divsi %scan3A_24, %jit3A : i32
      %sign3A = arith.constant 0 : i32
      %sign3A_25 = arith.cmpi sgt, %scan3A_24, %sign3A : i32
      %sign3A_26 = arith.extui %sign3A_25 : i1 to i32
      %sign3A_27 = arith.constant 0 : i32
      %sign3A_28 = arith.cmpi slt, %scan3A_24, %sign3A_27 : i32
      %sign3A_29 = arith.extui %sign3A_28 : i1 to i32
      %sign3A_30 = arith.subi %sign3A_26, %sign3A_29 : i32
      %sign3A_31 = arith.constant 0 : i32
      %sign3A_32 = arith.cmpi sgt, %jit3A, %sign3A_31 : i32
      %sign3A_33 = arith.extui %sign3A_32 : i1 to i32
      %sign3A_34 = arith.constant 0 : i32
      %sign3A_35 = arith.cmpi slt, %jit3A, %sign3A_34 : i32
      %sign3A_36 = arith.extui %sign3A_35 : i1 to i32
      %sign3A_37 = arith.subi %sign3A_33, %sign3A_36 : i32
      %ne3A = arith.cmpi ne, %sign3A_30, %sign3A_37 : i32
      %rem3A = arith.remsi %scan3A_24, %jit3A : i32
      %ne3A_38 = arith.constant 0 : i32
      %ne3A_39 = arith.cmpi ne, %rem3A, %ne3A_38 : i32
      %and3A = arith.andi %ne3A, %ne3A_39 : i1
      %sub3A = arith.constant 1 : i32
      %sub3A_40 = arith.subi %div3A, %sub3A : i32
      %select_n3A = arith.select %and3A, %sub3A_40, %div3A : i32
      %jit3A_41 = arith.constant 8 : i32
      %eq3A_42 = arith.constant 0 : i32
      %eq3A_43 = arith.cmpi eq, %jit3A_41, %eq3A_42 : i32
      %jit3A_44 = arith.constant 1 : i32
      %select_n3A_45 = arith.select %eq3A_43, %jit3A_44, %jit3A_41 : i32
      %rem3A_46 = arith.remsi %scan3A_24, %select_n3A_45 : i32
      %ne3A_47 = arith.constant 0 : i32
      %ne3A_48 = arith.cmpi ne, %rem3A_46, %ne3A_47 : i32
      %lt3A = arith.constant 0 : i32
      %lt3A_49 = arith.cmpi slt, %rem3A_46, %lt3A : i32
      %lt3A_50 = arith.constant 0 : i32
      %lt3A_51 = arith.cmpi slt, %select_n3A_45, %lt3A_50 : i32
      %ne3A_52 = arith.xori %lt3A_49, %lt3A_51 : i1
      %and3A_53 = arith.andi %ne3A_52, %ne3A_48 : i1
      %add3A = arith.addi %rem3A_46, %select_n3A_45 : i32
      %select_n3A_54 = arith.select %and3A_53, %add3A, %rem3A_46 : i32
      %mul3A_55 = arith.constant 16 : i32
      %mul3A_56 = arith.muli %select_n3A_54, %mul3A_55 : i32
      %swap3A = arith.index_cast %select_n3A : i32 to index
      %swap3A_57 = arith.index_cast %mul3A_56 : i32 to index
      %swap3A_58 = tpu.vector_load %arg13[%swap3A, %swap3A_57] {strides = array<i32>} : memref<32x128xf32, #tpu.memory_space<vmem>>, vector<1x16xf32>,
      %swap3A_59 = vector.shape_cast %swap3A_58 : vector<1x16xf32> to vector<16xf32>
      %swap3A_60 = vector.shape_cast %broadcast_in_dim3A_0 : vector<16xf32> to vector<1x16xf32>
      tpu.vector_store %arg13[%swap3A, %swap3A_57], %swap3A_60 {strides = array<i32>} : memref<32x128xf32, #tpu.memory_space<vmem>>, vector<1x16xf32>,
    }
    %scan3A_4 = arith.constant 256 : i32
    %scan3A_5 = arith.constant 0 : i32
    %scan3A_6 = arith.constant 20 : i32
    %scan3A_7 = arith.addi %scan3A_5, %scan3A_6 : i32
    %scan3A_8 = arith.constant 1 : i32
    scf.for %scan3A_24 = %scan3A_5 to %scan3A_7 step %scan3A_8  : i32 {
      %mul3A_25 = arith.constant 640 : i32
      %mul3A_26 = arith.muli %arg1, %mul3A_25 : i32
      %mul3A_27 = arith.constant 32 : i32
      %mul3A_28 = arith.muli %scan3A_24, %mul3A_27 : i32
      %add3A = arith.addi %mul3A_26, %mul3A_28 : i32
      "tpu.region"() ({
        %run_scoped3A = tpu.sem_alloc : memref<!tpu.dma_semaphore, #tpu.memory_space<semaphore_mem>>
        %dma_start3A = arith.constant 0 : i32
        %dma_start3A_29 = tpu.memref_slice %arg14[%add3A, %dma_start3A] : memref<10240x128xf32, #tpu.memory_space<vmem_shared>> -> memref<32x128xf32, #tpu.memory_space<vmem_shared>>
        %dma_start3A_30 = arith.constant 0 : i32
        %dma_start3A_31 = tpu.memref_slice %arg14[%add3A, %dma_start3A_30] : memref<10240x128xf32, #tpu.memory_space<vmem_shared>> -> memref<32x128xf32, #tpu.memory_space<vmem_shared>>
        tpu.enqueue_dma source(%arg13 : memref<32x128xf32, #tpu.memory_space<vmem>>) target(%dma_start3A_31 : memref<32x128xf32, #tpu.memory_space<vmem_shared>>) target_semaphore(%run_scoped3A : memref<!tpu.dma_semaphore, #tpu.memory_space<semaphore_mem>>)
        %dma_wait3A = arith.constant 0 : i32
        %dma_wait3A_32 = tpu.memref_slice %arg14[%add3A, %dma_wait3A] : memref<10240x128xf32, #tpu.memory_space<vmem_shared>> -> memref<32x128xf32, #tpu.memory_space<vmem_shared>>
        %dma_wait3A_33 = arith.constant 0 : i32
        %dma_wait3A_34 = tpu.memref_slice %arg14[%add3A, %dma_wait3A_33] : memref<10240x128xf32, #tpu.memory_space<vmem_shared>> -> memref<32x128xf32, #tpu.memory_space<vmem_shared>>
        tpu.wait_dma2 semaphore(%run_scoped3A : memref<!tpu.dma_semaphore, #tpu.memory_space<semaphore_mem>>) src(%arg13 : memref<32x128xf32, #tpu.memory_space<vmem>>) dst(%dma_wait3A_34 : memref<32x128xf32, #tpu.memory_space<vmem_shared>>)
        tpu.yield
      }) : () -> ()
    }
    %scan3A_9 = arith.constant 20 : i32
    %barrier3A = arith.constant 0 : index
    tpu.barrier barrier_id(%barrier3A)
    %mul3A = arith.constant 20224 : i32
    %mul3A_10 = arith.muli %arg1, %mul3A : i32
    %eq3A = arith.constant 0 : i32
    %eq3A_11 = arith.cmpi eq, %arg0, %eq3A : i32
    %convert_element_type3A = arith.extui %eq3A_11 : i1 to i32
    %cond3A = arith.constant 0 : i32
    %cond3A_12 = arith.cmpi ne, %convert_element_type3A, %cond3A : i32
    scf.if %cond3A_12 {
      %add3A = arith.constant 0 : i32
      %add3A_24 = arith.addi %mul3A_10, %add3A : i32
      "tpu.region"() ({
        %run_scoped3A = tpu.sem_alloc : memref<!tpu.dma_semaphore, #tpu.memory_space<semaphore_mem>>
        %dma_start3A_46 = tpu.memref_slice %arg4[%add3A_24] : memref<323584xi32, #tpu.memory_space<hbm>> -> memref<128xi32, #tpu.memory_space<hbm>>
        %dma_start3A_47 = tpu.memref_slice %arg4[%add3A_24] : memref<323584xi32, #tpu.memory_space<hbm>> -> memref<128xi32, #tpu.memory_space<hbm>>
        tpu.enqueue_dma source(%dma_start3A_47 : memref<128xi32, #tpu.memory_space<hbm>>) target(%arg7 : memref<128xi32, #tpu.memory_space<vmem>>) target_semaphore(%run_scoped3A : memref<!tpu.dma_semaphore, #tpu.memory_space<semaphore_mem>>)
        %dma_wait3A_48 = tpu.memref_slice %arg4[%add3A_24] : memref<323584xi32, #tpu.memory_space<hbm>> -> memref<128xi32, #tpu.memory_space<hbm>>
        %dma_wait3A_49 = tpu.memref_slice %arg4[%add3A_24] : memref<323584xi32, #tpu.memory_space<hbm>> -> memref<128xi32, #tpu.memory_space<hbm>>
        tpu.wait_dma2 semaphore(%run_scoped3A : memref<!tpu.dma_semaphore, #tpu.memory_space<semaphore_mem>>) src(%dma_wait3A_49 : memref<128xi32, #tpu.memory_space<hbm>>) dst(%arg7 : memref<128xi32, #tpu.memory_space<vmem>>)
        tpu.yield
      }) : () -> ()
      %add3A_25 = arith.constant 0 : i32
      %add3A_26 = arith.addi %mul3A_10, %add3A_25 : i32
      "tpu.region"() ({
        %run_scoped3A = tpu.sem_alloc : memref<!tpu.dma_semaphore, #tpu.memory_space<semaphore_mem>>
        %dma_start3A_46 = tpu.memref_slice %arg5[%add3A_26] : memref<323584xi32, #tpu.memory_space<hbm>> -> memref<128xi32, #tpu.memory_space<hbm>>
        %dma_start3A_47 = tpu.memref_slice %arg5[%add3A_26] : memref<323584xi32, #tpu.memory_space<hbm>> -> memref<128xi32, #tpu.memory_space<hbm>>
        tpu.enqueue_dma source(%dma_start3A_47 : memref<128xi32, #tpu.memory_space<hbm>>) target(%arg8 : memref<128xi32, #tpu.memory_space<vmem>>) target_semaphore(%run_scoped3A : memref<!tpu.dma_semaphore, #tpu.memory_space<semaphore_mem>>)
        %dma_wait3A_48 = tpu.memref_slice %arg5[%add3A_26] : memref<323584xi32, #tpu.memory_space<hbm>> -> memref<128xi32, #tpu.memory_space<hbm>>
        %dma_wait3A_49 = tpu.memref_slice %arg5[%add3A_26] : memref<323584xi32, #tpu.memory_space<hbm>> -> memref<128xi32, #tpu.memory_space<hbm>>
        tpu.wait_dma2 semaphore(%run_scoped3A : memref<!tpu.dma_semaphore, #tpu.memory_space<semaphore_mem>>) src(%dma_wait3A_49 : memref<128xi32, #tpu.memory_space<hbm>>) dst(%arg8 : memref<128xi32, #tpu.memory_space<vmem>>)
        tpu.yield
      }) : () -> ()
      %dma_start3A = arith.constant 0 : i32
      %dma_start3A_27 = arith.constant 0 : i32
      %dma_start3A_28 = tpu.memref_slice %arg2[%dma_start3A, %dma_start3A_27] : memref<10000x128xf32, #tpu.memory_space<hbm>> -> memref<10000x128xf32, #tpu.memory_space<hbm>>
      tpu.enqueue_indirect_dma source(%dma_start3A_28 : memref<10000x128xf32, #tpu.memory_space<hbm>>) target(%arg9 : memref<128x128xf32, #tpu.memory_space<vmem>>) offsets(%arg7 : memref<128xi32, #tpu.memory_space<vmem>>) semaphore(%arg15 : memref<!tpu.dma_semaphore, #tpu.memory_space<semaphore_mem>>)
      %scan3A_29 = arith.constant 0 : i32
      %scan3A_30 = arith.constant 78 : i32
      %scan3A_31 = arith.addi %scan3A_29, %scan3A_30 : i32
      %scan3A_32 = arith.constant 1 : i32
      scf.for %scan3A_46 = %scan3A_29 to %scan3A_31 step %scan3A_32  : i32 {
        %mul3A_47 = arith.constant 2 : i32
        %mul3A_48 = arith.muli %mul3A_47, %scan3A_46 : i32
        %add3A_49 = arith.constant 1 : i32
        %add3A_50 = arith.addi %mul3A_48, %add3A_49 : i32
        %mul3A_51 = arith.constant 128 : i32
        %mul3A_52 = arith.muli %add3A_50, %mul3A_51 : i32
        %add3A_53 = arith.addi %mul3A_10, %mul3A_52 : i32
        "tpu.region"() ({
          %run_scoped3A = tpu.sem_alloc : memref<!tpu.dma_semaphore, #tpu.memory_space<semaphore_mem>>
          %dma_start3A_79 = tpu.memref_slice %arg4[%add3A_53] : memref<323584xi32, #tpu.memory_space<hbm>> -> memref<128xi32, #tpu.memory_space<hbm>>
          %dma_start3A_80 = tpu.memref_slice %arg4[%add3A_53] : memref<323584xi32, #tpu.memory_space<hbm>> -> memref<128xi32, #tpu.memory_space<hbm>>
          tpu.enqueue_dma source(%dma_start3A_80 : memref<128xi32, #tpu.memory_space<hbm>>) target(%arg10 : memref<128xi32, #tpu.memory_space<vmem>>) target_semaphore(%run_scoped3A : memref<!tpu.dma_semaphore, #tpu.memory_space<semaphore_mem>>)
          %dma_wait3A_81 = tpu.memref_slice %arg4[%add3A_53] : memref<323584xi32, #tpu.memory_space<hbm>> -> memref<128xi32, #tpu.memory_space<hbm>>
          %dma_wait3A_82 = tpu.memref_slice %arg4[%add3A_53] : memref<323584xi32, #tpu.memory_space<hbm>> -> memref<128xi32, #tpu.memory_space<hbm>>
          tpu.wait_dma2 semaphore(%run_scoped3A : memref<!tpu.dma_semaphore, #tpu.memory_space<semaphore_mem>>) src(%dma_wait3A_82 : memref<128xi32, #tpu.memory_space<hbm>>) dst(%arg10 : memref<128xi32, #tpu.memory_space<vmem>>)
          tpu.yield
        }) : () -> ()
        %mul3A_54 = arith.constant 128 : i32
        %mul3A_55 = arith.muli %add3A_50, %mul3A_54 : i32
        %add3A_56 = arith.addi %mul3A_10, %mul3A_55 : i32
        "tpu.region"() ({
          %run_scoped3A = tpu.sem_alloc : memref<!tpu.dma_semaphore, #tpu.memory_space<semaphore_mem>>
          %dma_start3A_79 = tpu.memref_slice %arg5[%add3A_56] : memref<323584xi32, #tpu.memory_space<hbm>> -> memref<128xi32, #tpu.memory_space<hbm>>
          %dma_start3A_80 = tpu.memref_slice %arg5[%add3A_56] : memref<323584xi32, #tpu.memory_space<hbm>> -> memref<128xi32, #tpu.memory_space<hbm>>
          tpu.enqueue_dma source(%dma_start3A_80 : memref<128xi32, #tpu.memory_space<hbm>>) target(%arg11 : memref<128xi32, #tpu.memory_space<vmem>>) target_semaphore(%run_scoped3A : memref<!tpu.dma_semaphore, #tpu.memory_space<semaphore_mem>>)
          %dma_wait3A_81 = tpu.memref_slice %arg5[%add3A_56] : memref<323584xi32, #tpu.memory_space<hbm>> -> memref<128xi32, #tpu.memory_space<hbm>>
          %dma_wait3A_82 = tpu.memref_slice %arg5[%add3A_56] : memref<323584xi32, #tpu.memory_space<hbm>> -> memref<128xi32, #tpu.memory_space<hbm>>
          tpu.wait_dma2 semaphore(%run_scoped3A : memref<!tpu.dma_semaphore, #tpu.memory_space<semaphore_mem>>) src(%dma_wait3A_82 : memref<128xi32, #tpu.memory_space<hbm>>) dst(%arg11 : memref<128xi32, #tpu.memory_space<vmem>>)
          tpu.yield
        }) : () -> ()
        %dma_start3A_57 = arith.constant 0 : i32
        %dma_start3A_58 = arith.constant 0 : i32
        %dma_start3A_59 = tpu.memref_slice %arg2[%dma_start3A_57, %dma_start3A_58] : memref<10000x128xf32, #tpu.memory_space<hbm>> -> memref<10000x128xf32, #tpu.memory_space<hbm>>
        tpu.enqueue_indirect_dma source(%dma_start3A_59 : memref<10000x128xf32, #tpu.memory_space<hbm>>) target(%arg12 : memref<128x128xf32, #tpu.memory_space<vmem>>) offsets(%arg10 : memref<128xi32, #tpu.memory_space<vmem>>) semaphore(%arg16 : memref<!tpu.dma_semaphore, #tpu.memory_space<semaphore_mem>>)
        %dma_wait3A_60 = arith.constant 0 : i32
        %dma_wait3A_61 = arith.constant 0 : i32
        %dma_wait3A_62 = tpu.memref_slice %arg2[%dma_wait3A_60, %dma_wait3A_61] : memref<10000x128xf32, #tpu.memory_space<hbm>> -> memref<10000x128xf32, #tpu.memory_space<hbm>>
        tpu.wait_indirect_dma semaphore(%arg15 : memref<!tpu.dma_semaphore, #tpu.memory_space<semaphore_mem>>) src(%dma_wait3A_62 : memref<10000x128xf32, #tpu.memory_space<hbm>>) dst(%arg9 : memref<128x128xf32, #tpu.memory_space<vmem>>)
        "tpu.region"() ({
          %run_scoped3A = tpu.sem_alloc : memref<!tpu.dma_semaphore, #tpu.memory_space<semaphore_mem>>
          %dma_start3A_79 = arith.constant 0 : i32
          %dma_start3A_80 = arith.constant 0 : i32
          %dma_start3A_81 = tpu.memref_slice %arg14[%dma_start3A_79, %dma_start3A_80] : memref<10240x128xf32, #tpu.memory_space<vmem_shared>> -> memref<10240x128xf32, #tpu.memory_space<vmem_shared>>
          tpu.enqueue_indirect_dma source(%arg9 : memref<128x128xf32, #tpu.memory_space<vmem>>) target(%dma_start3A_81 : memref<10240x128xf32, #tpu.memory_space<vmem_shared>>) offsets(%arg8 : memref<128xi32, #tpu.memory_space<vmem>>) semaphore(%run_scoped3A : memref<!tpu.dma_semaphore, #tpu.memory_space<semaphore_mem>>) {add = true}
          %dma_wait3A_82 = arith.constant 0 : i32
          %dma_wait3A_83 = arith.constant 0 : i32
          %dma_wait3A_84 = tpu.memref_slice %arg14[%dma_wait3A_82, %dma_wait3A_83] : memref<10240x128xf32, #tpu.memory_space<vmem_shared>> -> memref<10240x128xf32, #tpu.memory_space<vmem_shared>>
          tpu.wait_indirect_dma semaphore(%run_scoped3A : memref<!tpu.dma_semaphore, #tpu.memory_space<semaphore_mem>>) src(%arg9 : memref<128x128xf32, #tpu.memory_space<vmem>>) dst(%dma_wait3A_84 : memref<10240x128xf32, #tpu.memory_space<vmem_shared>>)
          tpu.yield
        }) : () -> ()
        %mul3A_63 = arith.constant 2 : i32
        %mul3A_64 = arith.muli %mul3A_63, %scan3A_46 : i32
        %add3A_65 = arith.constant 2 : i32
        %add3A_66 = arith.addi %mul3A_64, %add3A_65 : i32
        %mul3A_67 = arith.constant 128 : i32
        %mul3A_68 = arith.muli %add3A_66, %mul3A_67 : i32
        %add3A_69 = arith.addi %mul3A_10, %mul3A_68 : i32
        "tpu.region"() ({
          %run_scoped3A = tpu.sem_alloc : memref<!tpu.dma_semaphore, #tpu.memory_space<semaphore_mem>>
          %dma_start3A_79 = tpu.memref_slice %arg4[%add3A_69] : memref<323584xi32, #tpu.memory_space<hbm>> -> memref<128xi32, #tpu.memory_space<hbm>>
          %dma_start3A_80 = tpu.memref_slice %arg4[%add3A_69] : memref<323584xi32, #tpu.memory_space<hbm>> -> memref<128xi32, #tpu.memory_space<hbm>>
          tpu.enqueue_dma source(%dma_start3A_80 : memref<128xi32, #tpu.memory_space<hbm>>) target(%arg7 : memref<128xi32, #tpu.memory_space<vmem>>) target_semaphore(%run_scoped3A : memref<!tpu.dma_semaphore, #tpu.memory_space<semaphore_mem>>)
          %dma_wait3A_81 = tpu.memref_slice %arg4[%add3A_69] : memref<323584xi32, #tpu.memory_space<hbm>> -> memref<128xi32, #tpu.memory_space<hbm>>
          %dma_wait3A_82 = tpu.memref_slice %arg4[%add3A_69] : memref<323584xi32, #tpu.memory_space<hbm>> -> memref<128xi32, #tpu.memory_space<hbm>>
          tpu.wait_dma2 semaphore(%run_scoped3A : memref<!tpu.dma_semaphore, #tpu.memory_space<semaphore_mem>>) src(%dma_wait3A_82 : memref<128xi32, #tpu.memory_space<hbm>>) dst(%arg7 : memref<128xi32, #tpu.memory_space<vmem>>)
          tpu.yield
        }) : () -> ()
        %mul3A_70 = arith.constant 128 : i32
        %mul3A_71 = arith.muli %add3A_66, %mul3A_70 : i32
        %add3A_72 = arith.addi %mul3A_10, %mul3A_71 : i32
        "tpu.region"() ({
          %run_scoped3A = tpu.sem_alloc : memref<!tpu.dma_semaphore, #tpu.memory_space<semaphore_mem>>
          %dma_start3A_79 = tpu.memref_slice %arg5[%add3A_72] : memref<323584xi32, #tpu.memory_space<hbm>> -> memref<128xi32, #tpu.memory_space<hbm>>
          %dma_start3A_80 = tpu.memref_slice %arg5[%add3A_72] : memref<323584xi32, #tpu.memory_space<hbm>> -> memref<128xi32, #tpu.memory_space<hbm>>
          tpu.enqueue_dma source(%dma_start3A_80 : memref<128xi32, #tpu.memory_space<hbm>>) target(%arg8 : memref<128xi32, #tpu.memory_space<vmem>>) target_semaphore(%run_scoped3A : memref<!tpu.dma_semaphore, #tpu.memory_space<semaphore_mem>>)
          %dma_wait3A_81 = tpu.memref_slice %arg5[%add3A_72] : memref<323584xi32, #tpu.memory_space<hbm>> -> memref<128xi32, #tpu.memory_space<hbm>>
          %dma_wait3A_82 = tpu.memref_slice %arg5[%add3A_72] : memref<323584xi32, #tpu.memory_space<hbm>> -> memref<128xi32, #tpu.memory_space<hbm>>
          tpu.wait_dma2 semaphore(%run_scoped3A : memref<!tpu.dma_semaphore, #tpu.memory_space<semaphore_mem>>) src(%dma_wait3A_82 : memref<128xi32, #tpu.memory_space<hbm>>) dst(%arg8 : memref<128xi32, #tpu.memory_space<vmem>>)
          tpu.yield
        }) : () -> ()
        %dma_start3A_73 = arith.constant 0 : i32
        %dma_start3A_74 = arith.constant 0 : i32
        %dma_start3A_75 = tpu.memref_slice %arg2[%dma_start3A_73, %dma_start3A_74] : memref<10000x128xf32, #tpu.memory_space<hbm>> -> memref<10000x128xf32, #tpu.memory_space<hbm>>
        tpu.enqueue_indirect_dma source(%dma_start3A_75 : memref<10000x128xf32, #tpu.memory_space<hbm>>) target(%arg9 : memref<128x128xf32, #tpu.memory_space<vmem>>) offsets(%arg7 : memref<128xi32, #tpu.memory_space<vmem>>) semaphore(%arg15 : memref<!tpu.dma_semaphore, #tpu.memory_space<semaphore_mem>>)
        %dma_wait3A_76 = arith.constant 0 : i32
        %dma_wait3A_77 = arith.constant 0 : i32
        %dma_wait3A_78 = tpu.memref_slice %arg2[%dma_wait3A_76, %dma_wait3A_77] : memref<10000x128xf32, #tpu.memory_space<hbm>> -> memref<10000x128xf32, #tpu.memory_space<hbm>>
        tpu.wait_indirect_dma semaphore(%arg16 : memref<!tpu.dma_semaphore, #tpu.memory_space<semaphore_mem>>) src(%dma_wait3A_78 : memref<10000x128xf32, #tpu.memory_space<hbm>>) dst(%arg12 : memref<128x128xf32, #tpu.memory_space<vmem>>)
        "tpu.region"() ({
          %run_scoped3A = tpu.sem_alloc : memref<!tpu.dma_semaphore, #tpu.memory_space<semaphore_mem>>
          %dma_start3A_79 = arith.constant 0 : i32
          %dma_start3A_80 = arith.constant 0 : i32
          %dma_start3A_81 = tpu.memref_slice %arg14[%dma_start3A_79, %dma_start3A_80] : memref<10240x128xf32, #tpu.memory_space<vmem_shared>> -> memref<10240x128xf32, #tpu.memory_space<vmem_shared>>
          tpu.enqueue_indirect_dma source(%arg12 : memref<128x128xf32, #tpu.memory_space<vmem>>) target(%dma_start3A_81 : memref<10240x128xf32, #tpu.memory_space<vmem_shared>>) offsets(%arg11 : memref<128xi32, #tpu.memory_space<vmem>>) semaphore(%run_scoped3A : memref<!tpu.dma_semaphore, #tpu.memory_space<semaphore_mem>>) {add = true}
          %dma_wait3A_82 = arith.constant 0 : i32
          %dma_wait3A_83 = arith.constant 0 : i32
          %dma_wait3A_84 = tpu.memref_slice %arg14[%dma_wait3A_82, %dma_wait3A_83] : memref<10240x128xf32, #tpu.memory_space<vmem_shared>> -> memref<10240x128xf32, #tpu.memory_space<vmem_shared>>
          tpu.wait_indirect_dma semaphore(%run_scoped3A : memref<!tpu.dma_semaphore, #tpu.memory_space<semaphore_mem>>) src(%arg12 : memref<128x128xf32, #tpu.memory_space<vmem>>) dst(%dma_wait3A_84 : memref<10240x128xf32, #tpu.memory_space<vmem_shared>>)
          tpu.yield
        }) : () -> ()
      }
      %scan3A_33 = arith.constant 78 : i32
      %dma_wait3A = arith.constant 0 : i32
      %dma_wait3A_34 = arith.constant 0 : i32
      %dma_wait3A_35 = tpu.memref_slice %arg2[%dma_wait3A, %dma_wait3A_34] : memref<10000x128xf32, #tpu.memory_space<hbm>> -> memref<10000x128xf32, #tpu.memory_space<hbm>>
      tpu.wait_indirect_dma semaphore(%arg15 : memref<!tpu.dma_semaphore, #tpu.memory_space<semaphore_mem>>) src(%dma_wait3A_35 : memref<10000x128xf32, #tpu.memory_space<hbm>>) dst(%arg9 : memref<128x128xf32, #tpu.memory_space<vmem>>)
      "tpu.region"() ({
        %run_scoped3A = tpu.sem_alloc : memref<!tpu.dma_semaphore, #tpu.memory_space<semaphore_mem>>
        %dma_start3A_46 = arith.constant 0 : i32
        %dma_start3A_47 = arith.constant 0 : i32
        %dma_start3A_48 = tpu.memref_slice %arg14[%dma_start3A_46, %dma_start3A_47] : memref<10240x128xf32, #tpu.memory_space<vmem_shared>> -> memref<10240x128xf32, #tpu.memory_space<vmem_shared>>
        tpu.enqueue_indirect_dma source(%arg9 : memref<128x128xf32, #tpu.memory_space<vmem>>) target(%dma_start3A_48 : memref<10240x128xf32, #tpu.memory_space<vmem_shared>>) offsets(%arg8 : memref<128xi32, #tpu.memory_space<vmem>>) semaphore(%run_scoped3A : memref<!tpu.dma_semaphore, #tpu.memory_space<semaphore_mem>>) {add = true}
        %dma_wait3A_49 = arith.constant 0 : i32
        %dma_wait3A_50 = arith.constant 0 : i32
        %dma_wait3A_51 = tpu.memref_slice %arg14[%dma_wait3A_49, %dma_wait3A_50] : memref<10240x128xf32, #tpu.memory_space<vmem_shared>> -> memref<10240x128xf32, #tpu.memory_space<vmem_shared>>
        tpu.wait_indirect_dma semaphore(%run_scoped3A : memref<!tpu.dma_semaphore, #tpu.memory_space<semaphore_mem>>) src(%arg9 : memref<128x128xf32, #tpu.memory_space<vmem>>) dst(%dma_wait3A_51 : memref<10240x128xf32, #tpu.memory_space<vmem_shared>>)
        tpu.yield
      }) : () -> ()
      %add3A_36 = arith.constant 20096 : i32
      %add3A_37 = arith.addi %mul3A_10, %add3A_36 : i32
      "tpu.region"() ({
        %run_scoped3A = tpu.sem_alloc : memref<!tpu.dma_semaphore, #tpu.memory_space<semaphore_mem>>
        %dma_start3A_46 = tpu.memref_slice %arg4[%add3A_37] : memref<323584xi32, #tpu.memory_space<hbm>> -> memref<128xi32, #tpu.memory_space<hbm>>
        %dma_start3A_47 = tpu.memref_slice %arg4[%add3A_37] : memref<323584xi32, #tpu.memory_space<hbm>> -> memref<128xi32, #tpu.memory_space<hbm>>
        tpu.enqueue_dma source(%dma_start3A_47 : memref<128xi32, #tpu.memory_space<hbm>>) target(%arg10 : memref<128xi32, #tpu.memory_space<vmem>>) target_semaphore(%run_scoped3A : memref<!tpu.dma_semaphore, #tpu.memory_space<semaphore_mem>>)
        %dma_wait3A_48 = tpu.memref_slice %arg4[%add3A_37] : memref<323584xi32, #tpu.memory_space<hbm>> -> memref<128xi32, #tpu.memory_space<hbm>>
        %dma_wait3A_49 = tpu.memref_slice %arg4[%add3A_37] : memref<323584xi32, #tpu.memory_space<hbm>> -> memref<128xi32, #tpu.memory_space<hbm>>
        tpu.wait_dma2 semaphore(%run_scoped3A : memref<!tpu.dma_semaphore, #tpu.memory_space<semaphore_mem>>) src(%dma_wait3A_49 : memref<128xi32, #tpu.memory_space<hbm>>) dst(%arg10 : memref<128xi32, #tpu.memory_space<vmem>>)
        tpu.yield
      }) : () -> ()
      %add3A_38 = arith.constant 20096 : i32
      %add3A_39 = arith.addi %mul3A_10, %add3A_38 : i32
      "tpu.region"() ({
        %run_scoped3A = tpu.sem_alloc : memref<!tpu.dma_semaphore, #tpu.memory_space<semaphore_mem>>
        %dma_start3A_46 = tpu.memref_slice %arg5[%add3A_39] : memref<323584xi32, #tpu.memory_space<hbm>> -> memref<128xi32, #tpu.memory_space<hbm>>
        %dma_start3A_47 = tpu.memref_slice %arg5[%add3A_39] : memref<323584xi32, #tpu.memory_space<hbm>> -> memref<128xi32, #tpu.memory_space<hbm>>
        tpu.enqueue_dma source(%dma_start3A_47 : memref<128xi32, #tpu.memory_space<hbm>>) target(%arg11 : memref<128xi32, #tpu.memory_space<vmem>>) target_semaphore(%run_scoped3A : memref<!tpu.dma_semaphore, #tpu.memory_space<semaphore_mem>>)
        %dma_wait3A_48 = tpu.memref_slice %arg5[%add3A_39] : memref<323584xi32, #tpu.memory_space<hbm>> -> memref<128xi32, #tpu.memory_space<hbm>>
        %dma_wait3A_49 = tpu.memref_slice %arg5[%add3A_39] : memref<323584xi32, #tpu.memory_space<hbm>> -> memref<128xi32, #tpu.memory_space<hbm>>
        tpu.wait_dma2 semaphore(%run_scoped3A : memref<!tpu.dma_semaphore, #tpu.memory_space<semaphore_mem>>) src(%dma_wait3A_49 : memref<128xi32, #tpu.memory_space<hbm>>) dst(%arg11 : memref<128xi32, #tpu.memory_space<vmem>>)
        tpu.yield
      }) : () -> ()
      %dma_start3A_40 = arith.constant 0 : i32
      %dma_start3A_41 = arith.constant 0 : i32
      %dma_start3A_42 = tpu.memref_slice %arg2[%dma_start3A_40, %dma_start3A_41] : memref<10000x128xf32, #tpu.memory_space<hbm>> -> memref<10000x128xf32, #tpu.memory_space<hbm>>
      tpu.enqueue_indirect_dma source(%dma_start3A_42 : memref<10000x128xf32, #tpu.memory_space<hbm>>) target(%arg12 : memref<128x128xf32, #tpu.memory_space<vmem>>) offsets(%arg10 : memref<128xi32, #tpu.memory_space<vmem>>) semaphore(%arg16 : memref<!tpu.dma_semaphore, #tpu.memory_space<semaphore_mem>>)
      %dma_wait3A_43 = arith.constant 0 : i32
      %dma_wait3A_44 = arith.constant 0 : i32
      %dma_wait3A_45 = tpu.memref_slice %arg2[%dma_wait3A_43, %dma_wait3A_44] : memref<10000x128xf32, #tpu.memory_space<hbm>> -> memref<10000x128xf32, #tpu.memory_space<hbm>>
      tpu.wait_indirect_dma semaphore(%arg16 : memref<!tpu.dma_semaphore, #tpu.memory_space<semaphore_mem>>) src(%dma_wait3A_45 : memref<10000x128xf32, #tpu.memory_space<hbm>>) dst(%arg12 : memref<128x128xf32, #tpu.memory_space<vmem>>)
      "tpu.region"() ({
        %run_scoped3A = tpu.sem_alloc : memref<!tpu.dma_semaphore, #tpu.memory_space<semaphore_mem>>
        %dma_start3A_46 = arith.constant 0 : i32
        %dma_start3A_47 = arith.constant 0 : i32
        %dma_start3A_48 = tpu.memref_slice %arg14[%dma_start3A_46, %dma_start3A_47] : memref<10240x128xf32, #tpu.memory_space<vmem_shared>> -> memref<10240x128xf32, #tpu.memory_space<vmem_shared>>
        tpu.enqueue_indirect_dma source(%arg12 : memref<128x128xf32, #tpu.memory_space<vmem>>) target(%dma_start3A_48 : memref<10240x128xf32, #tpu.memory_space<vmem_shared>>) offsets(%arg11 : memref<128xi32, #tpu.memory_space<vmem>>) semaphore(%run_scoped3A : memref<!tpu.dma_semaphore, #tpu.memory_space<semaphore_mem>>) {add = true}
        %dma_wait3A_49 = arith.constant 0 : i32
        %dma_wait3A_50 = arith.constant 0 : i32
        %dma_wait3A_51 = tpu.memref_slice %arg14[%dma_wait3A_49, %dma_wait3A_50] : memref<10240x128xf32, #tpu.memory_space<vmem_shared>> -> memref<10240x128xf32, #tpu.memory_space<vmem_shared>>
        tpu.wait_indirect_dma semaphore(%run_scoped3A : memref<!tpu.dma_semaphore, #tpu.memory_space<semaphore_mem>>) src(%arg12 : memref<128x128xf32, #tpu.memory_space<vmem>>) dst(%dma_wait3A_51 : memref<10240x128xf32, #tpu.memory_space<vmem_shared>>)
        tpu.yield
      }) : () -> ()
    } else {
    }
    %eq3A_13 = arith.constant 1 : i32
    %eq3A_14 = arith.cmpi eq, %arg0, %eq3A_13 : i32
    %convert_element_type3A_15 = arith.extui %eq3A_14 : i1 to i32
    %cond3A_16 = arith.constant 0 : i32
    %cond3A_17 = arith.cmpi ne, %convert_element_type3A_15, %cond3A_16 : i32
    scf.if %cond3A_17 {
      %add3A = arith.constant 0 : i32
      %add3A_24 = arith.addi %mul3A_10, %add3A : i32
      "tpu.region"() ({
        %run_scoped3A = tpu.sem_alloc : memref<!tpu.dma_semaphore, #tpu.memory_space<semaphore_mem>>
        %dma_start3A_46 = tpu.memref_slice %arg4[%add3A_24] : memref<323584xi32, #tpu.memory_space<hbm>> -> memref<128xi32, #tpu.memory_space<hbm>>
        %dma_start3A_47 = tpu.memref_slice %arg4[%add3A_24] : memref<323584xi32, #tpu.memory_space<hbm>> -> memref<128xi32, #tpu.memory_space<hbm>>
        tpu.enqueue_dma source(%dma_start3A_47 : memref<128xi32, #tpu.memory_space<hbm>>) target(%arg7 : memref<128xi32, #tpu.memory_space<vmem>>) target_semaphore(%run_scoped3A : memref<!tpu.dma_semaphore, #tpu.memory_space<semaphore_mem>>)
        %dma_wait3A_48 = tpu.memref_slice %arg4[%add3A_24] : memref<323584xi32, #tpu.memory_space<hbm>> -> memref<128xi32, #tpu.memory_space<hbm>>
        %dma_wait3A_49 = tpu.memref_slice %arg4[%add3A_24] : memref<323584xi32, #tpu.memory_space<hbm>> -> memref<128xi32, #tpu.memory_space<hbm>>
        tpu.wait_dma2 semaphore(%run_scoped3A : memref<!tpu.dma_semaphore, #tpu.memory_space<semaphore_mem>>) src(%dma_wait3A_49 : memref<128xi32, #tpu.memory_space<hbm>>) dst(%arg7 : memref<128xi32, #tpu.memory_space<vmem>>)
        tpu.yield
      }) : () -> ()
      %add3A_25 = arith.constant 0 : i32
      %add3A_26 = arith.addi %mul3A_10, %add3A_25 : i32
      "tpu.region"() ({
        %run_scoped3A = tpu.sem_alloc : memref<!tpu.dma_semaphore, #tpu.memory_space<semaphore_mem>>
        %dma_start3A_46 = tpu.memref_slice %arg5[%add3A_26] : memref<323584xi32, #tpu.memory_space<hbm>> -> memref<128xi32, #tpu.memory_space<hbm>>
        %dma_start3A_47 = tpu.memref_slice %arg5[%add3A_26] : memref<323584xi32, #tpu.memory_space<hbm>> -> memref<128xi32, #tpu.memory_space<hbm>>
        tpu.enqueue_dma source(%dma_start3A_47 : memref<128xi32, #tpu.memory_space<hbm>>) target(%arg8 : memref<128xi32, #tpu.memory_space<vmem>>) target_semaphore(%run_scoped3A : memref<!tpu.dma_semaphore, #tpu.memory_space<semaphore_mem>>)
        %dma_wait3A_48 = tpu.memref_slice %arg5[%add3A_26] : memref<323584xi32, #tpu.memory_space<hbm>> -> memref<128xi32, #tpu.memory_space<hbm>>
        %dma_wait3A_49 = tpu.memref_slice %arg5[%add3A_26] : memref<323584xi32, #tpu.memory_space<hbm>> -> memref<128xi32, #tpu.memory_space<hbm>>
        tpu.wait_dma2 semaphore(%run_scoped3A : memref<!tpu.dma_semaphore, #tpu.memory_space<semaphore_mem>>) src(%dma_wait3A_49 : memref<128xi32, #tpu.memory_space<hbm>>) dst(%arg8 : memref<128xi32, #tpu.memory_space<vmem>>)
        tpu.yield
      }) : () -> ()
      %dma_start3A = arith.constant 0 : i32
      %dma_start3A_27 = arith.constant 0 : i32
      %dma_start3A_28 = tpu.memref_slice %arg3[%dma_start3A, %dma_start3A_27] : memref<10000x128xf32, #tpu.memory_space<hbm>> -> memref<10000x128xf32, #tpu.memory_space<hbm>>
      tpu.enqueue_indirect_dma source(%dma_start3A_28 : memref<10000x128xf32, #tpu.memory_space<hbm>>) target(%arg9 : memref<128x128xf32, #tpu.memory_space<vmem>>) offsets(%arg7 : memref<128xi32, #tpu.memory_space<vmem>>) semaphore(%arg15 : memref<!tpu.dma_semaphore, #tpu.memory_space<semaphore_mem>>)
      %scan3A_29 = arith.constant 0 : i32
      %scan3A_30 = arith.constant 78 : i32
      %scan3A_31 = arith.addi %scan3A_29, %scan3A_30 : i32
      %scan3A_32 = arith.constant 1 : i32
      scf.for %scan3A_46 = %scan3A_29 to %scan3A_31 step %scan3A_32  : i32 {
        %mul3A_47 = arith.constant 2 : i32
        %mul3A_48 = arith.muli %mul3A_47, %scan3A_46 : i32
        %add3A_49 = arith.constant 1 : i32
        %add3A_50 = arith.addi %mul3A_48, %add3A_49 : i32
        %mul3A_51 = arith.constant 128 : i32
        %mul3A_52 = arith.muli %add3A_50, %mul3A_51 : i32
        %add3A_53 = arith.addi %mul3A_10, %mul3A_52 : i32
        "tpu.region"() ({
          %run_scoped3A = tpu.sem_alloc : memref<!tpu.dma_semaphore, #tpu.memory_space<semaphore_mem>>
          %dma_start3A_79 = tpu.memref_slice %arg4[%add3A_53] : memref<323584xi32, #tpu.memory_space<hbm>> -> memref<128xi32, #tpu.memory_space<hbm>>
          %dma_start3A_80 = tpu.memref_slice %arg4[%add3A_53] : memref<323584xi32, #tpu.memory_space<hbm>> -> memref<128xi32, #tpu.memory_space<hbm>>
          tpu.enqueue_dma source(%dma_start3A_80 : memref<128xi32, #tpu.memory_space<hbm>>) target(%arg10 : memref<128xi32, #tpu.memory_space<vmem>>) target_semaphore(%run_scoped3A : memref<!tpu.dma_semaphore, #tpu.memory_space<semaphore_mem>>)
          %dma_wait3A_81 = tpu.memref_slice %arg4[%add3A_53] : memref<323584xi32, #tpu.memory_space<hbm>> -> memref<128xi32, #tpu.memory_space<hbm>>
          %dma_wait3A_82 = tpu.memref_slice %arg4[%add3A_53] : memref<323584xi32, #tpu.memory_space<hbm>> -> memref<128xi32, #tpu.memory_space<hbm>>
          tpu.wait_dma2 semaphore(%run_scoped3A : memref<!tpu.dma_semaphore, #tpu.memory_space<semaphore_mem>>) src(%dma_wait3A_82 : memref<128xi32, #tpu.memory_space<hbm>>) dst(%arg10 : memref<128xi32, #tpu.memory_space<vmem>>)
          tpu.yield
        }) : () -> ()
        %mul3A_54 = arith.constant 128 : i32
        %mul3A_55 = arith.muli %add3A_50, %mul3A_54 : i32
        %add3A_56 = arith.addi %mul3A_10, %mul3A_55 : i32
        "tpu.region"() ({
          %run_scoped3A = tpu.sem_alloc : memref<!tpu.dma_semaphore, #tpu.memory_space<semaphore_mem>>
          %dma_start3A_79 = tpu.memref_slice %arg5[%add3A_56] : memref<323584xi32, #tpu.memory_space<hbm>> -> memref<128xi32, #tpu.memory_space<hbm>>
          %dma_start3A_80 = tpu.memref_slice %arg5[%add3A_56] : memref<323584xi32, #tpu.memory_space<hbm>> -> memref<128xi32, #tpu.memory_space<hbm>>
          tpu.enqueue_dma source(%dma_start3A_80 : memref<128xi32, #tpu.memory_space<hbm>>) target(%arg11 : memref<128xi32, #tpu.memory_space<vmem>>) target_semaphore(%run_scoped3A : memref<!tpu.dma_semaphore, #tpu.memory_space<semaphore_mem>>)
          %dma_wait3A_81 = tpu.memref_slice %arg5[%add3A_56] : memref<323584xi32, #tpu.memory_space<hbm>> -> memref<128xi32, #tpu.memory_space<hbm>>
          %dma_wait3A_82 = tpu.memref_slice %arg5[%add3A_56] : memref<323584xi32, #tpu.memory_space<hbm>> -> memref<128xi32, #tpu.memory_space<hbm>>
          tpu.wait_dma2 semaphore(%run_scoped3A : memref<!tpu.dma_semaphore, #tpu.memory_space<semaphore_mem>>) src(%dma_wait3A_82 : memref<128xi32, #tpu.memory_space<hbm>>) dst(%arg11 : memref<128xi32, #tpu.memory_space<vmem>>)
          tpu.yield
        }) : () -> ()
        %dma_start3A_57 = arith.constant 0 : i32
        %dma_start3A_58 = arith.constant 0 : i32
        %dma_start3A_59 = tpu.memref_slice %arg3[%dma_start3A_57, %dma_start3A_58] : memref<10000x128xf32, #tpu.memory_space<hbm>> -> memref<10000x128xf32, #tpu.memory_space<hbm>>
        tpu.enqueue_indirect_dma source(%dma_start3A_59 : memref<10000x128xf32, #tpu.memory_space<hbm>>) target(%arg12 : memref<128x128xf32, #tpu.memory_space<vmem>>) offsets(%arg10 : memref<128xi32, #tpu.memory_space<vmem>>) semaphore(%arg16 : memref<!tpu.dma_semaphore, #tpu.memory_space<semaphore_mem>>)
        %dma_wait3A_60 = arith.constant 0 : i32
        %dma_wait3A_61 = arith.constant 0 : i32
        %dma_wait3A_62 = tpu.memref_slice %arg3[%dma_wait3A_60, %dma_wait3A_61] : memref<10000x128xf32, #tpu.memory_space<hbm>> -> memref<10000x128xf32, #tpu.memory_space<hbm>>
        tpu.wait_indirect_dma semaphore(%arg15 : memref<!tpu.dma_semaphore, #tpu.memory_space<semaphore_mem>>) src(%dma_wait3A_62 : memref<10000x128xf32, #tpu.memory_space<hbm>>) dst(%arg9 : memref<128x128xf32, #tpu.memory_space<vmem>>)
        "tpu.region"() ({
          %run_scoped3A = tpu.sem_alloc : memref<!tpu.dma_semaphore, #tpu.memory_space<semaphore_mem>>
          %dma_start3A_79 = arith.constant 0 : i32
          %dma_start3A_80 = arith.constant 0 : i32
          %dma_start3A_81 = tpu.memref_slice %arg14[%dma_start3A_79, %dma_start3A_80] : memref<10240x128xf32, #tpu.memory_space<vmem_shared>> -> memref<10240x128xf32, #tpu.memory_space<vmem_shared>>
          tpu.enqueue_indirect_dma source(%arg9 : memref<128x128xf32, #tpu.memory_space<vmem>>) target(%dma_start3A_81 : memref<10240x128xf32, #tpu.memory_space<vmem_shared>>) offsets(%arg8 : memref<128xi32, #tpu.memory_space<vmem>>) semaphore(%run_scoped3A : memref<!tpu.dma_semaphore, #tpu.memory_space<semaphore_mem>>) {add = true}
          %dma_wait3A_82 = arith.constant 0 : i32
          %dma_wait3A_83 = arith.constant 0 : i32
          %dma_wait3A_84 = tpu.memref_slice %arg14[%dma_wait3A_82, %dma_wait3A_83] : memref<10240x128xf32, #tpu.memory_space<vmem_shared>> -> memref<10240x128xf32, #tpu.memory_space<vmem_shared>>
          tpu.wait_indirect_dma semaphore(%run_scoped3A : memref<!tpu.dma_semaphore, #tpu.memory_space<semaphore_mem>>) src(%arg9 : memref<128x128xf32, #tpu.memory_space<vmem>>) dst(%dma_wait3A_84 : memref<10240x128xf32, #tpu.memory_space<vmem_shared>>)
          tpu.yield
        }) : () -> ()
        %mul3A_63 = arith.constant 2 : i32
        %mul3A_64 = arith.muli %mul3A_63, %scan3A_46 : i32
        %add3A_65 = arith.constant 2 : i32
        %add3A_66 = arith.addi %mul3A_64, %add3A_65 : i32
        %mul3A_67 = arith.constant 128 : i32
        %mul3A_68 = arith.muli %add3A_66, %mul3A_67 : i32
        %add3A_69 = arith.addi %mul3A_10, %mul3A_68 : i32
        "tpu.region"() ({
          %run_scoped3A = tpu.sem_alloc : memref<!tpu.dma_semaphore, #tpu.memory_space<semaphore_mem>>
          %dma_start3A_79 = tpu.memref_slice %arg4[%add3A_69] : memref<323584xi32, #tpu.memory_space<hbm>> -> memref<128xi32, #tpu.memory_space<hbm>>
          %dma_start3A_80 = tpu.memref_slice %arg4[%add3A_69] : memref<323584xi32, #tpu.memory_space<hbm>> -> memref<128xi32, #tpu.memory_space<hbm>>
          tpu.enqueue_dma source(%dma_start3A_80 : memref<128xi32, #tpu.memory_space<hbm>>) target(%arg7 : memref<128xi32, #tpu.memory_space<vmem>>) target_semaphore(%run_scoped3A : memref<!tpu.dma_semaphore, #tpu.memory_space<semaphore_mem>>)
          %dma_wait3A_81 = tpu.memref_slice %arg4[%add3A_69] : memref<323584xi32, #tpu.memory_space<hbm>> -> memref<128xi32, #tpu.memory_space<hbm>>
          %dma_wait3A_82 = tpu.memref_slice %arg4[%add3A_69] : memref<323584xi32, #tpu.memory_space<hbm>> -> memref<128xi32, #tpu.memory_space<hbm>>
          tpu.wait_dma2 semaphore(%run_scoped3A : memref<!tpu.dma_semaphore, #tpu.memory_space<semaphore_mem>>) src(%dma_wait3A_82 : memref<128xi32, #tpu.memory_space<hbm>>) dst(%arg7 : memref<128xi32, #tpu.memory_space<vmem>>)
          tpu.yield
        }) : () -> ()
        %mul3A_70 = arith.constant 128 : i32
        %mul3A_71 = arith.muli %add3A_66, %mul3A_70 : i32
        %add3A_72 = arith.addi %mul3A_10, %mul3A_71 : i32
        "tpu.region"() ({
          %run_scoped3A = tpu.sem_alloc : memref<!tpu.dma_semaphore, #tpu.memory_space<semaphore_mem>>
          %dma_start3A_79 = tpu.memref_slice %arg5[%add3A_72] : memref<323584xi32, #tpu.memory_space<hbm>> -> memref<128xi32, #tpu.memory_space<hbm>>
          %dma_start3A_80 = tpu.memref_slice %arg5[%add3A_72] : memref<323584xi32, #tpu.memory_space<hbm>> -> memref<128xi32, #tpu.memory_space<hbm>>
          tpu.enqueue_dma source(%dma_start3A_80 : memref<128xi32, #tpu.memory_space<hbm>>) target(%arg8 : memref<128xi32, #tpu.memory_space<vmem>>) target_semaphore(%run_scoped3A : memref<!tpu.dma_semaphore, #tpu.memory_space<semaphore_mem>>)
          %dma_wait3A_81 = tpu.memref_slice %arg5[%add3A_72] : memref<323584xi32, #tpu.memory_space<hbm>> -> memref<128xi32, #tpu.memory_space<hbm>>
          %dma_wait3A_82 = tpu.memref_slice %arg5[%add3A_72] : memref<323584xi32, #tpu.memory_space<hbm>> -> memref<128xi32, #tpu.memory_space<hbm>>
          tpu.wait_dma2 semaphore(%run_scoped3A : memref<!tpu.dma_semaphore, #tpu.memory_space<semaphore_mem>>) src(%dma_wait3A_82 : memref<128xi32, #tpu.memory_space<hbm>>) dst(%arg8 : memref<128xi32, #tpu.memory_space<vmem>>)
          tpu.yield
        }) : () -> ()
        %dma_start3A_73 = arith.constant 0 : i32
        %dma_start3A_74 = arith.constant 0 : i32
        %dma_start3A_75 = tpu.memref_slice %arg3[%dma_start3A_73, %dma_start3A_74] : memref<10000x128xf32, #tpu.memory_space<hbm>> -> memref<10000x128xf32, #tpu.memory_space<hbm>>
        tpu.enqueue_indirect_dma source(%dma_start3A_75 : memref<10000x128xf32, #tpu.memory_space<hbm>>) target(%arg9 : memref<128x128xf32, #tpu.memory_space<vmem>>) offsets(%arg7 : memref<128xi32, #tpu.memory_space<vmem>>) semaphore(%arg15 : memref<!tpu.dma_semaphore, #tpu.memory_space<semaphore_mem>>)
        %dma_wait3A_76 = arith.constant 0 : i32
        %dma_wait3A_77 = arith.constant 0 : i32
        %dma_wait3A_78 = tpu.memref_slice %arg3[%dma_wait3A_76, %dma_wait3A_77] : memref<10000x128xf32, #tpu.memory_space<hbm>> -> memref<10000x128xf32, #tpu.memory_space<hbm>>
        tpu.wait_indirect_dma semaphore(%arg16 : memref<!tpu.dma_semaphore, #tpu.memory_space<semaphore_mem>>) src(%dma_wait3A_78 : memref<10000x128xf32, #tpu.memory_space<hbm>>) dst(%arg12 : memref<128x128xf32, #tpu.memory_space<vmem>>)
        "tpu.region"() ({
          %run_scoped3A = tpu.sem_alloc : memref<!tpu.dma_semaphore, #tpu.memory_space<semaphore_mem>>
          %dma_start3A_79 = arith.constant 0 : i32
          %dma_start3A_80 = arith.constant 0 : i32
          %dma_start3A_81 = tpu.memref_slice %arg14[%dma_start3A_79, %dma_start3A_80] : memref<10240x128xf32, #tpu.memory_space<vmem_shared>> -> memref<10240x128xf32, #tpu.memory_space<vmem_shared>>
          tpu.enqueue_indirect_dma source(%arg12 : memref<128x128xf32, #tpu.memory_space<vmem>>) target(%dma_start3A_81 : memref<10240x128xf32, #tpu.memory_space<vmem_shared>>) offsets(%arg11 : memref<128xi32, #tpu.memory_space<vmem>>) semaphore(%run_scoped3A : memref<!tpu.dma_semaphore, #tpu.memory_space<semaphore_mem>>) {add = true}
          %dma_wait3A_82 = arith.constant 0 : i32
          %dma_wait3A_83 = arith.constant 0 : i32
          %dma_wait3A_84 = tpu.memref_slice %arg14[%dma_wait3A_82, %dma_wait3A_83] : memref<10240x128xf32, #tpu.memory_space<vmem_shared>> -> memref<10240x128xf32, #tpu.memory_space<vmem_shared>>
          tpu.wait_indirect_dma semaphore(%run_scoped3A : memref<!tpu.dma_semaphore, #tpu.memory_space<semaphore_mem>>) src(%arg12 : memref<128x128xf32, #tpu.memory_space<vmem>>) dst(%dma_wait3A_84 : memref<10240x128xf32, #tpu.memory_space<vmem_shared>>)
          tpu.yield
        }) : () -> ()
      }
      %scan3A_33 = arith.constant 78 : i32
      %dma_wait3A = arith.constant 0 : i32
      %dma_wait3A_34 = arith.constant 0 : i32
      %dma_wait3A_35 = tpu.memref_slice %arg3[%dma_wait3A, %dma_wait3A_34] : memref<10000x128xf32, #tpu.memory_space<hbm>> -> memref<10000x128xf32, #tpu.memory_space<hbm>>
      tpu.wait_indirect_dma semaphore(%arg15 : memref<!tpu.dma_semaphore, #tpu.memory_space<semaphore_mem>>) src(%dma_wait3A_35 : memref<10000x128xf32, #tpu.memory_space<hbm>>) dst(%arg9 : memref<128x128xf32, #tpu.memory_space<vmem>>)
      "tpu.region"() ({
        %run_scoped3A = tpu.sem_alloc : memref<!tpu.dma_semaphore, #tpu.memory_space<semaphore_mem>>
        %dma_start3A_46 = arith.constant 0 : i32
        %dma_start3A_47 = arith.constant 0 : i32
        %dma_start3A_48 = tpu.memref_slice %arg14[%dma_start3A_46, %dma_start3A_47] : memref<10240x128xf32, #tpu.memory_space<vmem_shared>> -> memref<10240x128xf32, #tpu.memory_space<vmem_shared>>
        tpu.enqueue_indirect_dma source(%arg9 : memref<128x128xf32, #tpu.memory_space<vmem>>) target(%dma_start3A_48 : memref<10240x128xf32, #tpu.memory_space<vmem_shared>>) offsets(%arg8 : memref<128xi32, #tpu.memory_space<vmem>>) semaphore(%run_scoped3A : memref<!tpu.dma_semaphore, #tpu.memory_space<semaphore_mem>>) {add = true}
        %dma_wait3A_49 = arith.constant 0 : i32
        %dma_wait3A_50 = arith.constant 0 : i32
        %dma_wait3A_51 = tpu.memref_slice %arg14[%dma_wait3A_49, %dma_wait3A_50] : memref<10240x128xf32, #tpu.memory_space<vmem_shared>> -> memref<10240x128xf32, #tpu.memory_space<vmem_shared>>
        tpu.wait_indirect_dma semaphore(%run_scoped3A : memref<!tpu.dma_semaphore, #tpu.memory_space<semaphore_mem>>) src(%arg9 : memref<128x128xf32, #tpu.memory_space<vmem>>) dst(%dma_wait3A_51 : memref<10240x128xf32, #tpu.memory_space<vmem_shared>>)
        tpu.yield
      }) : () -> ()
      %add3A_36 = arith.constant 20096 : i32
      %add3A_37 = arith.addi %mul3A_10, %add3A_36 : i32
      "tpu.region"() ({
        %run_scoped3A = tpu.sem_alloc : memref<!tpu.dma_semaphore, #tpu.memory_space<semaphore_mem>>
        %dma_start3A_46 = tpu.memref_slice %arg4[%add3A_37] : memref<323584xi32, #tpu.memory_space<hbm>> -> memref<128xi32, #tpu.memory_space<hbm>>
        %dma_start3A_47 = tpu.memref_slice %arg4[%add3A_37] : memref<323584xi32, #tpu.memory_space<hbm>> -> memref<128xi32, #tpu.memory_space<hbm>>
        tpu.enqueue_dma source(%dma_start3A_47 : memref<128xi32, #tpu.memory_space<hbm>>) target(%arg10 : memref<128xi32, #tpu.memory_space<vmem>>) target_semaphore(%run_scoped3A : memref<!tpu.dma_semaphore, #tpu.memory_space<semaphore_mem>>)
        %dma_wait3A_48 = tpu.memref_slice %arg4[%add3A_37] : memref<323584xi32, #tpu.memory_space<hbm>> -> memref<128xi32, #tpu.memory_space<hbm>>
        %dma_wait3A_49 = tpu.memref_slice %arg4[%add3A_37] : memref<323584xi32, #tpu.memory_space<hbm>> -> memref<128xi32, #tpu.memory_space<hbm>>
        tpu.wait_dma2 semaphore(%run_scoped3A : memref<!tpu.dma_semaphore, #tpu.memory_space<semaphore_mem>>) src(%dma_wait3A_49 : memref<128xi32, #tpu.memory_space<hbm>>) dst(%arg10 : memref<128xi32, #tpu.memory_space<vmem>>)
        tpu.yield
      }) : () -> ()
      %add3A_38 = arith.constant 20096 : i32
      %add3A_39 = arith.addi %mul3A_10, %add3A_38 : i32
      "tpu.region"() ({
        %run_scoped3A = tpu.sem_alloc : memref<!tpu.dma_semaphore, #tpu.memory_space<semaphore_mem>>
        %dma_start3A_46 = tpu.memref_slice %arg5[%add3A_39] : memref<323584xi32, #tpu.memory_space<hbm>> -> memref<128xi32, #tpu.memory_space<hbm>>
        %dma_start3A_47 = tpu.memref_slice %arg5[%add3A_39] : memref<323584xi32, #tpu.memory_space<hbm>> -> memref<128xi32, #tpu.memory_space<hbm>>
        tpu.enqueue_dma source(%dma_start3A_47 : memref<128xi32, #tpu.memory_space<hbm>>) target(%arg11 : memref<128xi32, #tpu.memory_space<vmem>>) target_semaphore(%run_scoped3A : memref<!tpu.dma_semaphore, #tpu.memory_space<semaphore_mem>>)
        %dma_wait3A_48 = tpu.memref_slice %arg5[%add3A_39] : memref<323584xi32, #tpu.memory_space<hbm>> -> memref<128xi32, #tpu.memory_space<hbm>>
        %dma_wait3A_49 = tpu.memref_slice %arg5[%add3A_39] : memref<323584xi32, #tpu.memory_space<hbm>> -> memref<128xi32, #tpu.memory_space<hbm>>
        tpu.wait_dma2 semaphore(%run_scoped3A : memref<!tpu.dma_semaphore, #tpu.memory_space<semaphore_mem>>) src(%dma_wait3A_49 : memref<128xi32, #tpu.memory_space<hbm>>) dst(%arg11 : memref<128xi32, #tpu.memory_space<vmem>>)
        tpu.yield
      }) : () -> ()
      %dma_start3A_40 = arith.constant 0 : i32
      %dma_start3A_41 = arith.constant 0 : i32
      %dma_start3A_42 = tpu.memref_slice %arg3[%dma_start3A_40, %dma_start3A_41] : memref<10000x128xf32, #tpu.memory_space<hbm>> -> memref<10000x128xf32, #tpu.memory_space<hbm>>
      tpu.enqueue_indirect_dma source(%dma_start3A_42 : memref<10000x128xf32, #tpu.memory_space<hbm>>) target(%arg12 : memref<128x128xf32, #tpu.memory_space<vmem>>) offsets(%arg10 : memref<128xi32, #tpu.memory_space<vmem>>) semaphore(%arg16 : memref<!tpu.dma_semaphore, #tpu.memory_space<semaphore_mem>>)
      %dma_wait3A_43 = arith.constant 0 : i32
      %dma_wait3A_44 = arith.constant 0 : i32
      %dma_wait3A_45 = tpu.memref_slice %arg3[%dma_wait3A_43, %dma_wait3A_44] : memref<10000x128xf32, #tpu.memory_space<hbm>> -> memref<10000x128xf32, #tpu.memory_space<hbm>>
      tpu.wait_indirect_dma semaphore(%arg16 : memref<!tpu.dma_semaphore, #tpu.memory_space<semaphore_mem>>) src(%dma_wait3A_45 : memref<10000x128xf32, #tpu.memory_space<hbm>>) dst(%arg12 : memref<128x128xf32, #tpu.memory_space<vmem>>)
      "tpu.region"() ({
        %run_scoped3A = tpu.sem_alloc : memref<!tpu.dma_semaphore, #tpu.memory_space<semaphore_mem>>
        %dma_start3A_46 = arith.constant 0 : i32
        %dma_start3A_47 = arith.constant 0 : i32
        %dma_start3A_48 = tpu.memref_slice %arg14[%dma_start3A_46, %dma_start3A_47] : memref<10240x128xf32, #tpu.memory_space<vmem_shared>> -> memref<10240x128xf32, #tpu.memory_space<vmem_shared>>
        tpu.enqueue_indirect_dma source(%arg12 : memref<128x128xf32, #tpu.memory_space<vmem>>) target(%dma_start3A_48 : memref<10240x128xf32, #tpu.memory_space<vmem_shared>>) offsets(%arg11 : memref<128xi32, #tpu.memory_space<vmem>>) semaphore(%run_scoped3A : memref<!tpu.dma_semaphore, #tpu.memory_space<semaphore_mem>>) {add = true}
        %dma_wait3A_49 = arith.constant 0 : i32
        %dma_wait3A_50 = arith.constant 0 : i32
        %dma_wait3A_51 = tpu.memref_slice %arg14[%dma_wait3A_49, %dma_wait3A_50] : memref<10240x128xf32, #tpu.memory_space<vmem_shared>> -> memref<10240x128xf32, #tpu.memory_space<vmem_shared>>
        tpu.wait_indirect_dma semaphore(%run_scoped3A : memref<!tpu.dma_semaphore, #tpu.memory_space<semaphore_mem>>) src(%arg12 : memref<128x128xf32, #tpu.memory_space<vmem>>) dst(%dma_wait3A_51 : memref<10240x128xf32, #tpu.memory_space<vmem_shared>>)
        tpu.yield
      }) : () -> ()
    } else {
    }
    %barrier3A_18 = arith.constant 0 : index
    tpu.barrier barrier_id(%barrier3A_18)
    %scan3A_19 = arith.constant 0 : i32
    %scan3A_20 = arith.constant 20 : i32
    %scan3A_21 = arith.addi %scan3A_19, %scan3A_20 : i32
    %scan3A_22 = arith.constant 1 : i32
    scf.for %scan3A_24 = %scan3A_19 to %scan3A_21 step %scan3A_22  : i32 {
      %mul3A_25 = arith.constant 640 : i32
      %mul3A_26 = arith.muli %arg1, %mul3A_25 : i32
      %mul3A_27 = arith.constant 32 : i32
      %mul3A_28 = arith.muli %scan3A_24, %mul3A_27 : i32
      %add3A = arith.addi %mul3A_26, %mul3A_28 : i32
      "tpu.region"() ({
        %run_scoped3A = tpu.sem_alloc : memref<!tpu.dma_semaphore, #tpu.memory_space<semaphore_mem>>
        %dma_start3A = arith.constant 0 : i32
        %dma_start3A_29 = tpu.memref_slice %arg14[%add3A, %dma_start3A] : memref<10240x128xf32, #tpu.memory_space<vmem_shared>> -> memref<32x128xf32, #tpu.memory_space<vmem_shared>>
        %dma_start3A_30 = arith.constant 0 : i32
        %dma_start3A_31 = tpu.memref_slice %arg14[%add3A, %dma_start3A_30] : memref<10240x128xf32, #tpu.memory_space<vmem_shared>> -> memref<32x128xf32, #tpu.memory_space<vmem_shared>>
        tpu.enqueue_dma source(%dma_start3A_31 : memref<32x128xf32, #tpu.memory_space<vmem_shared>>) target(%arg13 : memref<32x128xf32, #tpu.memory_space<vmem>>) target_semaphore(%run_scoped3A : memref<!tpu.dma_semaphore, #tpu.memory_space<semaphore_mem>>)
        %dma_wait3A = arith.constant 0 : i32
        %dma_wait3A_32 = tpu.memref_slice %arg14[%add3A, %dma_wait3A] : memref<10240x128xf32, #tpu.memory_space<vmem_shared>> -> memref<32x128xf32, #tpu.memory_space<vmem_shared>>
        %dma_wait3A_33 = arith.constant 0 : i32
        %dma_wait3A_34 = tpu.memref_slice %arg14[%add3A, %dma_wait3A_33] : memref<10240x128xf32, #tpu.memory_space<vmem_shared>> -> memref<32x128xf32, #tpu.memory_space<vmem_shared>>
        tpu.wait_dma2 semaphore(%run_scoped3A : memref<!tpu.dma_semaphore, #tpu.memory_space<semaphore_mem>>) src(%dma_wait3A_34 : memref<32x128xf32, #tpu.memory_space<vmem_shared>>) dst(%arg13 : memref<32x128xf32, #tpu.memory_space<vmem>>)
        tpu.yield
      }) : () -> ()
      "tpu.region"() ({
        %run_scoped3A = tpu.sem_alloc : memref<!tpu.dma_semaphore, #tpu.memory_space<semaphore_mem>>
        %dma_start3A = arith.constant 0 : i32
        %dma_start3A_29 = tpu.memref_slice %arg6[%arg0, %add3A, %dma_start3A] : memref<2x10240x128xf32, #tpu.memory_space<hbm>> -> memref<1x32x128xf32, #tpu.memory_space<hbm>>
        %dma_start3A_30 = tpu.memref_squeeze %dma_start3A_29 : memref<1x32x128xf32, #tpu.memory_space<hbm>> -> memref<32x128xf32, #tpu.memory_space<hbm>>
        %dma_start3A_31 = arith.constant 0 : i32
        %dma_start3A_32 = tpu.memref_slice %arg6[%arg0, %add3A, %dma_start3A_31] : memref<2x10240x128xf32, #tpu.memory_space<hbm>> -> memref<1x32x128xf32, #tpu.memory_space<hbm>>
        %dma_start3A_33 = tpu.memref_squeeze %dma_start3A_32 : memref<1x32x128xf32, #tpu.memory_space<hbm>> -> memref<32x128xf32, #tpu.memory_space<hbm>>
        tpu.enqueue_dma source(%arg13 : memref<32x128xf32, #tpu.memory_space<vmem>>) target(%dma_start3A_33 : memref<32x128xf32, #tpu.memory_space<hbm>>) target_semaphore(%run_scoped3A : memref<!tpu.dma_semaphore, #tpu.memory_space<semaphore_mem>>)
        %dma_wait3A = arith.constant 0 : i32
        %dma_wait3A_34 = tpu.memref_slice %arg6[%arg0, %add3A, %dma_wait3A] : memref<2x10240x128xf32, #tpu.memory_space<hbm>> -> memref<1x32x128xf32, #tpu.memory_space<hbm>>
        %dma_wait3A_35 = tpu.memref_squeeze %dma_wait3A_34 : memref<1x32x128xf32, #tpu.memory_space<hbm>> -> memref<32x128xf32, #tpu.memory_space<hbm>>
        %dma_wait3A_36 = arith.constant 0 : i32
        %dma_wait3A_37 = tpu.memref_slice %arg6[%arg0, %add3A, %dma_wait3A_36] : memref<2x10240x128xf32, #tpu.memory_space<hbm>> -> memref<1x32x128xf32, #tpu.memory_space<hbm>>
        %dma_wait3A_38 = tpu.memref_squeeze %dma_wait3A_37 : memref<1x32x128xf32, #tpu.memory_space<hbm>> -> memref<32x128xf32, #tpu.memory_space<hbm>>
        tpu.wait_dma2 semaphore(%run_scoped3A : memref<!tpu.dma_semaphore, #tpu.memory_space<semaphore_mem>>) src(%arg13 : memref<32x128xf32, #tpu.memory_space<vmem>>) dst(%dma_wait3A_38 : memref<32x128xf32, #tpu.memory_space<hbm>>)
        tpu.yield
      }) : () -> ()
    }
    %scan3A_23 = arith.constant 20 : i32
    return
  }
}

#map = affine_map<(d0, d1) -> (0)>
#map1 = affine_map<(d0, d1) -> (0, 0)>
module attributes {stable_mosaic.version = 14 : i64} {
  func.func @_sc_deg_body(%arg0: i32, %arg1: i32, %arg2: memref<323584xi32, #tpu.memory_space<hbm>>, %arg3: memref<2x10240xf32, #tpu.memory_space<hbm>>, %arg4: memref<128xi32, #tpu.memory_space<vmem>>, %arg5: memref<128xi32, #tpu.memory_space<vmem>>, %arg6: memref<128xf32, #tpu.memory_space<vmem>>, %arg7: memref<640xf32, #tpu.memory_space<vmem>>, %arg8: memref<10240xf32, #tpu.memory_space<vmem_shared>>, %arg9: memref<!tpu.dma_semaphore, #tpu.memory_space<semaphore_mem>>, %arg10: memref<!tpu.dma_semaphore, #tpu.memory_space<semaphore_mem>>) attributes {dimension_semantics = [#tpu.dimension_semantics<core_parallel>, #tpu.dimension_semantics<subcore_parallel>], iteration_bounds = array<i64: 2, 16>, scalar_prefetch = 0 : i64, scratch_operands = 7 : i64, tpu.core_type = #tpu.core_type<sc_vector_subcore>, window_params = [{transform_indices = #map}, {transform_indices = #map1}]} {
    %mul3A = arith.constant 16 : i32
    %mul3A_0 = arith.muli %arg0, %mul3A : i32
    %add3A = arith.addi %mul3A_0, %arg1 : i32
    %broadcast_in_dim3A = arith.constant 1.000000e+00 : f32
    %broadcast_in_dim3A_1 = vector.broadcast %broadcast_in_dim3A : f32 to vector<16xf32>
    %scan3A = arith.constant 0 : i32
    %scan3A_2 = arith.constant 8 : i32
    %scan3A_3 = arith.addi %scan3A, %scan3A_2 : i32
    %scan3A_4 = arith.constant 1 : i32
    scf.for %scan3A_29 = %scan3A to %scan3A_3 step %scan3A_4  : i32 {
      %mul3A_30 = arith.constant 16 : i32
      %mul3A_31 = arith.muli %scan3A_29, %mul3A_30 : i32
      %swap3A = arith.index_cast %mul3A_31 : i32 to index
      %swap3A_32 = tpu.vector_load %arg6[%swap3A] {strides = array<i32>} : memref<128xf32, #tpu.memory_space<vmem>>, vector<16xf32>,
      %swap3A_33 = vector.shape_cast %swap3A_32 : vector<16xf32> to vector<16xf32>
      %swap3A_34 = vector.shape_cast %broadcast_in_dim3A_1 : vector<16xf32> to vector<16xf32>
      tpu.vector_store %arg6[%swap3A], %swap3A_34 {strides = array<i32>} : memref<128xf32, #tpu.memory_space<vmem>>, vector<16xf32>,
    }
    %scan3A_5 = arith.constant 8 : i32
    %broadcast_in_dim3A_6 = arith.constant 0.000000e+00 : f32
    %broadcast_in_dim3A_7 = vector.broadcast %broadcast_in_dim3A_6 : f32 to vector<16xf32>
    %scan3A_8 = arith.constant 0 : i32
    %scan3A_9 = arith.constant 40 : i32
    %scan3A_10 = arith.addi %scan3A_8, %scan3A_9 : i32
    %scan3A_11 = arith.constant 1 : i32
    scf.for %scan3A_29 = %scan3A_8 to %scan3A_10 step %scan3A_11  : i32 {
      %mul3A_30 = arith.constant 16 : i32
      %mul3A_31 = arith.muli %scan3A_29, %mul3A_30 : i32
      %swap3A = arith.index_cast %mul3A_31 : i32 to index
      %swap3A_32 = tpu.vector_load %arg7[%swap3A] {strides = array<i32>} : memref<640xf32, #tpu.memory_space<vmem>>, vector<16xf32>,
      %swap3A_33 = vector.shape_cast %swap3A_32 : vector<16xf32> to vector<16xf32>
      %swap3A_34 = vector.shape_cast %broadcast_in_dim3A_7 : vector<16xf32> to vector<16xf32>
      tpu.vector_store %arg7[%swap3A], %swap3A_34 {strides = array<i32>} : memref<640xf32, #tpu.memory_space<vmem>>, vector<16xf32>,
    }
    %scan3A_12 = arith.constant 40 : i32
    %mul3A_13 = arith.constant 640 : i32
    %mul3A_14 = arith.muli %arg1, %mul3A_13 : i32
    "tpu.region"() ({
      %run_scoped3A = tpu.sem_alloc : memref<!tpu.dma_semaphore, #tpu.memory_space<semaphore_mem>>
      %dma_start3A_29 = tpu.memref_slice %arg8[%mul3A_14] : memref<10240xf32, #tpu.memory_space<vmem_shared>> -> memref<640xf32, #tpu.memory_space<vmem_shared>>
      %dma_start3A_30 = tpu.memref_slice %arg8[%mul3A_14] : memref<10240xf32, #tpu.memory_space<vmem_shared>> -> memref<640xf32, #tpu.memory_space<vmem_shared>>
      tpu.enqueue_dma source(%arg7 : memref<640xf32, #tpu.memory_space<vmem>>) target(%dma_start3A_30 : memref<640xf32, #tpu.memory_space<vmem_shared>>) target_semaphore(%run_scoped3A : memref<!tpu.dma_semaphore, #tpu.memory_space<semaphore_mem>>)
      %dma_wait3A_31 = tpu.memref_slice %arg8[%mul3A_14] : memref<10240xf32, #tpu.memory_space<vmem_shared>> -> memref<640xf32, #tpu.memory_space<vmem_shared>>
      %dma_wait3A_32 = tpu.memref_slice %arg8[%mul3A_14] : memref<10240xf32, #tpu.memory_space<vmem_shared>> -> memref<640xf32, #tpu.memory_space<vmem_shared>>
      tpu.wait_dma2 semaphore(%run_scoped3A : memref<!tpu.dma_semaphore, #tpu.memory_space<semaphore_mem>>) src(%arg7 : memref<640xf32, #tpu.memory_space<vmem>>) dst(%dma_wait3A_32 : memref<640xf32, #tpu.memory_space<vmem_shared>>)
      tpu.yield
    }) : () -> ()
    %barrier3A = arith.constant 0 : index
    tpu.barrier barrier_id(%barrier3A)
    %mul3A_15 = arith.constant 10112 : i32
    %mul3A_16 = arith.muli %add3A, %mul3A_15 : i32
    "tpu.region"() ({
      %run_scoped3A = tpu.sem_alloc : memref<!tpu.dma_semaphore, #tpu.memory_space<semaphore_mem>>
      %dma_start3A_29 = tpu.memref_slice %arg2[%mul3A_16] : memref<323584xi32, #tpu.memory_space<hbm>> -> memref<128xi32, #tpu.memory_space<hbm>>
      %dma_start3A_30 = tpu.memref_slice %arg2[%mul3A_16] : memref<323584xi32, #tpu.memory_space<hbm>> -> memref<128xi32, #tpu.memory_space<hbm>>
      tpu.enqueue_dma source(%dma_start3A_30 : memref<128xi32, #tpu.memory_space<hbm>>) target(%arg4 : memref<128xi32, #tpu.memory_space<vmem>>) target_semaphore(%run_scoped3A : memref<!tpu.dma_semaphore, #tpu.memory_space<semaphore_mem>>)
      %dma_wait3A_31 = tpu.memref_slice %arg2[%mul3A_16] : memref<323584xi32, #tpu.memory_space<hbm>> -> memref<128xi32, #tpu.memory_space<hbm>>
      %dma_wait3A_32 = tpu.memref_slice %arg2[%mul3A_16] : memref<323584xi32, #tpu.memory_space<hbm>> -> memref<128xi32, #tpu.memory_space<hbm>>
      tpu.wait_dma2 semaphore(%run_scoped3A : memref<!tpu.dma_semaphore, #tpu.memory_space<semaphore_mem>>) src(%dma_wait3A_32 : memref<128xi32, #tpu.memory_space<hbm>>) dst(%arg4 : memref<128xi32, #tpu.memory_space<vmem>>)
      tpu.yield
    }) : () -> ()
    %dma_start3A = arith.constant 0 : i32
    %dma_start3A_17 = tpu.memref_slice %arg8[%dma_start3A] : memref<10240xf32, #tpu.memory_space<vmem_shared>> -> memref<10240xf32, #tpu.memory_space<vmem_shared>>
    tpu.enqueue_indirect_dma source(%arg6 : memref<128xf32, #tpu.memory_space<vmem>>) target(%dma_start3A_17 : memref<10240xf32, #tpu.memory_space<vmem_shared>>) offsets(%arg4 : memref<128xi32, #tpu.memory_space<vmem>>) semaphore(%arg9 : memref<!tpu.dma_semaphore, #tpu.memory_space<semaphore_mem>>) {add = true}
    %scan3A_18 = arith.constant 0 : i32
    %scan3A_19 = arith.constant 39 : i32
    %scan3A_20 = arith.addi %scan3A_18, %scan3A_19 : i32
    %scan3A_21 = arith.constant 1 : i32
    scf.for %scan3A_29 = %scan3A_18 to %scan3A_20 step %scan3A_21  : i32 {
      %mul3A_30 = arith.constant 2 : i32
      %mul3A_31 = arith.muli %mul3A_30, %scan3A_29 : i32
      %add3A_32 = arith.constant 1 : i32
      %add3A_33 = arith.addi %mul3A_31, %add3A_32 : i32
      %mul3A_34 = arith.constant 128 : i32
      %mul3A_35 = arith.muli %add3A_33, %mul3A_34 : i32
      %add3A_36 = arith.addi %mul3A_16, %mul3A_35 : i32
      "tpu.region"() ({
        %run_scoped3A = tpu.sem_alloc : memref<!tpu.dma_semaphore, #tpu.memory_space<semaphore_mem>>
        %dma_start3A_47 = tpu.memref_slice %arg2[%add3A_36] : memref<323584xi32, #tpu.memory_space<hbm>> -> memref<128xi32, #tpu.memory_space<hbm>>
        %dma_start3A_48 = tpu.memref_slice %arg2[%add3A_36] : memref<323584xi32, #tpu.memory_space<hbm>> -> memref<128xi32, #tpu.memory_space<hbm>>
        tpu.enqueue_dma source(%dma_start3A_48 : memref<128xi32, #tpu.memory_space<hbm>>) target(%arg5 : memref<128xi32, #tpu.memory_space<vmem>>) target_semaphore(%run_scoped3A : memref<!tpu.dma_semaphore, #tpu.memory_space<semaphore_mem>>)
        %dma_wait3A_49 = tpu.memref_slice %arg2[%add3A_36] : memref<323584xi32, #tpu.memory_space<hbm>> -> memref<128xi32, #tpu.memory_space<hbm>>
        %dma_wait3A_50 = tpu.memref_slice %arg2[%add3A_36] : memref<323584xi32, #tpu.memory_space<hbm>> -> memref<128xi32, #tpu.memory_space<hbm>>
        tpu.wait_dma2 semaphore(%run_scoped3A : memref<!tpu.dma_semaphore, #tpu.memory_space<semaphore_mem>>) src(%dma_wait3A_50 : memref<128xi32, #tpu.memory_space<hbm>>) dst(%arg5 : memref<128xi32, #tpu.memory_space<vmem>>)
        tpu.yield
      }) : () -> ()
      %dma_start3A_37 = arith.constant 0 : i32
      %dma_start3A_38 = tpu.memref_slice %arg8[%dma_start3A_37] : memref<10240xf32, #tpu.memory_space<vmem_shared>> -> memref<10240xf32, #tpu.memory_space<vmem_shared>>
      tpu.enqueue_indirect_dma source(%arg6 : memref<128xf32, #tpu.memory_space<vmem>>) target(%dma_start3A_38 : memref<10240xf32, #tpu.memory_space<vmem_shared>>) offsets(%arg5 : memref<128xi32, #tpu.memory_space<vmem>>) semaphore(%arg10 : memref<!tpu.dma_semaphore, #tpu.memory_space<semaphore_mem>>) {add = true}
      %dma_wait3A_39 = arith.constant 0 : i32
      %dma_wait3A_40 = tpu.memref_slice %arg8[%dma_wait3A_39] : memref<10240xf32, #tpu.memory_space<vmem_shared>> -> memref<10240xf32, #tpu.memory_space<vmem_shared>>
      tpu.wait_indirect_dma semaphore(%arg9 : memref<!tpu.dma_semaphore, #tpu.memory_space<semaphore_mem>>) src(%arg6 : memref<128xf32, #tpu.memory_space<vmem>>) dst(%dma_wait3A_40 : memref<10240xf32, #tpu.memory_space<vmem_shared>>)
      %add3A_41 = arith.constant 128 : i32
      %add3A_42 = arith.addi %add3A_36, %add3A_41 : i32
      "tpu.region"() ({
        %run_scoped3A = tpu.sem_alloc : memref<!tpu.dma_semaphore, #tpu.memory_space<semaphore_mem>>
        %dma_start3A_47 = tpu.memref_slice %arg2[%add3A_42] : memref<323584xi32, #tpu.memory_space<hbm>> -> memref<128xi32, #tpu.memory_space<hbm>>
        %dma_start3A_48 = tpu.memref_slice %arg2[%add3A_42] : memref<323584xi32, #tpu.memory_space<hbm>> -> memref<128xi32, #tpu.memory_space<hbm>>
        tpu.enqueue_dma source(%dma_start3A_48 : memref<128xi32, #tpu.memory_space<hbm>>) target(%arg4 : memref<128xi32, #tpu.memory_space<vmem>>) target_semaphore(%run_scoped3A : memref<!tpu.dma_semaphore, #tpu.memory_space<semaphore_mem>>)
        %dma_wait3A_49 = tpu.memref_slice %arg2[%add3A_42] : memref<323584xi32, #tpu.memory_space<hbm>> -> memref<128xi32, #tpu.memory_space<hbm>>
        %dma_wait3A_50 = tpu.memref_slice %arg2[%add3A_42] : memref<323584xi32, #tpu.memory_space<hbm>> -> memref<128xi32, #tpu.memory_space<hbm>>
        tpu.wait_dma2 semaphore(%run_scoped3A : memref<!tpu.dma_semaphore, #tpu.memory_space<semaphore_mem>>) src(%dma_wait3A_50 : memref<128xi32, #tpu.memory_space<hbm>>) dst(%arg4 : memref<128xi32, #tpu.memory_space<vmem>>)
        tpu.yield
      }) : () -> ()
      %dma_start3A_43 = arith.constant 0 : i32
      %dma_start3A_44 = tpu.memref_slice %arg8[%dma_start3A_43] : memref<10240xf32, #tpu.memory_space<vmem_shared>> -> memref<10240xf32, #tpu.memory_space<vmem_shared>>
      tpu.enqueue_indirect_dma source(%arg6 : memref<128xf32, #tpu.memory_space<vmem>>) target(%dma_start3A_44 : memref<10240xf32, #tpu.memory_space<vmem_shared>>) offsets(%arg4 : memref<128xi32, #tpu.memory_space<vmem>>) semaphore(%arg9 : memref<!tpu.dma_semaphore, #tpu.memory_space<semaphore_mem>>) {add = true}
      %dma_wait3A_45 = arith.constant 0 : i32
      %dma_wait3A_46 = tpu.memref_slice %arg8[%dma_wait3A_45] : memref<10240xf32, #tpu.memory_space<vmem_shared>> -> memref<10240xf32, #tpu.memory_space<vmem_shared>>
      tpu.wait_indirect_dma semaphore(%arg10 : memref<!tpu.dma_semaphore, #tpu.memory_space<semaphore_mem>>) src(%arg6 : memref<128xf32, #tpu.memory_space<vmem>>) dst(%dma_wait3A_46 : memref<10240xf32, #tpu.memory_space<vmem_shared>>)
    }
    %scan3A_22 = arith.constant 39 : i32
    %dma_wait3A = arith.constant 0 : i32
    %dma_wait3A_23 = tpu.memref_slice %arg8[%dma_wait3A] : memref<10240xf32, #tpu.memory_space<vmem_shared>> -> memref<10240xf32, #tpu.memory_space<vmem_shared>>
    tpu.wait_indirect_dma semaphore(%arg9 : memref<!tpu.dma_semaphore, #tpu.memory_space<semaphore_mem>>) src(%arg6 : memref<128xf32, #tpu.memory_space<vmem>>) dst(%dma_wait3A_23 : memref<10240xf32, #tpu.memory_space<vmem_shared>>)
    %barrier3A_24 = arith.constant 0 : index
    tpu.barrier barrier_id(%barrier3A_24)
    %mul3A_25 = arith.constant 640 : i32
    %mul3A_26 = arith.muli %arg1, %mul3A_25 : i32
    "tpu.region"() ({
      %run_scoped3A = tpu.sem_alloc : memref<!tpu.dma_semaphore, #tpu.memory_space<semaphore_mem>>
      %dma_start3A_29 = tpu.memref_slice %arg8[%mul3A_26] : memref<10240xf32, #tpu.memory_space<vmem_shared>> -> memref<640xf32, #tpu.memory_space<vmem_shared>>
      %dma_start3A_30 = tpu.memref_slice %arg8[%mul3A_26] : memref<10240xf32, #tpu.memory_space<vmem_shared>> -> memref<640xf32, #tpu.memory_space<vmem_shared>>
      tpu.enqueue_dma source(%dma_start3A_30 : memref<640xf32, #tpu.memory_space<vmem_shared>>) target(%arg7 : memref<640xf32, #tpu.memory_space<vmem>>) target_semaphore(%run_scoped3A : memref<!tpu.dma_semaphore, #tpu.memory_space<semaphore_mem>>)
      %dma_wait3A_31 = tpu.memref_slice %arg8[%mul3A_26] : memref<10240xf32, #tpu.memory_space<vmem_shared>> -> memref<640xf32, #tpu.memory_space<vmem_shared>>
      %dma_wait3A_32 = tpu.memref_slice %arg8[%mul3A_26] : memref<10240xf32, #tpu.memory_space<vmem_shared>> -> memref<640xf32, #tpu.memory_space<vmem_shared>>
      tpu.wait_dma2 semaphore(%run_scoped3A : memref<!tpu.dma_semaphore, #tpu.memory_space<semaphore_mem>>) src(%dma_wait3A_32 : memref<640xf32, #tpu.memory_space<vmem_shared>>) dst(%arg7 : memref<640xf32, #tpu.memory_space<vmem>>)
      tpu.yield
    }) : () -> ()
    %mul3A_27 = arith.constant 640 : i32
    %mul3A_28 = arith.muli %arg1, %mul3A_27 : i32
    "tpu.region"() ({
      %run_scoped3A = tpu.sem_alloc : memref<!tpu.dma_semaphore, #tpu.memory_space<semaphore_mem>>
      %dma_start3A_29 = tpu.memref_slice %arg3[%arg0, %mul3A_28] : memref<2x10240xf32, #tpu.memory_space<hbm>> -> memref<1x640xf32, #tpu.memory_space<hbm>>
      %dma_start3A_30 = tpu.memref_squeeze %dma_start3A_29 : memref<1x640xf32, #tpu.memory_space<hbm>> -> memref<640xf32, #tpu.memory_space<hbm>>
      %dma_start3A_31 = tpu.memref_slice %arg3[%arg0, %mul3A_28] : memref<2x10240xf32, #tpu.memory_space<hbm>> -> memref<1x640xf32, #tpu.memory_space<hbm>>
      %dma_start3A_32 = tpu.memref_squeeze %dma_start3A_31 : memref<1x640xf32, #tpu.memory_space<hbm>> -> memref<640xf32, #tpu.memory_space<hbm>>
      tpu.enqueue_dma source(%arg7 : memref<640xf32, #tpu.memory_space<vmem>>) target(%dma_start3A_32 : memref<640xf32, #tpu.memory_space<hbm>>) target_semaphore(%run_scoped3A : memref<!tpu.dma_semaphore, #tpu.memory_space<semaphore_mem>>)
      %dma_wait3A_33 = tpu.memref_slice %arg3[%arg0, %mul3A_28] : memref<2x10240xf32, #tpu.memory_space<hbm>> -> memref<1x640xf32, #tpu.memory_space<hbm>>
      %dma_wait3A_34 = tpu.memref_squeeze %dma_wait3A_33 : memref<1x640xf32, #tpu.memory_space<hbm>> -> memref<640xf32, #tpu.memory_space<hbm>>
      %dma_wait3A_35 = tpu.memref_slice %arg3[%arg0, %mul3A_28] : memref<2x10240xf32, #tpu.memory_space<hbm>> -> memref<1x640xf32, #tpu.memory_space<hbm>>
      %dma_wait3A_36 = tpu.memref_squeeze %dma_wait3A_35 : memref<1x640xf32, #tpu.memory_space<hbm>> -> memref<640xf32, #tpu.memory_space<hbm>>
      tpu.wait_dma2 semaphore(%run_scoped3A : memref<!tpu.dma_semaphore, #tpu.memory_space<semaphore_mem>>) src(%arg7 : memref<640xf32, #tpu.memory_space<vmem>>) dst(%dma_wait3A_36 : memref<640xf32, #tpu.memory_space<hbm>>)
      tpu.yield
    }) : () -> ()
    return
  }
}

#map = affine_map<(d0, d1) -> (0, 0)>
#map1 = affine_map<(d0, d1) -> (0)>
#map2 = affine_map<(d0, d1) -> (0, 0, 0)>
module attributes {stable_mosaic.version = 14 : i64} {
  func.func @_sc_prop2_body(%arg0: i32, %arg1: i32, %arg2: memref<10000x128xf32, #tpu.memory_space<hbm>>, %arg3: memref<10000x128xf32, #tpu.memory_space<hbm>>, %arg4: memref<323584xi32, #tpu.memory_space<hbm>>, %arg5: memref<323584xi32, #tpu.memory_space<hbm>>, %arg6: memref<2x10240x128xf32, #tpu.memory_space<hbm>>, %arg7: memref<128xi32, #tpu.memory_space<vmem>>, %arg8: memref<128xi32, #tpu.memory_space<vmem>>, %arg9: memref<128x128xf32, #tpu.memory_space<vmem>>, %arg10: memref<128xi32, #tpu.memory_space<vmem>>, %arg11: memref<128xi32, #tpu.memory_space<vmem>>, %arg12: memref<128x128xf32, #tpu.memory_space<vmem>>, %arg13: memref<32x128xf32, #tpu.memory_space<vmem>>, %arg14: memref<10240x128xf32, #tpu.memory_space<vmem_shared>>, %arg15: memref<!tpu.dma_semaphore, #tpu.memory_space<semaphore_mem>>, %arg16: memref<!tpu.dma_semaphore, #tpu.memory_space<semaphore_mem>>) attributes {dimension_semantics = [#tpu.dimension_semantics<core_parallel>, #tpu.dimension_semantics<subcore_parallel>], iteration_bounds = array<i64: 2, 16>, scalar_prefetch = 0 : i64, scratch_operands = 10 : i64, tpu.core_type = #tpu.core_type<sc_vector_subcore>, window_params = [{transform_indices = #map}, {transform_indices = #map}, {transform_indices = #map1}, {transform_indices = #map1}, {transform_indices = #map2}]} {
    %broadcast_in_dim3A = arith.constant 0.000000e+00 : f32
    %broadcast_in_dim3A_0 = vector.broadcast %broadcast_in_dim3A : f32 to vector<16xf32>
    %scan3A = arith.constant 0 : i32
    %scan3A_1 = arith.constant 256 : i32
    %scan3A_2 = arith.addi %scan3A, %scan3A_1 : i32
    %scan3A_3 = arith.constant 1 : i32
    scf.for %scan3A_24 = %scan3A to %scan3A_2 step %scan3A_3  : i32 {
      %jit3A = arith.constant 8 : i32
      %div3A = arith.divsi %scan3A_24, %jit3A : i32
      %sign3A = arith.constant 0 : i32
      %sign3A_25 = arith.cmpi sgt, %scan3A_24, %sign3A : i32
      %sign3A_26 = arith.extui %sign3A_25 : i1 to i32
      %sign3A_27 = arith.constant 0 : i32
      %sign3A_28 = arith.cmpi slt, %scan3A_24, %sign3A_27 : i32
      %sign3A_29 = arith.extui %sign3A_28 : i1 to i32
      %sign3A_30 = arith.subi %sign3A_26, %sign3A_29 : i32
      %sign3A_31 = arith.constant 0 : i32
      %sign3A_32 = arith.cmpi sgt, %jit3A, %sign3A_31 : i32
      %sign3A_33 = arith.extui %sign3A_32 : i1 to i32
      %sign3A_34 = arith.constant 0 : i32
      %sign3A_35 = arith.cmpi slt, %jit3A, %sign3A_34 : i32
      %sign3A_36 = arith.extui %sign3A_35 : i1 to i32
      %sign3A_37 = arith.subi %sign3A_33, %sign3A_36 : i32
      %ne3A = arith.cmpi ne, %sign3A_30, %sign3A_37 : i32
      %rem3A = arith.remsi %scan3A_24, %jit3A : i32
      %ne3A_38 = arith.constant 0 : i32
      %ne3A_39 = arith.cmpi ne, %rem3A, %ne3A_38 : i32
      %and3A = arith.andi %ne3A, %ne3A_39 : i1
      %sub3A = arith.constant 1 : i32
      %sub3A_40 = arith.subi %div3A, %sub3A : i32
      %select_n3A = arith.select %and3A, %sub3A_40, %div3A : i32
      %jit3A_41 = arith.constant 8 : i32
      %eq3A_42 = arith.constant 0 : i32
      %eq3A_43 = arith.cmpi eq, %jit3A_41, %eq3A_42 : i32
      %jit3A_44 = arith.constant 1 : i32
      %select_n3A_45 = arith.select %eq3A_43, %jit3A_44, %jit3A_41 : i32
      %rem3A_46 = arith.remsi %scan3A_24, %select_n3A_45 : i32
      %ne3A_47 = arith.constant 0 : i32
      %ne3A_48 = arith.cmpi ne, %rem3A_46, %ne3A_47 : i32
      %lt3A = arith.constant 0 : i32
      %lt3A_49 = arith.cmpi slt, %rem3A_46, %lt3A : i32
      %lt3A_50 = arith.constant 0 : i32
      %lt3A_51 = arith.cmpi slt, %select_n3A_45, %lt3A_50 : i32
      %ne3A_52 = arith.xori %lt3A_49, %lt3A_51 : i1
      %and3A_53 = arith.andi %ne3A_52, %ne3A_48 : i1
      %add3A = arith.addi %rem3A_46, %select_n3A_45 : i32
      %select_n3A_54 = arith.select %and3A_53, %add3A, %rem3A_46 : i32
      %mul3A_55 = arith.constant 16 : i32
      %mul3A_56 = arith.muli %select_n3A_54, %mul3A_55 : i32
      %swap3A = arith.index_cast %select_n3A : i32 to index
      %swap3A_57 = arith.index_cast %mul3A_56 : i32 to index
      %swap3A_58 = tpu.vector_load %arg13[%swap3A, %swap3A_57] {strides = array<i32>} : memref<32x128xf32, #tpu.memory_space<vmem>>, vector<1x16xf32>,
      %swap3A_59 = vector.shape_cast %swap3A_58 : vector<1x16xf32> to vector<16xf32>
      %swap3A_60 = vector.shape_cast %broadcast_in_dim3A_0 : vector<16xf32> to vector<1x16xf32>
      tpu.vector_store %arg13[%swap3A, %swap3A_57], %swap3A_60 {strides = array<i32>} : memref<32x128xf32, #tpu.memory_space<vmem>>, vector<1x16xf32>,
    }
    %scan3A_4 = arith.constant 256 : i32
    %scan3A_5 = arith.constant 0 : i32
    %scan3A_6 = arith.constant 20 : i32
    %scan3A_7 = arith.addi %scan3A_5, %scan3A_6 : i32
    %scan3A_8 = arith.constant 1 : i32
    scf.for %scan3A_24 = %scan3A_5 to %scan3A_7 step %scan3A_8  : i32 {
      %mul3A_25 = arith.constant 640 : i32
      %mul3A_26 = arith.muli %arg1, %mul3A_25 : i32
      %mul3A_27 = arith.constant 32 : i32
      %mul3A_28 = arith.muli %scan3A_24, %mul3A_27 : i32
      %add3A = arith.addi %mul3A_26, %mul3A_28 : i32
      "tpu.region"() ({
        %run_scoped3A = tpu.sem_alloc : memref<!tpu.dma_semaphore, #tpu.memory_space<semaphore_mem>>
        %dma_start3A = arith.constant 0 : i32
        %dma_start3A_29 = tpu.memref_slice %arg14[%add3A, %dma_start3A] : memref<10240x128xf32, #tpu.memory_space<vmem_shared>> -> memref<32x128xf32, #tpu.memory_space<vmem_shared>>
        %dma_start3A_30 = arith.constant 0 : i32
        %dma_start3A_31 = tpu.memref_slice %arg14[%add3A, %dma_start3A_30] : memref<10240x128xf32, #tpu.memory_space<vmem_shared>> -> memref<32x128xf32, #tpu.memory_space<vmem_shared>>
        tpu.enqueue_dma source(%arg13 : memref<32x128xf32, #tpu.memory_space<vmem>>) target(%dma_start3A_31 : memref<32x128xf32, #tpu.memory_space<vmem_shared>>) target_semaphore(%run_scoped3A : memref<!tpu.dma_semaphore, #tpu.memory_space<semaphore_mem>>)
        %dma_wait3A = arith.constant 0 : i32
        %dma_wait3A_32 = tpu.memref_slice %arg14[%add3A, %dma_wait3A] : memref<10240x128xf32, #tpu.memory_space<vmem_shared>> -> memref<32x128xf32, #tpu.memory_space<vmem_shared>>
        %dma_wait3A_33 = arith.constant 0 : i32
        %dma_wait3A_34 = tpu.memref_slice %arg14[%add3A, %dma_wait3A_33] : memref<10240x128xf32, #tpu.memory_space<vmem_shared>> -> memref<32x128xf32, #tpu.memory_space<vmem_shared>>
        tpu.wait_dma2 semaphore(%run_scoped3A : memref<!tpu.dma_semaphore, #tpu.memory_space<semaphore_mem>>) src(%arg13 : memref<32x128xf32, #tpu.memory_space<vmem>>) dst(%dma_wait3A_34 : memref<32x128xf32, #tpu.memory_space<vmem_shared>>)
        tpu.yield
      }) : () -> ()
    }
    %scan3A_9 = arith.constant 20 : i32
    %barrier3A = arith.constant 0 : index
    tpu.barrier barrier_id(%barrier3A)
    %mul3A = arith.constant 20224 : i32
    %mul3A_10 = arith.muli %arg1, %mul3A : i32
    %eq3A = arith.constant 0 : i32
    %eq3A_11 = arith.cmpi eq, %arg0, %eq3A : i32
    %convert_element_type3A = arith.extui %eq3A_11 : i1 to i32
    %cond3A = arith.constant 0 : i32
    %cond3A_12 = arith.cmpi ne, %convert_element_type3A, %cond3A : i32
    scf.if %cond3A_12 {
      %add3A = arith.constant 0 : i32
      %add3A_24 = arith.addi %mul3A_10, %add3A : i32
      "tpu.region"() ({
        %run_scoped3A = tpu.sem_alloc : memref<!tpu.dma_semaphore, #tpu.memory_space<semaphore_mem>>
        %dma_start3A_46 = tpu.memref_slice %arg4[%add3A_24] : memref<323584xi32, #tpu.memory_space<hbm>> -> memref<128xi32, #tpu.memory_space<hbm>>
        %dma_start3A_47 = tpu.memref_slice %arg4[%add3A_24] : memref<323584xi32, #tpu.memory_space<hbm>> -> memref<128xi32, #tpu.memory_space<hbm>>
        tpu.enqueue_dma source(%dma_start3A_47 : memref<128xi32, #tpu.memory_space<hbm>>) target(%arg7 : memref<128xi32, #tpu.memory_space<vmem>>) target_semaphore(%run_scoped3A : memref<!tpu.dma_semaphore, #tpu.memory_space<semaphore_mem>>)
        %dma_wait3A_48 = tpu.memref_slice %arg4[%add3A_24] : memref<323584xi32, #tpu.memory_space<hbm>> -> memref<128xi32, #tpu.memory_space<hbm>>
        %dma_wait3A_49 = tpu.memref_slice %arg4[%add3A_24] : memref<323584xi32, #tpu.memory_space<hbm>> -> memref<128xi32, #tpu.memory_space<hbm>>
        tpu.wait_dma2 semaphore(%run_scoped3A : memref<!tpu.dma_semaphore, #tpu.memory_space<semaphore_mem>>) src(%dma_wait3A_49 : memref<128xi32, #tpu.memory_space<hbm>>) dst(%arg7 : memref<128xi32, #tpu.memory_space<vmem>>)
        tpu.yield
      }) : () -> ()
      %add3A_25 = arith.constant 0 : i32
      %add3A_26 = arith.addi %mul3A_10, %add3A_25 : i32
      "tpu.region"() ({
        %run_scoped3A = tpu.sem_alloc : memref<!tpu.dma_semaphore, #tpu.memory_space<semaphore_mem>>
        %dma_start3A_46 = tpu.memref_slice %arg5[%add3A_26] : memref<323584xi32, #tpu.memory_space<hbm>> -> memref<128xi32, #tpu.memory_space<hbm>>
        %dma_start3A_47 = tpu.memref_slice %arg5[%add3A_26] : memref<323584xi32, #tpu.memory_space<hbm>> -> memref<128xi32, #tpu.memory_space<hbm>>
        tpu.enqueue_dma source(%dma_start3A_47 : memref<128xi32, #tpu.memory_space<hbm>>) target(%arg8 : memref<128xi32, #tpu.memory_space<vmem>>) target_semaphore(%run_scoped3A : memref<!tpu.dma_semaphore, #tpu.memory_space<semaphore_mem>>)
        %dma_wait3A_48 = tpu.memref_slice %arg5[%add3A_26] : memref<323584xi32, #tpu.memory_space<hbm>> -> memref<128xi32, #tpu.memory_space<hbm>>
        %dma_wait3A_49 = tpu.memref_slice %arg5[%add3A_26] : memref<323584xi32, #tpu.memory_space<hbm>> -> memref<128xi32, #tpu.memory_space<hbm>>
        tpu.wait_dma2 semaphore(%run_scoped3A : memref<!tpu.dma_semaphore, #tpu.memory_space<semaphore_mem>>) src(%dma_wait3A_49 : memref<128xi32, #tpu.memory_space<hbm>>) dst(%arg8 : memref<128xi32, #tpu.memory_space<vmem>>)
        tpu.yield
      }) : () -> ()
      %dma_start3A = arith.constant 0 : i32
      %dma_start3A_27 = arith.constant 0 : i32
      %dma_start3A_28 = tpu.memref_slice %arg2[%dma_start3A, %dma_start3A_27] : memref<10000x128xf32, #tpu.memory_space<hbm>> -> memref<10000x128xf32, #tpu.memory_space<hbm>>
      tpu.enqueue_indirect_dma source(%dma_start3A_28 : memref<10000x128xf32, #tpu.memory_space<hbm>>) target(%arg9 : memref<128x128xf32, #tpu.memory_space<vmem>>) offsets(%arg7 : memref<128xi32, #tpu.memory_space<vmem>>) semaphore(%arg15 : memref<!tpu.dma_semaphore, #tpu.memory_space<semaphore_mem>>)
      %scan3A_29 = arith.constant 0 : i32
      %scan3A_30 = arith.constant 78 : i32
      %scan3A_31 = arith.addi %scan3A_29, %scan3A_30 : i32
      %scan3A_32 = arith.constant 1 : i32
      scf.for %scan3A_46 = %scan3A_29 to %scan3A_31 step %scan3A_32  : i32 {
        %mul3A_47 = arith.constant 2 : i32
        %mul3A_48 = arith.muli %mul3A_47, %scan3A_46 : i32
        %add3A_49 = arith.constant 1 : i32
        %add3A_50 = arith.addi %mul3A_48, %add3A_49 : i32
        %mul3A_51 = arith.constant 128 : i32
        %mul3A_52 = arith.muli %add3A_50, %mul3A_51 : i32
        %add3A_53 = arith.addi %mul3A_10, %mul3A_52 : i32
        "tpu.region"() ({
          %run_scoped3A = tpu.sem_alloc : memref<!tpu.dma_semaphore, #tpu.memory_space<semaphore_mem>>
          %dma_start3A_79 = tpu.memref_slice %arg4[%add3A_53] : memref<323584xi32, #tpu.memory_space<hbm>> -> memref<128xi32, #tpu.memory_space<hbm>>
          %dma_start3A_80 = tpu.memref_slice %arg4[%add3A_53] : memref<323584xi32, #tpu.memory_space<hbm>> -> memref<128xi32, #tpu.memory_space<hbm>>
          tpu.enqueue_dma source(%dma_start3A_80 : memref<128xi32, #tpu.memory_space<hbm>>) target(%arg10 : memref<128xi32, #tpu.memory_space<vmem>>) target_semaphore(%run_scoped3A : memref<!tpu.dma_semaphore, #tpu.memory_space<semaphore_mem>>)
          %dma_wait3A_81 = tpu.memref_slice %arg4[%add3A_53] : memref<323584xi32, #tpu.memory_space<hbm>> -> memref<128xi32, #tpu.memory_space<hbm>>
          %dma_wait3A_82 = tpu.memref_slice %arg4[%add3A_53] : memref<323584xi32, #tpu.memory_space<hbm>> -> memref<128xi32, #tpu.memory_space<hbm>>
          tpu.wait_dma2 semaphore(%run_scoped3A : memref<!tpu.dma_semaphore, #tpu.memory_space<semaphore_mem>>) src(%dma_wait3A_82 : memref<128xi32, #tpu.memory_space<hbm>>) dst(%arg10 : memref<128xi32, #tpu.memory_space<vmem>>)
          tpu.yield
        }) : () -> ()
        %mul3A_54 = arith.constant 128 : i32
        %mul3A_55 = arith.muli %add3A_50, %mul3A_54 : i32
        %add3A_56 = arith.addi %mul3A_10, %mul3A_55 : i32
        "tpu.region"() ({
          %run_scoped3A = tpu.sem_alloc : memref<!tpu.dma_semaphore, #tpu.memory_space<semaphore_mem>>
          %dma_start3A_79 = tpu.memref_slice %arg5[%add3A_56] : memref<323584xi32, #tpu.memory_space<hbm>> -> memref<128xi32, #tpu.memory_space<hbm>>
          %dma_start3A_80 = tpu.memref_slice %arg5[%add3A_56] : memref<323584xi32, #tpu.memory_space<hbm>> -> memref<128xi32, #tpu.memory_space<hbm>>
          tpu.enqueue_dma source(%dma_start3A_80 : memref<128xi32, #tpu.memory_space<hbm>>) target(%arg11 : memref<128xi32, #tpu.memory_space<vmem>>) target_semaphore(%run_scoped3A : memref<!tpu.dma_semaphore, #tpu.memory_space<semaphore_mem>>)
          %dma_wait3A_81 = tpu.memref_slice %arg5[%add3A_56] : memref<323584xi32, #tpu.memory_space<hbm>> -> memref<128xi32, #tpu.memory_space<hbm>>
          %dma_wait3A_82 = tpu.memref_slice %arg5[%add3A_56] : memref<323584xi32, #tpu.memory_space<hbm>> -> memref<128xi32, #tpu.memory_space<hbm>>
          tpu.wait_dma2 semaphore(%run_scoped3A : memref<!tpu.dma_semaphore, #tpu.memory_space<semaphore_mem>>) src(%dma_wait3A_82 : memref<128xi32, #tpu.memory_space<hbm>>) dst(%arg11 : memref<128xi32, #tpu.memory_space<vmem>>)
          tpu.yield
        }) : () -> ()
        %dma_start3A_57 = arith.constant 0 : i32
        %dma_start3A_58 = arith.constant 0 : i32
        %dma_start3A_59 = tpu.memref_slice %arg2[%dma_start3A_57, %dma_start3A_58] : memref<10000x128xf32, #tpu.memory_space<hbm>> -> memref<10000x128xf32, #tpu.memory_space<hbm>>
        tpu.enqueue_indirect_dma source(%dma_start3A_59 : memref<10000x128xf32, #tpu.memory_space<hbm>>) target(%arg12 : memref<128x128xf32, #tpu.memory_space<vmem>>) offsets(%arg10 : memref<128xi32, #tpu.memory_space<vmem>>) semaphore(%arg16 : memref<!tpu.dma_semaphore, #tpu.memory_space<semaphore_mem>>)
        %dma_wait3A_60 = arith.constant 0 : i32
        %dma_wait3A_61 = arith.constant 0 : i32
        %dma_wait3A_62 = tpu.memref_slice %arg2[%dma_wait3A_60, %dma_wait3A_61] : memref<10000x128xf32, #tpu.memory_space<hbm>> -> memref<10000x128xf32, #tpu.memory_space<hbm>>
        tpu.wait_indirect_dma semaphore(%arg15 : memref<!tpu.dma_semaphore, #tpu.memory_space<semaphore_mem>>) src(%dma_wait3A_62 : memref<10000x128xf32, #tpu.memory_space<hbm>>) dst(%arg9 : memref<128x128xf32, #tpu.memory_space<vmem>>)
        "tpu.region"() ({
          %run_scoped3A = tpu.sem_alloc : memref<!tpu.dma_semaphore, #tpu.memory_space<semaphore_mem>>
          %dma_start3A_79 = arith.constant 0 : i32
          %dma_start3A_80 = arith.constant 0 : i32
          %dma_start3A_81 = tpu.memref_slice %arg14[%dma_start3A_79, %dma_start3A_80] : memref<10240x128xf32, #tpu.memory_space<vmem_shared>> -> memref<10240x128xf32, #tpu.memory_space<vmem_shared>>
          tpu.enqueue_indirect_dma source(%arg9 : memref<128x128xf32, #tpu.memory_space<vmem>>) target(%dma_start3A_81 : memref<10240x128xf32, #tpu.memory_space<vmem_shared>>) offsets(%arg8 : memref<128xi32, #tpu.memory_space<vmem>>) semaphore(%run_scoped3A : memref<!tpu.dma_semaphore, #tpu.memory_space<semaphore_mem>>) {add = true}
          %dma_wait3A_82 = arith.constant 0 : i32
          %dma_wait3A_83 = arith.constant 0 : i32
          %dma_wait3A_84 = tpu.memref_slice %arg14[%dma_wait3A_82, %dma_wait3A_83] : memref<10240x128xf32, #tpu.memory_space<vmem_shared>> -> memref<10240x128xf32, #tpu.memory_space<vmem_shared>>
          tpu.wait_indirect_dma semaphore(%run_scoped3A : memref<!tpu.dma_semaphore, #tpu.memory_space<semaphore_mem>>) src(%arg9 : memref<128x128xf32, #tpu.memory_space<vmem>>) dst(%dma_wait3A_84 : memref<10240x128xf32, #tpu.memory_space<vmem_shared>>)
          tpu.yield
        }) : () -> ()
        %mul3A_63 = arith.constant 2 : i32
        %mul3A_64 = arith.muli %mul3A_63, %scan3A_46 : i32
        %add3A_65 = arith.constant 2 : i32
        %add3A_66 = arith.addi %mul3A_64, %add3A_65 : i32
        %mul3A_67 = arith.constant 128 : i32
        %mul3A_68 = arith.muli %add3A_66, %mul3A_67 : i32
        %add3A_69 = arith.addi %mul3A_10, %mul3A_68 : i32
        "tpu.region"() ({
          %run_scoped3A = tpu.sem_alloc : memref<!tpu.dma_semaphore, #tpu.memory_space<semaphore_mem>>
          %dma_start3A_79 = tpu.memref_slice %arg4[%add3A_69] : memref<323584xi32, #tpu.memory_space<hbm>> -> memref<128xi32, #tpu.memory_space<hbm>>
          %dma_start3A_80 = tpu.memref_slice %arg4[%add3A_69] : memref<323584xi32, #tpu.memory_space<hbm>> -> memref<128xi32, #tpu.memory_space<hbm>>
          tpu.enqueue_dma source(%dma_start3A_80 : memref<128xi32, #tpu.memory_space<hbm>>) target(%arg7 : memref<128xi32, #tpu.memory_space<vmem>>) target_semaphore(%run_scoped3A : memref<!tpu.dma_semaphore, #tpu.memory_space<semaphore_mem>>)
          %dma_wait3A_81 = tpu.memref_slice %arg4[%add3A_69] : memref<323584xi32, #tpu.memory_space<hbm>> -> memref<128xi32, #tpu.memory_space<hbm>>
          %dma_wait3A_82 = tpu.memref_slice %arg4[%add3A_69] : memref<323584xi32, #tpu.memory_space<hbm>> -> memref<128xi32, #tpu.memory_space<hbm>>
          tpu.wait_dma2 semaphore(%run_scoped3A : memref<!tpu.dma_semaphore, #tpu.memory_space<semaphore_mem>>) src(%dma_wait3A_82 : memref<128xi32, #tpu.memory_space<hbm>>) dst(%arg7 : memref<128xi32, #tpu.memory_space<vmem>>)
          tpu.yield
        }) : () -> ()
        %mul3A_70 = arith.constant 128 : i32
        %mul3A_71 = arith.muli %add3A_66, %mul3A_70 : i32
        %add3A_72 = arith.addi %mul3A_10, %mul3A_71 : i32
        "tpu.region"() ({
          %run_scoped3A = tpu.sem_alloc : memref<!tpu.dma_semaphore, #tpu.memory_space<semaphore_mem>>
          %dma_start3A_79 = tpu.memref_slice %arg5[%add3A_72] : memref<323584xi32, #tpu.memory_space<hbm>> -> memref<128xi32, #tpu.memory_space<hbm>>
          %dma_start3A_80 = tpu.memref_slice %arg5[%add3A_72] : memref<323584xi32, #tpu.memory_space<hbm>> -> memref<128xi32, #tpu.memory_space<hbm>>
          tpu.enqueue_dma source(%dma_start3A_80 : memref<128xi32, #tpu.memory_space<hbm>>) target(%arg8 : memref<128xi32, #tpu.memory_space<vmem>>) target_semaphore(%run_scoped3A : memref<!tpu.dma_semaphore, #tpu.memory_space<semaphore_mem>>)
          %dma_wait3A_81 = tpu.memref_slice %arg5[%add3A_72] : memref<323584xi32, #tpu.memory_space<hbm>> -> memref<128xi32, #tpu.memory_space<hbm>>
          %dma_wait3A_82 = tpu.memref_slice %arg5[%add3A_72] : memref<323584xi32, #tpu.memory_space<hbm>> -> memref<128xi32, #tpu.memory_space<hbm>>
          tpu.wait_dma2 semaphore(%run_scoped3A : memref<!tpu.dma_semaphore, #tpu.memory_space<semaphore_mem>>) src(%dma_wait3A_82 : memref<128xi32, #tpu.memory_space<hbm>>) dst(%arg8 : memref<128xi32, #tpu.memory_space<vmem>>)
          tpu.yield
        }) : () -> ()
        %dma_start3A_73 = arith.constant 0 : i32
        %dma_start3A_74 = arith.constant 0 : i32
        %dma_start3A_75 = tpu.memref_slice %arg2[%dma_start3A_73, %dma_start3A_74] : memref<10000x128xf32, #tpu.memory_space<hbm>> -> memref<10000x128xf32, #tpu.memory_space<hbm>>
        tpu.enqueue_indirect_dma source(%dma_start3A_75 : memref<10000x128xf32, #tpu.memory_space<hbm>>) target(%arg9 : memref<128x128xf32, #tpu.memory_space<vmem>>) offsets(%arg7 : memref<128xi32, #tpu.memory_space<vmem>>) semaphore(%arg15 : memref<!tpu.dma_semaphore, #tpu.memory_space<semaphore_mem>>)
        %dma_wait3A_76 = arith.constant 0 : i32
        %dma_wait3A_77 = arith.constant 0 : i32
        %dma_wait3A_78 = tpu.memref_slice %arg2[%dma_wait3A_76, %dma_wait3A_77] : memref<10000x128xf32, #tpu.memory_space<hbm>> -> memref<10000x128xf32, #tpu.memory_space<hbm>>
        tpu.wait_indirect_dma semaphore(%arg16 : memref<!tpu.dma_semaphore, #tpu.memory_space<semaphore_mem>>) src(%dma_wait3A_78 : memref<10000x128xf32, #tpu.memory_space<hbm>>) dst(%arg12 : memref<128x128xf32, #tpu.memory_space<vmem>>)
        "tpu.region"() ({
          %run_scoped3A = tpu.sem_alloc : memref<!tpu.dma_semaphore, #tpu.memory_space<semaphore_mem>>
          %dma_start3A_79 = arith.constant 0 : i32
          %dma_start3A_80 = arith.constant 0 : i32
          %dma_start3A_81 = tpu.memref_slice %arg14[%dma_start3A_79, %dma_start3A_80] : memref<10240x128xf32, #tpu.memory_space<vmem_shared>> -> memref<10240x128xf32, #tpu.memory_space<vmem_shared>>
          tpu.enqueue_indirect_dma source(%arg12 : memref<128x128xf32, #tpu.memory_space<vmem>>) target(%dma_start3A_81 : memref<10240x128xf32, #tpu.memory_space<vmem_shared>>) offsets(%arg11 : memref<128xi32, #tpu.memory_space<vmem>>) semaphore(%run_scoped3A : memref<!tpu.dma_semaphore, #tpu.memory_space<semaphore_mem>>) {add = true}
          %dma_wait3A_82 = arith.constant 0 : i32
          %dma_wait3A_83 = arith.constant 0 : i32
          %dma_wait3A_84 = tpu.memref_slice %arg14[%dma_wait3A_82, %dma_wait3A_83] : memref<10240x128xf32, #tpu.memory_space<vmem_shared>> -> memref<10240x128xf32, #tpu.memory_space<vmem_shared>>
          tpu.wait_indirect_dma semaphore(%run_scoped3A : memref<!tpu.dma_semaphore, #tpu.memory_space<semaphore_mem>>) src(%arg12 : memref<128x128xf32, #tpu.memory_space<vmem>>) dst(%dma_wait3A_84 : memref<10240x128xf32, #tpu.memory_space<vmem_shared>>)
          tpu.yield
        }) : () -> ()
      }
      %scan3A_33 = arith.constant 78 : i32
      %dma_wait3A = arith.constant 0 : i32
      %dma_wait3A_34 = arith.constant 0 : i32
      %dma_wait3A_35 = tpu.memref_slice %arg2[%dma_wait3A, %dma_wait3A_34] : memref<10000x128xf32, #tpu.memory_space<hbm>> -> memref<10000x128xf32, #tpu.memory_space<hbm>>
      tpu.wait_indirect_dma semaphore(%arg15 : memref<!tpu.dma_semaphore, #tpu.memory_space<semaphore_mem>>) src(%dma_wait3A_35 : memref<10000x128xf32, #tpu.memory_space<hbm>>) dst(%arg9 : memref<128x128xf32, #tpu.memory_space<vmem>>)
      "tpu.region"() ({
        %run_scoped3A = tpu.sem_alloc : memref<!tpu.dma_semaphore, #tpu.memory_space<semaphore_mem>>
        %dma_start3A_46 = arith.constant 0 : i32
        %dma_start3A_47 = arith.constant 0 : i32
        %dma_start3A_48 = tpu.memref_slice %arg14[%dma_start3A_46, %dma_start3A_47] : memref<10240x128xf32, #tpu.memory_space<vmem_shared>> -> memref<10240x128xf32, #tpu.memory_space<vmem_shared>>
        tpu.enqueue_indirect_dma source(%arg9 : memref<128x128xf32, #tpu.memory_space<vmem>>) target(%dma_start3A_48 : memref<10240x128xf32, #tpu.memory_space<vmem_shared>>) offsets(%arg8 : memref<128xi32, #tpu.memory_space<vmem>>) semaphore(%run_scoped3A : memref<!tpu.dma_semaphore, #tpu.memory_space<semaphore_mem>>) {add = true}
        %dma_wait3A_49 = arith.constant 0 : i32
        %dma_wait3A_50 = arith.constant 0 : i32
        %dma_wait3A_51 = tpu.memref_slice %arg14[%dma_wait3A_49, %dma_wait3A_50] : memref<10240x128xf32, #tpu.memory_space<vmem_shared>> -> memref<10240x128xf32, #tpu.memory_space<vmem_shared>>
        tpu.wait_indirect_dma semaphore(%run_scoped3A : memref<!tpu.dma_semaphore, #tpu.memory_space<semaphore_mem>>) src(%arg9 : memref<128x128xf32, #tpu.memory_space<vmem>>) dst(%dma_wait3A_51 : memref<10240x128xf32, #tpu.memory_space<vmem_shared>>)
        tpu.yield
      }) : () -> ()
      %add3A_36 = arith.constant 20096 : i32
      %add3A_37 = arith.addi %mul3A_10, %add3A_36 : i32
      "tpu.region"() ({
        %run_scoped3A = tpu.sem_alloc : memref<!tpu.dma_semaphore, #tpu.memory_space<semaphore_mem>>
        %dma_start3A_46 = tpu.memref_slice %arg4[%add3A_37] : memref<323584xi32, #tpu.memory_space<hbm>> -> memref<128xi32, #tpu.memory_space<hbm>>
        %dma_start3A_47 = tpu.memref_slice %arg4[%add3A_37] : memref<323584xi32, #tpu.memory_space<hbm>> -> memref<128xi32, #tpu.memory_space<hbm>>
        tpu.enqueue_dma source(%dma_start3A_47 : memref<128xi32, #tpu.memory_space<hbm>>) target(%arg10 : memref<128xi32, #tpu.memory_space<vmem>>) target_semaphore(%run_scoped3A : memref<!tpu.dma_semaphore, #tpu.memory_space<semaphore_mem>>)
        %dma_wait3A_48 = tpu.memref_slice %arg4[%add3A_37] : memref<323584xi32, #tpu.memory_space<hbm>> -> memref<128xi32, #tpu.memory_space<hbm>>
        %dma_wait3A_49 = tpu.memref_slice %arg4[%add3A_37] : memref<323584xi32, #tpu.memory_space<hbm>> -> memref<128xi32, #tpu.memory_space<hbm>>
        tpu.wait_dma2 semaphore(%run_scoped3A : memref<!tpu.dma_semaphore, #tpu.memory_space<semaphore_mem>>) src(%dma_wait3A_49 : memref<128xi32, #tpu.memory_space<hbm>>) dst(%arg10 : memref<128xi32, #tpu.memory_space<vmem>>)
        tpu.yield
      }) : () -> ()
      %add3A_38 = arith.constant 20096 : i32
      %add3A_39 = arith.addi %mul3A_10, %add3A_38 : i32
      "tpu.region"() ({
        %run_scoped3A = tpu.sem_alloc : memref<!tpu.dma_semaphore, #tpu.memory_space<semaphore_mem>>
        %dma_start3A_46 = tpu.memref_slice %arg5[%add3A_39] : memref<323584xi32, #tpu.memory_space<hbm>> -> memref<128xi32, #tpu.memory_space<hbm>>
        %dma_start3A_47 = tpu.memref_slice %arg5[%add3A_39] : memref<323584xi32, #tpu.memory_space<hbm>> -> memref<128xi32, #tpu.memory_space<hbm>>
        tpu.enqueue_dma source(%dma_start3A_47 : memref<128xi32, #tpu.memory_space<hbm>>) target(%arg11 : memref<128xi32, #tpu.memory_space<vmem>>) target_semaphore(%run_scoped3A : memref<!tpu.dma_semaphore, #tpu.memory_space<semaphore_mem>>)
        %dma_wait3A_48 = tpu.memref_slice %arg5[%add3A_39] : memref<323584xi32, #tpu.memory_space<hbm>> -> memref<128xi32, #tpu.memory_space<hbm>>
        %dma_wait3A_49 = tpu.memref_slice %arg5[%add3A_39] : memref<323584xi32, #tpu.memory_space<hbm>> -> memref<128xi32, #tpu.memory_space<hbm>>
        tpu.wait_dma2 semaphore(%run_scoped3A : memref<!tpu.dma_semaphore, #tpu.memory_space<semaphore_mem>>) src(%dma_wait3A_49 : memref<128xi32, #tpu.memory_space<hbm>>) dst(%arg11 : memref<128xi32, #tpu.memory_space<vmem>>)
        tpu.yield
      }) : () -> ()
      %dma_start3A_40 = arith.constant 0 : i32
      %dma_start3A_41 = arith.constant 0 : i32
      %dma_start3A_42 = tpu.memref_slice %arg2[%dma_start3A_40, %dma_start3A_41] : memref<10000x128xf32, #tpu.memory_space<hbm>> -> memref<10000x128xf32, #tpu.memory_space<hbm>>
      tpu.enqueue_indirect_dma source(%dma_start3A_42 : memref<10000x128xf32, #tpu.memory_space<hbm>>) target(%arg12 : memref<128x128xf32, #tpu.memory_space<vmem>>) offsets(%arg10 : memref<128xi32, #tpu.memory_space<vmem>>) semaphore(%arg16 : memref<!tpu.dma_semaphore, #tpu.memory_space<semaphore_mem>>)
      %dma_wait3A_43 = arith.constant 0 : i32
      %dma_wait3A_44 = arith.constant 0 : i32
      %dma_wait3A_45 = tpu.memref_slice %arg2[%dma_wait3A_43, %dma_wait3A_44] : memref<10000x128xf32, #tpu.memory_space<hbm>> -> memref<10000x128xf32, #tpu.memory_space<hbm>>
      tpu.wait_indirect_dma semaphore(%arg16 : memref<!tpu.dma_semaphore, #tpu.memory_space<semaphore_mem>>) src(%dma_wait3A_45 : memref<10000x128xf32, #tpu.memory_space<hbm>>) dst(%arg12 : memref<128x128xf32, #tpu.memory_space<vmem>>)
      "tpu.region"() ({
        %run_scoped3A = tpu.sem_alloc : memref<!tpu.dma_semaphore, #tpu.memory_space<semaphore_mem>>
        %dma_start3A_46 = arith.constant 0 : i32
        %dma_start3A_47 = arith.constant 0 : i32
        %dma_start3A_48 = tpu.memref_slice %arg14[%dma_start3A_46, %dma_start3A_47] : memref<10240x128xf32, #tpu.memory_space<vmem_shared>> -> memref<10240x128xf32, #tpu.memory_space<vmem_shared>>
        tpu.enqueue_indirect_dma source(%arg12 : memref<128x128xf32, #tpu.memory_space<vmem>>) target(%dma_start3A_48 : memref<10240x128xf32, #tpu.memory_space<vmem_shared>>) offsets(%arg11 : memref<128xi32, #tpu.memory_space<vmem>>) semaphore(%run_scoped3A : memref<!tpu.dma_semaphore, #tpu.memory_space<semaphore_mem>>) {add = true}
        %dma_wait3A_49 = arith.constant 0 : i32
        %dma_wait3A_50 = arith.constant 0 : i32
        %dma_wait3A_51 = tpu.memref_slice %arg14[%dma_wait3A_49, %dma_wait3A_50] : memref<10240x128xf32, #tpu.memory_space<vmem_shared>> -> memref<10240x128xf32, #tpu.memory_space<vmem_shared>>
        tpu.wait_indirect_dma semaphore(%run_scoped3A : memref<!tpu.dma_semaphore, #tpu.memory_space<semaphore_mem>>) src(%arg12 : memref<128x128xf32, #tpu.memory_space<vmem>>) dst(%dma_wait3A_51 : memref<10240x128xf32, #tpu.memory_space<vmem_shared>>)
        tpu.yield
      }) : () -> ()
    } else {
    }
    %eq3A_13 = arith.constant 1 : i32
    %eq3A_14 = arith.cmpi eq, %arg0, %eq3A_13 : i32
    %convert_element_type3A_15 = arith.extui %eq3A_14 : i1 to i32
    %cond3A_16 = arith.constant 0 : i32
    %cond3A_17 = arith.cmpi ne, %convert_element_type3A_15, %cond3A_16 : i32
    scf.if %cond3A_17 {
      %add3A = arith.constant 0 : i32
      %add3A_24 = arith.addi %mul3A_10, %add3A : i32
      "tpu.region"() ({
        %run_scoped3A = tpu.sem_alloc : memref<!tpu.dma_semaphore, #tpu.memory_space<semaphore_mem>>
        %dma_start3A_46 = tpu.memref_slice %arg4[%add3A_24] : memref<323584xi32, #tpu.memory_space<hbm>> -> memref<128xi32, #tpu.memory_space<hbm>>
        %dma_start3A_47 = tpu.memref_slice %arg4[%add3A_24] : memref<323584xi32, #tpu.memory_space<hbm>> -> memref<128xi32, #tpu.memory_space<hbm>>
        tpu.enqueue_dma source(%dma_start3A_47 : memref<128xi32, #tpu.memory_space<hbm>>) target(%arg7 : memref<128xi32, #tpu.memory_space<vmem>>) target_semaphore(%run_scoped3A : memref<!tpu.dma_semaphore, #tpu.memory_space<semaphore_mem>>)
        %dma_wait3A_48 = tpu.memref_slice %arg4[%add3A_24] : memref<323584xi32, #tpu.memory_space<hbm>> -> memref<128xi32, #tpu.memory_space<hbm>>
        %dma_wait3A_49 = tpu.memref_slice %arg4[%add3A_24] : memref<323584xi32, #tpu.memory_space<hbm>> -> memref<128xi32, #tpu.memory_space<hbm>>
        tpu.wait_dma2 semaphore(%run_scoped3A : memref<!tpu.dma_semaphore, #tpu.memory_space<semaphore_mem>>) src(%dma_wait3A_49 : memref<128xi32, #tpu.memory_space<hbm>>) dst(%arg7 : memref<128xi32, #tpu.memory_space<vmem>>)
        tpu.yield
      }) : () -> ()
      %add3A_25 = arith.constant 0 : i32
      %add3A_26 = arith.addi %mul3A_10, %add3A_25 : i32
      "tpu.region"() ({
        %run_scoped3A = tpu.sem_alloc : memref<!tpu.dma_semaphore, #tpu.memory_space<semaphore_mem>>
        %dma_start3A_46 = tpu.memref_slice %arg5[%add3A_26] : memref<323584xi32, #tpu.memory_space<hbm>> -> memref<128xi32, #tpu.memory_space<hbm>>
        %dma_start3A_47 = tpu.memref_slice %arg5[%add3A_26] : memref<323584xi32, #tpu.memory_space<hbm>> -> memref<128xi32, #tpu.memory_space<hbm>>
        tpu.enqueue_dma source(%dma_start3A_47 : memref<128xi32, #tpu.memory_space<hbm>>) target(%arg8 : memref<128xi32, #tpu.memory_space<vmem>>) target_semaphore(%run_scoped3A : memref<!tpu.dma_semaphore, #tpu.memory_space<semaphore_mem>>)
        %dma_wait3A_48 = tpu.memref_slice %arg5[%add3A_26] : memref<323584xi32, #tpu.memory_space<hbm>> -> memref<128xi32, #tpu.memory_space<hbm>>
        %dma_wait3A_49 = tpu.memref_slice %arg5[%add3A_26] : memref<323584xi32, #tpu.memory_space<hbm>> -> memref<128xi32, #tpu.memory_space<hbm>>
        tpu.wait_dma2 semaphore(%run_scoped3A : memref<!tpu.dma_semaphore, #tpu.memory_space<semaphore_mem>>) src(%dma_wait3A_49 : memref<128xi32, #tpu.memory_space<hbm>>) dst(%arg8 : memref<128xi32, #tpu.memory_space<vmem>>)
        tpu.yield
      }) : () -> ()
      %dma_start3A = arith.constant 0 : i32
      %dma_start3A_27 = arith.constant 0 : i32
      %dma_start3A_28 = tpu.memref_slice %arg3[%dma_start3A, %dma_start3A_27] : memref<10000x128xf32, #tpu.memory_space<hbm>> -> memref<10000x128xf32, #tpu.memory_space<hbm>>
      tpu.enqueue_indirect_dma source(%dma_start3A_28 : memref<10000x128xf32, #tpu.memory_space<hbm>>) target(%arg9 : memref<128x128xf32, #tpu.memory_space<vmem>>) offsets(%arg7 : memref<128xi32, #tpu.memory_space<vmem>>) semaphore(%arg15 : memref<!tpu.dma_semaphore, #tpu.memory_space<semaphore_mem>>)
      %scan3A_29 = arith.constant 0 : i32
      %scan3A_30 = arith.constant 78 : i32
      %scan3A_31 = arith.addi %scan3A_29, %scan3A_30 : i32
      %scan3A_32 = arith.constant 1 : i32
      scf.for %scan3A_46 = %scan3A_29 to %scan3A_31 step %scan3A_32  : i32 {
        %mul3A_47 = arith.constant 2 : i32
        %mul3A_48 = arith.muli %mul3A_47, %scan3A_46 : i32
        %add3A_49 = arith.constant 1 : i32
        %add3A_50 = arith.addi %mul3A_48, %add3A_49 : i32
        %mul3A_51 = arith.constant 128 : i32
        %mul3A_52 = arith.muli %add3A_50, %mul3A_51 : i32
        %add3A_53 = arith.addi %mul3A_10, %mul3A_52 : i32
        "tpu.region"() ({
          %run_scoped3A = tpu.sem_alloc : memref<!tpu.dma_semaphore, #tpu.memory_space<semaphore_mem>>
          %dma_start3A_79 = tpu.memref_slice %arg4[%add3A_53] : memref<323584xi32, #tpu.memory_space<hbm>> -> memref<128xi32, #tpu.memory_space<hbm>>
          %dma_start3A_80 = tpu.memref_slice %arg4[%add3A_53] : memref<323584xi32, #tpu.memory_space<hbm>> -> memref<128xi32, #tpu.memory_space<hbm>>
          tpu.enqueue_dma source(%dma_start3A_80 : memref<128xi32, #tpu.memory_space<hbm>>) target(%arg10 : memref<128xi32, #tpu.memory_space<vmem>>) target_semaphore(%run_scoped3A : memref<!tpu.dma_semaphore, #tpu.memory_space<semaphore_mem>>)
          %dma_wait3A_81 = tpu.memref_slice %arg4[%add3A_53] : memref<323584xi32, #tpu.memory_space<hbm>> -> memref<128xi32, #tpu.memory_space<hbm>>
          %dma_wait3A_82 = tpu.memref_slice %arg4[%add3A_53] : memref<323584xi32, #tpu.memory_space<hbm>> -> memref<128xi32, #tpu.memory_space<hbm>>
          tpu.wait_dma2 semaphore(%run_scoped3A : memref<!tpu.dma_semaphore, #tpu.memory_space<semaphore_mem>>) src(%dma_wait3A_82 : memref<128xi32, #tpu.memory_space<hbm>>) dst(%arg10 : memref<128xi32, #tpu.memory_space<vmem>>)
          tpu.yield
        }) : () -> ()
        %mul3A_54 = arith.constant 128 : i32
        %mul3A_55 = arith.muli %add3A_50, %mul3A_54 : i32
        %add3A_56 = arith.addi %mul3A_10, %mul3A_55 : i32
        "tpu.region"() ({
          %run_scoped3A = tpu.sem_alloc : memref<!tpu.dma_semaphore, #tpu.memory_space<semaphore_mem>>
          %dma_start3A_79 = tpu.memref_slice %arg5[%add3A_56] : memref<323584xi32, #tpu.memory_space<hbm>> -> memref<128xi32, #tpu.memory_space<hbm>>
          %dma_start3A_80 = tpu.memref_slice %arg5[%add3A_56] : memref<323584xi32, #tpu.memory_space<hbm>> -> memref<128xi32, #tpu.memory_space<hbm>>
          tpu.enqueue_dma source(%dma_start3A_80 : memref<128xi32, #tpu.memory_space<hbm>>) target(%arg11 : memref<128xi32, #tpu.memory_space<vmem>>) target_semaphore(%run_scoped3A : memref<!tpu.dma_semaphore, #tpu.memory_space<semaphore_mem>>)
          %dma_wait3A_81 = tpu.memref_slice %arg5[%add3A_56] : memref<323584xi32, #tpu.memory_space<hbm>> -> memref<128xi32, #tpu.memory_space<hbm>>
          %dma_wait3A_82 = tpu.memref_slice %arg5[%add3A_56] : memref<323584xi32, #tpu.memory_space<hbm>> -> memref<128xi32, #tpu.memory_space<hbm>>
          tpu.wait_dma2 semaphore(%run_scoped3A : memref<!tpu.dma_semaphore, #tpu.memory_space<semaphore_mem>>) src(%dma_wait3A_82 : memref<128xi32, #tpu.memory_space<hbm>>) dst(%arg11 : memref<128xi32, #tpu.memory_space<vmem>>)
          tpu.yield
        }) : () -> ()
        %dma_start3A_57 = arith.constant 0 : i32
        %dma_start3A_58 = arith.constant 0 : i32
        %dma_start3A_59 = tpu.memref_slice %arg3[%dma_start3A_57, %dma_start3A_58] : memref<10000x128xf32, #tpu.memory_space<hbm>> -> memref<10000x128xf32, #tpu.memory_space<hbm>>
        tpu.enqueue_indirect_dma source(%dma_start3A_59 : memref<10000x128xf32, #tpu.memory_space<hbm>>) target(%arg12 : memref<128x128xf32, #tpu.memory_space<vmem>>) offsets(%arg10 : memref<128xi32, #tpu.memory_space<vmem>>) semaphore(%arg16 : memref<!tpu.dma_semaphore, #tpu.memory_space<semaphore_mem>>)
        %dma_wait3A_60 = arith.constant 0 : i32
        %dma_wait3A_61 = arith.constant 0 : i32
        %dma_wait3A_62 = tpu.memref_slice %arg3[%dma_wait3A_60, %dma_wait3A_61] : memref<10000x128xf32, #tpu.memory_space<hbm>> -> memref<10000x128xf32, #tpu.memory_space<hbm>>
        tpu.wait_indirect_dma semaphore(%arg15 : memref<!tpu.dma_semaphore, #tpu.memory_space<semaphore_mem>>) src(%dma_wait3A_62 : memref<10000x128xf32, #tpu.memory_space<hbm>>) dst(%arg9 : memref<128x128xf32, #tpu.memory_space<vmem>>)
        "tpu.region"() ({
          %run_scoped3A = tpu.sem_alloc : memref<!tpu.dma_semaphore, #tpu.memory_space<semaphore_mem>>
          %dma_start3A_79 = arith.constant 0 : i32
          %dma_start3A_80 = arith.constant 0 : i32
          %dma_start3A_81 = tpu.memref_slice %arg14[%dma_start3A_79, %dma_start3A_80] : memref<10240x128xf32, #tpu.memory_space<vmem_shared>> -> memref<10240x128xf32, #tpu.memory_space<vmem_shared>>
          tpu.enqueue_indirect_dma source(%arg9 : memref<128x128xf32, #tpu.memory_space<vmem>>) target(%dma_start3A_81 : memref<10240x128xf32, #tpu.memory_space<vmem_shared>>) offsets(%arg8 : memref<128xi32, #tpu.memory_space<vmem>>) semaphore(%run_scoped3A : memref<!tpu.dma_semaphore, #tpu.memory_space<semaphore_mem>>) {add = true}
          %dma_wait3A_82 = arith.constant 0 : i32
          %dma_wait3A_83 = arith.constant 0 : i32
          %dma_wait3A_84 = tpu.memref_slice %arg14[%dma_wait3A_82, %dma_wait3A_83] : memref<10240x128xf32, #tpu.memory_space<vmem_shared>> -> memref<10240x128xf32, #tpu.memory_space<vmem_shared>>
          tpu.wait_indirect_dma semaphore(%run_scoped3A : memref<!tpu.dma_semaphore, #tpu.memory_space<semaphore_mem>>) src(%arg9 : memref<128x128xf32, #tpu.memory_space<vmem>>) dst(%dma_wait3A_84 : memref<10240x128xf32, #tpu.memory_space<vmem_shared>>)
          tpu.yield
        }) : () -> ()
        %mul3A_63 = arith.constant 2 : i32
        %mul3A_64 = arith.muli %mul3A_63, %scan3A_46 : i32
        %add3A_65 = arith.constant 2 : i32
        %add3A_66 = arith.addi %mul3A_64, %add3A_65 : i32
        %mul3A_67 = arith.constant 128 : i32
        %mul3A_68 = arith.muli %add3A_66, %mul3A_67 : i32
        %add3A_69 = arith.addi %mul3A_10, %mul3A_68 : i32
        "tpu.region"() ({
          %run_scoped3A = tpu.sem_alloc : memref<!tpu.dma_semaphore, #tpu.memory_space<semaphore_mem>>
          %dma_start3A_79 = tpu.memref_slice %arg4[%add3A_69] : memref<323584xi32, #tpu.memory_space<hbm>> -> memref<128xi32, #tpu.memory_space<hbm>>
          %dma_start3A_80 = tpu.memref_slice %arg4[%add3A_69] : memref<323584xi32, #tpu.memory_space<hbm>> -> memref<128xi32, #tpu.memory_space<hbm>>
          tpu.enqueue_dma source(%dma_start3A_80 : memref<128xi32, #tpu.memory_space<hbm>>) target(%arg7 : memref<128xi32, #tpu.memory_space<vmem>>) target_semaphore(%run_scoped3A : memref<!tpu.dma_semaphore, #tpu.memory_space<semaphore_mem>>)
          %dma_wait3A_81 = tpu.memref_slice %arg4[%add3A_69] : memref<323584xi32, #tpu.memory_space<hbm>> -> memref<128xi32, #tpu.memory_space<hbm>>
          %dma_wait3A_82 = tpu.memref_slice %arg4[%add3A_69] : memref<323584xi32, #tpu.memory_space<hbm>> -> memref<128xi32, #tpu.memory_space<hbm>>
          tpu.wait_dma2 semaphore(%run_scoped3A : memref<!tpu.dma_semaphore, #tpu.memory_space<semaphore_mem>>) src(%dma_wait3A_82 : memref<128xi32, #tpu.memory_space<hbm>>) dst(%arg7 : memref<128xi32, #tpu.memory_space<vmem>>)
          tpu.yield
        }) : () -> ()
        %mul3A_70 = arith.constant 128 : i32
        %mul3A_71 = arith.muli %add3A_66, %mul3A_70 : i32
        %add3A_72 = arith.addi %mul3A_10, %mul3A_71 : i32
        "tpu.region"() ({
          %run_scoped3A = tpu.sem_alloc : memref<!tpu.dma_semaphore, #tpu.memory_space<semaphore_mem>>
          %dma_start3A_79 = tpu.memref_slice %arg5[%add3A_72] : memref<323584xi32, #tpu.memory_space<hbm>> -> memref<128xi32, #tpu.memory_space<hbm>>
          %dma_start3A_80 = tpu.memref_slice %arg5[%add3A_72] : memref<323584xi32, #tpu.memory_space<hbm>> -> memref<128xi32, #tpu.memory_space<hbm>>
          tpu.enqueue_dma source(%dma_start3A_80 : memref<128xi32, #tpu.memory_space<hbm>>) target(%arg8 : memref<128xi32, #tpu.memory_space<vmem>>) target_semaphore(%run_scoped3A : memref<!tpu.dma_semaphore, #tpu.memory_space<semaphore_mem>>)
          %dma_wait3A_81 = tpu.memref_slice %arg5[%add3A_72] : memref<323584xi32, #tpu.memory_space<hbm>> -> memref<128xi32, #tpu.memory_space<hbm>>
          %dma_wait3A_82 = tpu.memref_slice %arg5[%add3A_72] : memref<323584xi32, #tpu.memory_space<hbm>> -> memref<128xi32, #tpu.memory_space<hbm>>
          tpu.wait_dma2 semaphore(%run_scoped3A : memref<!tpu.dma_semaphore, #tpu.memory_space<semaphore_mem>>) src(%dma_wait3A_82 : memref<128xi32, #tpu.memory_space<hbm>>) dst(%arg8 : memref<128xi32, #tpu.memory_space<vmem>>)
          tpu.yield
        }) : () -> ()
        %dma_start3A_73 = arith.constant 0 : i32
        %dma_start3A_74 = arith.constant 0 : i32
        %dma_start3A_75 = tpu.memref_slice %arg3[%dma_start3A_73, %dma_start3A_74] : memref<10000x128xf32, #tpu.memory_space<hbm>> -> memref<10000x128xf32, #tpu.memory_space<hbm>>
        tpu.enqueue_indirect_dma source(%dma_start3A_75 : memref<10000x128xf32, #tpu.memory_space<hbm>>) target(%arg9 : memref<128x128xf32, #tpu.memory_space<vmem>>) offsets(%arg7 : memref<128xi32, #tpu.memory_space<vmem>>) semaphore(%arg15 : memref<!tpu.dma_semaphore, #tpu.memory_space<semaphore_mem>>)
        %dma_wait3A_76 = arith.constant 0 : i32
        %dma_wait3A_77 = arith.constant 0 : i32
        %dma_wait3A_78 = tpu.memref_slice %arg3[%dma_wait3A_76, %dma_wait3A_77] : memref<10000x128xf32, #tpu.memory_space<hbm>> -> memref<10000x128xf32, #tpu.memory_space<hbm>>
        tpu.wait_indirect_dma semaphore(%arg16 : memref<!tpu.dma_semaphore, #tpu.memory_space<semaphore_mem>>) src(%dma_wait3A_78 : memref<10000x128xf32, #tpu.memory_space<hbm>>) dst(%arg12 : memref<128x128xf32, #tpu.memory_space<vmem>>)
        "tpu.region"() ({
          %run_scoped3A = tpu.sem_alloc : memref<!tpu.dma_semaphore, #tpu.memory_space<semaphore_mem>>
          %dma_start3A_79 = arith.constant 0 : i32
          %dma_start3A_80 = arith.constant 0 : i32
          %dma_start3A_81 = tpu.memref_slice %arg14[%dma_start3A_79, %dma_start3A_80] : memref<10240x128xf32, #tpu.memory_space<vmem_shared>> -> memref<10240x128xf32, #tpu.memory_space<vmem_shared>>
          tpu.enqueue_indirect_dma source(%arg12 : memref<128x128xf32, #tpu.memory_space<vmem>>) target(%dma_start3A_81 : memref<10240x128xf32, #tpu.memory_space<vmem_shared>>) offsets(%arg11 : memref<128xi32, #tpu.memory_space<vmem>>) semaphore(%run_scoped3A : memref<!tpu.dma_semaphore, #tpu.memory_space<semaphore_mem>>) {add = true}
          %dma_wait3A_82 = arith.constant 0 : i32
          %dma_wait3A_83 = arith.constant 0 : i32
          %dma_wait3A_84 = tpu.memref_slice %arg14[%dma_wait3A_82, %dma_wait3A_83] : memref<10240x128xf32, #tpu.memory_space<vmem_shared>> -> memref<10240x128xf32, #tpu.memory_space<vmem_shared>>
          tpu.wait_indirect_dma semaphore(%run_scoped3A : memref<!tpu.dma_semaphore, #tpu.memory_space<semaphore_mem>>) src(%arg12 : memref<128x128xf32, #tpu.memory_space<vmem>>) dst(%dma_wait3A_84 : memref<10240x128xf32, #tpu.memory_space<vmem_shared>>)
          tpu.yield
        }) : () -> ()
      }
      %scan3A_33 = arith.constant 78 : i32
      %dma_wait3A = arith.constant 0 : i32
      %dma_wait3A_34 = arith.constant 0 : i32
      %dma_wait3A_35 = tpu.memref_slice %arg3[%dma_wait3A, %dma_wait3A_34] : memref<10000x128xf32, #tpu.memory_space<hbm>> -> memref<10000x128xf32, #tpu.memory_space<hbm>>
      tpu.wait_indirect_dma semaphore(%arg15 : memref<!tpu.dma_semaphore, #tpu.memory_space<semaphore_mem>>) src(%dma_wait3A_35 : memref<10000x128xf32, #tpu.memory_space<hbm>>) dst(%arg9 : memref<128x128xf32, #tpu.memory_space<vmem>>)
      "tpu.region"() ({
        %run_scoped3A = tpu.sem_alloc : memref<!tpu.dma_semaphore, #tpu.memory_space<semaphore_mem>>
        %dma_start3A_46 = arith.constant 0 : i32
        %dma_start3A_47 = arith.constant 0 : i32
        %dma_start3A_48 = tpu.memref_slice %arg14[%dma_start3A_46, %dma_start3A_47] : memref<10240x128xf32, #tpu.memory_space<vmem_shared>> -> memref<10240x128xf32, #tpu.memory_space<vmem_shared>>
        tpu.enqueue_indirect_dma source(%arg9 : memref<128x128xf32, #tpu.memory_space<vmem>>) target(%dma_start3A_48 : memref<10240x128xf32, #tpu.memory_space<vmem_shared>>) offsets(%arg8 : memref<128xi32, #tpu.memory_space<vmem>>) semaphore(%run_scoped3A : memref<!tpu.dma_semaphore, #tpu.memory_space<semaphore_mem>>) {add = true}
        %dma_wait3A_49 = arith.constant 0 : i32
        %dma_wait3A_50 = arith.constant 0 : i32
        %dma_wait3A_51 = tpu.memref_slice %arg14[%dma_wait3A_49, %dma_wait3A_50] : memref<10240x128xf32, #tpu.memory_space<vmem_shared>> -> memref<10240x128xf32, #tpu.memory_space<vmem_shared>>
        tpu.wait_indirect_dma semaphore(%run_scoped3A : memref<!tpu.dma_semaphore, #tpu.memory_space<semaphore_mem>>) src(%arg9 : memref<128x128xf32, #tpu.memory_space<vmem>>) dst(%dma_wait3A_51 : memref<10240x128xf32, #tpu.memory_space<vmem_shared>>)
        tpu.yield
      }) : () -> ()
      %add3A_36 = arith.constant 20096 : i32
      %add3A_37 = arith.addi %mul3A_10, %add3A_36 : i32
      "tpu.region"() ({
        %run_scoped3A = tpu.sem_alloc : memref<!tpu.dma_semaphore, #tpu.memory_space<semaphore_mem>>
        %dma_start3A_46 = tpu.memref_slice %arg4[%add3A_37] : memref<323584xi32, #tpu.memory_space<hbm>> -> memref<128xi32, #tpu.memory_space<hbm>>
        %dma_start3A_47 = tpu.memref_slice %arg4[%add3A_37] : memref<323584xi32, #tpu.memory_space<hbm>> -> memref<128xi32, #tpu.memory_space<hbm>>
        tpu.enqueue_dma source(%dma_start3A_47 : memref<128xi32, #tpu.memory_space<hbm>>) target(%arg10 : memref<128xi32, #tpu.memory_space<vmem>>) target_semaphore(%run_scoped3A : memref<!tpu.dma_semaphore, #tpu.memory_space<semaphore_mem>>)
        %dma_wait3A_48 = tpu.memref_slice %arg4[%add3A_37] : memref<323584xi32, #tpu.memory_space<hbm>> -> memref<128xi32, #tpu.memory_space<hbm>>
        %dma_wait3A_49 = tpu.memref_slice %arg4[%add3A_37] : memref<323584xi32, #tpu.memory_space<hbm>> -> memref<128xi32, #tpu.memory_space<hbm>>
        tpu.wait_dma2 semaphore(%run_scoped3A : memref<!tpu.dma_semaphore, #tpu.memory_space<semaphore_mem>>) src(%dma_wait3A_49 : memref<128xi32, #tpu.memory_space<hbm>>) dst(%arg10 : memref<128xi32, #tpu.memory_space<vmem>>)
        tpu.yield
      }) : () -> ()
      %add3A_38 = arith.constant 20096 : i32
      %add3A_39 = arith.addi %mul3A_10, %add3A_38 : i32
      "tpu.region"() ({
        %run_scoped3A = tpu.sem_alloc : memref<!tpu.dma_semaphore, #tpu.memory_space<semaphore_mem>>
        %dma_start3A_46 = tpu.memref_slice %arg5[%add3A_39] : memref<323584xi32, #tpu.memory_space<hbm>> -> memref<128xi32, #tpu.memory_space<hbm>>
        %dma_start3A_47 = tpu.memref_slice %arg5[%add3A_39] : memref<323584xi32, #tpu.memory_space<hbm>> -> memref<128xi32, #tpu.memory_space<hbm>>
        tpu.enqueue_dma source(%dma_start3A_47 : memref<128xi32, #tpu.memory_space<hbm>>) target(%arg11 : memref<128xi32, #tpu.memory_space<vmem>>) target_semaphore(%run_scoped3A : memref<!tpu.dma_semaphore, #tpu.memory_space<semaphore_mem>>)
        %dma_wait3A_48 = tpu.memref_slice %arg5[%add3A_39] : memref<323584xi32, #tpu.memory_space<hbm>> -> memref<128xi32, #tpu.memory_space<hbm>>
        %dma_wait3A_49 = tpu.memref_slice %arg5[%add3A_39] : memref<323584xi32, #tpu.memory_space<hbm>> -> memref<128xi32, #tpu.memory_space<hbm>>
        tpu.wait_dma2 semaphore(%run_scoped3A : memref<!tpu.dma_semaphore, #tpu.memory_space<semaphore_mem>>) src(%dma_wait3A_49 : memref<128xi32, #tpu.memory_space<hbm>>) dst(%arg11 : memref<128xi32, #tpu.memory_space<vmem>>)
        tpu.yield
      }) : () -> ()
      %dma_start3A_40 = arith.constant 0 : i32
      %dma_start3A_41 = arith.constant 0 : i32
      %dma_start3A_42 = tpu.memref_slice %arg3[%dma_start3A_40, %dma_start3A_41] : memref<10000x128xf32, #tpu.memory_space<hbm>> -> memref<10000x128xf32, #tpu.memory_space<hbm>>
      tpu.enqueue_indirect_dma source(%dma_start3A_42 : memref<10000x128xf32, #tpu.memory_space<hbm>>) target(%arg12 : memref<128x128xf32, #tpu.memory_space<vmem>>) offsets(%arg10 : memref<128xi32, #tpu.memory_space<vmem>>) semaphore(%arg16 : memref<!tpu.dma_semaphore, #tpu.memory_space<semaphore_mem>>)
      %dma_wait3A_43 = arith.constant 0 : i32
      %dma_wait3A_44 = arith.constant 0 : i32
      %dma_wait3A_45 = tpu.memref_slice %arg3[%dma_wait3A_43, %dma_wait3A_44] : memref<10000x128xf32, #tpu.memory_space<hbm>> -> memref<10000x128xf32, #tpu.memory_space<hbm>>
      tpu.wait_indirect_dma semaphore(%arg16 : memref<!tpu.dma_semaphore, #tpu.memory_space<semaphore_mem>>) src(%dma_wait3A_45 : memref<10000x128xf32, #tpu.memory_space<hbm>>) dst(%arg12 : memref<128x128xf32, #tpu.memory_space<vmem>>)
      "tpu.region"() ({
        %run_scoped3A = tpu.sem_alloc : memref<!tpu.dma_semaphore, #tpu.memory_space<semaphore_mem>>
        %dma_start3A_46 = arith.constant 0 : i32
        %dma_start3A_47 = arith.constant 0 : i32
        %dma_start3A_48 = tpu.memref_slice %arg14[%dma_start3A_46, %dma_start3A_47] : memref<10240x128xf32, #tpu.memory_space<vmem_shared>> -> memref<10240x128xf32, #tpu.memory_space<vmem_shared>>
        tpu.enqueue_indirect_dma source(%arg12 : memref<128x128xf32, #tpu.memory_space<vmem>>) target(%dma_start3A_48 : memref<10240x128xf32, #tpu.memory_space<vmem_shared>>) offsets(%arg11 : memref<128xi32, #tpu.memory_space<vmem>>) semaphore(%run_scoped3A : memref<!tpu.dma_semaphore, #tpu.memory_space<semaphore_mem>>) {add = true}
        %dma_wait3A_49 = arith.constant 0 : i32
        %dma_wait3A_50 = arith.constant 0 : i32
        %dma_wait3A_51 = tpu.memref_slice %arg14[%dma_wait3A_49, %dma_wait3A_50] : memref<10240x128xf32, #tpu.memory_space<vmem_shared>> -> memref<10240x128xf32, #tpu.memory_space<vmem_shared>>
        tpu.wait_indirect_dma semaphore(%run_scoped3A : memref<!tpu.dma_semaphore, #tpu.memory_space<semaphore_mem>>) src(%arg12 : memref<128x128xf32, #tpu.memory_space<vmem>>) dst(%dma_wait3A_51 : memref<10240x128xf32, #tpu.memory_space<vmem_shared>>)
        tpu.yield
      }) : () -> ()
    } else {
    }
    %barrier3A_18 = arith.constant 0 : index
    tpu.barrier barrier_id(%barrier3A_18)
    %scan3A_19 = arith.constant 0 : i32
    %scan3A_20 = arith.constant 20 : i32
    %scan3A_21 = arith.addi %scan3A_19, %scan3A_20 : i32
    %scan3A_22 = arith.constant 1 : i32
    scf.for %scan3A_24 = %scan3A_19 to %scan3A_21 step %scan3A_22  : i32 {
      %mul3A_25 = arith.constant 640 : i32
      %mul3A_26 = arith.muli %arg1, %mul3A_25 : i32
      %mul3A_27 = arith.constant 32 : i32
      %mul3A_28 = arith.muli %scan3A_24, %mul3A_27 : i32
      %add3A = arith.addi %mul3A_26, %mul3A_28 : i32
      "tpu.region"() ({
        %run_scoped3A = tpu.sem_alloc : memref<!tpu.dma_semaphore, #tpu.memory_space<semaphore_mem>>
        %dma_start3A = arith.constant 0 : i32
        %dma_start3A_29 = tpu.memref_slice %arg14[%add3A, %dma_start3A] : memref<10240x128xf32, #tpu.memory_space<vmem_shared>> -> memref<32x128xf32, #tpu.memory_space<vmem_shared>>
        %dma_start3A_30 = arith.constant 0 : i32
        %dma_start3A_31 = tpu.memref_slice %arg14[%add3A, %dma_start3A_30] : memref<10240x128xf32, #tpu.memory_space<vmem_shared>> -> memref<32x128xf32, #tpu.memory_space<vmem_shared>>
        tpu.enqueue_dma source(%dma_start3A_31 : memref<32x128xf32, #tpu.memory_space<vmem_shared>>) target(%arg13 : memref<32x128xf32, #tpu.memory_space<vmem>>) target_semaphore(%run_scoped3A : memref<!tpu.dma_semaphore, #tpu.memory_space<semaphore_mem>>)
        %dma_wait3A = arith.constant 0 : i32
        %dma_wait3A_32 = tpu.memref_slice %arg14[%add3A, %dma_wait3A] : memref<10240x128xf32, #tpu.memory_space<vmem_shared>> -> memref<32x128xf32, #tpu.memory_space<vmem_shared>>
        %dma_wait3A_33 = arith.constant 0 : i32
        %dma_wait3A_34 = tpu.memref_slice %arg14[%add3A, %dma_wait3A_33] : memref<10240x128xf32, #tpu.memory_space<vmem_shared>> -> memref<32x128xf32, #tpu.memory_space<vmem_shared>>
        tpu.wait_dma2 semaphore(%run_scoped3A : memref<!tpu.dma_semaphore, #tpu.memory_space<semaphore_mem>>) src(%dma_wait3A_34 : memref<32x128xf32, #tpu.memory_space<vmem_shared>>) dst(%arg13 : memref<32x128xf32, #tpu.memory_space<vmem>>)
        tpu.yield
      }) : () -> ()
      "tpu.region"() ({
        %run_scoped3A = tpu.sem_alloc : memref<!tpu.dma_semaphore, #tpu.memory_space<semaphore_mem>>
        %dma_start3A = arith.constant 0 : i32
        %dma_start3A_29 = tpu.memref_slice %arg6[%arg0, %add3A, %dma_start3A] : memref<2x10240x128xf32, #tpu.memory_space<hbm>> -> memref<1x32x128xf32, #tpu.memory_space<hbm>>
        %dma_start3A_30 = tpu.memref_squeeze %dma_start3A_29 : memref<1x32x128xf32, #tpu.memory_space<hbm>> -> memref<32x128xf32, #tpu.memory_space<hbm>>
        %dma_start3A_31 = arith.constant 0 : i32
        %dma_start3A_32 = tpu.memref_slice %arg6[%arg0, %add3A, %dma_start3A_31] : memref<2x10240x128xf32, #tpu.memory_space<hbm>> -> memref<1x32x128xf32, #tpu.memory_space<hbm>>
        %dma_start3A_33 = tpu.memref_squeeze %dma_start3A_32 : memref<1x32x128xf32, #tpu.memory_space<hbm>> -> memref<32x128xf32, #tpu.memory_space<hbm>>
        tpu.enqueue_dma source(%arg13 : memref<32x128xf32, #tpu.memory_space<vmem>>) target(%dma_start3A_33 : memref<32x128xf32, #tpu.memory_space<hbm>>) target_semaphore(%run_scoped3A : memref<!tpu.dma_semaphore, #tpu.memory_space<semaphore_mem>>)
        %dma_wait3A = arith.constant 0 : i32
        %dma_wait3A_34 = tpu.memref_slice %arg6[%arg0, %add3A, %dma_wait3A] : memref<2x10240x128xf32, #tpu.memory_space<hbm>> -> memref<1x32x128xf32, #tpu.memory_space<hbm>>
        %dma_wait3A_35 = tpu.memref_squeeze %dma_wait3A_34 : memref<1x32x128xf32, #tpu.memory_space<hbm>> -> memref<32x128xf32, #tpu.memory_space<hbm>>
        %dma_wait3A_36 = arith.constant 0 : i32
        %dma_wait3A_37 = tpu.memref_slice %arg6[%arg0, %add3A, %dma_wait3A_36] : memref<2x10240x128xf32, #tpu.memory_space<hbm>> -> memref<1x32x128xf32, #tpu.memory_space<hbm>>
        %dma_wait3A_38 = tpu.memref_squeeze %dma_wait3A_37 : memref<1x32x128xf32, #tpu.memory_space<hbm>> -> memref<32x128xf32, #tpu.memory_space<hbm>>
        tpu.wait_dma2 semaphore(%run_scoped3A : memref<!tpu.dma_semaphore, #tpu.memory_space<semaphore_mem>>) src(%arg13 : memref<32x128xf32, #tpu.memory_space<vmem>>) dst(%dma_wait3A_38 : memref<32x128xf32, #tpu.memory_space<hbm>>)
        tpu.yield
      }) : () -> ()
    }
    %scan3A_23 = arith.constant 20 : i32
    return
  }
}

module attributes {stable_mosaic.version = 14 : i64} {
  func.func @_tc_mm1_body(%arg0: memref<10000x128xf32, #tpu.memory_space<vmem>>, %arg1: memref<128x256xf32, #tpu.memory_space<vmem>>, %arg2: memref<10000x256xf32, #tpu.memory_space<vmem>>) attributes {dimension_semantics = [], scalar_prefetch = 0 : i64, scratch_operands = 0 : i64, tpu.core_type = #tpu.core_type<tc>} {
    %get3A = arith.constant 0 : index
    %get3A_0 = arith.constant 0 : index
    %get3A_1 = vector.load %arg0[%get3A, %get3A_0] : memref<10000x128xf32, #tpu.memory_space<vmem>>, vector<10000x128xf32>
    %get3A_2 = arith.constant 0 : index
    %get3A_3 = arith.constant 0 : index
    %get3A_4 = vector.load %arg1[%get3A_2, %get3A_3] : memref<128x256xf32, #tpu.memory_space<vmem>>, vector<128x256xf32>
    %dot_general3A = arith.constant dense<0.000000e+00> : vector<10000x256xf32>
    %dot_general3A_5 = tpu.matmul %get3A_1, %get3A_4, %dot_general3A {dimension_numbers = #tpu.dot_dimension_numbers<[1], [0], [0], [1], [0, 0, 1, 1], [], []>, transpose_lhs_hint = false} : vector<10000x128xf32>, vector<128x256xf32>, vector<10000x256xf32> -> vector<10000x256xf32>
    %swap3A = arith.constant 0 : index
    %swap3A_6 = arith.constant 0 : index
    %swap3A_7 = vector.load %arg2[%swap3A, %swap3A_6] : memref<10000x256xf32, #tpu.memory_space<vmem>>, vector<10000x256xf32>
    tpu.vector_store %arg2[%swap3A, %swap3A_6], %dot_general3A_5 {strides = array<i32>} : memref<10000x256xf32, #tpu.memory_space<vmem>>, vector<10000x256xf32>,
    return
  }
}

module attributes {stable_mosaic.version = 14 : i64} {
  func.func @_tc_pre_body(%arg0: memref<10000x256xf32, #tpu.memory_space<vmem>>, %arg1: memref<10000x2xf32, #tpu.memory_space<vmem>>, %arg2: memref<10000x128xf32, #tpu.memory_space<vmem>>, %arg3: memref<10000x128xf32, #tpu.memory_space<vmem>>, %arg4: memref<10000x1xf32, #tpu.memory_space<vmem>>) attributes {dimension_semantics = [], scalar_prefetch = 0 : i64, scratch_operands = 0 : i64, tpu.core_type = #tpu.core_type<tc>} {
    %get3A = arith.constant 0 : index
    %get3A_0 = arith.constant 0 : index
    %get3A_1 = vector.load %arg1[%get3A, %get3A_0] : memref<10000x2xf32, #tpu.memory_space<vmem>>, vector<10000x1xf32>
    %get3A_2 = arith.constant 0 : index
    %get3A_3 = arith.constant 1 : index
    %get3A_4 = vector.load %arg1[%get3A_2, %get3A_3] : memref<10000x2xf32, #tpu.memory_space<vmem>>, vector<10000x1xf32>
    %add3A = arith.addf %get3A_1, %get3A_4 : vector<10000x1xf32>
    %add3A_5 = arith.constant 1.000000e+00 : f32
    %add3A_6 = vector.broadcast %add3A_5 : f32 to vector<10000x1xf32>
    %add3A_7 = arith.addf %add3A, %add3A_6 : vector<10000x1xf32>
    %rsqrt3A = math.rsqrt %add3A_7 : vector<10000x1xf32>
    %swap3A = arith.constant 0 : index
    %swap3A_8 = arith.constant 0 : index
    %swap3A_9 = vector.load %arg4[%swap3A, %swap3A_8] : memref<10000x1xf32, #tpu.memory_space<vmem>>, vector<10000x1xf32>
    tpu.vector_store %arg4[%swap3A, %swap3A_8], %rsqrt3A {strides = array<i32>} : memref<10000x1xf32, #tpu.memory_space<vmem>>, vector<10000x1xf32>,
    %get3A_10 = arith.constant 0 : index
    %get3A_11 = arith.constant 0 : index
    %get3A_12 = vector.load %arg0[%get3A_10, %get3A_11] : memref<10000x256xf32, #tpu.memory_space<vmem>>, vector<10000x256xf32>
    %mul3A = vector.broadcast %rsqrt3A : vector<10000x1xf32> to vector<10000x256xf32>
    %mul3A_13 = arith.mulf %mul3A, %get3A_12 : vector<10000x256xf32>
    %slice3A = vector.extract_strided_slice %mul3A_13 {offsets = [0, 0], sizes = [10000, 128], strides = [1, 1]} : vector<10000x256xf32> to vector<10000x128xf32>
    %swap3A_14 = arith.constant 0 : index
    %swap3A_15 = arith.constant 0 : index
    %swap3A_16 = vector.load %arg2[%swap3A_14, %swap3A_15] : memref<10000x128xf32, #tpu.memory_space<vmem>>, vector<10000x128xf32>
    tpu.vector_store %arg2[%swap3A_14, %swap3A_15], %slice3A {strides = array<i32>} : memref<10000x128xf32, #tpu.memory_space<vmem>>, vector<10000x128xf32>,
    %slice3A_17 = vector.extract_strided_slice %mul3A_13 {offsets = [0, 128], sizes = [10000, 128], strides = [1, 1]} : vector<10000x256xf32> to vector<10000x128xf32>
    %swap3A_18 = arith.constant 0 : index
    %swap3A_19 = arith.constant 0 : index
    %swap3A_20 = vector.load %arg3[%swap3A_18, %swap3A_19] : memref<10000x128xf32, #tpu.memory_space<vmem>>, vector<10000x128xf32>
    tpu.vector_store %arg3[%swap3A_18, %swap3A_19], %slice3A_17 {strides = array<i32>} : memref<10000x128xf32, #tpu.memory_space<vmem>>, vector<10000x128xf32>,
    return
  }
}

module attributes {stable_mosaic.version = 14 : i64} {
  func.func @_tc_mid_body(%arg0: memref<10000x128xf32, #tpu.memory_space<vmem>>, %arg1: memref<10000x128xf32, #tpu.memory_space<vmem>>, %arg2: memref<10000x128xf32, #tpu.memory_space<vmem>>, %arg3: memref<10000x128xf32, #tpu.memory_space<vmem>>, %arg4: memref<10000x1xf32, #tpu.memory_space<vmem>>, %arg5: memref<1x256xf32, #tpu.memory_space<vmem>>, %arg6: memref<256x256xf32, #tpu.memory_space<vmem>>, %arg7: memref<10000x128xf32, #tpu.memory_space<vmem>>, %arg8: memref<10000x128xf32, #tpu.memory_space<vmem>>) attributes {dimension_semantics = [], scalar_prefetch = 0 : i64, scratch_operands = 0 : i64, tpu.core_type = #tpu.core_type<tc>} {
    %get3A = arith.constant 0 : index
    %get3A_0 = arith.constant 0 : index
    %get3A_1 = vector.load %arg4[%get3A, %get3A_0] : memref<10000x1xf32, #tpu.memory_space<vmem>>, vector<10000x1xf32>
    %get3A_2 = arith.constant 0 : index
    %get3A_3 = arith.constant 0 : index
    %get3A_4 = vector.load %arg0[%get3A_2, %get3A_3] : memref<10000x128xf32, #tpu.memory_space<vmem>>, vector<10000x128xf32>
    %get3A_5 = arith.constant 0 : index
    %get3A_6 = arith.constant 0 : index
    %get3A_7 = vector.load %arg2[%get3A_5, %get3A_6] : memref<10000x128xf32, #tpu.memory_space<vmem>>, vector<10000x128xf32>
    %add3A = arith.addf %get3A_4, %get3A_7 : vector<10000x128xf32>
    %mul3A = vector.broadcast %get3A_1 : vector<10000x1xf32> to vector<10000x128xf32>
    %mul3A_8 = arith.mulf %mul3A, %add3A : vector<10000x128xf32>
    %get3A_9 = arith.constant 0 : index
    %get3A_10 = arith.constant 0 : index
    %get3A_11 = vector.load %arg1[%get3A_9, %get3A_10] : memref<10000x128xf32, #tpu.memory_space<vmem>>, vector<10000x128xf32>
    %get3A_12 = arith.constant 0 : index
    %get3A_13 = arith.constant 0 : index
    %get3A_14 = vector.load %arg3[%get3A_12, %get3A_13] : memref<10000x128xf32, #tpu.memory_space<vmem>>, vector<10000x128xf32>
    %add3A_15 = arith.addf %get3A_11, %get3A_14 : vector<10000x128xf32>
    %mul3A_16 = vector.broadcast %get3A_1 : vector<10000x1xf32> to vector<10000x128xf32>
    %mul3A_17 = arith.mulf %mul3A_16, %add3A_15 : vector<10000x128xf32>
    %concatenate3A = tpu.concatenate %mul3A_8, %mul3A_17 in 1 : vector<10000x128xf32>, vector<10000x128xf32> -> vector<10000x256xf32>
    %get3A_18 = arith.constant 0 : index
    %get3A_19 = arith.constant 0 : index
    %get3A_20 = vector.load %arg5[%get3A_18, %get3A_19] : memref<1x256xf32, #tpu.memory_space<vmem>>, vector<1x256xf32>
    %add3A_21 = vector.broadcast %get3A_20 : vector<1x256xf32> to vector<10000x256xf32>
    %add3A_22 = arith.addf %concatenate3A, %add3A_21 : vector<10000x256xf32>
    %max3A = arith.constant 0.000000e+00 : f32
    %max3A_23 = vector.broadcast %max3A : f32 to vector<10000x256xf32>
    %max3A_24 = arith.maximumf %add3A_22, %max3A_23 : vector<10000x256xf32>
    %get3A_25 = arith.constant 0 : index
    %get3A_26 = arith.constant 0 : index
    %get3A_27 = vector.load %arg6[%get3A_25, %get3A_26] : memref<256x256xf32, #tpu.memory_space<vmem>>, vector<256x256xf32>
    %dot_general3A = arith.constant dense<0.000000e+00> : vector<10000x256xf32>
    %dot_general3A_28 = tpu.matmul %max3A_24, %get3A_27, %dot_general3A {dimension_numbers = #tpu.dot_dimension_numbers<[1], [0], [0], [1], [0, 0, 1, 1], [], []>, transpose_lhs_hint = false} : vector<10000x256xf32>, vector<256x256xf32>, vector<10000x256xf32> -> vector<10000x256xf32>
    %mul3A_29 = vector.broadcast %get3A_1 : vector<10000x1xf32> to vector<10000x256xf32>
    %mul3A_30 = arith.mulf %mul3A_29, %dot_general3A_28 : vector<10000x256xf32>
    %slice3A = vector.extract_strided_slice %mul3A_30 {offsets = [0, 0], sizes = [10000, 128], strides = [1, 1]} : vector<10000x256xf32> to vector<10000x128xf32>
    %swap3A = arith.constant 0 : index
    %swap3A_31 = arith.constant 0 : index
    %swap3A_32 = vector.load %arg7[%swap3A, %swap3A_31] : memref<10000x128xf32, #tpu.memory_space<vmem>>, vector<10000x128xf32>
    tpu.vector_store %arg7[%swap3A, %swap3A_31], %slice3A {strides = array<i32>} : memref<10000x128xf32, #tpu.memory_space<vmem>>, vector<10000x128xf32>,
    %slice3A_33 = vector.extract_strided_slice %mul3A_30 {offsets = [0, 128], sizes = [10000, 128], strides = [1, 1]} : vector<10000x256xf32> to vector<10000x128xf32>
    %swap3A_34 = arith.constant 0 : index
    %swap3A_35 = arith.constant 0 : index
    %swap3A_36 = vector.load %arg8[%swap3A_34, %swap3A_35] : memref<10000x128xf32, #tpu.memory_space<vmem>>, vector<10000x128xf32>
    tpu.vector_store %arg8[%swap3A_34, %swap3A_35], %slice3A_33 {strides = array<i32>} : memref<10000x128xf32, #tpu.memory_space<vmem>>, vector<10000x128xf32>,
    return
  }
}

module attributes {stable_mosaic.version = 14 : i64} {
  func.func @_tc_final_body(%arg0: memref<10000x128xf32, #tpu.memory_space<vmem>>, %arg1: memref<10000x128xf32, #tpu.memory_space<vmem>>, %arg2: memref<10000x128xf32, #tpu.memory_space<vmem>>, %arg3: memref<10000x128xf32, #tpu.memory_space<vmem>>, %arg4: memref<10000x1xf32, #tpu.memory_space<vmem>>, %arg5: memref<1x256xf32, #tpu.memory_space<vmem>>, %arg6: memref<256x1xf32, #tpu.memory_space<vmem>>, %arg7: memref<1x1xf32, #tpu.memory_space<vmem>>, %arg8: memref<17xi32, #tpu.memory_space<smem>>, %arg9: memref<16x1xf32, #tpu.memory_space<vmem>>, %arg10: memref<10240x256xf32, #tpu.memory_space<vmem>>) attributes {dimension_semantics = [], scalar_prefetch = 0 : i64, scratch_operands = 1 : i64, tpu.core_type = #tpu.core_type<tc>} {
    %get3A = arith.constant 0 : index
    %get3A_0 = arith.constant 0 : index
    %get3A_1 = vector.load %arg4[%get3A, %get3A_0] : memref<10000x1xf32, #tpu.memory_space<vmem>>, vector<10000x1xf32>
    %get3A_2 = arith.constant 0 : index
    %get3A_3 = arith.constant 0 : index
    %get3A_4 = vector.load %arg0[%get3A_2, %get3A_3] : memref<10000x128xf32, #tpu.memory_space<vmem>>, vector<10000x128xf32>
    %get3A_5 = arith.constant 0 : index
    %get3A_6 = arith.constant 0 : index
    %get3A_7 = vector.load %arg2[%get3A_5, %get3A_6] : memref<10000x128xf32, #tpu.memory_space<vmem>>, vector<10000x128xf32>
    %add3A = arith.addf %get3A_4, %get3A_7 : vector<10000x128xf32>
    %mul3A = vector.broadcast %get3A_1 : vector<10000x1xf32> to vector<10000x128xf32>
    %mul3A_8 = arith.mulf %mul3A, %add3A : vector<10000x128xf32>
    %get3A_9 = arith.constant 0 : index
    %get3A_10 = arith.constant 0 : index
    %get3A_11 = vector.load %arg1[%get3A_9, %get3A_10] : memref<10000x128xf32, #tpu.memory_space<vmem>>, vector<10000x128xf32>
    %get3A_12 = arith.constant 0 : index
    %get3A_13 = arith.constant 0 : index
    %get3A_14 = vector.load %arg3[%get3A_12, %get3A_13] : memref<10000x128xf32, #tpu.memory_space<vmem>>, vector<10000x128xf32>
    %add3A_15 = arith.addf %get3A_11, %get3A_14 : vector<10000x128xf32>
    %mul3A_16 = vector.broadcast %get3A_1 : vector<10000x1xf32> to vector<10000x128xf32>
    %mul3A_17 = arith.mulf %mul3A_16, %add3A_15 : vector<10000x128xf32>
    %concatenate3A = tpu.concatenate %mul3A_8, %mul3A_17 in 1 : vector<10000x128xf32>, vector<10000x128xf32> -> vector<10000x256xf32>
    %get3A_18 = arith.constant 0 : index
    %get3A_19 = arith.constant 0 : index
    %get3A_20 = vector.load %arg5[%get3A_18, %get3A_19] : memref<1x256xf32, #tpu.memory_space<vmem>>, vector<1x256xf32>
    %add3A_21 = vector.broadcast %get3A_20 : vector<1x256xf32> to vector<10000x256xf32>
    %add3A_22 = arith.addf %concatenate3A, %add3A_21 : vector<10000x256xf32>
    %max3A = arith.constant 0.000000e+00 : f32
    %max3A_23 = vector.broadcast %max3A : f32 to vector<10000x256xf32>
    %max3A_24 = arith.maximumf %add3A_22, %max3A_23 : vector<10000x256xf32>
    %swap3A = arith.constant 0 : index
    %swap3A_25 = arith.constant 0 : index
    %swap3A_26 = vector.load %arg10[%swap3A, %swap3A_25] : memref<10240x256xf32, #tpu.memory_space<vmem>>, vector<10000x256xf32>
    tpu.vector_store %arg10[%swap3A, %swap3A_25], %max3A_24 {strides = array<i32>} : memref<10240x256xf32, #tpu.memory_space<vmem>>, vector<10000x256xf32>,
    %broadcast_in_dim3A = arith.constant 0.000000e+00 : f32
    %broadcast_in_dim3A_27 = vector.broadcast %broadcast_in_dim3A : f32 to vector<240x256xf32>
    %swap3A_28 = arith.constant 10000 : index
    %swap3A_29 = arith.constant 0 : index
    %swap3A_30 = vector.load %arg10[%swap3A_28, %swap3A_29] : memref<10240x256xf32, #tpu.memory_space<vmem>>, vector<240x256xf32>
    tpu.vector_store %arg10[%swap3A_28, %swap3A_29], %broadcast_in_dim3A_27 {strides = array<i32>} : memref<10240x256xf32, #tpu.memory_space<vmem>>, vector<240x256xf32>,
    %get3A_31 = arith.constant 0 : index
    %get3A_32 = memref.load %arg8[%get3A_31] : memref<17xi32, #tpu.memory_space<smem>>
    %get3A_33 = arith.constant 1 : index
    %get3A_34 = memref.load %arg8[%get3A_33] : memref<17xi32, #tpu.memory_space<smem>>
    %jit3A = arith.constant 8 : i32
    %div3A = arith.divsi %get3A_32, %jit3A : i32
    %sign3A = arith.constant 0 : i32
    %sign3A_35 = arith.cmpi sgt, %get3A_32, %sign3A : i32
    %sign3A_36 = arith.extui %sign3A_35 : i1 to i32
    %sign3A_37 = arith.constant 0 : i32
    %sign3A_38 = arith.cmpi slt, %get3A_32, %sign3A_37 : i32
    %sign3A_39 = arith.extui %sign3A_38 : i1 to i32
    %sign3A_40 = arith.subi %sign3A_36, %sign3A_39 : i32
    %sign3A_41 = arith.constant 0 : i32
    %sign3A_42 = arith.cmpi sgt, %jit3A, %sign3A_41 : i32
    %sign3A_43 = arith.extui %sign3A_42 : i1 to i32
    %sign3A_44 = arith.constant 0 : i32
    %sign3A_45 = arith.cmpi slt, %jit3A, %sign3A_44 : i32
    %sign3A_46 = arith.extui %sign3A_45 : i1 to i32
    %sign3A_47 = arith.subi %sign3A_43, %sign3A_46 : i32
    %ne3A = arith.cmpi ne, %sign3A_40, %sign3A_47 : i32
    %rem3A = arith.remsi %get3A_32, %jit3A : i32
    %ne3A_48 = arith.constant 0 : i32
    %ne3A_49 = arith.cmpi ne, %rem3A, %ne3A_48 : i32
    %and3A = arith.andi %ne3A, %ne3A_49 : i1
    %sub3A = arith.constant 1 : i32
    %sub3A_50 = arith.subi %div3A, %sub3A : i32
    %select_n3A = arith.select %and3A, %sub3A_50, %div3A : i32
    %mul3A_51 = arith.constant 8 : i32
    %mul3A_52 = arith.muli %select_n3A, %mul3A_51 : i32
    %sub3A_53 = arith.subi %get3A_34, %mul3A_52 : i32
    %add3A_54 = arith.constant 7 : i32
    %add3A_55 = arith.addi %sub3A_53, %add3A_54 : i32
    %jit3A_56 = arith.constant 8 : i32
    %div3A_57 = arith.divsi %add3A_55, %jit3A_56 : i32
    %sign3A_58 = arith.constant 0 : i32
    %sign3A_59 = arith.cmpi sgt, %add3A_55, %sign3A_58 : i32
    %sign3A_60 = arith.extui %sign3A_59 : i1 to i32
    %sign3A_61 = arith.constant 0 : i32
    %sign3A_62 = arith.cmpi slt, %add3A_55, %sign3A_61 : i32
    %sign3A_63 = arith.extui %sign3A_62 : i1 to i32
    %sign3A_64 = arith.subi %sign3A_60, %sign3A_63 : i32
    %sign3A_65 = arith.constant 0 : i32
    %sign3A_66 = arith.cmpi sgt, %jit3A_56, %sign3A_65 : i32
    %sign3A_67 = arith.extui %sign3A_66 : i1 to i32
    %sign3A_68 = arith.constant 0 : i32
    %sign3A_69 = arith.cmpi slt, %jit3A_56, %sign3A_68 : i32
    %sign3A_70 = arith.extui %sign3A_69 : i1 to i32
    %sign3A_71 = arith.subi %sign3A_67, %sign3A_70 : i32
    %ne3A_72 = arith.cmpi ne, %sign3A_64, %sign3A_71 : i32
    %rem3A_73 = arith.remsi %add3A_55, %jit3A_56 : i32
    %ne3A_74 = arith.constant 0 : i32
    %ne3A_75 = arith.cmpi ne, %rem3A_73, %ne3A_74 : i32
    %and3A_76 = arith.andi %ne3A_72, %ne3A_75 : i1
    %sub3A_77 = arith.constant 1 : i32
    %sub3A_78 = arith.subi %div3A_57, %sub3A_77 : i32
    %select_n3A_79 = arith.select %and3A_76, %sub3A_78, %div3A_57 : i32
    %broadcast_in_dim3A_80 = arith.constant 0.000000e+00 : f32
    %broadcast_in_dim3A_81 = vector.broadcast %broadcast_in_dim3A_80 : f32 to vector<1x256xf32>
    %while3A = arith.constant 0 : i32
    %while3A_82 = arith.subi %select_n3A_79, %while3A : i32
    %while3A_83 = arith.addi %while3A, %while3A_82 : i32
    %while3A_84 = arith.constant 1 : i32
    %while3A_85 = arith.divsi %while3A_82, %while3A_84 : i32
    %while3A_86 = arith.muli %while3A_85, %while3A_84 : i32
    %while3A_87 = arith.addi %while3A, %while3A_86 : i32
    %while3A_88 = arith.constant 1 : i32
    %while3A_89 = scf.for %while3A_1250 = %while3A to %while3A_87 step %while3A_88 iter_args(%while3A_1251 = %broadcast_in_dim3A_81) -> (vector<1x256xf32>)  : i32 {
      %mul3A_1252 = arith.constant 8 : i32
      %mul3A_1253 = arith.muli %while3A_1250, %mul3A_1252 : i32
      %add3A_1254 = arith.addi %mul3A_52, %mul3A_1253 : i32
      %multiple_of3A = tpu.assume_multiple %add3A_1254, 8 : i32
      %get3A_1255 = arith.index_cast %multiple_of3A : i32 to index
      %get3A_1256 = arith.constant 0 : index
      %get3A_1257 = vector.load %arg10[%get3A_1255, %get3A_1256] : memref<10240x256xf32, #tpu.memory_space<vmem>>, vector<8x256xf32>
      %iota3A = tpu.iota {dimensions = array<i32: 0>} : vector<8x256xi32>
      %add3A_1258 = vector.broadcast %multiple_of3A : i32 to vector<8x256xi32>
      %add3A_1259 = arith.addi %add3A_1258, %iota3A : vector<8x256xi32>
      %ge3A = vector.broadcast %get3A_32 : i32 to vector<8x256xi32>
      %ge3A_1260 = arith.cmpi sge, %add3A_1259, %ge3A : vector<8x256xi32>
      %lt3A = vector.broadcast %get3A_34 : i32 to vector<8x256xi32>
      %lt3A_1261 = arith.cmpi slt, %add3A_1259, %lt3A : vector<8x256xi32>
      %and3A_1262 = arith.andi %ge3A_1260, %lt3A_1261 : vector<8x256xi1>
      %jit3A_1263 = arith.constant 0.000000e+00 : f32
      %broadcast_in_dim3A_1264 = vector.broadcast %jit3A_1263 : f32 to vector<8x256xf32>
      %select_n3A_1265 = arith.select %and3A_1262, %get3A_1257, %broadcast_in_dim3A_1264 : vector<8x256xi1>, vector<8x256xf32>
      %reduce_sum3A = arith.constant dense<0.000000e+00> : vector<256xf32>
      %reduce_sum3A_1266 = vector.multi_reduction <add>, %select_n3A_1265, %reduce_sum3A [0] : vector<8x256xf32> to vector<256xf32>
      %broadcast_in_dim3A_1267 = vector.shape_cast %reduce_sum3A_1266 : vector<256xf32> to vector<1x256xf32>
      %add3A_1268 = arith.addf %while3A_1251, %broadcast_in_dim3A_1267 : vector<1x256xf32>
      scf.yield %add3A_1268 : vector<1x256xf32>
    }
    %while3A_90 = arith.constant 1 : i32
    %while3A_91 = scf.for %while3A_1250 = %while3A_87 to %while3A_83 step %while3A_90 iter_args(%while3A_1251 = %while3A_89) -> (vector<1x256xf32>)  : i32 {
      %mul3A_1252 = arith.constant 8 : i32
      %mul3A_1253 = arith.muli %while3A_1250, %mul3A_1252 : i32
      %add3A_1254 = arith.addi %mul3A_52, %mul3A_1253 : i32
      %multiple_of3A = tpu.assume_multiple %add3A_1254, 8 : i32
      %get3A_1255 = arith.index_cast %multiple_of3A : i32 to index
      %get3A_1256 = arith.constant 0 : index
      %get3A_1257 = vector.load %arg10[%get3A_1255, %get3A_1256] : memref<10240x256xf32, #tpu.memory_space<vmem>>, vector<8x256xf32>
      %iota3A = tpu.iota {dimensions = array<i32: 0>} : vector<8x256xi32>
      %add3A_1258 = vector.broadcast %multiple_of3A : i32 to vector<8x256xi32>
      %add3A_1259 = arith.addi %add3A_1258, %iota3A : vector<8x256xi32>
      %ge3A = vector.broadcast %get3A_32 : i32 to vector<8x256xi32>
      %ge3A_1260 = arith.cmpi sge, %add3A_1259, %ge3A : vector<8x256xi32>
      %lt3A = vector.broadcast %get3A_34 : i32 to vector<8x256xi32>
      %lt3A_1261 = arith.cmpi slt, %add3A_1259, %lt3A : vector<8x256xi32>
      %and3A_1262 = arith.andi %ge3A_1260, %lt3A_1261 : vector<8x256xi1>
      %jit3A_1263 = arith.constant 0.000000e+00 : f32
      %broadcast_in_dim3A_1264 = vector.broadcast %jit3A_1263 : f32 to vector<8x256xf32>
      %select_n3A_1265 = arith.select %and3A_1262, %get3A_1257, %broadcast_in_dim3A_1264 : vector<8x256xi1>, vector<8x256xf32>
      %reduce_sum3A = arith.constant dense<0.000000e+00> : vector<256xf32>
      %reduce_sum3A_1266 = vector.multi_reduction <add>, %select_n3A_1265, %reduce_sum3A [0] : vector<8x256xf32> to vector<256xf32>
      %broadcast_in_dim3A_1267 = vector.shape_cast %reduce_sum3A_1266 : vector<256xf32> to vector<1x256xf32>
      %add3A_1268 = arith.addf %while3A_1251, %broadcast_in_dim3A_1267 : vector<1x256xf32>
      scf.yield %add3A_1268 : vector<1x256xf32>
    }
    %sub3A_92 = arith.subi %get3A_34, %get3A_32 : i32
    %convert_element_type3A = arith.sitofp %sub3A_92 : i32 to f32
    %max3A_93 = arith.constant 1.000000e+00 : f32
    %max3A_94 = arith.maximumf %convert_element_type3A, %max3A_93 : f32
    %div3A_95 = vector.broadcast %max3A_94 : f32 to vector<1x256xf32>
    %div3A_96 = arith.divf %while3A_91, %div3A_95 : vector<1x256xf32>
    %get3A_97 = arith.constant 1 : index
    %get3A_98 = memref.load %arg8[%get3A_97] : memref<17xi32, #tpu.memory_space<smem>>
    %get3A_99 = arith.constant 2 : index
    %get3A_100 = memref.load %arg8[%get3A_99] : memref<17xi32, #tpu.memory_space<smem>>
    %jit3A_101 = arith.constant 8 : i32
    %div3A_102 = arith.divsi %get3A_98, %jit3A_101 : i32
    %sign3A_103 = arith.constant 0 : i32
    %sign3A_104 = arith.cmpi sgt, %get3A_98, %sign3A_103 : i32
    %sign3A_105 = arith.extui %sign3A_104 : i1 to i32
    %sign3A_106 = arith.constant 0 : i32
    %sign3A_107 = arith.cmpi slt, %get3A_98, %sign3A_106 : i32
    %sign3A_108 = arith.extui %sign3A_107 : i1 to i32
    %sign3A_109 = arith.subi %sign3A_105, %sign3A_108 : i32
    %sign3A_110 = arith.constant 0 : i32
    %sign3A_111 = arith.cmpi sgt, %jit3A_101, %sign3A_110 : i32
    %sign3A_112 = arith.extui %sign3A_111 : i1 to i32
    %sign3A_113 = arith.constant 0 : i32
    %sign3A_114 = arith.cmpi slt, %jit3A_101, %sign3A_113 : i32
    %sign3A_115 = arith.extui %sign3A_114 : i1 to i32
    %sign3A_116 = arith.subi %sign3A_112, %sign3A_115 : i32
    %ne3A_117 = arith.cmpi ne, %sign3A_109, %sign3A_116 : i32
    %rem3A_118 = arith.remsi %get3A_98, %jit3A_101 : i32
    %ne3A_119 = arith.constant 0 : i32
    %ne3A_120 = arith.cmpi ne, %rem3A_118, %ne3A_119 : i32
    %and3A_121 = arith.andi %ne3A_117, %ne3A_120 : i1
    %sub3A_122 = arith.constant 1 : i32
    %sub3A_123 = arith.subi %div3A_102, %sub3A_122 : i32
    %select_n3A_124 = arith.select %and3A_121, %sub3A_123, %div3A_102 : i32
    %mul3A_125 = arith.constant 8 : i32
    %mul3A_126 = arith.muli %select_n3A_124, %mul3A_125 : i32
    %sub3A_127 = arith.subi %get3A_100, %mul3A_126 : i32
    %add3A_128 = arith.constant 7 : i32
    %add3A_129 = arith.addi %sub3A_127, %add3A_128 : i32
    %jit3A_130 = arith.constant 8 : i32
    %div3A_131 = arith.divsi %add3A_129, %jit3A_130 : i32
    %sign3A_132 = arith.constant 0 : i32
    %sign3A_133 = arith.cmpi sgt, %add3A_129, %sign3A_132 : i32
    %sign3A_134 = arith.extui %sign3A_133 : i1 to i32
    %sign3A_135 = arith.constant 0 : i32
    %sign3A_136 = arith.cmpi slt, %add3A_129, %sign3A_135 : i32
    %sign3A_137 = arith.extui %sign3A_136 : i1 to i32
    %sign3A_138 = arith.subi %sign3A_134, %sign3A_137 : i32
    %sign3A_139 = arith.constant 0 : i32
    %sign3A_140 = arith.cmpi sgt, %jit3A_130, %sign3A_139 : i32
    %sign3A_141 = arith.extui %sign3A_140 : i1 to i32
    %sign3A_142 = arith.constant 0 : i32
    %sign3A_143 = arith.cmpi slt, %jit3A_130, %sign3A_142 : i32
    %sign3A_144 = arith.extui %sign3A_143 : i1 to i32
    %sign3A_145 = arith.subi %sign3A_141, %sign3A_144 : i32
    %ne3A_146 = arith.cmpi ne, %sign3A_138, %sign3A_145 : i32
    %rem3A_147 = arith.remsi %add3A_129, %jit3A_130 : i32
    %ne3A_148 = arith.constant 0 : i32
    %ne3A_149 = arith.cmpi ne, %rem3A_147, %ne3A_148 : i32
    %and3A_150 = arith.andi %ne3A_146, %ne3A_149 : i1
    %sub3A_151 = arith.constant 1 : i32
    %sub3A_152 = arith.subi %div3A_131, %sub3A_151 : i32
    %select_n3A_153 = arith.select %and3A_150, %sub3A_152, %div3A_131 : i32
    %broadcast_in_dim3A_154 = arith.constant 0.000000e+00 : f32
    %broadcast_in_dim3A_155 = vector.broadcast %broadcast_in_dim3A_154 : f32 to vector<1x256xf32>
    %while3A_156 = arith.constant 0 : i32
    %while3A_157 = arith.subi %select_n3A_153, %while3A_156 : i32
    %while3A_158 = arith.addi %while3A_156, %while3A_157 : i32
    %while3A_159 = arith.constant 1 : i32
    %while3A_160 = arith.divsi %while3A_157, %while3A_159 : i32
    %while3A_161 = arith.muli %while3A_160, %while3A_159 : i32
    %while3A_162 = arith.addi %while3A_156, %while3A_161 : i32
    %while3A_163 = arith.constant 1 : i32
    %while3A_164 = scf.for %while3A_1250 = %while3A_156 to %while3A_162 step %while3A_163 iter_args(%while3A_1251 = %broadcast_in_dim3A_155) -> (vector<1x256xf32>)  : i32 {
      %mul3A_1252 = arith.constant 8 : i32
      %mul3A_1253 = arith.muli %while3A_1250, %mul3A_1252 : i32
      %add3A_1254 = arith.addi %mul3A_126, %mul3A_1253 : i32
      %multiple_of3A = tpu.assume_multiple %add3A_1254, 8 : i32
      %get3A_1255 = arith.index_cast %multiple_of3A : i32 to index
      %get3A_1256 = arith.constant 0 : index
      %get3A_1257 = vector.load %arg10[%get3A_1255, %get3A_1256] : memref<10240x256xf32, #tpu.memory_space<vmem>>, vector<8x256xf32>
      %iota3A = tpu.iota {dimensions = array<i32: 0>} : vector<8x256xi32>
      %add3A_1258 = vector.broadcast %multiple_of3A : i32 to vector<8x256xi32>
      %add3A_1259 = arith.addi %add3A_1258, %iota3A : vector<8x256xi32>
      %ge3A = vector.broadcast %get3A_98 : i32 to vector<8x256xi32>
      %ge3A_1260 = arith.cmpi sge, %add3A_1259, %ge3A : vector<8x256xi32>
      %lt3A = vector.broadcast %get3A_100 : i32 to vector<8x256xi32>
      %lt3A_1261 = arith.cmpi slt, %add3A_1259, %lt3A : vector<8x256xi32>
      %and3A_1262 = arith.andi %ge3A_1260, %lt3A_1261 : vector<8x256xi1>
      %jit3A_1263 = arith.constant 0.000000e+00 : f32
      %broadcast_in_dim3A_1264 = vector.broadcast %jit3A_1263 : f32 to vector<8x256xf32>
      %select_n3A_1265 = arith.select %and3A_1262, %get3A_1257, %broadcast_in_dim3A_1264 : vector<8x256xi1>, vector<8x256xf32>
      %reduce_sum3A = arith.constant dense<0.000000e+00> : vector<256xf32>
      %reduce_sum3A_1266 = vector.multi_reduction <add>, %select_n3A_1265, %reduce_sum3A [0] : vector<8x256xf32> to vector<256xf32>
      %broadcast_in_dim3A_1267 = vector.shape_cast %reduce_sum3A_1266 : vector<256xf32> to vector<1x256xf32>
      %add3A_1268 = arith.addf %while3A_1251, %broadcast_in_dim3A_1267 : vector<1x256xf32>
      scf.yield %add3A_1268 : vector<1x256xf32>
    }
    %while3A_165 = arith.constant 1 : i32
    %while3A_166 = scf.for %while3A_1250 = %while3A_162 to %while3A_158 step %while3A_165 iter_args(%while3A_1251 = %while3A_164) -> (vector<1x256xf32>)  : i32 {
      %mul3A_1252 = arith.constant 8 : i32
      %mul3A_1253 = arith.muli %while3A_1250, %mul3A_1252 : i32
      %add3A_1254 = arith.addi %mul3A_126, %mul3A_1253 : i32
      %multiple_of3A = tpu.assume_multiple %add3A_1254, 8 : i32
      %get3A_1255 = arith.index_cast %multiple_of3A : i32 to index
      %get3A_1256 = arith.constant 0 : index
      %get3A_1257 = vector.load %arg10[%get3A_1255, %get3A_1256] : memref<10240x256xf32, #tpu.memory_space<vmem>>, vector<8x256xf32>
      %iota3A = tpu.iota {dimensions = array<i32: 0>} : vector<8x256xi32>
      %add3A_1258 = vector.broadcast %multiple_of3A : i32 to vector<8x256xi32>
      %add3A_1259 = arith.addi %add3A_1258, %iota3A : vector<8x256xi32>
      %ge3A = vector.broadcast %get3A_98 : i32 to vector<8x256xi32>
      %ge3A_1260 = arith.cmpi sge, %add3A_1259, %ge3A : vector<8x256xi32>
      %lt3A = vector.broadcast %get3A_100 : i32 to vector<8x256xi32>
      %lt3A_1261 = arith.cmpi slt, %add3A_1259, %lt3A : vector<8x256xi32>
      %and3A_1262 = arith.andi %ge3A_1260, %lt3A_1261 : vector<8x256xi1>
      %jit3A_1263 = arith.constant 0.000000e+00 : f32
      %broadcast_in_dim3A_1264 = vector.broadcast %jit3A_1263 : f32 to vector<8x256xf32>
      %select_n3A_1265 = arith.select %and3A_1262, %get3A_1257, %broadcast_in_dim3A_1264 : vector<8x256xi1>, vector<8x256xf32>
      %reduce_sum3A = arith.constant dense<0.000000e+00> : vector<256xf32>
      %reduce_sum3A_1266 = vector.multi_reduction <add>, %select_n3A_1265, %reduce_sum3A [0] : vector<8x256xf32> to vector<256xf32>
      %broadcast_in_dim3A_1267 = vector.shape_cast %reduce_sum3A_1266 : vector<256xf32> to vector<1x256xf32>
      %add3A_1268 = arith.addf %while3A_1251, %broadcast_in_dim3A_1267 : vector<1x256xf32>
      scf.yield %add3A_1268 : vector<1x256xf32>
    }
    %sub3A_167 = arith.subi %get3A_100, %get3A_98 : i32
    %convert_element_type3A_168 = arith.sitofp %sub3A_167 : i32 to f32
    %max3A_169 = arith.constant 1.000000e+00 : f32
    %max3A_170 = arith.maximumf %convert_element_type3A_168, %max3A_169 : f32
    %div3A_171 = vector.broadcast %max3A_170 : f32 to vector<1x256xf32>
    %div3A_172 = arith.divf %while3A_166, %div3A_171 : vector<1x256xf32>
    %get3A_173 = arith.constant 2 : index
    %get3A_174 = memref.load %arg8[%get3A_173] : memref<17xi32, #tpu.memory_space<smem>>
    %get3A_175 = arith.constant 3 : index
    %get3A_176 = memref.load %arg8[%get3A_175] : memref<17xi32, #tpu.memory_space<smem>>
    %jit3A_177 = arith.constant 8 : i32
    %div3A_178 = arith.divsi %get3A_174, %jit3A_177 : i32
    %sign3A_179 = arith.constant 0 : i32
    %sign3A_180 = arith.cmpi sgt, %get3A_174, %sign3A_179 : i32
    %sign3A_181 = arith.extui %sign3A_180 : i1 to i32
    %sign3A_182 = arith.constant 0 : i32
    %sign3A_183 = arith.cmpi slt, %get3A_174, %sign3A_182 : i32
    %sign3A_184 = arith.extui %sign3A_183 : i1 to i32
    %sign3A_185 = arith.subi %sign3A_181, %sign3A_184 : i32
    %sign3A_186 = arith.constant 0 : i32
    %sign3A_187 = arith.cmpi sgt, %jit3A_177, %sign3A_186 : i32
    %sign3A_188 = arith.extui %sign3A_187 : i1 to i32
    %sign3A_189 = arith.constant 0 : i32
    %sign3A_190 = arith.cmpi slt, %jit3A_177, %sign3A_189 : i32
    %sign3A_191 = arith.extui %sign3A_190 : i1 to i32
    %sign3A_192 = arith.subi %sign3A_188, %sign3A_191 : i32
    %ne3A_193 = arith.cmpi ne, %sign3A_185, %sign3A_192 : i32
    %rem3A_194 = arith.remsi %get3A_174, %jit3A_177 : i32
    %ne3A_195 = arith.constant 0 : i32
    %ne3A_196 = arith.cmpi ne, %rem3A_194, %ne3A_195 : i32
    %and3A_197 = arith.andi %ne3A_193, %ne3A_196 : i1
    %sub3A_198 = arith.constant 1 : i32
    %sub3A_199 = arith.subi %div3A_178, %sub3A_198 : i32
    %select_n3A_200 = arith.select %and3A_197, %sub3A_199, %div3A_178 : i32
    %mul3A_201 = arith.constant 8 : i32
    %mul3A_202 = arith.muli %select_n3A_200, %mul3A_201 : i32
    %sub3A_203 = arith.subi %get3A_176, %mul3A_202 : i32
    %add3A_204 = arith.constant 7 : i32
    %add3A_205 = arith.addi %sub3A_203, %add3A_204 : i32
    %jit3A_206 = arith.constant 8 : i32
    %div3A_207 = arith.divsi %add3A_205, %jit3A_206 : i32
    %sign3A_208 = arith.constant 0 : i32
    %sign3A_209 = arith.cmpi sgt, %add3A_205, %sign3A_208 : i32
    %sign3A_210 = arith.extui %sign3A_209 : i1 to i32
    %sign3A_211 = arith.constant 0 : i32
    %sign3A_212 = arith.cmpi slt, %add3A_205, %sign3A_211 : i32
    %sign3A_213 = arith.extui %sign3A_212 : i1 to i32
    %sign3A_214 = arith.subi %sign3A_210, %sign3A_213 : i32
    %sign3A_215 = arith.constant 0 : i32
    %sign3A_216 = arith.cmpi sgt, %jit3A_206, %sign3A_215 : i32
    %sign3A_217 = arith.extui %sign3A_216 : i1 to i32
    %sign3A_218 = arith.constant 0 : i32
    %sign3A_219 = arith.cmpi slt, %jit3A_206, %sign3A_218 : i32
    %sign3A_220 = arith.extui %sign3A_219 : i1 to i32
    %sign3A_221 = arith.subi %sign3A_217, %sign3A_220 : i32
    %ne3A_222 = arith.cmpi ne, %sign3A_214, %sign3A_221 : i32
    %rem3A_223 = arith.remsi %add3A_205, %jit3A_206 : i32
    %ne3A_224 = arith.constant 0 : i32
    %ne3A_225 = arith.cmpi ne, %rem3A_223, %ne3A_224 : i32
    %and3A_226 = arith.andi %ne3A_222, %ne3A_225 : i1
    %sub3A_227 = arith.constant 1 : i32
    %sub3A_228 = arith.subi %div3A_207, %sub3A_227 : i32
    %select_n3A_229 = arith.select %and3A_226, %sub3A_228, %div3A_207 : i32
    %broadcast_in_dim3A_230 = arith.constant 0.000000e+00 : f32
    %broadcast_in_dim3A_231 = vector.broadcast %broadcast_in_dim3A_230 : f32 to vector<1x256xf32>
    %while3A_232 = arith.constant 0 : i32
    %while3A_233 = arith.subi %select_n3A_229, %while3A_232 : i32
    %while3A_234 = arith.addi %while3A_232, %while3A_233 : i32
    %while3A_235 = arith.constant 1 : i32
    %while3A_236 = arith.divsi %while3A_233, %while3A_235 : i32
    %while3A_237 = arith.muli %while3A_236, %while3A_235 : i32
    %while3A_238 = arith.addi %while3A_232, %while3A_237 : i32
    %while3A_239 = arith.constant 1 : i32
    %while3A_240 = scf.for %while3A_1250 = %while3A_232 to %while3A_238 step %while3A_239 iter_args(%while3A_1251 = %broadcast_in_dim3A_231) -> (vector<1x256xf32>)  : i32 {
      %mul3A_1252 = arith.constant 8 : i32
      %mul3A_1253 = arith.muli %while3A_1250, %mul3A_1252 : i32
      %add3A_1254 = arith.addi %mul3A_202, %mul3A_1253 : i32
      %multiple_of3A = tpu.assume_multiple %add3A_1254, 8 : i32
      %get3A_1255 = arith.index_cast %multiple_of3A : i32 to index
      %get3A_1256 = arith.constant 0 : index
      %get3A_1257 = vector.load %arg10[%get3A_1255, %get3A_1256] : memref<10240x256xf32, #tpu.memory_space<vmem>>, vector<8x256xf32>
      %iota3A = tpu.iota {dimensions = array<i32: 0>} : vector<8x256xi32>
      %add3A_1258 = vector.broadcast %multiple_of3A : i32 to vector<8x256xi32>
      %add3A_1259 = arith.addi %add3A_1258, %iota3A : vector<8x256xi32>
      %ge3A = vector.broadcast %get3A_174 : i32 to vector<8x256xi32>
      %ge3A_1260 = arith.cmpi sge, %add3A_1259, %ge3A : vector<8x256xi32>
      %lt3A = vector.broadcast %get3A_176 : i32 to vector<8x256xi32>
      %lt3A_1261 = arith.cmpi slt, %add3A_1259, %lt3A : vector<8x256xi32>
      %and3A_1262 = arith.andi %ge3A_1260, %lt3A_1261 : vector<8x256xi1>
      %jit3A_1263 = arith.constant 0.000000e+00 : f32
      %broadcast_in_dim3A_1264 = vector.broadcast %jit3A_1263 : f32 to vector<8x256xf32>
      %select_n3A_1265 = arith.select %and3A_1262, %get3A_1257, %broadcast_in_dim3A_1264 : vector<8x256xi1>, vector<8x256xf32>
      %reduce_sum3A = arith.constant dense<0.000000e+00> : vector<256xf32>
      %reduce_sum3A_1266 = vector.multi_reduction <add>, %select_n3A_1265, %reduce_sum3A [0] : vector<8x256xf32> to vector<256xf32>
      %broadcast_in_dim3A_1267 = vector.shape_cast %reduce_sum3A_1266 : vector<256xf32> to vector<1x256xf32>
      %add3A_1268 = arith.addf %while3A_1251, %broadcast_in_dim3A_1267 : vector<1x256xf32>
      scf.yield %add3A_1268 : vector<1x256xf32>
    }
    %while3A_241 = arith.constant 1 : i32
    %while3A_242 = scf.for %while3A_1250 = %while3A_238 to %while3A_234 step %while3A_241 iter_args(%while3A_1251 = %while3A_240) -> (vector<1x256xf32>)  : i32 {
      %mul3A_1252 = arith.constant 8 : i32
      %mul3A_1253 = arith.muli %while3A_1250, %mul3A_1252 : i32
      %add3A_1254 = arith.addi %mul3A_202, %mul3A_1253 : i32
      %multiple_of3A = tpu.assume_multiple %add3A_1254, 8 : i32
      %get3A_1255 = arith.index_cast %multiple_of3A : i32 to index
      %get3A_1256 = arith.constant 0 : index
      %get3A_1257 = vector.load %arg10[%get3A_1255, %get3A_1256] : memref<10240x256xf32, #tpu.memory_space<vmem>>, vector<8x256xf32>
      %iota3A = tpu.iota {dimensions = array<i32: 0>} : vector<8x256xi32>
      %add3A_1258 = vector.broadcast %multiple_of3A : i32 to vector<8x256xi32>
      %add3A_1259 = arith.addi %add3A_1258, %iota3A : vector<8x256xi32>
      %ge3A = vector.broadcast %get3A_174 : i32 to vector<8x256xi32>
      %ge3A_1260 = arith.cmpi sge, %add3A_1259, %ge3A : vector<8x256xi32>
      %lt3A = vector.broadcast %get3A_176 : i32 to vector<8x256xi32>
      %lt3A_1261 = arith.cmpi slt, %add3A_1259, %lt3A : vector<8x256xi32>
      %and3A_1262 = arith.andi %ge3A_1260, %lt3A_1261 : vector<8x256xi1>
      %jit3A_1263 = arith.constant 0.000000e+00 : f32
      %broadcast_in_dim3A_1264 = vector.broadcast %jit3A_1263 : f32 to vector<8x256xf32>
      %select_n3A_1265 = arith.select %and3A_1262, %get3A_1257, %broadcast_in_dim3A_1264 : vector<8x256xi1>, vector<8x256xf32>
      %reduce_sum3A = arith.constant dense<0.000000e+00> : vector<256xf32>
      %reduce_sum3A_1266 = vector.multi_reduction <add>, %select_n3A_1265, %reduce_sum3A [0] : vector<8x256xf32> to vector<256xf32>
      %broadcast_in_dim3A_1267 = vector.shape_cast %reduce_sum3A_1266 : vector<256xf32> to vector<1x256xf32>
      %add3A_1268 = arith.addf %while3A_1251, %broadcast_in_dim3A_1267 : vector<1x256xf32>
      scf.yield %add3A_1268 : vector<1x256xf32>
    }
    %sub3A_243 = arith.subi %get3A_176, %get3A_174 : i32
    %convert_element_type3A_244 = arith.sitofp %sub3A_243 : i32 to f32
    %max3A_245 = arith.constant 1.000000e+00 : f32
    %max3A_246 = arith.maximumf %convert_element_type3A_244, %max3A_245 : f32
    %div3A_247 = vector.broadcast %max3A_246 : f32 to vector<1x256xf32>
    %div3A_248 = arith.divf %while3A_242, %div3A_247 : vector<1x256xf32>
    %get3A_249 = arith.constant 3 : index
    %get3A_250 = memref.load %arg8[%get3A_249] : memref<17xi32, #tpu.memory_space<smem>>
    %get3A_251 = arith.constant 4 : index
    %get3A_252 = memref.load %arg8[%get3A_251] : memref<17xi32, #tpu.memory_space<smem>>
    %jit3A_253 = arith.constant 8 : i32
    %div3A_254 = arith.divsi %get3A_250, %jit3A_253 : i32
    %sign3A_255 = arith.constant 0 : i32
    %sign3A_256 = arith.cmpi sgt, %get3A_250, %sign3A_255 : i32
    %sign3A_257 = arith.extui %sign3A_256 : i1 to i32
    %sign3A_258 = arith.constant 0 : i32
    %sign3A_259 = arith.cmpi slt, %get3A_250, %sign3A_258 : i32
    %sign3A_260 = arith.extui %sign3A_259 : i1 to i32
    %sign3A_261 = arith.subi %sign3A_257, %sign3A_260 : i32
    %sign3A_262 = arith.constant 0 : i32
    %sign3A_263 = arith.cmpi sgt, %jit3A_253, %sign3A_262 : i32
    %sign3A_264 = arith.extui %sign3A_263 : i1 to i32
    %sign3A_265 = arith.constant 0 : i32
    %sign3A_266 = arith.cmpi slt, %jit3A_253, %sign3A_265 : i32
    %sign3A_267 = arith.extui %sign3A_266 : i1 to i32
    %sign3A_268 = arith.subi %sign3A_264, %sign3A_267 : i32
    %ne3A_269 = arith.cmpi ne, %sign3A_261, %sign3A_268 : i32
    %rem3A_270 = arith.remsi %get3A_250, %jit3A_253 : i32
    %ne3A_271 = arith.constant 0 : i32
    %ne3A_272 = arith.cmpi ne, %rem3A_270, %ne3A_271 : i32
    %and3A_273 = arith.andi %ne3A_269, %ne3A_272 : i1
    %sub3A_274 = arith.constant 1 : i32
    %sub3A_275 = arith.subi %div3A_254, %sub3A_274 : i32
    %select_n3A_276 = arith.select %and3A_273, %sub3A_275, %div3A_254 : i32
    %mul3A_277 = arith.constant 8 : i32
    %mul3A_278 = arith.muli %select_n3A_276, %mul3A_277 : i32
    %sub3A_279 = arith.subi %get3A_252, %mul3A_278 : i32
    %add3A_280 = arith.constant 7 : i32
    %add3A_281 = arith.addi %sub3A_279, %add3A_280 : i32
    %jit3A_282 = arith.constant 8 : i32
    %div3A_283 = arith.divsi %add3A_281, %jit3A_282 : i32
    %sign3A_284 = arith.constant 0 : i32
    %sign3A_285 = arith.cmpi sgt, %add3A_281, %sign3A_284 : i32
    %sign3A_286 = arith.extui %sign3A_285 : i1 to i32
    %sign3A_287 = arith.constant 0 : i32
    %sign3A_288 = arith.cmpi slt, %add3A_281, %sign3A_287 : i32
    %sign3A_289 = arith.extui %sign3A_288 : i1 to i32
    %sign3A_290 = arith.subi %sign3A_286, %sign3A_289 : i32
    %sign3A_291 = arith.constant 0 : i32
    %sign3A_292 = arith.cmpi sgt, %jit3A_282, %sign3A_291 : i32
    %sign3A_293 = arith.extui %sign3A_292 : i1 to i32
    %sign3A_294 = arith.constant 0 : i32
    %sign3A_295 = arith.cmpi slt, %jit3A_282, %sign3A_294 : i32
    %sign3A_296 = arith.extui %sign3A_295 : i1 to i32
    %sign3A_297 = arith.subi %sign3A_293, %sign3A_296 : i32
    %ne3A_298 = arith.cmpi ne, %sign3A_290, %sign3A_297 : i32
    %rem3A_299 = arith.remsi %add3A_281, %jit3A_282 : i32
    %ne3A_300 = arith.constant 0 : i32
    %ne3A_301 = arith.cmpi ne, %rem3A_299, %ne3A_300 : i32
    %and3A_302 = arith.andi %ne3A_298, %ne3A_301 : i1
    %sub3A_303 = arith.constant 1 : i32
    %sub3A_304 = arith.subi %div3A_283, %sub3A_303 : i32
    %select_n3A_305 = arith.select %and3A_302, %sub3A_304, %div3A_283 : i32
    %broadcast_in_dim3A_306 = arith.constant 0.000000e+00 : f32
    %broadcast_in_dim3A_307 = vector.broadcast %broadcast_in_dim3A_306 : f32 to vector<1x256xf32>
    %while3A_308 = arith.constant 0 : i32
    %while3A_309 = arith.subi %select_n3A_305, %while3A_308 : i32
    %while3A_310 = arith.addi %while3A_308, %while3A_309 : i32
    %while3A_311 = arith.constant 1 : i32
    %while3A_312 = arith.divsi %while3A_309, %while3A_311 : i32
    %while3A_313 = arith.muli %while3A_312, %while3A_311 : i32
    %while3A_314 = arith.addi %while3A_308, %while3A_313 : i32
    %while3A_315 = arith.constant 1 : i32
    %while3A_316 = scf.for %while3A_1250 = %while3A_308 to %while3A_314 step %while3A_315 iter_args(%while3A_1251 = %broadcast_in_dim3A_307) -> (vector<1x256xf32>)  : i32 {
      %mul3A_1252 = arith.constant 8 : i32
      %mul3A_1253 = arith.muli %while3A_1250, %mul3A_1252 : i32
      %add3A_1254 = arith.addi %mul3A_278, %mul3A_1253 : i32
      %multiple_of3A = tpu.assume_multiple %add3A_1254, 8 : i32
      %get3A_1255 = arith.index_cast %multiple_of3A : i32 to index
      %get3A_1256 = arith.constant 0 : index
      %get3A_1257 = vector.load %arg10[%get3A_1255, %get3A_1256] : memref<10240x256xf32, #tpu.memory_space<vmem>>, vector<8x256xf32>
      %iota3A = tpu.iota {dimensions = array<i32: 0>} : vector<8x256xi32>
      %add3A_1258 = vector.broadcast %multiple_of3A : i32 to vector<8x256xi32>
      %add3A_1259 = arith.addi %add3A_1258, %iota3A : vector<8x256xi32>
      %ge3A = vector.broadcast %get3A_250 : i32 to vector<8x256xi32>
      %ge3A_1260 = arith.cmpi sge, %add3A_1259, %ge3A : vector<8x256xi32>
      %lt3A = vector.broadcast %get3A_252 : i32 to vector<8x256xi32>
      %lt3A_1261 = arith.cmpi slt, %add3A_1259, %lt3A : vector<8x256xi32>
      %and3A_1262 = arith.andi %ge3A_1260, %lt3A_1261 : vector<8x256xi1>
      %jit3A_1263 = arith.constant 0.000000e+00 : f32
      %broadcast_in_dim3A_1264 = vector.broadcast %jit3A_1263 : f32 to vector<8x256xf32>
      %select_n3A_1265 = arith.select %and3A_1262, %get3A_1257, %broadcast_in_dim3A_1264 : vector<8x256xi1>, vector<8x256xf32>
      %reduce_sum3A = arith.constant dense<0.000000e+00> : vector<256xf32>
      %reduce_sum3A_1266 = vector.multi_reduction <add>, %select_n3A_1265, %reduce_sum3A [0] : vector<8x256xf32> to vector<256xf32>
      %broadcast_in_dim3A_1267 = vector.shape_cast %reduce_sum3A_1266 : vector<256xf32> to vector<1x256xf32>
      %add3A_1268 = arith.addf %while3A_1251, %broadcast_in_dim3A_1267 : vector<1x256xf32>
      scf.yield %add3A_1268 : vector<1x256xf32>
    }
    %while3A_317 = arith.constant 1 : i32
    %while3A_318 = scf.for %while3A_1250 = %while3A_314 to %while3A_310 step %while3A_317 iter_args(%while3A_1251 = %while3A_316) -> (vector<1x256xf32>)  : i32 {
      %mul3A_1252 = arith.constant 8 : i32
      %mul3A_1253 = arith.muli %while3A_1250, %mul3A_1252 : i32
      %add3A_1254 = arith.addi %mul3A_278, %mul3A_1253 : i32
      %multiple_of3A = tpu.assume_multiple %add3A_1254, 8 : i32
      %get3A_1255 = arith.index_cast %multiple_of3A : i32 to index
      %get3A_1256 = arith.constant 0 : index
      %get3A_1257 = vector.load %arg10[%get3A_1255, %get3A_1256] : memref<10240x256xf32, #tpu.memory_space<vmem>>, vector<8x256xf32>
      %iota3A = tpu.iota {dimensions = array<i32: 0>} : vector<8x256xi32>
      %add3A_1258 = vector.broadcast %multiple_of3A : i32 to vector<8x256xi32>
      %add3A_1259 = arith.addi %add3A_1258, %iota3A : vector<8x256xi32>
      %ge3A = vector.broadcast %get3A_250 : i32 to vector<8x256xi32>
      %ge3A_1260 = arith.cmpi sge, %add3A_1259, %ge3A : vector<8x256xi32>
      %lt3A = vector.broadcast %get3A_252 : i32 to vector<8x256xi32>
      %lt3A_1261 = arith.cmpi slt, %add3A_1259, %lt3A : vector<8x256xi32>
      %and3A_1262 = arith.andi %ge3A_1260, %lt3A_1261 : vector<8x256xi1>
      %jit3A_1263 = arith.constant 0.000000e+00 : f32
      %broadcast_in_dim3A_1264 = vector.broadcast %jit3A_1263 : f32 to vector<8x256xf32>
      %select_n3A_1265 = arith.select %and3A_1262, %get3A_1257, %broadcast_in_dim3A_1264 : vector<8x256xi1>, vector<8x256xf32>
      %reduce_sum3A = arith.constant dense<0.000000e+00> : vector<256xf32>
      %reduce_sum3A_1266 = vector.multi_reduction <add>, %select_n3A_1265, %reduce_sum3A [0] : vector<8x256xf32> to vector<256xf32>
      %broadcast_in_dim3A_1267 = vector.shape_cast %reduce_sum3A_1266 : vector<256xf32> to vector<1x256xf32>
      %add3A_1268 = arith.addf %while3A_1251, %broadcast_in_dim3A_1267 : vector<1x256xf32>
      scf.yield %add3A_1268 : vector<1x256xf32>
    }
    %sub3A_319 = arith.subi %get3A_252, %get3A_250 : i32
    %convert_element_type3A_320 = arith.sitofp %sub3A_319 : i32 to f32
    %max3A_321 = arith.constant 1.000000e+00 : f32
    %max3A_322 = arith.maximumf %convert_element_type3A_320, %max3A_321 : f32
    %div3A_323 = vector.broadcast %max3A_322 : f32 to vector<1x256xf32>
    %div3A_324 = arith.divf %while3A_318, %div3A_323 : vector<1x256xf32>
    %get3A_325 = arith.constant 4 : index
    %get3A_326 = memref.load %arg8[%get3A_325] : memref<17xi32, #tpu.memory_space<smem>>
    %get3A_327 = arith.constant 5 : index
    %get3A_328 = memref.load %arg8[%get3A_327] : memref<17xi32, #tpu.memory_space<smem>>
    %jit3A_329 = arith.constant 8 : i32
    %div3A_330 = arith.divsi %get3A_326, %jit3A_329 : i32
    %sign3A_331 = arith.constant 0 : i32
    %sign3A_332 = arith.cmpi sgt, %get3A_326, %sign3A_331 : i32
    %sign3A_333 = arith.extui %sign3A_332 : i1 to i32
    %sign3A_334 = arith.constant 0 : i32
    %sign3A_335 = arith.cmpi slt, %get3A_326, %sign3A_334 : i32
    %sign3A_336 = arith.extui %sign3A_335 : i1 to i32
    %sign3A_337 = arith.subi %sign3A_333, %sign3A_336 : i32
    %sign3A_338 = arith.constant 0 : i32
    %sign3A_339 = arith.cmpi sgt, %jit3A_329, %sign3A_338 : i32
    %sign3A_340 = arith.extui %sign3A_339 : i1 to i32
    %sign3A_341 = arith.constant 0 : i32
    %sign3A_342 = arith.cmpi slt, %jit3A_329, %sign3A_341 : i32
    %sign3A_343 = arith.extui %sign3A_342 : i1 to i32
    %sign3A_344 = arith.subi %sign3A_340, %sign3A_343 : i32
    %ne3A_345 = arith.cmpi ne, %sign3A_337, %sign3A_344 : i32
    %rem3A_346 = arith.remsi %get3A_326, %jit3A_329 : i32
    %ne3A_347 = arith.constant 0 : i32
    %ne3A_348 = arith.cmpi ne, %rem3A_346, %ne3A_347 : i32
    %and3A_349 = arith.andi %ne3A_345, %ne3A_348 : i1
    %sub3A_350 = arith.constant 1 : i32
    %sub3A_351 = arith.subi %div3A_330, %sub3A_350 : i32
    %select_n3A_352 = arith.select %and3A_349, %sub3A_351, %div3A_330 : i32
    %mul3A_353 = arith.constant 8 : i32
    %mul3A_354 = arith.muli %select_n3A_352, %mul3A_353 : i32
    %sub3A_355 = arith.subi %get3A_328, %mul3A_354 : i32
    %add3A_356 = arith.constant 7 : i32
    %add3A_357 = arith.addi %sub3A_355, %add3A_356 : i32
    %jit3A_358 = arith.constant 8 : i32
    %div3A_359 = arith.divsi %add3A_357, %jit3A_358 : i32
    %sign3A_360 = arith.constant 0 : i32
    %sign3A_361 = arith.cmpi sgt, %add3A_357, %sign3A_360 : i32
    %sign3A_362 = arith.extui %sign3A_361 : i1 to i32
    %sign3A_363 = arith.constant 0 : i32
    %sign3A_364 = arith.cmpi slt, %add3A_357, %sign3A_363 : i32
    %sign3A_365 = arith.extui %sign3A_364 : i1 to i32
    %sign3A_366 = arith.subi %sign3A_362, %sign3A_365 : i32
    %sign3A_367 = arith.constant 0 : i32
    %sign3A_368 = arith.cmpi sgt, %jit3A_358, %sign3A_367 : i32
    %sign3A_369 = arith.extui %sign3A_368 : i1 to i32
    %sign3A_370 = arith.constant 0 : i32
    %sign3A_371 = arith.cmpi slt, %jit3A_358, %sign3A_370 : i32
    %sign3A_372 = arith.extui %sign3A_371 : i1 to i32
    %sign3A_373 = arith.subi %sign3A_369, %sign3A_372 : i32
    %ne3A_374 = arith.cmpi ne, %sign3A_366, %sign3A_373 : i32
    %rem3A_375 = arith.remsi %add3A_357, %jit3A_358 : i32
    %ne3A_376 = arith.constant 0 : i32
    %ne3A_377 = arith.cmpi ne, %rem3A_375, %ne3A_376 : i32
    %and3A_378 = arith.andi %ne3A_374, %ne3A_377 : i1
    %sub3A_379 = arith.constant 1 : i32
    %sub3A_380 = arith.subi %div3A_359, %sub3A_379 : i32
    %select_n3A_381 = arith.select %and3A_378, %sub3A_380, %div3A_359 : i32
    %broadcast_in_dim3A_382 = arith.constant 0.000000e+00 : f32
    %broadcast_in_dim3A_383 = vector.broadcast %broadcast_in_dim3A_382 : f32 to vector<1x256xf32>
    %while3A_384 = arith.constant 0 : i32
    %while3A_385 = arith.subi %select_n3A_381, %while3A_384 : i32
    %while3A_386 = arith.addi %while3A_384, %while3A_385 : i32
    %while3A_387 = arith.constant 1 : i32
    %while3A_388 = arith.divsi %while3A_385, %while3A_387 : i32
    %while3A_389 = arith.muli %while3A_388, %while3A_387 : i32
    %while3A_390 = arith.addi %while3A_384, %while3A_389 : i32
    %while3A_391 = arith.constant 1 : i32
    %while3A_392 = scf.for %while3A_1250 = %while3A_384 to %while3A_390 step %while3A_391 iter_args(%while3A_1251 = %broadcast_in_dim3A_383) -> (vector<1x256xf32>)  : i32 {
      %mul3A_1252 = arith.constant 8 : i32
      %mul3A_1253 = arith.muli %while3A_1250, %mul3A_1252 : i32
      %add3A_1254 = arith.addi %mul3A_354, %mul3A_1253 : i32
      %multiple_of3A = tpu.assume_multiple %add3A_1254, 8 : i32
      %get3A_1255 = arith.index_cast %multiple_of3A : i32 to index
      %get3A_1256 = arith.constant 0 : index
      %get3A_1257 = vector.load %arg10[%get3A_1255, %get3A_1256] : memref<10240x256xf32, #tpu.memory_space<vmem>>, vector<8x256xf32>
      %iota3A = tpu.iota {dimensions = array<i32: 0>} : vector<8x256xi32>
      %add3A_1258 = vector.broadcast %multiple_of3A : i32 to vector<8x256xi32>
      %add3A_1259 = arith.addi %add3A_1258, %iota3A : vector<8x256xi32>
      %ge3A = vector.broadcast %get3A_326 : i32 to vector<8x256xi32>
      %ge3A_1260 = arith.cmpi sge, %add3A_1259, %ge3A : vector<8x256xi32>
      %lt3A = vector.broadcast %get3A_328 : i32 to vector<8x256xi32>
      %lt3A_1261 = arith.cmpi slt, %add3A_1259, %lt3A : vector<8x256xi32>
      %and3A_1262 = arith.andi %ge3A_1260, %lt3A_1261 : vector<8x256xi1>
      %jit3A_1263 = arith.constant 0.000000e+00 : f32
      %broadcast_in_dim3A_1264 = vector.broadcast %jit3A_1263 : f32 to vector<8x256xf32>
      %select_n3A_1265 = arith.select %and3A_1262, %get3A_1257, %broadcast_in_dim3A_1264 : vector<8x256xi1>, vector<8x256xf32>
      %reduce_sum3A = arith.constant dense<0.000000e+00> : vector<256xf32>
      %reduce_sum3A_1266 = vector.multi_reduction <add>, %select_n3A_1265, %reduce_sum3A [0] : vector<8x256xf32> to vector<256xf32>
      %broadcast_in_dim3A_1267 = vector.shape_cast %reduce_sum3A_1266 : vector<256xf32> to vector<1x256xf32>
      %add3A_1268 = arith.addf %while3A_1251, %broadcast_in_dim3A_1267 : vector<1x256xf32>
      scf.yield %add3A_1268 : vector<1x256xf32>
    }
    %while3A_393 = arith.constant 1 : i32
    %while3A_394 = scf.for %while3A_1250 = %while3A_390 to %while3A_386 step %while3A_393 iter_args(%while3A_1251 = %while3A_392) -> (vector<1x256xf32>)  : i32 {
      %mul3A_1252 = arith.constant 8 : i32
      %mul3A_1253 = arith.muli %while3A_1250, %mul3A_1252 : i32
      %add3A_1254 = arith.addi %mul3A_354, %mul3A_1253 : i32
      %multiple_of3A = tpu.assume_multiple %add3A_1254, 8 : i32
      %get3A_1255 = arith.index_cast %multiple_of3A : i32 to index
      %get3A_1256 = arith.constant 0 : index
      %get3A_1257 = vector.load %arg10[%get3A_1255, %get3A_1256] : memref<10240x256xf32, #tpu.memory_space<vmem>>, vector<8x256xf32>
      %iota3A = tpu.iota {dimensions = array<i32: 0>} : vector<8x256xi32>
      %add3A_1258 = vector.broadcast %multiple_of3A : i32 to vector<8x256xi32>
      %add3A_1259 = arith.addi %add3A_1258, %iota3A : vector<8x256xi32>
      %ge3A = vector.broadcast %get3A_326 : i32 to vector<8x256xi32>
      %ge3A_1260 = arith.cmpi sge, %add3A_1259, %ge3A : vector<8x256xi32>
      %lt3A = vector.broadcast %get3A_328 : i32 to vector<8x256xi32>
      %lt3A_1261 = arith.cmpi slt, %add3A_1259, %lt3A : vector<8x256xi32>
      %and3A_1262 = arith.andi %ge3A_1260, %lt3A_1261 : vector<8x256xi1>
      %jit3A_1263 = arith.constant 0.000000e+00 : f32
      %broadcast_in_dim3A_1264 = vector.broadcast %jit3A_1263 : f32 to vector<8x256xf32>
      %select_n3A_1265 = arith.select %and3A_1262, %get3A_1257, %broadcast_in_dim3A_1264 : vector<8x256xi1>, vector<8x256xf32>
      %reduce_sum3A = arith.constant dense<0.000000e+00> : vector<256xf32>
      %reduce_sum3A_1266 = vector.multi_reduction <add>, %select_n3A_1265, %reduce_sum3A [0] : vector<8x256xf32> to vector<256xf32>
      %broadcast_in_dim3A_1267 = vector.shape_cast %reduce_sum3A_1266 : vector<256xf32> to vector<1x256xf32>
      %add3A_1268 = arith.addf %while3A_1251, %broadcast_in_dim3A_1267 : vector<1x256xf32>
      scf.yield %add3A_1268 : vector<1x256xf32>
    }
    %sub3A_395 = arith.subi %get3A_328, %get3A_326 : i32
    %convert_element_type3A_396 = arith.sitofp %sub3A_395 : i32 to f32
    %max3A_397 = arith.constant 1.000000e+00 : f32
    %max3A_398 = arith.maximumf %convert_element_type3A_396, %max3A_397 : f32
    %div3A_399 = vector.broadcast %max3A_398 : f32 to vector<1x256xf32>
    %div3A_400 = arith.divf %while3A_394, %div3A_399 : vector<1x256xf32>
    %get3A_401 = arith.constant 5 : index
    %get3A_402 = memref.load %arg8[%get3A_401] : memref<17xi32, #tpu.memory_space<smem>>
    %get3A_403 = arith.constant 6 : index
    %get3A_404 = memref.load %arg8[%get3A_403] : memref<17xi32, #tpu.memory_space<smem>>
    %jit3A_405 = arith.constant 8 : i32
    %div3A_406 = arith.divsi %get3A_402, %jit3A_405 : i32
    %sign3A_407 = arith.constant 0 : i32
    %sign3A_408 = arith.cmpi sgt, %get3A_402, %sign3A_407 : i32
    %sign3A_409 = arith.extui %sign3A_408 : i1 to i32
    %sign3A_410 = arith.constant 0 : i32
    %sign3A_411 = arith.cmpi slt, %get3A_402, %sign3A_410 : i32
    %sign3A_412 = arith.extui %sign3A_411 : i1 to i32
    %sign3A_413 = arith.subi %sign3A_409, %sign3A_412 : i32
    %sign3A_414 = arith.constant 0 : i32
    %sign3A_415 = arith.cmpi sgt, %jit3A_405, %sign3A_414 : i32
    %sign3A_416 = arith.extui %sign3A_415 : i1 to i32
    %sign3A_417 = arith.constant 0 : i32
    %sign3A_418 = arith.cmpi slt, %jit3A_405, %sign3A_417 : i32
    %sign3A_419 = arith.extui %sign3A_418 : i1 to i32
    %sign3A_420 = arith.subi %sign3A_416, %sign3A_419 : i32
    %ne3A_421 = arith.cmpi ne, %sign3A_413, %sign3A_420 : i32
    %rem3A_422 = arith.remsi %get3A_402, %jit3A_405 : i32
    %ne3A_423 = arith.constant 0 : i32
    %ne3A_424 = arith.cmpi ne, %rem3A_422, %ne3A_423 : i32
    %and3A_425 = arith.andi %ne3A_421, %ne3A_424 : i1
    %sub3A_426 = arith.constant 1 : i32
    %sub3A_427 = arith.subi %div3A_406, %sub3A_426 : i32
    %select_n3A_428 = arith.select %and3A_425, %sub3A_427, %div3A_406 : i32
    %mul3A_429 = arith.constant 8 : i32
    %mul3A_430 = arith.muli %select_n3A_428, %mul3A_429 : i32
    %sub3A_431 = arith.subi %get3A_404, %mul3A_430 : i32
    %add3A_432 = arith.constant 7 : i32
    %add3A_433 = arith.addi %sub3A_431, %add3A_432 : i32
    %jit3A_434 = arith.constant 8 : i32
    %div3A_435 = arith.divsi %add3A_433, %jit3A_434 : i32
    %sign3A_436 = arith.constant 0 : i32
    %sign3A_437 = arith.cmpi sgt, %add3A_433, %sign3A_436 : i32
    %sign3A_438 = arith.extui %sign3A_437 : i1 to i32
    %sign3A_439 = arith.constant 0 : i32
    %sign3A_440 = arith.cmpi slt, %add3A_433, %sign3A_439 : i32
    %sign3A_441 = arith.extui %sign3A_440 : i1 to i32
    %sign3A_442 = arith.subi %sign3A_438, %sign3A_441 : i32
    %sign3A_443 = arith.constant 0 : i32
    %sign3A_444 = arith.cmpi sgt, %jit3A_434, %sign3A_443 : i32
    %sign3A_445 = arith.extui %sign3A_444 : i1 to i32
    %sign3A_446 = arith.constant 0 : i32
    %sign3A_447 = arith.cmpi slt, %jit3A_434, %sign3A_446 : i32
    %sign3A_448 = arith.extui %sign3A_447 : i1 to i32
    %sign3A_449 = arith.subi %sign3A_445, %sign3A_448 : i32
    %ne3A_450 = arith.cmpi ne, %sign3A_442, %sign3A_449 : i32
    %rem3A_451 = arith.remsi %add3A_433, %jit3A_434 : i32
    %ne3A_452 = arith.constant 0 : i32
    %ne3A_453 = arith.cmpi ne, %rem3A_451, %ne3A_452 : i32
    %and3A_454 = arith.andi %ne3A_450, %ne3A_453 : i1
    %sub3A_455 = arith.constant 1 : i32
    %sub3A_456 = arith.subi %div3A_435, %sub3A_455 : i32
    %select_n3A_457 = arith.select %and3A_454, %sub3A_456, %div3A_435 : i32
    %broadcast_in_dim3A_458 = arith.constant 0.000000e+00 : f32
    %broadcast_in_dim3A_459 = vector.broadcast %broadcast_in_dim3A_458 : f32 to vector<1x256xf32>
    %while3A_460 = arith.constant 0 : i32
    %while3A_461 = arith.subi %select_n3A_457, %while3A_460 : i32
    %while3A_462 = arith.addi %while3A_460, %while3A_461 : i32
    %while3A_463 = arith.constant 1 : i32
    %while3A_464 = arith.divsi %while3A_461, %while3A_463 : i32
    %while3A_465 = arith.muli %while3A_464, %while3A_463 : i32
    %while3A_466 = arith.addi %while3A_460, %while3A_465 : i32
    %while3A_467 = arith.constant 1 : i32
    %while3A_468 = scf.for %while3A_1250 = %while3A_460 to %while3A_466 step %while3A_467 iter_args(%while3A_1251 = %broadcast_in_dim3A_459) -> (vector<1x256xf32>)  : i32 {
      %mul3A_1252 = arith.constant 8 : i32
      %mul3A_1253 = arith.muli %while3A_1250, %mul3A_1252 : i32
      %add3A_1254 = arith.addi %mul3A_430, %mul3A_1253 : i32
      %multiple_of3A = tpu.assume_multiple %add3A_1254, 8 : i32
      %get3A_1255 = arith.index_cast %multiple_of3A : i32 to index
      %get3A_1256 = arith.constant 0 : index
      %get3A_1257 = vector.load %arg10[%get3A_1255, %get3A_1256] : memref<10240x256xf32, #tpu.memory_space<vmem>>, vector<8x256xf32>
      %iota3A = tpu.iota {dimensions = array<i32: 0>} : vector<8x256xi32>
      %add3A_1258 = vector.broadcast %multiple_of3A : i32 to vector<8x256xi32>
      %add3A_1259 = arith.addi %add3A_1258, %iota3A : vector<8x256xi32>
      %ge3A = vector.broadcast %get3A_402 : i32 to vector<8x256xi32>
      %ge3A_1260 = arith.cmpi sge, %add3A_1259, %ge3A : vector<8x256xi32>
      %lt3A = vector.broadcast %get3A_404 : i32 to vector<8x256xi32>
      %lt3A_1261 = arith.cmpi slt, %add3A_1259, %lt3A : vector<8x256xi32>
      %and3A_1262 = arith.andi %ge3A_1260, %lt3A_1261 : vector<8x256xi1>
      %jit3A_1263 = arith.constant 0.000000e+00 : f32
      %broadcast_in_dim3A_1264 = vector.broadcast %jit3A_1263 : f32 to vector<8x256xf32>
      %select_n3A_1265 = arith.select %and3A_1262, %get3A_1257, %broadcast_in_dim3A_1264 : vector<8x256xi1>, vector<8x256xf32>
      %reduce_sum3A = arith.constant dense<0.000000e+00> : vector<256xf32>
      %reduce_sum3A_1266 = vector.multi_reduction <add>, %select_n3A_1265, %reduce_sum3A [0] : vector<8x256xf32> to vector<256xf32>
      %broadcast_in_dim3A_1267 = vector.shape_cast %reduce_sum3A_1266 : vector<256xf32> to vector<1x256xf32>
      %add3A_1268 = arith.addf %while3A_1251, %broadcast_in_dim3A_1267 : vector<1x256xf32>
      scf.yield %add3A_1268 : vector<1x256xf32>
    }
    %while3A_469 = arith.constant 1 : i32
    %while3A_470 = scf.for %while3A_1250 = %while3A_466 to %while3A_462 step %while3A_469 iter_args(%while3A_1251 = %while3A_468) -> (vector<1x256xf32>)  : i32 {
      %mul3A_1252 = arith.constant 8 : i32
      %mul3A_1253 = arith.muli %while3A_1250, %mul3A_1252 : i32
      %add3A_1254 = arith.addi %mul3A_430, %mul3A_1253 : i32
      %multiple_of3A = tpu.assume_multiple %add3A_1254, 8 : i32
      %get3A_1255 = arith.index_cast %multiple_of3A : i32 to index
      %get3A_1256 = arith.constant 0 : index
      %get3A_1257 = vector.load %arg10[%get3A_1255, %get3A_1256] : memref<10240x256xf32, #tpu.memory_space<vmem>>, vector<8x256xf32>
      %iota3A = tpu.iota {dimensions = array<i32: 0>} : vector<8x256xi32>
      %add3A_1258 = vector.broadcast %multiple_of3A : i32 to vector<8x256xi32>
      %add3A_1259 = arith.addi %add3A_1258, %iota3A : vector<8x256xi32>
      %ge3A = vector.broadcast %get3A_402 : i32 to vector<8x256xi32>
      %ge3A_1260 = arith.cmpi sge, %add3A_1259, %ge3A : vector<8x256xi32>
      %lt3A = vector.broadcast %get3A_404 : i32 to vector<8x256xi32>
      %lt3A_1261 = arith.cmpi slt, %add3A_1259, %lt3A : vector<8x256xi32>
      %and3A_1262 = arith.andi %ge3A_1260, %lt3A_1261 : vector<8x256xi1>
      %jit3A_1263 = arith.constant 0.000000e+00 : f32
      %broadcast_in_dim3A_1264 = vector.broadcast %jit3A_1263 : f32 to vector<8x256xf32>
      %select_n3A_1265 = arith.select %and3A_1262, %get3A_1257, %broadcast_in_dim3A_1264 : vector<8x256xi1>, vector<8x256xf32>
      %reduce_sum3A = arith.constant dense<0.000000e+00> : vector<256xf32>
      %reduce_sum3A_1266 = vector.multi_reduction <add>, %select_n3A_1265, %reduce_sum3A [0] : vector<8x256xf32> to vector<256xf32>
      %broadcast_in_dim3A_1267 = vector.shape_cast %reduce_sum3A_1266 : vector<256xf32> to vector<1x256xf32>
      %add3A_1268 = arith.addf %while3A_1251, %broadcast_in_dim3A_1267 : vector<1x256xf32>
      scf.yield %add3A_1268 : vector<1x256xf32>
    }
    %sub3A_471 = arith.subi %get3A_404, %get3A_402 : i32
    %convert_element_type3A_472 = arith.sitofp %sub3A_471 : i32 to f32
    %max3A_473 = arith.constant 1.000000e+00 : f32
    %max3A_474 = arith.maximumf %convert_element_type3A_472, %max3A_473 : f32
    %div3A_475 = vector.broadcast %max3A_474 : f32 to vector<1x256xf32>
    %div3A_476 = arith.divf %while3A_470, %div3A_475 : vector<1x256xf32>
    %get3A_477 = arith.constant 6 : index
    %get3A_478 = memref.load %arg8[%get3A_477] : memref<17xi32, #tpu.memory_space<smem>>
    %get3A_479 = arith.constant 7 : index
    %get3A_480 = memref.load %arg8[%get3A_479] : memref<17xi32, #tpu.memory_space<smem>>
    %jit3A_481 = arith.constant 8 : i32
    %div3A_482 = arith.divsi %get3A_478, %jit3A_481 : i32
    %sign3A_483 = arith.constant 0 : i32
    %sign3A_484 = arith.cmpi sgt, %get3A_478, %sign3A_483 : i32
    %sign3A_485 = arith.extui %sign3A_484 : i1 to i32
    %sign3A_486 = arith.constant 0 : i32
    %sign3A_487 = arith.cmpi slt, %get3A_478, %sign3A_486 : i32
    %sign3A_488 = arith.extui %sign3A_487 : i1 to i32
    %sign3A_489 = arith.subi %sign3A_485, %sign3A_488 : i32
    %sign3A_490 = arith.constant 0 : i32
    %sign3A_491 = arith.cmpi sgt, %jit3A_481, %sign3A_490 : i32
    %sign3A_492 = arith.extui %sign3A_491 : i1 to i32
    %sign3A_493 = arith.constant 0 : i32
    %sign3A_494 = arith.cmpi slt, %jit3A_481, %sign3A_493 : i32
    %sign3A_495 = arith.extui %sign3A_494 : i1 to i32
    %sign3A_496 = arith.subi %sign3A_492, %sign3A_495 : i32
    %ne3A_497 = arith.cmpi ne, %sign3A_489, %sign3A_496 : i32
    %rem3A_498 = arith.remsi %get3A_478, %jit3A_481 : i32
    %ne3A_499 = arith.constant 0 : i32
    %ne3A_500 = arith.cmpi ne, %rem3A_498, %ne3A_499 : i32
    %and3A_501 = arith.andi %ne3A_497, %ne3A_500 : i1
    %sub3A_502 = arith.constant 1 : i32
    %sub3A_503 = arith.subi %div3A_482, %sub3A_502 : i32
    %select_n3A_504 = arith.select %and3A_501, %sub3A_503, %div3A_482 : i32
    %mul3A_505 = arith.constant 8 : i32
    %mul3A_506 = arith.muli %select_n3A_504, %mul3A_505 : i32
    %sub3A_507 = arith.subi %get3A_480, %mul3A_506 : i32
    %add3A_508 = arith.constant 7 : i32
    %add3A_509 = arith.addi %sub3A_507, %add3A_508 : i32
    %jit3A_510 = arith.constant 8 : i32
    %div3A_511 = arith.divsi %add3A_509, %jit3A_510 : i32
    %sign3A_512 = arith.constant 0 : i32
    %sign3A_513 = arith.cmpi sgt, %add3A_509, %sign3A_512 : i32
    %sign3A_514 = arith.extui %sign3A_513 : i1 to i32
    %sign3A_515 = arith.constant 0 : i32
    %sign3A_516 = arith.cmpi slt, %add3A_509, %sign3A_515 : i32
    %sign3A_517 = arith.extui %sign3A_516 : i1 to i32
    %sign3A_518 = arith.subi %sign3A_514, %sign3A_517 : i32
    %sign3A_519 = arith.constant 0 : i32
    %sign3A_520 = arith.cmpi sgt, %jit3A_510, %sign3A_519 : i32
    %sign3A_521 = arith.extui %sign3A_520 : i1 to i32
    %sign3A_522 = arith.constant 0 : i32
    %sign3A_523 = arith.cmpi slt, %jit3A_510, %sign3A_522 : i32
    %sign3A_524 = arith.extui %sign3A_523 : i1 to i32
    %sign3A_525 = arith.subi %sign3A_521, %sign3A_524 : i32
    %ne3A_526 = arith.cmpi ne, %sign3A_518, %sign3A_525 : i32
    %rem3A_527 = arith.remsi %add3A_509, %jit3A_510 : i32
    %ne3A_528 = arith.constant 0 : i32
    %ne3A_529 = arith.cmpi ne, %rem3A_527, %ne3A_528 : i32
    %and3A_530 = arith.andi %ne3A_526, %ne3A_529 : i1
    %sub3A_531 = arith.constant 1 : i32
    %sub3A_532 = arith.subi %div3A_511, %sub3A_531 : i32
    %select_n3A_533 = arith.select %and3A_530, %sub3A_532, %div3A_511 : i32
    %broadcast_in_dim3A_534 = arith.constant 0.000000e+00 : f32
    %broadcast_in_dim3A_535 = vector.broadcast %broadcast_in_dim3A_534 : f32 to vector<1x256xf32>
    %while3A_536 = arith.constant 0 : i32
    %while3A_537 = arith.subi %select_n3A_533, %while3A_536 : i32
    %while3A_538 = arith.addi %while3A_536, %while3A_537 : i32
    %while3A_539 = arith.constant 1 : i32
    %while3A_540 = arith.divsi %while3A_537, %while3A_539 : i32
    %while3A_541 = arith.muli %while3A_540, %while3A_539 : i32
    %while3A_542 = arith.addi %while3A_536, %while3A_541 : i32
    %while3A_543 = arith.constant 1 : i32
    %while3A_544 = scf.for %while3A_1250 = %while3A_536 to %while3A_542 step %while3A_543 iter_args(%while3A_1251 = %broadcast_in_dim3A_535) -> (vector<1x256xf32>)  : i32 {
      %mul3A_1252 = arith.constant 8 : i32
      %mul3A_1253 = arith.muli %while3A_1250, %mul3A_1252 : i32
      %add3A_1254 = arith.addi %mul3A_506, %mul3A_1253 : i32
      %multiple_of3A = tpu.assume_multiple %add3A_1254, 8 : i32
      %get3A_1255 = arith.index_cast %multiple_of3A : i32 to index
      %get3A_1256 = arith.constant 0 : index
      %get3A_1257 = vector.load %arg10[%get3A_1255, %get3A_1256] : memref<10240x256xf32, #tpu.memory_space<vmem>>, vector<8x256xf32>
      %iota3A = tpu.iota {dimensions = array<i32: 0>} : vector<8x256xi32>
      %add3A_1258 = vector.broadcast %multiple_of3A : i32 to vector<8x256xi32>
      %add3A_1259 = arith.addi %add3A_1258, %iota3A : vector<8x256xi32>
      %ge3A = vector.broadcast %get3A_478 : i32 to vector<8x256xi32>
      %ge3A_1260 = arith.cmpi sge, %add3A_1259, %ge3A : vector<8x256xi32>
      %lt3A = vector.broadcast %get3A_480 : i32 to vector<8x256xi32>
      %lt3A_1261 = arith.cmpi slt, %add3A_1259, %lt3A : vector<8x256xi32>
      %and3A_1262 = arith.andi %ge3A_1260, %lt3A_1261 : vector<8x256xi1>
      %jit3A_1263 = arith.constant 0.000000e+00 : f32
      %broadcast_in_dim3A_1264 = vector.broadcast %jit3A_1263 : f32 to vector<8x256xf32>
      %select_n3A_1265 = arith.select %and3A_1262, %get3A_1257, %broadcast_in_dim3A_1264 : vector<8x256xi1>, vector<8x256xf32>
      %reduce_sum3A = arith.constant dense<0.000000e+00> : vector<256xf32>
      %reduce_sum3A_1266 = vector.multi_reduction <add>, %select_n3A_1265, %reduce_sum3A [0] : vector<8x256xf32> to vector<256xf32>
      %broadcast_in_dim3A_1267 = vector.shape_cast %reduce_sum3A_1266 : vector<256xf32> to vector<1x256xf32>
      %add3A_1268 = arith.addf %while3A_1251, %broadcast_in_dim3A_1267 : vector<1x256xf32>
      scf.yield %add3A_1268 : vector<1x256xf32>
    }
    %while3A_545 = arith.constant 1 : i32
    %while3A_546 = scf.for %while3A_1250 = %while3A_542 to %while3A_538 step %while3A_545 iter_args(%while3A_1251 = %while3A_544) -> (vector<1x256xf32>)  : i32 {
      %mul3A_1252 = arith.constant 8 : i32
      %mul3A_1253 = arith.muli %while3A_1250, %mul3A_1252 : i32
      %add3A_1254 = arith.addi %mul3A_506, %mul3A_1253 : i32
      %multiple_of3A = tpu.assume_multiple %add3A_1254, 8 : i32
      %get3A_1255 = arith.index_cast %multiple_of3A : i32 to index
      %get3A_1256 = arith.constant 0 : index
      %get3A_1257 = vector.load %arg10[%get3A_1255, %get3A_1256] : memref<10240x256xf32, #tpu.memory_space<vmem>>, vector<8x256xf32>
      %iota3A = tpu.iota {dimensions = array<i32: 0>} : vector<8x256xi32>
      %add3A_1258 = vector.broadcast %multiple_of3A : i32 to vector<8x256xi32>
      %add3A_1259 = arith.addi %add3A_1258, %iota3A : vector<8x256xi32>
      %ge3A = vector.broadcast %get3A_478 : i32 to vector<8x256xi32>
      %ge3A_1260 = arith.cmpi sge, %add3A_1259, %ge3A : vector<8x256xi32>
      %lt3A = vector.broadcast %get3A_480 : i32 to vector<8x256xi32>
      %lt3A_1261 = arith.cmpi slt, %add3A_1259, %lt3A : vector<8x256xi32>
      %and3A_1262 = arith.andi %ge3A_1260, %lt3A_1261 : vector<8x256xi1>
      %jit3A_1263 = arith.constant 0.000000e+00 : f32
      %broadcast_in_dim3A_1264 = vector.broadcast %jit3A_1263 : f32 to vector<8x256xf32>
      %select_n3A_1265 = arith.select %and3A_1262, %get3A_1257, %broadcast_in_dim3A_1264 : vector<8x256xi1>, vector<8x256xf32>
      %reduce_sum3A = arith.constant dense<0.000000e+00> : vector<256xf32>
      %reduce_sum3A_1266 = vector.multi_reduction <add>, %select_n3A_1265, %reduce_sum3A [0] : vector<8x256xf32> to vector<256xf32>
      %broadcast_in_dim3A_1267 = vector.shape_cast %reduce_sum3A_1266 : vector<256xf32> to vector<1x256xf32>
      %add3A_1268 = arith.addf %while3A_1251, %broadcast_in_dim3A_1267 : vector<1x256xf32>
      scf.yield %add3A_1268 : vector<1x256xf32>
    }
    %sub3A_547 = arith.subi %get3A_480, %get3A_478 : i32
    %convert_element_type3A_548 = arith.sitofp %sub3A_547 : i32 to f32
    %max3A_549 = arith.constant 1.000000e+00 : f32
    %max3A_550 = arith.maximumf %convert_element_type3A_548, %max3A_549 : f32
    %div3A_551 = vector.broadcast %max3A_550 : f32 to vector<1x256xf32>
    %div3A_552 = arith.divf %while3A_546, %div3A_551 : vector<1x256xf32>
    %get3A_553 = arith.constant 7 : index
    %get3A_554 = memref.load %arg8[%get3A_553] : memref<17xi32, #tpu.memory_space<smem>>
    %get3A_555 = arith.constant 8 : index
    %get3A_556 = memref.load %arg8[%get3A_555] : memref<17xi32, #tpu.memory_space<smem>>
    %jit3A_557 = arith.constant 8 : i32
    %div3A_558 = arith.divsi %get3A_554, %jit3A_557 : i32
    %sign3A_559 = arith.constant 0 : i32
    %sign3A_560 = arith.cmpi sgt, %get3A_554, %sign3A_559 : i32
    %sign3A_561 = arith.extui %sign3A_560 : i1 to i32
    %sign3A_562 = arith.constant 0 : i32
    %sign3A_563 = arith.cmpi slt, %get3A_554, %sign3A_562 : i32
    %sign3A_564 = arith.extui %sign3A_563 : i1 to i32
    %sign3A_565 = arith.subi %sign3A_561, %sign3A_564 : i32
    %sign3A_566 = arith.constant 0 : i32
    %sign3A_567 = arith.cmpi sgt, %jit3A_557, %sign3A_566 : i32
    %sign3A_568 = arith.extui %sign3A_567 : i1 to i32
    %sign3A_569 = arith.constant 0 : i32
    %sign3A_570 = arith.cmpi slt, %jit3A_557, %sign3A_569 : i32
    %sign3A_571 = arith.extui %sign3A_570 : i1 to i32
    %sign3A_572 = arith.subi %sign3A_568, %sign3A_571 : i32
    %ne3A_573 = arith.cmpi ne, %sign3A_565, %sign3A_572 : i32
    %rem3A_574 = arith.remsi %get3A_554, %jit3A_557 : i32
    %ne3A_575 = arith.constant 0 : i32
    %ne3A_576 = arith.cmpi ne, %rem3A_574, %ne3A_575 : i32
    %and3A_577 = arith.andi %ne3A_573, %ne3A_576 : i1
    %sub3A_578 = arith.constant 1 : i32
    %sub3A_579 = arith.subi %div3A_558, %sub3A_578 : i32
    %select_n3A_580 = arith.select %and3A_577, %sub3A_579, %div3A_558 : i32
    %mul3A_581 = arith.constant 8 : i32
    %mul3A_582 = arith.muli %select_n3A_580, %mul3A_581 : i32
    %sub3A_583 = arith.subi %get3A_556, %mul3A_582 : i32
    %add3A_584 = arith.constant 7 : i32
    %add3A_585 = arith.addi %sub3A_583, %add3A_584 : i32
    %jit3A_586 = arith.constant 8 : i32
    %div3A_587 = arith.divsi %add3A_585, %jit3A_586 : i32
    %sign3A_588 = arith.constant 0 : i32
    %sign3A_589 = arith.cmpi sgt, %add3A_585, %sign3A_588 : i32
    %sign3A_590 = arith.extui %sign3A_589 : i1 to i32
    %sign3A_591 = arith.constant 0 : i32
    %sign3A_592 = arith.cmpi slt, %add3A_585, %sign3A_591 : i32
    %sign3A_593 = arith.extui %sign3A_592 : i1 to i32
    %sign3A_594 = arith.subi %sign3A_590, %sign3A_593 : i32
    %sign3A_595 = arith.constant 0 : i32
    %sign3A_596 = arith.cmpi sgt, %jit3A_586, %sign3A_595 : i32
    %sign3A_597 = arith.extui %sign3A_596 : i1 to i32
    %sign3A_598 = arith.constant 0 : i32
    %sign3A_599 = arith.cmpi slt, %jit3A_586, %sign3A_598 : i32
    %sign3A_600 = arith.extui %sign3A_599 : i1 to i32
    %sign3A_601 = arith.subi %sign3A_597, %sign3A_600 : i32
    %ne3A_602 = arith.cmpi ne, %sign3A_594, %sign3A_601 : i32
    %rem3A_603 = arith.remsi %add3A_585, %jit3A_586 : i32
    %ne3A_604 = arith.constant 0 : i32
    %ne3A_605 = arith.cmpi ne, %rem3A_603, %ne3A_604 : i32
    %and3A_606 = arith.andi %ne3A_602, %ne3A_605 : i1
    %sub3A_607 = arith.constant 1 : i32
    %sub3A_608 = arith.subi %div3A_587, %sub3A_607 : i32
    %select_n3A_609 = arith.select %and3A_606, %sub3A_608, %div3A_587 : i32
    %broadcast_in_dim3A_610 = arith.constant 0.000000e+00 : f32
    %broadcast_in_dim3A_611 = vector.broadcast %broadcast_in_dim3A_610 : f32 to vector<1x256xf32>
    %while3A_612 = arith.constant 0 : i32
    %while3A_613 = arith.subi %select_n3A_609, %while3A_612 : i32
    %while3A_614 = arith.addi %while3A_612, %while3A_613 : i32
    %while3A_615 = arith.constant 1 : i32
    %while3A_616 = arith.divsi %while3A_613, %while3A_615 : i32
    %while3A_617 = arith.muli %while3A_616, %while3A_615 : i32
    %while3A_618 = arith.addi %while3A_612, %while3A_617 : i32
    %while3A_619 = arith.constant 1 : i32
    %while3A_620 = scf.for %while3A_1250 = %while3A_612 to %while3A_618 step %while3A_619 iter_args(%while3A_1251 = %broadcast_in_dim3A_611) -> (vector<1x256xf32>)  : i32 {
      %mul3A_1252 = arith.constant 8 : i32
      %mul3A_1253 = arith.muli %while3A_1250, %mul3A_1252 : i32
      %add3A_1254 = arith.addi %mul3A_582, %mul3A_1253 : i32
      %multiple_of3A = tpu.assume_multiple %add3A_1254, 8 : i32
      %get3A_1255 = arith.index_cast %multiple_of3A : i32 to index
      %get3A_1256 = arith.constant 0 : index
      %get3A_1257 = vector.load %arg10[%get3A_1255, %get3A_1256] : memref<10240x256xf32, #tpu.memory_space<vmem>>, vector<8x256xf32>
      %iota3A = tpu.iota {dimensions = array<i32: 0>} : vector<8x256xi32>
      %add3A_1258 = vector.broadcast %multiple_of3A : i32 to vector<8x256xi32>
      %add3A_1259 = arith.addi %add3A_1258, %iota3A : vector<8x256xi32>
      %ge3A = vector.broadcast %get3A_554 : i32 to vector<8x256xi32>
      %ge3A_1260 = arith.cmpi sge, %add3A_1259, %ge3A : vector<8x256xi32>
      %lt3A = vector.broadcast %get3A_556 : i32 to vector<8x256xi32>
      %lt3A_1261 = arith.cmpi slt, %add3A_1259, %lt3A : vector<8x256xi32>
      %and3A_1262 = arith.andi %ge3A_1260, %lt3A_1261 : vector<8x256xi1>
      %jit3A_1263 = arith.constant 0.000000e+00 : f32
      %broadcast_in_dim3A_1264 = vector.broadcast %jit3A_1263 : f32 to vector<8x256xf32>
      %select_n3A_1265 = arith.select %and3A_1262, %get3A_1257, %broadcast_in_dim3A_1264 : vector<8x256xi1>, vector<8x256xf32>
      %reduce_sum3A = arith.constant dense<0.000000e+00> : vector<256xf32>
      %reduce_sum3A_1266 = vector.multi_reduction <add>, %select_n3A_1265, %reduce_sum3A [0] : vector<8x256xf32> to vector<256xf32>
      %broadcast_in_dim3A_1267 = vector.shape_cast %reduce_sum3A_1266 : vector<256xf32> to vector<1x256xf32>
      %add3A_1268 = arith.addf %while3A_1251, %broadcast_in_dim3A_1267 : vector<1x256xf32>
      scf.yield %add3A_1268 : vector<1x256xf32>
    }
    %while3A_621 = arith.constant 1 : i32
    %while3A_622 = scf.for %while3A_1250 = %while3A_618 to %while3A_614 step %while3A_621 iter_args(%while3A_1251 = %while3A_620) -> (vector<1x256xf32>)  : i32 {
      %mul3A_1252 = arith.constant 8 : i32
      %mul3A_1253 = arith.muli %while3A_1250, %mul3A_1252 : i32
      %add3A_1254 = arith.addi %mul3A_582, %mul3A_1253 : i32
      %multiple_of3A = tpu.assume_multiple %add3A_1254, 8 : i32
      %get3A_1255 = arith.index_cast %multiple_of3A : i32 to index
      %get3A_1256 = arith.constant 0 : index
      %get3A_1257 = vector.load %arg10[%get3A_1255, %get3A_1256] : memref<10240x256xf32, #tpu.memory_space<vmem>>, vector<8x256xf32>
      %iota3A = tpu.iota {dimensions = array<i32: 0>} : vector<8x256xi32>
      %add3A_1258 = vector.broadcast %multiple_of3A : i32 to vector<8x256xi32>
      %add3A_1259 = arith.addi %add3A_1258, %iota3A : vector<8x256xi32>
      %ge3A = vector.broadcast %get3A_554 : i32 to vector<8x256xi32>
      %ge3A_1260 = arith.cmpi sge, %add3A_1259, %ge3A : vector<8x256xi32>
      %lt3A = vector.broadcast %get3A_556 : i32 to vector<8x256xi32>
      %lt3A_1261 = arith.cmpi slt, %add3A_1259, %lt3A : vector<8x256xi32>
      %and3A_1262 = arith.andi %ge3A_1260, %lt3A_1261 : vector<8x256xi1>
      %jit3A_1263 = arith.constant 0.000000e+00 : f32
      %broadcast_in_dim3A_1264 = vector.broadcast %jit3A_1263 : f32 to vector<8x256xf32>
      %select_n3A_1265 = arith.select %and3A_1262, %get3A_1257, %broadcast_in_dim3A_1264 : vector<8x256xi1>, vector<8x256xf32>
      %reduce_sum3A = arith.constant dense<0.000000e+00> : vector<256xf32>
      %reduce_sum3A_1266 = vector.multi_reduction <add>, %select_n3A_1265, %reduce_sum3A [0] : vector<8x256xf32> to vector<256xf32>
      %broadcast_in_dim3A_1267 = vector.shape_cast %reduce_sum3A_1266 : vector<256xf32> to vector<1x256xf32>
      %add3A_1268 = arith.addf %while3A_1251, %broadcast_in_dim3A_1267 : vector<1x256xf32>
      scf.yield %add3A_1268 : vector<1x256xf32>
    }
    %sub3A_623 = arith.subi %get3A_556, %get3A_554 : i32
    %convert_element_type3A_624 = arith.sitofp %sub3A_623 : i32 to f32
    %max3A_625 = arith.constant 1.000000e+00 : f32
    %max3A_626 = arith.maximumf %convert_element_type3A_624, %max3A_625 : f32
    %div3A_627 = vector.broadcast %max3A_626 : f32 to vector<1x256xf32>
    %div3A_628 = arith.divf %while3A_622, %div3A_627 : vector<1x256xf32>
    %get3A_629 = arith.constant 8 : index
    %get3A_630 = memref.load %arg8[%get3A_629] : memref<17xi32, #tpu.memory_space<smem>>
    %get3A_631 = arith.constant 9 : index
    %get3A_632 = memref.load %arg8[%get3A_631] : memref<17xi32, #tpu.memory_space<smem>>
    %jit3A_633 = arith.constant 8 : i32
    %div3A_634 = arith.divsi %get3A_630, %jit3A_633 : i32
    %sign3A_635 = arith.constant 0 : i32
    %sign3A_636 = arith.cmpi sgt, %get3A_630, %sign3A_635 : i32
    %sign3A_637 = arith.extui %sign3A_636 : i1 to i32
    %sign3A_638 = arith.constant 0 : i32
    %sign3A_639 = arith.cmpi slt, %get3A_630, %sign3A_638 : i32
    %sign3A_640 = arith.extui %sign3A_639 : i1 to i32
    %sign3A_641 = arith.subi %sign3A_637, %sign3A_640 : i32
    %sign3A_642 = arith.constant 0 : i32
    %sign3A_643 = arith.cmpi sgt, %jit3A_633, %sign3A_642 : i32
    %sign3A_644 = arith.extui %sign3A_643 : i1 to i32
    %sign3A_645 = arith.constant 0 : i32
    %sign3A_646 = arith.cmpi slt, %jit3A_633, %sign3A_645 : i32
    %sign3A_647 = arith.extui %sign3A_646 : i1 to i32
    %sign3A_648 = arith.subi %sign3A_644, %sign3A_647 : i32
    %ne3A_649 = arith.cmpi ne, %sign3A_641, %sign3A_648 : i32
    %rem3A_650 = arith.remsi %get3A_630, %jit3A_633 : i32
    %ne3A_651 = arith.constant 0 : i32
    %ne3A_652 = arith.cmpi ne, %rem3A_650, %ne3A_651 : i32
    %and3A_653 = arith.andi %ne3A_649, %ne3A_652 : i1
    %sub3A_654 = arith.constant 1 : i32
    %sub3A_655 = arith.subi %div3A_634, %sub3A_654 : i32
    %select_n3A_656 = arith.select %and3A_653, %sub3A_655, %div3A_634 : i32
    %mul3A_657 = arith.constant 8 : i32
    %mul3A_658 = arith.muli %select_n3A_656, %mul3A_657 : i32
    %sub3A_659 = arith.subi %get3A_632, %mul3A_658 : i32
    %add3A_660 = arith.constant 7 : i32
    %add3A_661 = arith.addi %sub3A_659, %add3A_660 : i32
    %jit3A_662 = arith.constant 8 : i32
    %div3A_663 = arith.divsi %add3A_661, %jit3A_662 : i32
    %sign3A_664 = arith.constant 0 : i32
    %sign3A_665 = arith.cmpi sgt, %add3A_661, %sign3A_664 : i32
    %sign3A_666 = arith.extui %sign3A_665 : i1 to i32
    %sign3A_667 = arith.constant 0 : i32
    %sign3A_668 = arith.cmpi slt, %add3A_661, %sign3A_667 : i32
    %sign3A_669 = arith.extui %sign3A_668 : i1 to i32
    %sign3A_670 = arith.subi %sign3A_666, %sign3A_669 : i32
    %sign3A_671 = arith.constant 0 : i32
    %sign3A_672 = arith.cmpi sgt, %jit3A_662, %sign3A_671 : i32
    %sign3A_673 = arith.extui %sign3A_672 : i1 to i32
    %sign3A_674 = arith.constant 0 : i32
    %sign3A_675 = arith.cmpi slt, %jit3A_662, %sign3A_674 : i32
    %sign3A_676 = arith.extui %sign3A_675 : i1 to i32
    %sign3A_677 = arith.subi %sign3A_673, %sign3A_676 : i32
    %ne3A_678 = arith.cmpi ne, %sign3A_670, %sign3A_677 : i32
    %rem3A_679 = arith.remsi %add3A_661, %jit3A_662 : i32
    %ne3A_680 = arith.constant 0 : i32
    %ne3A_681 = arith.cmpi ne, %rem3A_679, %ne3A_680 : i32
    %and3A_682 = arith.andi %ne3A_678, %ne3A_681 : i1
    %sub3A_683 = arith.constant 1 : i32
    %sub3A_684 = arith.subi %div3A_663, %sub3A_683 : i32
    %select_n3A_685 = arith.select %and3A_682, %sub3A_684, %div3A_663 : i32
    %broadcast_in_dim3A_686 = arith.constant 0.000000e+00 : f32
    %broadcast_in_dim3A_687 = vector.broadcast %broadcast_in_dim3A_686 : f32 to vector<1x256xf32>
    %while3A_688 = arith.constant 0 : i32
    %while3A_689 = arith.subi %select_n3A_685, %while3A_688 : i32
    %while3A_690 = arith.addi %while3A_688, %while3A_689 : i32
    %while3A_691 = arith.constant 1 : i32
    %while3A_692 = arith.divsi %while3A_689, %while3A_691 : i32
    %while3A_693 = arith.muli %while3A_692, %while3A_691 : i32
    %while3A_694 = arith.addi %while3A_688, %while3A_693 : i32
    %while3A_695 = arith.constant 1 : i32
    %while3A_696 = scf.for %while3A_1250 = %while3A_688 to %while3A_694 step %while3A_695 iter_args(%while3A_1251 = %broadcast_in_dim3A_687) -> (vector<1x256xf32>)  : i32 {
      %mul3A_1252 = arith.constant 8 : i32
      %mul3A_1253 = arith.muli %while3A_1250, %mul3A_1252 : i32
      %add3A_1254 = arith.addi %mul3A_658, %mul3A_1253 : i32
      %multiple_of3A = tpu.assume_multiple %add3A_1254, 8 : i32
      %get3A_1255 = arith.index_cast %multiple_of3A : i32 to index
      %get3A_1256 = arith.constant 0 : index
      %get3A_1257 = vector.load %arg10[%get3A_1255, %get3A_1256] : memref<10240x256xf32, #tpu.memory_space<vmem>>, vector<8x256xf32>
      %iota3A = tpu.iota {dimensions = array<i32: 0>} : vector<8x256xi32>
      %add3A_1258 = vector.broadcast %multiple_of3A : i32 to vector<8x256xi32>
      %add3A_1259 = arith.addi %add3A_1258, %iota3A : vector<8x256xi32>
      %ge3A = vector.broadcast %get3A_630 : i32 to vector<8x256xi32>
      %ge3A_1260 = arith.cmpi sge, %add3A_1259, %ge3A : vector<8x256xi32>
      %lt3A = vector.broadcast %get3A_632 : i32 to vector<8x256xi32>
      %lt3A_1261 = arith.cmpi slt, %add3A_1259, %lt3A : vector<8x256xi32>
      %and3A_1262 = arith.andi %ge3A_1260, %lt3A_1261 : vector<8x256xi1>
      %jit3A_1263 = arith.constant 0.000000e+00 : f32
      %broadcast_in_dim3A_1264 = vector.broadcast %jit3A_1263 : f32 to vector<8x256xf32>
      %select_n3A_1265 = arith.select %and3A_1262, %get3A_1257, %broadcast_in_dim3A_1264 : vector<8x256xi1>, vector<8x256xf32>
      %reduce_sum3A = arith.constant dense<0.000000e+00> : vector<256xf32>
      %reduce_sum3A_1266 = vector.multi_reduction <add>, %select_n3A_1265, %reduce_sum3A [0] : vector<8x256xf32> to vector<256xf32>
      %broadcast_in_dim3A_1267 = vector.shape_cast %reduce_sum3A_1266 : vector<256xf32> to vector<1x256xf32>
      %add3A_1268 = arith.addf %while3A_1251, %broadcast_in_dim3A_1267 : vector<1x256xf32>
      scf.yield %add3A_1268 : vector<1x256xf32>
    }
    %while3A_697 = arith.constant 1 : i32
    %while3A_698 = scf.for %while3A_1250 = %while3A_694 to %while3A_690 step %while3A_697 iter_args(%while3A_1251 = %while3A_696) -> (vector<1x256xf32>)  : i32 {
      %mul3A_1252 = arith.constant 8 : i32
      %mul3A_1253 = arith.muli %while3A_1250, %mul3A_1252 : i32
      %add3A_1254 = arith.addi %mul3A_658, %mul3A_1253 : i32
      %multiple_of3A = tpu.assume_multiple %add3A_1254, 8 : i32
      %get3A_1255 = arith.index_cast %multiple_of3A : i32 to index
      %get3A_1256 = arith.constant 0 : index
      %get3A_1257 = vector.load %arg10[%get3A_1255, %get3A_1256] : memref<10240x256xf32, #tpu.memory_space<vmem>>, vector<8x256xf32>
      %iota3A = tpu.iota {dimensions = array<i32: 0>} : vector<8x256xi32>
      %add3A_1258 = vector.broadcast %multiple_of3A : i32 to vector<8x256xi32>
      %add3A_1259 = arith.addi %add3A_1258, %iota3A : vector<8x256xi32>
      %ge3A = vector.broadcast %get3A_630 : i32 to vector<8x256xi32>
      %ge3A_1260 = arith.cmpi sge, %add3A_1259, %ge3A : vector<8x256xi32>
      %lt3A = vector.broadcast %get3A_632 : i32 to vector<8x256xi32>
      %lt3A_1261 = arith.cmpi slt, %add3A_1259, %lt3A : vector<8x256xi32>
      %and3A_1262 = arith.andi %ge3A_1260, %lt3A_1261 : vector<8x256xi1>
      %jit3A_1263 = arith.constant 0.000000e+00 : f32
      %broadcast_in_dim3A_1264 = vector.broadcast %jit3A_1263 : f32 to vector<8x256xf32>
      %select_n3A_1265 = arith.select %and3A_1262, %get3A_1257, %broadcast_in_dim3A_1264 : vector<8x256xi1>, vector<8x256xf32>
      %reduce_sum3A = arith.constant dense<0.000000e+00> : vector<256xf32>
      %reduce_sum3A_1266 = vector.multi_reduction <add>, %select_n3A_1265, %reduce_sum3A [0] : vector<8x256xf32> to vector<256xf32>
      %broadcast_in_dim3A_1267 = vector.shape_cast %reduce_sum3A_1266 : vector<256xf32> to vector<1x256xf32>
      %add3A_1268 = arith.addf %while3A_1251, %broadcast_in_dim3A_1267 : vector<1x256xf32>
      scf.yield %add3A_1268 : vector<1x256xf32>
    }
    %sub3A_699 = arith.subi %get3A_632, %get3A_630 : i32
    %convert_element_type3A_700 = arith.sitofp %sub3A_699 : i32 to f32
    %max3A_701 = arith.constant 1.000000e+00 : f32
    %max3A_702 = arith.maximumf %convert_element_type3A_700, %max3A_701 : f32
    %div3A_703 = vector.broadcast %max3A_702 : f32 to vector<1x256xf32>
    %div3A_704 = arith.divf %while3A_698, %div3A_703 : vector<1x256xf32>
    %get3A_705 = arith.constant 9 : index
    %get3A_706 = memref.load %arg8[%get3A_705] : memref<17xi32, #tpu.memory_space<smem>>
    %get3A_707 = arith.constant 10 : index
    %get3A_708 = memref.load %arg8[%get3A_707] : memref<17xi32, #tpu.memory_space<smem>>
    %jit3A_709 = arith.constant 8 : i32
    %div3A_710 = arith.divsi %get3A_706, %jit3A_709 : i32
    %sign3A_711 = arith.constant 0 : i32
    %sign3A_712 = arith.cmpi sgt, %get3A_706, %sign3A_711 : i32
    %sign3A_713 = arith.extui %sign3A_712 : i1 to i32
    %sign3A_714 = arith.constant 0 : i32
    %sign3A_715 = arith.cmpi slt, %get3A_706, %sign3A_714 : i32
    %sign3A_716 = arith.extui %sign3A_715 : i1 to i32
    %sign3A_717 = arith.subi %sign3A_713, %sign3A_716 : i32
    %sign3A_718 = arith.constant 0 : i32
    %sign3A_719 = arith.cmpi sgt, %jit3A_709, %sign3A_718 : i32
    %sign3A_720 = arith.extui %sign3A_719 : i1 to i32
    %sign3A_721 = arith.constant 0 : i32
    %sign3A_722 = arith.cmpi slt, %jit3A_709, %sign3A_721 : i32
    %sign3A_723 = arith.extui %sign3A_722 : i1 to i32
    %sign3A_724 = arith.subi %sign3A_720, %sign3A_723 : i32
    %ne3A_725 = arith.cmpi ne, %sign3A_717, %sign3A_724 : i32
    %rem3A_726 = arith.remsi %get3A_706, %jit3A_709 : i32
    %ne3A_727 = arith.constant 0 : i32
    %ne3A_728 = arith.cmpi ne, %rem3A_726, %ne3A_727 : i32
    %and3A_729 = arith.andi %ne3A_725, %ne3A_728 : i1
    %sub3A_730 = arith.constant 1 : i32
    %sub3A_731 = arith.subi %div3A_710, %sub3A_730 : i32
    %select_n3A_732 = arith.select %and3A_729, %sub3A_731, %div3A_710 : i32
    %mul3A_733 = arith.constant 8 : i32
    %mul3A_734 = arith.muli %select_n3A_732, %mul3A_733 : i32
    %sub3A_735 = arith.subi %get3A_708, %mul3A_734 : i32
    %add3A_736 = arith.constant 7 : i32
    %add3A_737 = arith.addi %sub3A_735, %add3A_736 : i32
    %jit3A_738 = arith.constant 8 : i32
    %div3A_739 = arith.divsi %add3A_737, %jit3A_738 : i32
    %sign3A_740 = arith.constant 0 : i32
    %sign3A_741 = arith.cmpi sgt, %add3A_737, %sign3A_740 : i32
    %sign3A_742 = arith.extui %sign3A_741 : i1 to i32
    %sign3A_743 = arith.constant 0 : i32
    %sign3A_744 = arith.cmpi slt, %add3A_737, %sign3A_743 : i32
    %sign3A_745 = arith.extui %sign3A_744 : i1 to i32
    %sign3A_746 = arith.subi %sign3A_742, %sign3A_745 : i32
    %sign3A_747 = arith.constant 0 : i32
    %sign3A_748 = arith.cmpi sgt, %jit3A_738, %sign3A_747 : i32
    %sign3A_749 = arith.extui %sign3A_748 : i1 to i32
    %sign3A_750 = arith.constant 0 : i32
    %sign3A_751 = arith.cmpi slt, %jit3A_738, %sign3A_750 : i32
    %sign3A_752 = arith.extui %sign3A_751 : i1 to i32
    %sign3A_753 = arith.subi %sign3A_749, %sign3A_752 : i32
    %ne3A_754 = arith.cmpi ne, %sign3A_746, %sign3A_753 : i32
    %rem3A_755 = arith.remsi %add3A_737, %jit3A_738 : i32
    %ne3A_756 = arith.constant 0 : i32
    %ne3A_757 = arith.cmpi ne, %rem3A_755, %ne3A_756 : i32
    %and3A_758 = arith.andi %ne3A_754, %ne3A_757 : i1
    %sub3A_759 = arith.constant 1 : i32
    %sub3A_760 = arith.subi %div3A_739, %sub3A_759 : i32
    %select_n3A_761 = arith.select %and3A_758, %sub3A_760, %div3A_739 : i32
    %broadcast_in_dim3A_762 = arith.constant 0.000000e+00 : f32
    %broadcast_in_dim3A_763 = vector.broadcast %broadcast_in_dim3A_762 : f32 to vector<1x256xf32>
    %while3A_764 = arith.constant 0 : i32
    %while3A_765 = arith.subi %select_n3A_761, %while3A_764 : i32
    %while3A_766 = arith.addi %while3A_764, %while3A_765 : i32
    %while3A_767 = arith.constant 1 : i32
    %while3A_768 = arith.divsi %while3A_765, %while3A_767 : i32
    %while3A_769 = arith.muli %while3A_768, %while3A_767 : i32
    %while3A_770 = arith.addi %while3A_764, %while3A_769 : i32
    %while3A_771 = arith.constant 1 : i32
    %while3A_772 = scf.for %while3A_1250 = %while3A_764 to %while3A_770 step %while3A_771 iter_args(%while3A_1251 = %broadcast_in_dim3A_763) -> (vector<1x256xf32>)  : i32 {
      %mul3A_1252 = arith.constant 8 : i32
      %mul3A_1253 = arith.muli %while3A_1250, %mul3A_1252 : i32
      %add3A_1254 = arith.addi %mul3A_734, %mul3A_1253 : i32
      %multiple_of3A = tpu.assume_multiple %add3A_1254, 8 : i32
      %get3A_1255 = arith.index_cast %multiple_of3A : i32 to index
      %get3A_1256 = arith.constant 0 : index
      %get3A_1257 = vector.load %arg10[%get3A_1255, %get3A_1256] : memref<10240x256xf32, #tpu.memory_space<vmem>>, vector<8x256xf32>
      %iota3A = tpu.iota {dimensions = array<i32: 0>} : vector<8x256xi32>
      %add3A_1258 = vector.broadcast %multiple_of3A : i32 to vector<8x256xi32>
      %add3A_1259 = arith.addi %add3A_1258, %iota3A : vector<8x256xi32>
      %ge3A = vector.broadcast %get3A_706 : i32 to vector<8x256xi32>
      %ge3A_1260 = arith.cmpi sge, %add3A_1259, %ge3A : vector<8x256xi32>
      %lt3A = vector.broadcast %get3A_708 : i32 to vector<8x256xi32>
      %lt3A_1261 = arith.cmpi slt, %add3A_1259, %lt3A : vector<8x256xi32>
      %and3A_1262 = arith.andi %ge3A_1260, %lt3A_1261 : vector<8x256xi1>
      %jit3A_1263 = arith.constant 0.000000e+00 : f32
      %broadcast_in_dim3A_1264 = vector.broadcast %jit3A_1263 : f32 to vector<8x256xf32>
      %select_n3A_1265 = arith.select %and3A_1262, %get3A_1257, %broadcast_in_dim3A_1264 : vector<8x256xi1>, vector<8x256xf32>
      %reduce_sum3A = arith.constant dense<0.000000e+00> : vector<256xf32>
      %reduce_sum3A_1266 = vector.multi_reduction <add>, %select_n3A_1265, %reduce_sum3A [0] : vector<8x256xf32> to vector<256xf32>
      %broadcast_in_dim3A_1267 = vector.shape_cast %reduce_sum3A_1266 : vector<256xf32> to vector<1x256xf32>
      %add3A_1268 = arith.addf %while3A_1251, %broadcast_in_dim3A_1267 : vector<1x256xf32>
      scf.yield %add3A_1268 : vector<1x256xf32>
    }
    %while3A_773 = arith.constant 1 : i32
    %while3A_774 = scf.for %while3A_1250 = %while3A_770 to %while3A_766 step %while3A_773 iter_args(%while3A_1251 = %while3A_772) -> (vector<1x256xf32>)  : i32 {
      %mul3A_1252 = arith.constant 8 : i32
      %mul3A_1253 = arith.muli %while3A_1250, %mul3A_1252 : i32
      %add3A_1254 = arith.addi %mul3A_734, %mul3A_1253 : i32
      %multiple_of3A = tpu.assume_multiple %add3A_1254, 8 : i32
      %get3A_1255 = arith.index_cast %multiple_of3A : i32 to index
      %get3A_1256 = arith.constant 0 : index
      %get3A_1257 = vector.load %arg10[%get3A_1255, %get3A_1256] : memref<10240x256xf32, #tpu.memory_space<vmem>>, vector<8x256xf32>
      %iota3A = tpu.iota {dimensions = array<i32: 0>} : vector<8x256xi32>
      %add3A_1258 = vector.broadcast %multiple_of3A : i32 to vector<8x256xi32>
      %add3A_1259 = arith.addi %add3A_1258, %iota3A : vector<8x256xi32>
      %ge3A = vector.broadcast %get3A_706 : i32 to vector<8x256xi32>
      %ge3A_1260 = arith.cmpi sge, %add3A_1259, %ge3A : vector<8x256xi32>
      %lt3A = vector.broadcast %get3A_708 : i32 to vector<8x256xi32>
      %lt3A_1261 = arith.cmpi slt, %add3A_1259, %lt3A : vector<8x256xi32>
      %and3A_1262 = arith.andi %ge3A_1260, %lt3A_1261 : vector<8x256xi1>
      %jit3A_1263 = arith.constant 0.000000e+00 : f32
      %broadcast_in_dim3A_1264 = vector.broadcast %jit3A_1263 : f32 to vector<8x256xf32>
      %select_n3A_1265 = arith.select %and3A_1262, %get3A_1257, %broadcast_in_dim3A_1264 : vector<8x256xi1>, vector<8x256xf32>
      %reduce_sum3A = arith.constant dense<0.000000e+00> : vector<256xf32>
      %reduce_sum3A_1266 = vector.multi_reduction <add>, %select_n3A_1265, %reduce_sum3A [0] : vector<8x256xf32> to vector<256xf32>
      %broadcast_in_dim3A_1267 = vector.shape_cast %reduce_sum3A_1266 : vector<256xf32> to vector<1x256xf32>
      %add3A_1268 = arith.addf %while3A_1251, %broadcast_in_dim3A_1267 : vector<1x256xf32>
      scf.yield %add3A_1268 : vector<1x256xf32>
    }
    %sub3A_775 = arith.subi %get3A_708, %get3A_706 : i32
    %convert_element_type3A_776 = arith.sitofp %sub3A_775 : i32 to f32
    %max3A_777 = arith.constant 1.000000e+00 : f32
    %max3A_778 = arith.maximumf %convert_element_type3A_776, %max3A_777 : f32
    %div3A_779 = vector.broadcast %max3A_778 : f32 to vector<1x256xf32>
    %div3A_780 = arith.divf %while3A_774, %div3A_779 : vector<1x256xf32>
    %get3A_781 = arith.constant 10 : index
    %get3A_782 = memref.load %arg8[%get3A_781] : memref<17xi32, #tpu.memory_space<smem>>
    %get3A_783 = arith.constant 11 : index
    %get3A_784 = memref.load %arg8[%get3A_783] : memref<17xi32, #tpu.memory_space<smem>>
    %jit3A_785 = arith.constant 8 : i32
    %div3A_786 = arith.divsi %get3A_782, %jit3A_785 : i32
    %sign3A_787 = arith.constant 0 : i32
    %sign3A_788 = arith.cmpi sgt, %get3A_782, %sign3A_787 : i32
    %sign3A_789 = arith.extui %sign3A_788 : i1 to i32
    %sign3A_790 = arith.constant 0 : i32
    %sign3A_791 = arith.cmpi slt, %get3A_782, %sign3A_790 : i32
    %sign3A_792 = arith.extui %sign3A_791 : i1 to i32
    %sign3A_793 = arith.subi %sign3A_789, %sign3A_792 : i32
    %sign3A_794 = arith.constant 0 : i32
    %sign3A_795 = arith.cmpi sgt, %jit3A_785, %sign3A_794 : i32
    %sign3A_796 = arith.extui %sign3A_795 : i1 to i32
    %sign3A_797 = arith.constant 0 : i32
    %sign3A_798 = arith.cmpi slt, %jit3A_785, %sign3A_797 : i32
    %sign3A_799 = arith.extui %sign3A_798 : i1 to i32
    %sign3A_800 = arith.subi %sign3A_796, %sign3A_799 : i32
    %ne3A_801 = arith.cmpi ne, %sign3A_793, %sign3A_800 : i32
    %rem3A_802 = arith.remsi %get3A_782, %jit3A_785 : i32
    %ne3A_803 = arith.constant 0 : i32
    %ne3A_804 = arith.cmpi ne, %rem3A_802, %ne3A_803 : i32
    %and3A_805 = arith.andi %ne3A_801, %ne3A_804 : i1
    %sub3A_806 = arith.constant 1 : i32
    %sub3A_807 = arith.subi %div3A_786, %sub3A_806 : i32
    %select_n3A_808 = arith.select %and3A_805, %sub3A_807, %div3A_786 : i32
    %mul3A_809 = arith.constant 8 : i32
    %mul3A_810 = arith.muli %select_n3A_808, %mul3A_809 : i32
    %sub3A_811 = arith.subi %get3A_784, %mul3A_810 : i32
    %add3A_812 = arith.constant 7 : i32
    %add3A_813 = arith.addi %sub3A_811, %add3A_812 : i32
    %jit3A_814 = arith.constant 8 : i32
    %div3A_815 = arith.divsi %add3A_813, %jit3A_814 : i32
    %sign3A_816 = arith.constant 0 : i32
    %sign3A_817 = arith.cmpi sgt, %add3A_813, %sign3A_816 : i32
    %sign3A_818 = arith.extui %sign3A_817 : i1 to i32
    %sign3A_819 = arith.constant 0 : i32
    %sign3A_820 = arith.cmpi slt, %add3A_813, %sign3A_819 : i32
    %sign3A_821 = arith.extui %sign3A_820 : i1 to i32
    %sign3A_822 = arith.subi %sign3A_818, %sign3A_821 : i32
    %sign3A_823 = arith.constant 0 : i32
    %sign3A_824 = arith.cmpi sgt, %jit3A_814, %sign3A_823 : i32
    %sign3A_825 = arith.extui %sign3A_824 : i1 to i32
    %sign3A_826 = arith.constant 0 : i32
    %sign3A_827 = arith.cmpi slt, %jit3A_814, %sign3A_826 : i32
    %sign3A_828 = arith.extui %sign3A_827 : i1 to i32
    %sign3A_829 = arith.subi %sign3A_825, %sign3A_828 : i32
    %ne3A_830 = arith.cmpi ne, %sign3A_822, %sign3A_829 : i32
    %rem3A_831 = arith.remsi %add3A_813, %jit3A_814 : i32
    %ne3A_832 = arith.constant 0 : i32
    %ne3A_833 = arith.cmpi ne, %rem3A_831, %ne3A_832 : i32
    %and3A_834 = arith.andi %ne3A_830, %ne3A_833 : i1
    %sub3A_835 = arith.constant 1 : i32
    %sub3A_836 = arith.subi %div3A_815, %sub3A_835 : i32
    %select_n3A_837 = arith.select %and3A_834, %sub3A_836, %div3A_815 : i32
    %broadcast_in_dim3A_838 = arith.constant 0.000000e+00 : f32
    %broadcast_in_dim3A_839 = vector.broadcast %broadcast_in_dim3A_838 : f32 to vector<1x256xf32>
    %while3A_840 = arith.constant 0 : i32
    %while3A_841 = arith.subi %select_n3A_837, %while3A_840 : i32
    %while3A_842 = arith.addi %while3A_840, %while3A_841 : i32
    %while3A_843 = arith.constant 1 : i32
    %while3A_844 = arith.divsi %while3A_841, %while3A_843 : i32
    %while3A_845 = arith.muli %while3A_844, %while3A_843 : i32
    %while3A_846 = arith.addi %while3A_840, %while3A_845 : i32
    %while3A_847 = arith.constant 1 : i32
    %while3A_848 = scf.for %while3A_1250 = %while3A_840 to %while3A_846 step %while3A_847 iter_args(%while3A_1251 = %broadcast_in_dim3A_839) -> (vector<1x256xf32>)  : i32 {
      %mul3A_1252 = arith.constant 8 : i32
      %mul3A_1253 = arith.muli %while3A_1250, %mul3A_1252 : i32
      %add3A_1254 = arith.addi %mul3A_810, %mul3A_1253 : i32
      %multiple_of3A = tpu.assume_multiple %add3A_1254, 8 : i32
      %get3A_1255 = arith.index_cast %multiple_of3A : i32 to index
      %get3A_1256 = arith.constant 0 : index
      %get3A_1257 = vector.load %arg10[%get3A_1255, %get3A_1256] : memref<10240x256xf32, #tpu.memory_space<vmem>>, vector<8x256xf32>
      %iota3A = tpu.iota {dimensions = array<i32: 0>} : vector<8x256xi32>
      %add3A_1258 = vector.broadcast %multiple_of3A : i32 to vector<8x256xi32>
      %add3A_1259 = arith.addi %add3A_1258, %iota3A : vector<8x256xi32>
      %ge3A = vector.broadcast %get3A_782 : i32 to vector<8x256xi32>
      %ge3A_1260 = arith.cmpi sge, %add3A_1259, %ge3A : vector<8x256xi32>
      %lt3A = vector.broadcast %get3A_784 : i32 to vector<8x256xi32>
      %lt3A_1261 = arith.cmpi slt, %add3A_1259, %lt3A : vector<8x256xi32>
      %and3A_1262 = arith.andi %ge3A_1260, %lt3A_1261 : vector<8x256xi1>
      %jit3A_1263 = arith.constant 0.000000e+00 : f32
      %broadcast_in_dim3A_1264 = vector.broadcast %jit3A_1263 : f32 to vector<8x256xf32>
      %select_n3A_1265 = arith.select %and3A_1262, %get3A_1257, %broadcast_in_dim3A_1264 : vector<8x256xi1>, vector<8x256xf32>
      %reduce_sum3A = arith.constant dense<0.000000e+00> : vector<256xf32>
      %reduce_sum3A_1266 = vector.multi_reduction <add>, %select_n3A_1265, %reduce_sum3A [0] : vector<8x256xf32> to vector<256xf32>
      %broadcast_in_dim3A_1267 = vector.shape_cast %reduce_sum3A_1266 : vector<256xf32> to vector<1x256xf32>
      %add3A_1268 = arith.addf %while3A_1251, %broadcast_in_dim3A_1267 : vector<1x256xf32>
      scf.yield %add3A_1268 : vector<1x256xf32>
    }
    %while3A_849 = arith.constant 1 : i32
    %while3A_850 = scf.for %while3A_1250 = %while3A_846 to %while3A_842 step %while3A_849 iter_args(%while3A_1251 = %while3A_848) -> (vector<1x256xf32>)  : i32 {
      %mul3A_1252 = arith.constant 8 : i32
      %mul3A_1253 = arith.muli %while3A_1250, %mul3A_1252 : i32
      %add3A_1254 = arith.addi %mul3A_810, %mul3A_1253 : i32
      %multiple_of3A = tpu.assume_multiple %add3A_1254, 8 : i32
      %get3A_1255 = arith.index_cast %multiple_of3A : i32 to index
      %get3A_1256 = arith.constant 0 : index
      %get3A_1257 = vector.load %arg10[%get3A_1255, %get3A_1256] : memref<10240x256xf32, #tpu.memory_space<vmem>>, vector<8x256xf32>
      %iota3A = tpu.iota {dimensions = array<i32: 0>} : vector<8x256xi32>
      %add3A_1258 = vector.broadcast %multiple_of3A : i32 to vector<8x256xi32>
      %add3A_1259 = arith.addi %add3A_1258, %iota3A : vector<8x256xi32>
      %ge3A = vector.broadcast %get3A_782 : i32 to vector<8x256xi32>
      %ge3A_1260 = arith.cmpi sge, %add3A_1259, %ge3A : vector<8x256xi32>
      %lt3A = vector.broadcast %get3A_784 : i32 to vector<8x256xi32>
      %lt3A_1261 = arith.cmpi slt, %add3A_1259, %lt3A : vector<8x256xi32>
      %and3A_1262 = arith.andi %ge3A_1260, %lt3A_1261 : vector<8x256xi1>
      %jit3A_1263 = arith.constant 0.000000e+00 : f32
      %broadcast_in_dim3A_1264 = vector.broadcast %jit3A_1263 : f32 to vector<8x256xf32>
      %select_n3A_1265 = arith.select %and3A_1262, %get3A_1257, %broadcast_in_dim3A_1264 : vector<8x256xi1>, vector<8x256xf32>
      %reduce_sum3A = arith.constant dense<0.000000e+00> : vector<256xf32>
      %reduce_sum3A_1266 = vector.multi_reduction <add>, %select_n3A_1265, %reduce_sum3A [0] : vector<8x256xf32> to vector<256xf32>
      %broadcast_in_dim3A_1267 = vector.shape_cast %reduce_sum3A_1266 : vector<256xf32> to vector<1x256xf32>
      %add3A_1268 = arith.addf %while3A_1251, %broadcast_in_dim3A_1267 : vector<1x256xf32>
      scf.yield %add3A_1268 : vector<1x256xf32>
    }
    %sub3A_851 = arith.subi %get3A_784, %get3A_782 : i32
    %convert_element_type3A_852 = arith.sitofp %sub3A_851 : i32 to f32
    %max3A_853 = arith.constant 1.000000e+00 : f32
    %max3A_854 = arith.maximumf %convert_element_type3A_852, %max3A_853 : f32
    %div3A_855 = vector.broadcast %max3A_854 : f32 to vector<1x256xf32>
    %div3A_856 = arith.divf %while3A_850, %div3A_855 : vector<1x256xf32>
    %get3A_857 = arith.constant 11 : index
    %get3A_858 = memref.load %arg8[%get3A_857] : memref<17xi32, #tpu.memory_space<smem>>
    %get3A_859 = arith.constant 12 : index
    %get3A_860 = memref.load %arg8[%get3A_859] : memref<17xi32, #tpu.memory_space<smem>>
    %jit3A_861 = arith.constant 8 : i32
    %div3A_862 = arith.divsi %get3A_858, %jit3A_861 : i32
    %sign3A_863 = arith.constant 0 : i32
    %sign3A_864 = arith.cmpi sgt, %get3A_858, %sign3A_863 : i32
    %sign3A_865 = arith.extui %sign3A_864 : i1 to i32
    %sign3A_866 = arith.constant 0 : i32
    %sign3A_867 = arith.cmpi slt, %get3A_858, %sign3A_866 : i32
    %sign3A_868 = arith.extui %sign3A_867 : i1 to i32
    %sign3A_869 = arith.subi %sign3A_865, %sign3A_868 : i32
    %sign3A_870 = arith.constant 0 : i32
    %sign3A_871 = arith.cmpi sgt, %jit3A_861, %sign3A_870 : i32
    %sign3A_872 = arith.extui %sign3A_871 : i1 to i32
    %sign3A_873 = arith.constant 0 : i32
    %sign3A_874 = arith.cmpi slt, %jit3A_861, %sign3A_873 : i32
    %sign3A_875 = arith.extui %sign3A_874 : i1 to i32
    %sign3A_876 = arith.subi %sign3A_872, %sign3A_875 : i32
    %ne3A_877 = arith.cmpi ne, %sign3A_869, %sign3A_876 : i32
    %rem3A_878 = arith.remsi %get3A_858, %jit3A_861 : i32
    %ne3A_879 = arith.constant 0 : i32
    %ne3A_880 = arith.cmpi ne, %rem3A_878, %ne3A_879 : i32
    %and3A_881 = arith.andi %ne3A_877, %ne3A_880 : i1
    %sub3A_882 = arith.constant 1 : i32
    %sub3A_883 = arith.subi %div3A_862, %sub3A_882 : i32
    %select_n3A_884 = arith.select %and3A_881, %sub3A_883, %div3A_862 : i32
    %mul3A_885 = arith.constant 8 : i32
    %mul3A_886 = arith.muli %select_n3A_884, %mul3A_885 : i32
    %sub3A_887 = arith.subi %get3A_860, %mul3A_886 : i32
    %add3A_888 = arith.constant 7 : i32
    %add3A_889 = arith.addi %sub3A_887, %add3A_888 : i32
    %jit3A_890 = arith.constant 8 : i32
    %div3A_891 = arith.divsi %add3A_889, %jit3A_890 : i32
    %sign3A_892 = arith.constant 0 : i32
    %sign3A_893 = arith.cmpi sgt, %add3A_889, %sign3A_892 : i32
    %sign3A_894 = arith.extui %sign3A_893 : i1 to i32
    %sign3A_895 = arith.constant 0 : i32
    %sign3A_896 = arith.cmpi slt, %add3A_889, %sign3A_895 : i32
    %sign3A_897 = arith.extui %sign3A_896 : i1 to i32
    %sign3A_898 = arith.subi %sign3A_894, %sign3A_897 : i32
    %sign3A_899 = arith.constant 0 : i32
    %sign3A_900 = arith.cmpi sgt, %jit3A_890, %sign3A_899 : i32
    %sign3A_901 = arith.extui %sign3A_900 : i1 to i32
    %sign3A_902 = arith.constant 0 : i32
    %sign3A_903 = arith.cmpi slt, %jit3A_890, %sign3A_902 : i32
    %sign3A_904 = arith.extui %sign3A_903 : i1 to i32
    %sign3A_905 = arith.subi %sign3A_901, %sign3A_904 : i32
    %ne3A_906 = arith.cmpi ne, %sign3A_898, %sign3A_905 : i32
    %rem3A_907 = arith.remsi %add3A_889, %jit3A_890 : i32
    %ne3A_908 = arith.constant 0 : i32
    %ne3A_909 = arith.cmpi ne, %rem3A_907, %ne3A_908 : i32
    %and3A_910 = arith.andi %ne3A_906, %ne3A_909 : i1
    %sub3A_911 = arith.constant 1 : i32
    %sub3A_912 = arith.subi %div3A_891, %sub3A_911 : i32
    %select_n3A_913 = arith.select %and3A_910, %sub3A_912, %div3A_891 : i32
    %broadcast_in_dim3A_914 = arith.constant 0.000000e+00 : f32
    %broadcast_in_dim3A_915 = vector.broadcast %broadcast_in_dim3A_914 : f32 to vector<1x256xf32>
    %while3A_916 = arith.constant 0 : i32
    %while3A_917 = arith.subi %select_n3A_913, %while3A_916 : i32
    %while3A_918 = arith.addi %while3A_916, %while3A_917 : i32
    %while3A_919 = arith.constant 1 : i32
    %while3A_920 = arith.divsi %while3A_917, %while3A_919 : i32
    %while3A_921 = arith.muli %while3A_920, %while3A_919 : i32
    %while3A_922 = arith.addi %while3A_916, %while3A_921 : i32
    %while3A_923 = arith.constant 1 : i32
    %while3A_924 = scf.for %while3A_1250 = %while3A_916 to %while3A_922 step %while3A_923 iter_args(%while3A_1251 = %broadcast_in_dim3A_915) -> (vector<1x256xf32>)  : i32 {
      %mul3A_1252 = arith.constant 8 : i32
      %mul3A_1253 = arith.muli %while3A_1250, %mul3A_1252 : i32
      %add3A_1254 = arith.addi %mul3A_886, %mul3A_1253 : i32
      %multiple_of3A = tpu.assume_multiple %add3A_1254, 8 : i32
      %get3A_1255 = arith.index_cast %multiple_of3A : i32 to index
      %get3A_1256 = arith.constant 0 : index
      %get3A_1257 = vector.load %arg10[%get3A_1255, %get3A_1256] : memref<10240x256xf32, #tpu.memory_space<vmem>>, vector<8x256xf32>
      %iota3A = tpu.iota {dimensions = array<i32: 0>} : vector<8x256xi32>
      %add3A_1258 = vector.broadcast %multiple_of3A : i32 to vector<8x256xi32>
      %add3A_1259 = arith.addi %add3A_1258, %iota3A : vector<8x256xi32>
      %ge3A = vector.broadcast %get3A_858 : i32 to vector<8x256xi32>
      %ge3A_1260 = arith.cmpi sge, %add3A_1259, %ge3A : vector<8x256xi32>
      %lt3A = vector.broadcast %get3A_860 : i32 to vector<8x256xi32>
      %lt3A_1261 = arith.cmpi slt, %add3A_1259, %lt3A : vector<8x256xi32>
      %and3A_1262 = arith.andi %ge3A_1260, %lt3A_1261 : vector<8x256xi1>
      %jit3A_1263 = arith.constant 0.000000e+00 : f32
      %broadcast_in_dim3A_1264 = vector.broadcast %jit3A_1263 : f32 to vector<8x256xf32>
      %select_n3A_1265 = arith.select %and3A_1262, %get3A_1257, %broadcast_in_dim3A_1264 : vector<8x256xi1>, vector<8x256xf32>
      %reduce_sum3A = arith.constant dense<0.000000e+00> : vector<256xf32>
      %reduce_sum3A_1266 = vector.multi_reduction <add>, %select_n3A_1265, %reduce_sum3A [0] : vector<8x256xf32> to vector<256xf32>
      %broadcast_in_dim3A_1267 = vector.shape_cast %reduce_sum3A_1266 : vector<256xf32> to vector<1x256xf32>
      %add3A_1268 = arith.addf %while3A_1251, %broadcast_in_dim3A_1267 : vector<1x256xf32>
      scf.yield %add3A_1268 : vector<1x256xf32>
    }
    %while3A_925 = arith.constant 1 : i32
    %while3A_926 = scf.for %while3A_1250 = %while3A_922 to %while3A_918 step %while3A_925 iter_args(%while3A_1251 = %while3A_924) -> (vector<1x256xf32>)  : i32 {
      %mul3A_1252 = arith.constant 8 : i32
      %mul3A_1253 = arith.muli %while3A_1250, %mul3A_1252 : i32
      %add3A_1254 = arith.addi %mul3A_886, %mul3A_1253 : i32
      %multiple_of3A = tpu.assume_multiple %add3A_1254, 8 : i32
      %get3A_1255 = arith.index_cast %multiple_of3A : i32 to index
      %get3A_1256 = arith.constant 0 : index
      %get3A_1257 = vector.load %arg10[%get3A_1255, %get3A_1256] : memref<10240x256xf32, #tpu.memory_space<vmem>>, vector<8x256xf32>
      %iota3A = tpu.iota {dimensions = array<i32: 0>} : vector<8x256xi32>
      %add3A_1258 = vector.broadcast %multiple_of3A : i32 to vector<8x256xi32>
      %add3A_1259 = arith.addi %add3A_1258, %iota3A : vector<8x256xi32>
      %ge3A = vector.broadcast %get3A_858 : i32 to vector<8x256xi32>
      %ge3A_1260 = arith.cmpi sge, %add3A_1259, %ge3A : vector<8x256xi32>
      %lt3A = vector.broadcast %get3A_860 : i32 to vector<8x256xi32>
      %lt3A_1261 = arith.cmpi slt, %add3A_1259, %lt3A : vector<8x256xi32>
      %and3A_1262 = arith.andi %ge3A_1260, %lt3A_1261 : vector<8x256xi1>
      %jit3A_1263 = arith.constant 0.000000e+00 : f32
      %broadcast_in_dim3A_1264 = vector.broadcast %jit3A_1263 : f32 to vector<8x256xf32>
      %select_n3A_1265 = arith.select %and3A_1262, %get3A_1257, %broadcast_in_dim3A_1264 : vector<8x256xi1>, vector<8x256xf32>
      %reduce_sum3A = arith.constant dense<0.000000e+00> : vector<256xf32>
      %reduce_sum3A_1266 = vector.multi_reduction <add>, %select_n3A_1265, %reduce_sum3A [0] : vector<8x256xf32> to vector<256xf32>
      %broadcast_in_dim3A_1267 = vector.shape_cast %reduce_sum3A_1266 : vector<256xf32> to vector<1x256xf32>
      %add3A_1268 = arith.addf %while3A_1251, %broadcast_in_dim3A_1267 : vector<1x256xf32>
      scf.yield %add3A_1268 : vector<1x256xf32>
    }
    %sub3A_927 = arith.subi %get3A_860, %get3A_858 : i32
    %convert_element_type3A_928 = arith.sitofp %sub3A_927 : i32 to f32
    %max3A_929 = arith.constant 1.000000e+00 : f32
    %max3A_930 = arith.maximumf %convert_element_type3A_928, %max3A_929 : f32
    %div3A_931 = vector.broadcast %max3A_930 : f32 to vector<1x256xf32>
    %div3A_932 = arith.divf %while3A_926, %div3A_931 : vector<1x256xf32>
    %get3A_933 = arith.constant 12 : index
    %get3A_934 = memref.load %arg8[%get3A_933] : memref<17xi32, #tpu.memory_space<smem>>
    %get3A_935 = arith.constant 13 : index
    %get3A_936 = memref.load %arg8[%get3A_935] : memref<17xi32, #tpu.memory_space<smem>>
    %jit3A_937 = arith.constant 8 : i32
    %div3A_938 = arith.divsi %get3A_934, %jit3A_937 : i32
    %sign3A_939 = arith.constant 0 : i32
    %sign3A_940 = arith.cmpi sgt, %get3A_934, %sign3A_939 : i32
    %sign3A_941 = arith.extui %sign3A_940 : i1 to i32
    %sign3A_942 = arith.constant 0 : i32
    %sign3A_943 = arith.cmpi slt, %get3A_934, %sign3A_942 : i32
    %sign3A_944 = arith.extui %sign3A_943 : i1 to i32
    %sign3A_945 = arith.subi %sign3A_941, %sign3A_944 : i32
    %sign3A_946 = arith.constant 0 : i32
    %sign3A_947 = arith.cmpi sgt, %jit3A_937, %sign3A_946 : i32
    %sign3A_948 = arith.extui %sign3A_947 : i1 to i32
    %sign3A_949 = arith.constant 0 : i32
    %sign3A_950 = arith.cmpi slt, %jit3A_937, %sign3A_949 : i32
    %sign3A_951 = arith.extui %sign3A_950 : i1 to i32
    %sign3A_952 = arith.subi %sign3A_948, %sign3A_951 : i32
    %ne3A_953 = arith.cmpi ne, %sign3A_945, %sign3A_952 : i32
    %rem3A_954 = arith.remsi %get3A_934, %jit3A_937 : i32
    %ne3A_955 = arith.constant 0 : i32
    %ne3A_956 = arith.cmpi ne, %rem3A_954, %ne3A_955 : i32
    %and3A_957 = arith.andi %ne3A_953, %ne3A_956 : i1
    %sub3A_958 = arith.constant 1 : i32
    %sub3A_959 = arith.subi %div3A_938, %sub3A_958 : i32
    %select_n3A_960 = arith.select %and3A_957, %sub3A_959, %div3A_938 : i32
    %mul3A_961 = arith.constant 8 : i32
    %mul3A_962 = arith.muli %select_n3A_960, %mul3A_961 : i32
    %sub3A_963 = arith.subi %get3A_936, %mul3A_962 : i32
    %add3A_964 = arith.constant 7 : i32
    %add3A_965 = arith.addi %sub3A_963, %add3A_964 : i32
    %jit3A_966 = arith.constant 8 : i32
    %div3A_967 = arith.divsi %add3A_965, %jit3A_966 : i32
    %sign3A_968 = arith.constant 0 : i32
    %sign3A_969 = arith.cmpi sgt, %add3A_965, %sign3A_968 : i32
    %sign3A_970 = arith.extui %sign3A_969 : i1 to i32
    %sign3A_971 = arith.constant 0 : i32
    %sign3A_972 = arith.cmpi slt, %add3A_965, %sign3A_971 : i32
    %sign3A_973 = arith.extui %sign3A_972 : i1 to i32
    %sign3A_974 = arith.subi %sign3A_970, %sign3A_973 : i32
    %sign3A_975 = arith.constant 0 : i32
    %sign3A_976 = arith.cmpi sgt, %jit3A_966, %sign3A_975 : i32
    %sign3A_977 = arith.extui %sign3A_976 : i1 to i32
    %sign3A_978 = arith.constant 0 : i32
    %sign3A_979 = arith.cmpi slt, %jit3A_966, %sign3A_978 : i32
    %sign3A_980 = arith.extui %sign3A_979 : i1 to i32
    %sign3A_981 = arith.subi %sign3A_977, %sign3A_980 : i32
    %ne3A_982 = arith.cmpi ne, %sign3A_974, %sign3A_981 : i32
    %rem3A_983 = arith.remsi %add3A_965, %jit3A_966 : i32
    %ne3A_984 = arith.constant 0 : i32
    %ne3A_985 = arith.cmpi ne, %rem3A_983, %ne3A_984 : i32
    %and3A_986 = arith.andi %ne3A_982, %ne3A_985 : i1
    %sub3A_987 = arith.constant 1 : i32
    %sub3A_988 = arith.subi %div3A_967, %sub3A_987 : i32
    %select_n3A_989 = arith.select %and3A_986, %sub3A_988, %div3A_967 : i32
    %broadcast_in_dim3A_990 = arith.constant 0.000000e+00 : f32
    %broadcast_in_dim3A_991 = vector.broadcast %broadcast_in_dim3A_990 : f32 to vector<1x256xf32>
    %while3A_992 = arith.constant 0 : i32
    %while3A_993 = arith.subi %select_n3A_989, %while3A_992 : i32
    %while3A_994 = arith.addi %while3A_992, %while3A_993 : i32
    %while3A_995 = arith.constant 1 : i32
    %while3A_996 = arith.divsi %while3A_993, %while3A_995 : i32
    %while3A_997 = arith.muli %while3A_996, %while3A_995 : i32
    %while3A_998 = arith.addi %while3A_992, %while3A_997 : i32
    %while3A_999 = arith.constant 1 : i32
    %while3A_1000 = scf.for %while3A_1250 = %while3A_992 to %while3A_998 step %while3A_999 iter_args(%while3A_1251 = %broadcast_in_dim3A_991) -> (vector<1x256xf32>)  : i32 {
      %mul3A_1252 = arith.constant 8 : i32
      %mul3A_1253 = arith.muli %while3A_1250, %mul3A_1252 : i32
      %add3A_1254 = arith.addi %mul3A_962, %mul3A_1253 : i32
      %multiple_of3A = tpu.assume_multiple %add3A_1254, 8 : i32
      %get3A_1255 = arith.index_cast %multiple_of3A : i32 to index
      %get3A_1256 = arith.constant 0 : index
      %get3A_1257 = vector.load %arg10[%get3A_1255, %get3A_1256] : memref<10240x256xf32, #tpu.memory_space<vmem>>, vector<8x256xf32>
      %iota3A = tpu.iota {dimensions = array<i32: 0>} : vector<8x256xi32>
      %add3A_1258 = vector.broadcast %multiple_of3A : i32 to vector<8x256xi32>
      %add3A_1259 = arith.addi %add3A_1258, %iota3A : vector<8x256xi32>
      %ge3A = vector.broadcast %get3A_934 : i32 to vector<8x256xi32>
      %ge3A_1260 = arith.cmpi sge, %add3A_1259, %ge3A : vector<8x256xi32>
      %lt3A = vector.broadcast %get3A_936 : i32 to vector<8x256xi32>
      %lt3A_1261 = arith.cmpi slt, %add3A_1259, %lt3A : vector<8x256xi32>
      %and3A_1262 = arith.andi %ge3A_1260, %lt3A_1261 : vector<8x256xi1>
      %jit3A_1263 = arith.constant 0.000000e+00 : f32
      %broadcast_in_dim3A_1264 = vector.broadcast %jit3A_1263 : f32 to vector<8x256xf32>
      %select_n3A_1265 = arith.select %and3A_1262, %get3A_1257, %broadcast_in_dim3A_1264 : vector<8x256xi1>, vector<8x256xf32>
      %reduce_sum3A = arith.constant dense<0.000000e+00> : vector<256xf32>
      %reduce_sum3A_1266 = vector.multi_reduction <add>, %select_n3A_1265, %reduce_sum3A [0] : vector<8x256xf32> to vector<256xf32>
      %broadcast_in_dim3A_1267 = vector.shape_cast %reduce_sum3A_1266 : vector<256xf32> to vector<1x256xf32>
      %add3A_1268 = arith.addf %while3A_1251, %broadcast_in_dim3A_1267 : vector<1x256xf32>
      scf.yield %add3A_1268 : vector<1x256xf32>
    }
    %while3A_1001 = arith.constant 1 : i32
    %while3A_1002 = scf.for %while3A_1250 = %while3A_998 to %while3A_994 step %while3A_1001 iter_args(%while3A_1251 = %while3A_1000) -> (vector<1x256xf32>)  : i32 {
      %mul3A_1252 = arith.constant 8 : i32
      %mul3A_1253 = arith.muli %while3A_1250, %mul3A_1252 : i32
      %add3A_1254 = arith.addi %mul3A_962, %mul3A_1253 : i32
      %multiple_of3A = tpu.assume_multiple %add3A_1254, 8 : i32
      %get3A_1255 = arith.index_cast %multiple_of3A : i32 to index
      %get3A_1256 = arith.constant 0 : index
      %get3A_1257 = vector.load %arg10[%get3A_1255, %get3A_1256] : memref<10240x256xf32, #tpu.memory_space<vmem>>, vector<8x256xf32>
      %iota3A = tpu.iota {dimensions = array<i32: 0>} : vector<8x256xi32>
      %add3A_1258 = vector.broadcast %multiple_of3A : i32 to vector<8x256xi32>
      %add3A_1259 = arith.addi %add3A_1258, %iota3A : vector<8x256xi32>
      %ge3A = vector.broadcast %get3A_934 : i32 to vector<8x256xi32>
      %ge3A_1260 = arith.cmpi sge, %add3A_1259, %ge3A : vector<8x256xi32>
      %lt3A = vector.broadcast %get3A_936 : i32 to vector<8x256xi32>
      %lt3A_1261 = arith.cmpi slt, %add3A_1259, %lt3A : vector<8x256xi32>
      %and3A_1262 = arith.andi %ge3A_1260, %lt3A_1261 : vector<8x256xi1>
      %jit3A_1263 = arith.constant 0.000000e+00 : f32
      %broadcast_in_dim3A_1264 = vector.broadcast %jit3A_1263 : f32 to vector<8x256xf32>
      %select_n3A_1265 = arith.select %and3A_1262, %get3A_1257, %broadcast_in_dim3A_1264 : vector<8x256xi1>, vector<8x256xf32>
      %reduce_sum3A = arith.constant dense<0.000000e+00> : vector<256xf32>
      %reduce_sum3A_1266 = vector.multi_reduction <add>, %select_n3A_1265, %reduce_sum3A [0] : vector<8x256xf32> to vector<256xf32>
      %broadcast_in_dim3A_1267 = vector.shape_cast %reduce_sum3A_1266 : vector<256xf32> to vector<1x256xf32>
      %add3A_1268 = arith.addf %while3A_1251, %broadcast_in_dim3A_1267 : vector<1x256xf32>
      scf.yield %add3A_1268 : vector<1x256xf32>
    }
    %sub3A_1003 = arith.subi %get3A_936, %get3A_934 : i32
    %convert_element_type3A_1004 = arith.sitofp %sub3A_1003 : i32 to f32
    %max3A_1005 = arith.constant 1.000000e+00 : f32
    %max3A_1006 = arith.maximumf %convert_element_type3A_1004, %max3A_1005 : f32
    %div3A_1007 = vector.broadcast %max3A_1006 : f32 to vector<1x256xf32>
    %div3A_1008 = arith.divf %while3A_1002, %div3A_1007 : vector<1x256xf32>
    %get3A_1009 = arith.constant 13 : index
    %get3A_1010 = memref.load %arg8[%get3A_1009] : memref<17xi32, #tpu.memory_space<smem>>
    %get3A_1011 = arith.constant 14 : index
    %get3A_1012 = memref.load %arg8[%get3A_1011] : memref<17xi32, #tpu.memory_space<smem>>
    %jit3A_1013 = arith.constant 8 : i32
    %div3A_1014 = arith.divsi %get3A_1010, %jit3A_1013 : i32
    %sign3A_1015 = arith.constant 0 : i32
    %sign3A_1016 = arith.cmpi sgt, %get3A_1010, %sign3A_1015 : i32
    %sign3A_1017 = arith.extui %sign3A_1016 : i1 to i32
    %sign3A_1018 = arith.constant 0 : i32
    %sign3A_1019 = arith.cmpi slt, %get3A_1010, %sign3A_1018 : i32
    %sign3A_1020 = arith.extui %sign3A_1019 : i1 to i32
    %sign3A_1021 = arith.subi %sign3A_1017, %sign3A_1020 : i32
    %sign3A_1022 = arith.constant 0 : i32
    %sign3A_1023 = arith.cmpi sgt, %jit3A_1013, %sign3A_1022 : i32
    %sign3A_1024 = arith.extui %sign3A_1023 : i1 to i32
    %sign3A_1025 = arith.constant 0 : i32
    %sign3A_1026 = arith.cmpi slt, %jit3A_1013, %sign3A_1025 : i32
    %sign3A_1027 = arith.extui %sign3A_1026 : i1 to i32
    %sign3A_1028 = arith.subi %sign3A_1024, %sign3A_1027 : i32
    %ne3A_1029 = arith.cmpi ne, %sign3A_1021, %sign3A_1028 : i32
    %rem3A_1030 = arith.remsi %get3A_1010, %jit3A_1013 : i32
    %ne3A_1031 = arith.constant 0 : i32
    %ne3A_1032 = arith.cmpi ne, %rem3A_1030, %ne3A_1031 : i32
    %and3A_1033 = arith.andi %ne3A_1029, %ne3A_1032 : i1
    %sub3A_1034 = arith.constant 1 : i32
    %sub3A_1035 = arith.subi %div3A_1014, %sub3A_1034 : i32
    %select_n3A_1036 = arith.select %and3A_1033, %sub3A_1035, %div3A_1014 : i32
    %mul3A_1037 = arith.constant 8 : i32
    %mul3A_1038 = arith.muli %select_n3A_1036, %mul3A_1037 : i32
    %sub3A_1039 = arith.subi %get3A_1012, %mul3A_1038 : i32
    %add3A_1040 = arith.constant 7 : i32
    %add3A_1041 = arith.addi %sub3A_1039, %add3A_1040 : i32
    %jit3A_1042 = arith.constant 8 : i32
    %div3A_1043 = arith.divsi %add3A_1041, %jit3A_1042 : i32
    %sign3A_1044 = arith.constant 0 : i32
    %sign3A_1045 = arith.cmpi sgt, %add3A_1041, %sign3A_1044 : i32
    %sign3A_1046 = arith.extui %sign3A_1045 : i1 to i32
    %sign3A_1047 = arith.constant 0 : i32
    %sign3A_1048 = arith.cmpi slt, %add3A_1041, %sign3A_1047 : i32
    %sign3A_1049 = arith.extui %sign3A_1048 : i1 to i32
    %sign3A_1050 = arith.subi %sign3A_1046, %sign3A_1049 : i32
    %sign3A_1051 = arith.constant 0 : i32
    %sign3A_1052 = arith.cmpi sgt, %jit3A_1042, %sign3A_1051 : i32
    %sign3A_1053 = arith.extui %sign3A_1052 : i1 to i32
    %sign3A_1054 = arith.constant 0 : i32
    %sign3A_1055 = arith.cmpi slt, %jit3A_1042, %sign3A_1054 : i32
    %sign3A_1056 = arith.extui %sign3A_1055 : i1 to i32
    %sign3A_1057 = arith.subi %sign3A_1053, %sign3A_1056 : i32
    %ne3A_1058 = arith.cmpi ne, %sign3A_1050, %sign3A_1057 : i32
    %rem3A_1059 = arith.remsi %add3A_1041, %jit3A_1042 : i32
    %ne3A_1060 = arith.constant 0 : i32
    %ne3A_1061 = arith.cmpi ne, %rem3A_1059, %ne3A_1060 : i32
    %and3A_1062 = arith.andi %ne3A_1058, %ne3A_1061 : i1
    %sub3A_1063 = arith.constant 1 : i32
    %sub3A_1064 = arith.subi %div3A_1043, %sub3A_1063 : i32
    %select_n3A_1065 = arith.select %and3A_1062, %sub3A_1064, %div3A_1043 : i32
    %broadcast_in_dim3A_1066 = arith.constant 0.000000e+00 : f32
    %broadcast_in_dim3A_1067 = vector.broadcast %broadcast_in_dim3A_1066 : f32 to vector<1x256xf32>
    %while3A_1068 = arith.constant 0 : i32
    %while3A_1069 = arith.subi %select_n3A_1065, %while3A_1068 : i32
    %while3A_1070 = arith.addi %while3A_1068, %while3A_1069 : i32
    %while3A_1071 = arith.constant 1 : i32
    %while3A_1072 = arith.divsi %while3A_1069, %while3A_1071 : i32
    %while3A_1073 = arith.muli %while3A_1072, %while3A_1071 : i32
    %while3A_1074 = arith.addi %while3A_1068, %while3A_1073 : i32
    %while3A_1075 = arith.constant 1 : i32
    %while3A_1076 = scf.for %while3A_1250 = %while3A_1068 to %while3A_1074 step %while3A_1075 iter_args(%while3A_1251 = %broadcast_in_dim3A_1067) -> (vector<1x256xf32>)  : i32 {
      %mul3A_1252 = arith.constant 8 : i32
      %mul3A_1253 = arith.muli %while3A_1250, %mul3A_1252 : i32
      %add3A_1254 = arith.addi %mul3A_1038, %mul3A_1253 : i32
      %multiple_of3A = tpu.assume_multiple %add3A_1254, 8 : i32
      %get3A_1255 = arith.index_cast %multiple_of3A : i32 to index
      %get3A_1256 = arith.constant 0 : index
      %get3A_1257 = vector.load %arg10[%get3A_1255, %get3A_1256] : memref<10240x256xf32, #tpu.memory_space<vmem>>, vector<8x256xf32>
      %iota3A = tpu.iota {dimensions = array<i32: 0>} : vector<8x256xi32>
      %add3A_1258 = vector.broadcast %multiple_of3A : i32 to vector<8x256xi32>
      %add3A_1259 = arith.addi %add3A_1258, %iota3A : vector<8x256xi32>
      %ge3A = vector.broadcast %get3A_1010 : i32 to vector<8x256xi32>
      %ge3A_1260 = arith.cmpi sge, %add3A_1259, %ge3A : vector<8x256xi32>
      %lt3A = vector.broadcast %get3A_1012 : i32 to vector<8x256xi32>
      %lt3A_1261 = arith.cmpi slt, %add3A_1259, %lt3A : vector<8x256xi32>
      %and3A_1262 = arith.andi %ge3A_1260, %lt3A_1261 : vector<8x256xi1>
      %jit3A_1263 = arith.constant 0.000000e+00 : f32
      %broadcast_in_dim3A_1264 = vector.broadcast %jit3A_1263 : f32 to vector<8x256xf32>
      %select_n3A_1265 = arith.select %and3A_1262, %get3A_1257, %broadcast_in_dim3A_1264 : vector<8x256xi1>, vector<8x256xf32>
      %reduce_sum3A = arith.constant dense<0.000000e+00> : vector<256xf32>
      %reduce_sum3A_1266 = vector.multi_reduction <add>, %select_n3A_1265, %reduce_sum3A [0] : vector<8x256xf32> to vector<256xf32>
      %broadcast_in_dim3A_1267 = vector.shape_cast %reduce_sum3A_1266 : vector<256xf32> to vector<1x256xf32>
      %add3A_1268 = arith.addf %while3A_1251, %broadcast_in_dim3A_1267 : vector<1x256xf32>
      scf.yield %add3A_1268 : vector<1x256xf32>
    }
    %while3A_1077 = arith.constant 1 : i32
    %while3A_1078 = scf.for %while3A_1250 = %while3A_1074 to %while3A_1070 step %while3A_1077 iter_args(%while3A_1251 = %while3A_1076) -> (vector<1x256xf32>)  : i32 {
      %mul3A_1252 = arith.constant 8 : i32
      %mul3A_1253 = arith.muli %while3A_1250, %mul3A_1252 : i32
      %add3A_1254 = arith.addi %mul3A_1038, %mul3A_1253 : i32
      %multiple_of3A = tpu.assume_multiple %add3A_1254, 8 : i32
      %get3A_1255 = arith.index_cast %multiple_of3A : i32 to index
      %get3A_1256 = arith.constant 0 : index
      %get3A_1257 = vector.load %arg10[%get3A_1255, %get3A_1256] : memref<10240x256xf32, #tpu.memory_space<vmem>>, vector<8x256xf32>
      %iota3A = tpu.iota {dimensions = array<i32: 0>} : vector<8x256xi32>
      %add3A_1258 = vector.broadcast %multiple_of3A : i32 to vector<8x256xi32>
      %add3A_1259 = arith.addi %add3A_1258, %iota3A : vector<8x256xi32>
      %ge3A = vector.broadcast %get3A_1010 : i32 to vector<8x256xi32>
      %ge3A_1260 = arith.cmpi sge, %add3A_1259, %ge3A : vector<8x256xi32>
      %lt3A = vector.broadcast %get3A_1012 : i32 to vector<8x256xi32>
      %lt3A_1261 = arith.cmpi slt, %add3A_1259, %lt3A : vector<8x256xi32>
      %and3A_1262 = arith.andi %ge3A_1260, %lt3A_1261 : vector<8x256xi1>
      %jit3A_1263 = arith.constant 0.000000e+00 : f32
      %broadcast_in_dim3A_1264 = vector.broadcast %jit3A_1263 : f32 to vector<8x256xf32>
      %select_n3A_1265 = arith.select %and3A_1262, %get3A_1257, %broadcast_in_dim3A_1264 : vector<8x256xi1>, vector<8x256xf32>
      %reduce_sum3A = arith.constant dense<0.000000e+00> : vector<256xf32>
      %reduce_sum3A_1266 = vector.multi_reduction <add>, %select_n3A_1265, %reduce_sum3A [0] : vector<8x256xf32> to vector<256xf32>
      %broadcast_in_dim3A_1267 = vector.shape_cast %reduce_sum3A_1266 : vector<256xf32> to vector<1x256xf32>
      %add3A_1268 = arith.addf %while3A_1251, %broadcast_in_dim3A_1267 : vector<1x256xf32>
      scf.yield %add3A_1268 : vector<1x256xf32>
    }
    %sub3A_1079 = arith.subi %get3A_1012, %get3A_1010 : i32
    %convert_element_type3A_1080 = arith.sitofp %sub3A_1079 : i32 to f32
    %max3A_1081 = arith.constant 1.000000e+00 : f32
    %max3A_1082 = arith.maximumf %convert_element_type3A_1080, %max3A_1081 : f32
    %div3A_1083 = vector.broadcast %max3A_1082 : f32 to vector<1x256xf32>
    %div3A_1084 = arith.divf %while3A_1078, %div3A_1083 : vector<1x256xf32>
    %get3A_1085 = arith.constant 14 : index
    %get3A_1086 = memref.load %arg8[%get3A_1085] : memref<17xi32, #tpu.memory_space<smem>>
    %get3A_1087 = arith.constant 15 : index
    %get3A_1088 = memref.load %arg8[%get3A_1087] : memref<17xi32, #tpu.memory_space<smem>>
    %jit3A_1089 = arith.constant 8 : i32
    %div3A_1090 = arith.divsi %get3A_1086, %jit3A_1089 : i32
    %sign3A_1091 = arith.constant 0 : i32
    %sign3A_1092 = arith.cmpi sgt, %get3A_1086, %sign3A_1091 : i32
    %sign3A_1093 = arith.extui %sign3A_1092 : i1 to i32
    %sign3A_1094 = arith.constant 0 : i32
    %sign3A_1095 = arith.cmpi slt, %get3A_1086, %sign3A_1094 : i32
    %sign3A_1096 = arith.extui %sign3A_1095 : i1 to i32
    %sign3A_1097 = arith.subi %sign3A_1093, %sign3A_1096 : i32
    %sign3A_1098 = arith.constant 0 : i32
    %sign3A_1099 = arith.cmpi sgt, %jit3A_1089, %sign3A_1098 : i32
    %sign3A_1100 = arith.extui %sign3A_1099 : i1 to i32
    %sign3A_1101 = arith.constant 0 : i32
    %sign3A_1102 = arith.cmpi slt, %jit3A_1089, %sign3A_1101 : i32
    %sign3A_1103 = arith.extui %sign3A_1102 : i1 to i32
    %sign3A_1104 = arith.subi %sign3A_1100, %sign3A_1103 : i32
    %ne3A_1105 = arith.cmpi ne, %sign3A_1097, %sign3A_1104 : i32
    %rem3A_1106 = arith.remsi %get3A_1086, %jit3A_1089 : i32
    %ne3A_1107 = arith.constant 0 : i32
    %ne3A_1108 = arith.cmpi ne, %rem3A_1106, %ne3A_1107 : i32
    %and3A_1109 = arith.andi %ne3A_1105, %ne3A_1108 : i1
    %sub3A_1110 = arith.constant 1 : i32
    %sub3A_1111 = arith.subi %div3A_1090, %sub3A_1110 : i32
    %select_n3A_1112 = arith.select %and3A_1109, %sub3A_1111, %div3A_1090 : i32
    %mul3A_1113 = arith.constant 8 : i32
    %mul3A_1114 = arith.muli %select_n3A_1112, %mul3A_1113 : i32
    %sub3A_1115 = arith.subi %get3A_1088, %mul3A_1114 : i32
    %add3A_1116 = arith.constant 7 : i32
    %add3A_1117 = arith.addi %sub3A_1115, %add3A_1116 : i32
    %jit3A_1118 = arith.constant 8 : i32
    %div3A_1119 = arith.divsi %add3A_1117, %jit3A_1118 : i32
    %sign3A_1120 = arith.constant 0 : i32
    %sign3A_1121 = arith.cmpi sgt, %add3A_1117, %sign3A_1120 : i32
    %sign3A_1122 = arith.extui %sign3A_1121 : i1 to i32
    %sign3A_1123 = arith.constant 0 : i32
    %sign3A_1124 = arith.cmpi slt, %add3A_1117, %sign3A_1123 : i32
    %sign3A_1125 = arith.extui %sign3A_1124 : i1 to i32
    %sign3A_1126 = arith.subi %sign3A_1122, %sign3A_1125 : i32
    %sign3A_1127 = arith.constant 0 : i32
    %sign3A_1128 = arith.cmpi sgt, %jit3A_1118, %sign3A_1127 : i32
    %sign3A_1129 = arith.extui %sign3A_1128 : i1 to i32
    %sign3A_1130 = arith.constant 0 : i32
    %sign3A_1131 = arith.cmpi slt, %jit3A_1118, %sign3A_1130 : i32
    %sign3A_1132 = arith.extui %sign3A_1131 : i1 to i32
    %sign3A_1133 = arith.subi %sign3A_1129, %sign3A_1132 : i32
    %ne3A_1134 = arith.cmpi ne, %sign3A_1126, %sign3A_1133 : i32
    %rem3A_1135 = arith.remsi %add3A_1117, %jit3A_1118 : i32
    %ne3A_1136 = arith.constant 0 : i32
    %ne3A_1137 = arith.cmpi ne, %rem3A_1135, %ne3A_1136 : i32
    %and3A_1138 = arith.andi %ne3A_1134, %ne3A_1137 : i1
    %sub3A_1139 = arith.constant 1 : i32
    %sub3A_1140 = arith.subi %div3A_1119, %sub3A_1139 : i32
    %select_n3A_1141 = arith.select %and3A_1138, %sub3A_1140, %div3A_1119 : i32
    %broadcast_in_dim3A_1142 = arith.constant 0.000000e+00 : f32
    %broadcast_in_dim3A_1143 = vector.broadcast %broadcast_in_dim3A_1142 : f32 to vector<1x256xf32>
    %while3A_1144 = arith.constant 0 : i32
    %while3A_1145 = arith.subi %select_n3A_1141, %while3A_1144 : i32
    %while3A_1146 = arith.addi %while3A_1144, %while3A_1145 : i32
    %while3A_1147 = arith.constant 1 : i32
    %while3A_1148 = arith.divsi %while3A_1145, %while3A_1147 : i32
    %while3A_1149 = arith.muli %while3A_1148, %while3A_1147 : i32
    %while3A_1150 = arith.addi %while3A_1144, %while3A_1149 : i32
    %while3A_1151 = arith.constant 1 : i32
    %while3A_1152 = scf.for %while3A_1250 = %while3A_1144 to %while3A_1150 step %while3A_1151 iter_args(%while3A_1251 = %broadcast_in_dim3A_1143) -> (vector<1x256xf32>)  : i32 {
      %mul3A_1252 = arith.constant 8 : i32
      %mul3A_1253 = arith.muli %while3A_1250, %mul3A_1252 : i32
      %add3A_1254 = arith.addi %mul3A_1114, %mul3A_1253 : i32
      %multiple_of3A = tpu.assume_multiple %add3A_1254, 8 : i32
      %get3A_1255 = arith.index_cast %multiple_of3A : i32 to index
      %get3A_1256 = arith.constant 0 : index
      %get3A_1257 = vector.load %arg10[%get3A_1255, %get3A_1256] : memref<10240x256xf32, #tpu.memory_space<vmem>>, vector<8x256xf32>
      %iota3A = tpu.iota {dimensions = array<i32: 0>} : vector<8x256xi32>
      %add3A_1258 = vector.broadcast %multiple_of3A : i32 to vector<8x256xi32>
      %add3A_1259 = arith.addi %add3A_1258, %iota3A : vector<8x256xi32>
      %ge3A = vector.broadcast %get3A_1086 : i32 to vector<8x256xi32>
      %ge3A_1260 = arith.cmpi sge, %add3A_1259, %ge3A : vector<8x256xi32>
      %lt3A = vector.broadcast %get3A_1088 : i32 to vector<8x256xi32>
      %lt3A_1261 = arith.cmpi slt, %add3A_1259, %lt3A : vector<8x256xi32>
      %and3A_1262 = arith.andi %ge3A_1260, %lt3A_1261 : vector<8x256xi1>
      %jit3A_1263 = arith.constant 0.000000e+00 : f32
      %broadcast_in_dim3A_1264 = vector.broadcast %jit3A_1263 : f32 to vector<8x256xf32>
      %select_n3A_1265 = arith.select %and3A_1262, %get3A_1257, %broadcast_in_dim3A_1264 : vector<8x256xi1>, vector<8x256xf32>
      %reduce_sum3A = arith.constant dense<0.000000e+00> : vector<256xf32>
      %reduce_sum3A_1266 = vector.multi_reduction <add>, %select_n3A_1265, %reduce_sum3A [0] : vector<8x256xf32> to vector<256xf32>
      %broadcast_in_dim3A_1267 = vector.shape_cast %reduce_sum3A_1266 : vector<256xf32> to vector<1x256xf32>
      %add3A_1268 = arith.addf %while3A_1251, %broadcast_in_dim3A_1267 : vector<1x256xf32>
      scf.yield %add3A_1268 : vector<1x256xf32>
    }
    %while3A_1153 = arith.constant 1 : i32
    %while3A_1154 = scf.for %while3A_1250 = %while3A_1150 to %while3A_1146 step %while3A_1153 iter_args(%while3A_1251 = %while3A_1152) -> (vector<1x256xf32>)  : i32 {
      %mul3A_1252 = arith.constant 8 : i32
      %mul3A_1253 = arith.muli %while3A_1250, %mul3A_1252 : i32
      %add3A_1254 = arith.addi %mul3A_1114, %mul3A_1253 : i32
      %multiple_of3A = tpu.assume_multiple %add3A_1254, 8 : i32
      %get3A_1255 = arith.index_cast %multiple_of3A : i32 to index
      %get3A_1256 = arith.constant 0 : index
      %get3A_1257 = vector.load %arg10[%get3A_1255, %get3A_1256] : memref<10240x256xf32, #tpu.memory_space<vmem>>, vector<8x256xf32>
      %iota3A = tpu.iota {dimensions = array<i32: 0>} : vector<8x256xi32>
      %add3A_1258 = vector.broadcast %multiple_of3A : i32 to vector<8x256xi32>
      %add3A_1259 = arith.addi %add3A_1258, %iota3A : vector<8x256xi32>
      %ge3A = vector.broadcast %get3A_1086 : i32 to vector<8x256xi32>
      %ge3A_1260 = arith.cmpi sge, %add3A_1259, %ge3A : vector<8x256xi32>
      %lt3A = vector.broadcast %get3A_1088 : i32 to vector<8x256xi32>
      %lt3A_1261 = arith.cmpi slt, %add3A_1259, %lt3A : vector<8x256xi32>
      %and3A_1262 = arith.andi %ge3A_1260, %lt3A_1261 : vector<8x256xi1>
      %jit3A_1263 = arith.constant 0.000000e+00 : f32
      %broadcast_in_dim3A_1264 = vector.broadcast %jit3A_1263 : f32 to vector<8x256xf32>
      %select_n3A_1265 = arith.select %and3A_1262, %get3A_1257, %broadcast_in_dim3A_1264 : vector<8x256xi1>, vector<8x256xf32>
      %reduce_sum3A = arith.constant dense<0.000000e+00> : vector<256xf32>
      %reduce_sum3A_1266 = vector.multi_reduction <add>, %select_n3A_1265, %reduce_sum3A [0] : vector<8x256xf32> to vector<256xf32>
      %broadcast_in_dim3A_1267 = vector.shape_cast %reduce_sum3A_1266 : vector<256xf32> to vector<1x256xf32>
      %add3A_1268 = arith.addf %while3A_1251, %broadcast_in_dim3A_1267 : vector<1x256xf32>
      scf.yield %add3A_1268 : vector<1x256xf32>
    }
    %sub3A_1155 = arith.subi %get3A_1088, %get3A_1086 : i32
    %convert_element_type3A_1156 = arith.sitofp %sub3A_1155 : i32 to f32
    %max3A_1157 = arith.constant 1.000000e+00 : f32
    %max3A_1158 = arith.maximumf %convert_element_type3A_1156, %max3A_1157 : f32
    %div3A_1159 = vector.broadcast %max3A_1158 : f32 to vector<1x256xf32>
    %div3A_1160 = arith.divf %while3A_1154, %div3A_1159 : vector<1x256xf32>
    %get3A_1161 = arith.constant 15 : index
    %get3A_1162 = memref.load %arg8[%get3A_1161] : memref<17xi32, #tpu.memory_space<smem>>
    %get3A_1163 = arith.constant 16 : index
    %get3A_1164 = memref.load %arg8[%get3A_1163] : memref<17xi32, #tpu.memory_space<smem>>
    %jit3A_1165 = arith.constant 8 : i32
    %div3A_1166 = arith.divsi %get3A_1162, %jit3A_1165 : i32
    %sign3A_1167 = arith.constant 0 : i32
    %sign3A_1168 = arith.cmpi sgt, %get3A_1162, %sign3A_1167 : i32
    %sign3A_1169 = arith.extui %sign3A_1168 : i1 to i32
    %sign3A_1170 = arith.constant 0 : i32
    %sign3A_1171 = arith.cmpi slt, %get3A_1162, %sign3A_1170 : i32
    %sign3A_1172 = arith.extui %sign3A_1171 : i1 to i32
    %sign3A_1173 = arith.subi %sign3A_1169, %sign3A_1172 : i32
    %sign3A_1174 = arith.constant 0 : i32
    %sign3A_1175 = arith.cmpi sgt, %jit3A_1165, %sign3A_1174 : i32
    %sign3A_1176 = arith.extui %sign3A_1175 : i1 to i32
    %sign3A_1177 = arith.constant 0 : i32
    %sign3A_1178 = arith.cmpi slt, %jit3A_1165, %sign3A_1177 : i32
    %sign3A_1179 = arith.extui %sign3A_1178 : i1 to i32
    %sign3A_1180 = arith.subi %sign3A_1176, %sign3A_1179 : i32
    %ne3A_1181 = arith.cmpi ne, %sign3A_1173, %sign3A_1180 : i32
    %rem3A_1182 = arith.remsi %get3A_1162, %jit3A_1165 : i32
    %ne3A_1183 = arith.constant 0 : i32
    %ne3A_1184 = arith.cmpi ne, %rem3A_1182, %ne3A_1183 : i32
    %and3A_1185 = arith.andi %ne3A_1181, %ne3A_1184 : i1
    %sub3A_1186 = arith.constant 1 : i32
    %sub3A_1187 = arith.subi %div3A_1166, %sub3A_1186 : i32
    %select_n3A_1188 = arith.select %and3A_1185, %sub3A_1187, %div3A_1166 : i32
    %mul3A_1189 = arith.constant 8 : i32
    %mul3A_1190 = arith.muli %select_n3A_1188, %mul3A_1189 : i32
    %sub3A_1191 = arith.subi %get3A_1164, %mul3A_1190 : i32
    %add3A_1192 = arith.constant 7 : i32
    %add3A_1193 = arith.addi %sub3A_1191, %add3A_1192 : i32
    %jit3A_1194 = arith.constant 8 : i32
    %div3A_1195 = arith.divsi %add3A_1193, %jit3A_1194 : i32
    %sign3A_1196 = arith.constant 0 : i32
    %sign3A_1197 = arith.cmpi sgt, %add3A_1193, %sign3A_1196 : i32
    %sign3A_1198 = arith.extui %sign3A_1197 : i1 to i32
    %sign3A_1199 = arith.constant 0 : i32
    %sign3A_1200 = arith.cmpi slt, %add3A_1193, %sign3A_1199 : i32
    %sign3A_1201 = arith.extui %sign3A_1200 : i1 to i32
    %sign3A_1202 = arith.subi %sign3A_1198, %sign3A_1201 : i32
    %sign3A_1203 = arith.constant 0 : i32
    %sign3A_1204 = arith.cmpi sgt, %jit3A_1194, %sign3A_1203 : i32
    %sign3A_1205 = arith.extui %sign3A_1204 : i1 to i32
    %sign3A_1206 = arith.constant 0 : i32
    %sign3A_1207 = arith.cmpi slt, %jit3A_1194, %sign3A_1206 : i32
    %sign3A_1208 = arith.extui %sign3A_1207 : i1 to i32
    %sign3A_1209 = arith.subi %sign3A_1205, %sign3A_1208 : i32
    %ne3A_1210 = arith.cmpi ne, %sign3A_1202, %sign3A_1209 : i32
    %rem3A_1211 = arith.remsi %add3A_1193, %jit3A_1194 : i32
    %ne3A_1212 = arith.constant 0 : i32
    %ne3A_1213 = arith.cmpi ne, %rem3A_1211, %ne3A_1212 : i32
    %and3A_1214 = arith.andi %ne3A_1210, %ne3A_1213 : i1
    %sub3A_1215 = arith.constant 1 : i32
    %sub3A_1216 = arith.subi %div3A_1195, %sub3A_1215 : i32
    %select_n3A_1217 = arith.select %and3A_1214, %sub3A_1216, %div3A_1195 : i32
    %broadcast_in_dim3A_1218 = arith.constant 0.000000e+00 : f32
    %broadcast_in_dim3A_1219 = vector.broadcast %broadcast_in_dim3A_1218 : f32 to vector<1x256xf32>
    %while3A_1220 = arith.constant 0 : i32
    %while3A_1221 = arith.subi %select_n3A_1217, %while3A_1220 : i32
    %while3A_1222 = arith.addi %while3A_1220, %while3A_1221 : i32
    %while3A_1223 = arith.constant 1 : i32
    %while3A_1224 = arith.divsi %while3A_1221, %while3A_1223 : i32
    %while3A_1225 = arith.muli %while3A_1224, %while3A_1223 : i32
    %while3A_1226 = arith.addi %while3A_1220, %while3A_1225 : i32
    %while3A_1227 = arith.constant 1 : i32
    %while3A_1228 = scf.for %while3A_1250 = %while3A_1220 to %while3A_1226 step %while3A_1227 iter_args(%while3A_1251 = %broadcast_in_dim3A_1219) -> (vector<1x256xf32>)  : i32 {
      %mul3A_1252 = arith.constant 8 : i32
      %mul3A_1253 = arith.muli %while3A_1250, %mul3A_1252 : i32
      %add3A_1254 = arith.addi %mul3A_1190, %mul3A_1253 : i32
      %multiple_of3A = tpu.assume_multiple %add3A_1254, 8 : i32
      %get3A_1255 = arith.index_cast %multiple_of3A : i32 to index
      %get3A_1256 = arith.constant 0 : index
      %get3A_1257 = vector.load %arg10[%get3A_1255, %get3A_1256] : memref<10240x256xf32, #tpu.memory_space<vmem>>, vector<8x256xf32>
      %iota3A = tpu.iota {dimensions = array<i32: 0>} : vector<8x256xi32>
      %add3A_1258 = vector.broadcast %multiple_of3A : i32 to vector<8x256xi32>
      %add3A_1259 = arith.addi %add3A_1258, %iota3A : vector<8x256xi32>
      %ge3A = vector.broadcast %get3A_1162 : i32 to vector<8x256xi32>
      %ge3A_1260 = arith.cmpi sge, %add3A_1259, %ge3A : vector<8x256xi32>
      %lt3A = vector.broadcast %get3A_1164 : i32 to vector<8x256xi32>
      %lt3A_1261 = arith.cmpi slt, %add3A_1259, %lt3A : vector<8x256xi32>
      %and3A_1262 = arith.andi %ge3A_1260, %lt3A_1261 : vector<8x256xi1>
      %jit3A_1263 = arith.constant 0.000000e+00 : f32
      %broadcast_in_dim3A_1264 = vector.broadcast %jit3A_1263 : f32 to vector<8x256xf32>
      %select_n3A_1265 = arith.select %and3A_1262, %get3A_1257, %broadcast_in_dim3A_1264 : vector<8x256xi1>, vector<8x256xf32>
      %reduce_sum3A = arith.constant dense<0.000000e+00> : vector<256xf32>
      %reduce_sum3A_1266 = vector.multi_reduction <add>, %select_n3A_1265, %reduce_sum3A [0] : vector<8x256xf32> to vector<256xf32>
      %broadcast_in_dim3A_1267 = vector.shape_cast %reduce_sum3A_1266 : vector<256xf32> to vector<1x256xf32>
      %add3A_1268 = arith.addf %while3A_1251, %broadcast_in_dim3A_1267 : vector<1x256xf32>
      scf.yield %add3A_1268 : vector<1x256xf32>
    }
    %while3A_1229 = arith.constant 1 : i32
    %while3A_1230 = scf.for %while3A_1250 = %while3A_1226 to %while3A_1222 step %while3A_1229 iter_args(%while3A_1251 = %while3A_1228) -> (vector<1x256xf32>)  : i32 {
      %mul3A_1252 = arith.constant 8 : i32
      %mul3A_1253 = arith.muli %while3A_1250, %mul3A_1252 : i32
      %add3A_1254 = arith.addi %mul3A_1190, %mul3A_1253 : i32
      %multiple_of3A = tpu.assume_multiple %add3A_1254, 8 : i32
      %get3A_1255 = arith.index_cast %multiple_of3A : i32 to index
      %get3A_1256 = arith.constant 0 : index
      %get3A_1257 = vector.load %arg10[%get3A_1255, %get3A_1256] : memref<10240x256xf32, #tpu.memory_space<vmem>>, vector<8x256xf32>
      %iota3A = tpu.iota {dimensions = array<i32: 0>} : vector<8x256xi32>
      %add3A_1258 = vector.broadcast %multiple_of3A : i32 to vector<8x256xi32>
      %add3A_1259 = arith.addi %add3A_1258, %iota3A : vector<8x256xi32>
      %ge3A = vector.broadcast %get3A_1162 : i32 to vector<8x256xi32>
      %ge3A_1260 = arith.cmpi sge, %add3A_1259, %ge3A : vector<8x256xi32>
      %lt3A = vector.broadcast %get3A_1164 : i32 to vector<8x256xi32>
      %lt3A_1261 = arith.cmpi slt, %add3A_1259, %lt3A : vector<8x256xi32>
      %and3A_1262 = arith.andi %ge3A_1260, %lt3A_1261 : vector<8x256xi1>
      %jit3A_1263 = arith.constant 0.000000e+00 : f32
      %broadcast_in_dim3A_1264 = vector.broadcast %jit3A_1263 : f32 to vector<8x256xf32>
      %select_n3A_1265 = arith.select %and3A_1262, %get3A_1257, %broadcast_in_dim3A_1264 : vector<8x256xi1>, vector<8x256xf32>
      %reduce_sum3A = arith.constant dense<0.000000e+00> : vector<256xf32>
      %reduce_sum3A_1266 = vector.multi_reduction <add>, %select_n3A_1265, %reduce_sum3A [0] : vector<8x256xf32> to vector<256xf32>
      %broadcast_in_dim3A_1267 = vector.shape_cast %reduce_sum3A_1266 : vector<256xf32> to vector<1x256xf32>
      %add3A_1268 = arith.addf %while3A_1251, %broadcast_in_dim3A_1267 : vector<1x256xf32>
      scf.yield %add3A_1268 : vector<1x256xf32>
    }
    %sub3A_1231 = arith.subi %get3A_1164, %get3A_1162 : i32
    %convert_element_type3A_1232 = arith.sitofp %sub3A_1231 : i32 to f32
    %max3A_1233 = arith.constant 1.000000e+00 : f32
    %max3A_1234 = arith.maximumf %convert_element_type3A_1232, %max3A_1233 : f32
    %div3A_1235 = vector.broadcast %max3A_1234 : f32 to vector<1x256xf32>
    %div3A_1236 = arith.divf %while3A_1230, %div3A_1235 : vector<1x256xf32>
    %concatenate3A_1237 = tpu.concatenate %div3A_96, %div3A_172, %div3A_248, %div3A_324, %div3A_400, %div3A_476, %div3A_552, %div3A_628, %div3A_704, %div3A_780, %div3A_856, %div3A_932, %div3A_1008, %div3A_1084, %div3A_1160, %div3A_1236 in 0 : vector<1x256xf32>, vector<1x256xf32>, vector<1x256xf32>, vector<1x256xf32>, vector<1x256xf32>, vector<1x256xf32>, vector<1x256xf32>, vector<1x256xf32>, vector<1x256xf32>, vector<1x256xf32>, vector<1x256xf32>, vector<1x256xf32>, vector<1x256xf32>, vector<1x256xf32>, vector<1x256xf32>, vector<1x256xf32> -> vector<16x256xf32>
    %get3A_1238 = arith.constant 0 : index
    %get3A_1239 = arith.constant 0 : index
    %get3A_1240 = vector.load %arg6[%get3A_1238, %get3A_1239] : memref<256x1xf32, #tpu.memory_space<vmem>>, vector<256x1xf32>
    %dot_general3A = arith.constant dense<0.000000e+00> : vector<16x1xf32>
    %dot_general3A_1241 = tpu.matmul %concatenate3A_1237, %get3A_1240, %dot_general3A {dimension_numbers = #tpu.dot_dimension_numbers<[1], [0], [0], [1], [0, 0, 1, 1], [], []>, transpose_lhs_hint = false} : vector<16x256xf32>, vector<256x1xf32>, vector<16x1xf32> -> vector<16x1xf32>
    %get3A_1242 = arith.constant 0 : index
    %get3A_1243 = arith.constant 0 : index
    %get3A_1244 = vector.load %arg7[%get3A_1242, %get3A_1243] : memref<1x1xf32, #tpu.memory_space<vmem>>, vector<1x1xf32>
    %add3A_1245 = vector.broadcast %get3A_1244 : vector<1x1xf32> to vector<16x1xf32>
    %add3A_1246 = arith.addf %dot_general3A_1241, %add3A_1245 : vector<16x1xf32>
    %swap3A_1247 = arith.constant 0 : index
    %swap3A_1248 = arith.constant 0 : index
    %swap3A_1249 = vector.load %arg9[%swap3A_1247, %swap3A_1248] : memref<16x1xf32, #tpu.memory_space<vmem>>, vector<16x1xf32>
    tpu.vector_store %arg9[%swap3A_1247, %swap3A_1248], %add3A_1246 {strides = array<i32>} : memref<16x1xf32, #tpu.memory_space<vmem>>, vector<16x1xf32>,
    return
  }
}

</mosaic_0001>

<sc_bundles>
// kernel: kernel.12.cloned.1.call-start
scs
__scs_entry_jumppad:
0x0: {  	(pc) =	sbr.rel $0x88, $3  }
0x1: {  	(tag) =	ssettag $0x0;
	lr =	simm.s32 $0x1  }
0x2: {  	[smem:$0x3F98] =	sst lr;
	_ =	strace $0xD0000000  }
0x3: {  	_ = 	snop  }
0x4: {  	_ = 	snop  }
0x5: {  	_ = 	snop  }
0x6: {  	_ = 	snop  }
0x7: {  	_ = 	snop  }
__scs_overlays_trampoline_lowered:
0x8: {  	[smem:$0x3FA7] =	sst s0  }
0x9: {  	[smem:$0x3FA8] =	sst s1  }
0xa: {  	[smem:$0x3FA9] =	sst s2  }
0xb: {  	[smem:$0x3FAA] =	sst s3  }
0xc: {  	[smem:$0x3FAB] =	sst s4  }
0xd: {  	[smem:$0x3FAC] =	sst s5  }
0xe: {  	[smem:$0x3FAD] =	sst s6  }
0xf: {  	[smem:$0x3FAE] =	sst s7  }
0x10: {  	[smem:$0x3FAF] =	sst s8  }
0x11: {  	[smem:$0x3FB0] =	sst s9;
	s0 =	simm.s32 @!p0 $0x0  }
0x12: {  	s1 =	sld [smem:$0x3F96];
	s0 =	simm.s32 @p0 $0x1  }
0x13: {  	[smem:$0x3FB1] =	sst s0;
	s0 =	simm.s32 @!p1 $0x0  }
0x14: {  	s2 =	sld [smem:$0x3F95];
	s0 =	simm.s32 @p1 $0x1  }
0x15: {  	[smem:$0x3FB2] =	sst s0;
	s0 =	simm.s32 @!p2 $0x0  }
0x16: {  	s3 =	sld [smem:$0x3FDB];
	s0 =	simm.s32 @p2 $0x1  }
0x17: {  	s4 =	simm.s32 $0x1BF5;
	[smem:$0x3FB4] =	sst s0  }
0x18: {  	s0 =	sld [smem:$0x3F97];
	_ =	swait.ge [sflag:s4], $0x0  }
0x19: {  	s7 =	sld [smem:$0x3F98]  }
0x1a: {  	s8 =	sadd.s32 $0xFFFFE003, lr  }
0x1b: {  	s9 =	sadd.s32 $0xFFFFFEF7, lr;
	s5 =	simm.s32 $0xFFFFFFFF;
	p2 =	slt.u32 s8, $0xFFFFF086  }
0x1c: {  	p1 =	slt.u32 s9, $0xF7A;
	s5 =	simm.s32 @!p2 $0x0  }
0x1d: {  	s5 =	simm.s32 @p1 $0x1;
	p0 =	seq.s32 s7, s2  }
0x1e: {  	s7 =	smul.u32 @!p0 $0xF7A, s2;
	p2 =	seq.s32 @!p0 s5, $0x0  }
0x1f: {  	s9 =	smul.u32 $0xF7A, s1;
	s8 =	simm.s32 @!p0 $0x1BF5;
	p2 =	por !p2, p0  }
0x20: {  	[sflag:s8] =	ssyncset.s32 @!p0 $0xFFFFF086;
	s6 =	sadd.s32 @!p0 s3, s7;
	s7 =	simm.s32 @!p0 $0x108  }
0x21: {  	s3 =	sadd.s32 s3, s9;
	s6 =	sadd.s32 @!p0 $0x88, s6;
	s7 =	simm.s32 @p2 $0x1082  }
0x22: {  	[simem:s7], [sflag:s8] =	dma.local @!p0 [hbm:s6], $0xF7A  }
0x23: {  	s9 =	sor.u32 $0xD0000000, s2;
	s6 =	simm.s32 $0x108;
	_ =	swait.ge @!p0 [sflag:s8], $0x0  }
0x24: {  	s3 =	sadd.s32 $0x88, s3;
	s6 =	simm.s32 @!p1 $0x1082;
	[sflag:s4] =	ssyncset.s32 $0xFFFFF086  }
0x25: {  	[simem:s6], [sflag:s4] =	dma.local [hbm:s3], $0xF7A  }
0x26: {  	[smem:$0x3F98] =	sst s1;
	(tag) =	ssettag s2;
	_ =	strace s9  }
0x27: {  	s1 =	sld [smem:$0x3FA8]  }
0x28: {  	s2 =	sld [smem:$0x3FA9]  }
0x29: {  	s4 =	sld [smem:$0x3FAB]  }
0x2a: {  	p0 =	seq.s32 s5, $0x0;
	s5 =	sld [smem:$0x3FAC]  }
0x2b: {  	s6 =	sld [smem:$0x3FAD]  }
0x2c: {  	s7 =	sld [smem:$0x3FAE]  }
0x2d: {  	s3 =	simm.s32 $0x108;
	s8 =	sld [smem:$0x3FAF]  }
0x2e: {  	s3 =	simm.s32 @!p0 $0x1082;
	s9 =	sld [smem:$0x3FB0]  }
0x2f: {  	lr =	sadd.s32 s0, s3;
	s0 =	sld [smem:$0x3FA7]  }
0x30: {  	s3 =	sld [smem:$0x3FAA]  }
0x31: {  	[smem:$0x3FB3] =	sst s10  }
0x32: {  	s10 =	sld [smem:$0x3FB1];
	_ =	sdelay $0x3  }
0x33: {  	p0 =	seq.s32 s10, $0x1;
	s10 =	sld [smem:$0x3FB3];
	_ =	sdelay $0x3  }
0x34: {  	[smem:$0x3FB3] =	sst s10  }
0x35: {  	s10 =	sld [smem:$0x3FB2];
	_ =	sdelay $0x3  }
0x36: {  	p1 =	seq.s32 s10, $0x1;
	s10 =	sld [smem:$0x3FB3];
	_ =	sdelay $0x3  }
0x37: {  	[smem:$0x3FB3] =	sst s10  }
0x38: {  	s10 =	sld [smem:$0x3FB4]  }
0x39: {  	_ = 	snop;
	(pc) =	sbr.ind lr, $3  }
0x3a: {  	_ = 	snop  }
0x3b: {  	_ = 	snop  }
0x3c: {  	p2 =	seq.s32 s10, $0x1;
	s10 =	sld [smem:$0x3FB3]  }
0x3d: {  	_ =	shalt  }
0x3e: {  	_ =	shalt  }
0x3f: {  	_ =	shalt  }
0x40: {  	_ =	shalt  }
0x41: {  	_ =	shalt  }
0x42: {  	_ =	shalt  }
0x43: {  	_ =	shalt  }
0x44: {  	_ =	shalt  }
0x45: {  	_ =	shalt  }
0x46: {  	_ =	shalt  }
0x47: {  	_ =	shalt  }
0x48: {  	_ =	shalt  }
0x49: {  	_ =	shalt  }
0x4a: {  	_ =	shalt  }
0x4b: {  	_ =	shalt  }
0x4c: {  	_ =	shalt  }
0x4d: {  	_ =	shalt  }
0x4e: {  	_ =	shalt  }
0x4f: {  	_ =	shalt  }
0x50: {  	_ =	shalt  }
0x51: {  	_ =	shalt  }
0x52: {  	_ =	shalt  }
0x53: {  	_ =	shalt  }
0x54: {  	_ =	shalt  }
0x55: {  	_ =	shalt  }
0x56: {  	_ =	shalt  }
0x57: {  	_ =	shalt  }
0x58: {  	_ =	shalt  }
0x59: {  	_ =	shalt  }
0x5a: {  	_ =	shalt  }
0x5b: {  	_ =	shalt  }
0x5c: {  	_ =	shalt  }
0x5d: {  	_ =	shalt  }
0x5e: {  	_ =	shalt  }
0x5f: {  	_ =	shalt  }
0x60: {  	_ =	shalt  }
0x61: {  	_ =	shalt  }
0x62: {  	_ =	shalt  }
0x63: {  	_ =	shalt  }
0x64: {  	_ =	shalt  }
0x65: {  	_ =	shalt  }
0x66: {  	_ =	shalt  }
0x67: {  	_ =	shalt  }
0x68: {  	_ =	shalt  }
0x69: {  	_ =	shalt  }
0x6a: {  	_ =	shalt  }
0x6b: {  	_ =	shalt  }
0x6c: {  	_ =	shalt  }
0x6d: {  	_ =	shalt  }
0x6e: {  	_ =	shalt  }
0x6f: {  	_ =	shalt  }
0x70: {  	_ =	shalt  }
0x71: {  	_ =	shalt  }
0x72: {  	_ =	shalt  }
0x73: {  	_ =	shalt  }
0x74: {  	_ =	shalt  }
0x75: {  	_ =	shalt  }
0x76: {  	_ =	shalt  }
0x77: {  	_ =	shalt  }
0x78: {  	_ =	shalt  }
0x79: {  	_ =	shalt  }
0x7a: {  	_ =	shalt  }
0x7b: {  	_ =	shalt  }
0x7c: {  	_ =	shalt  }
0x7d: {  	_ =	shalt  }
0x7e: {  	_ =	shalt  }
0x7f: {  	_ =	shalt  }
0x80: {  	_ =	shalt  }
0x81: {  	_ =	shalt  }
0x82: {  	_ =	shalt  }
0x83: {  	_ =	shalt  }
0x84: {  	_ =	shalt  }
0x85: {  	_ =	shalt  }
0x86: {  	_ =	shalt  }
0x87: {  	_ =	shalt  }
.Lfunc_end0:
.L_simem_size_0:
called_computation.1_lowered:
.L_overlay_start_0:
0x88: {  	s2 =	sld [smem:$0x3FD9]  }
0x89: {  	s3 =	sld [smem:$0x3FFE];
	_ =	sdelay $0x1  }
0x8a: {  	s1 =	srdreg.scid  }
0x8b: {  	s0 =	sand.u32 $0x1, s1  }
0x8c: {  	s16 =	sshll.u32 s0, $0xA;
	s2 =	sadd.s32 s3, s2  }
0x8d: {  	s2 =	sadd.s32 s2, s16  }
0x8e: {  	[smem:$0x3FBF] =	sst s2  }
0x8f: {  	_ = 	snop  }
0x90: {  	(tm) =	ssettm $0x1  }
0x91: {  	s17 =	sld [smem:$0x3FFB];
	_ =	sdelay $0x3  }
0x92: {  	_ =	strace s17  }
0x93: {  	s2 =	sld [smem:$0x3FFC];
	_ =	sdelay $0x3  }
0x94: {  	_ =	strace s2  }
0x95: {  	s2 =	sld [smem:$0x3FFD];
	_ =	sdelay $0x3  }
0x96: {  	_ =	strace s2  }
0x97: {  	_ =	strace $0x8FFFFFFF  }
0x98: {  	s18 =	sld [smem:$0x3FDB];
	_ =	sdelay $0x1  }
0x99: {  	s19 =	simm.s32 $_scs_section_size  }
0x9a: {  	s4 =	simm.s32 $_size__tile_overlayer_lowered;
	s5 =	simm.s32 $_tile_overlayer_lowered  }
0x9b: {  	s22 =	simm.s32 $0x1BFF;
	s21 =	sshll.u32 s5, $0x1;
	s2 =	sadd.s32 s19, s18  }
0x9c: {  	s6 =	simm.s32 $0x0;
	s20 =	sshll.u32 s4, $0x1;
	s4 =	sadd.s32 s21, s2  }
0x9d: {  	[timem:s6], [sflag:s22] =	dma.local [hbm:s4], s20  }
0x9e: {  	_ =	swait.ge [sflag:s22], s20  }
0x9f: {  	s3 =	ssub.s32 $0x0, s20;
	[sflag:s22] =	ssyncset.done $0x0  }
0xa0: {  	[sflag:s22] =	ssyncadd.s32 s3;
	_ =	sdelay $0x1  }
0xa1: {  	s23 =	simm.s32 $0x1B8B  }
0xa2: {  	_ =	swait.ge [sflag:s23], $0x1  }
0xa3: {  	[sflag:s23] =	ssyncset.done $0x0  }
0xa4: {  	s25 =	simm.s32 $0x1B8E;
	s24 =	sld [smem:$0x3FFE];
	[sflag:s23] =	ssyncadd.s32 $0xFFFFFFFF  }
0xa5: {  	s26 =	simm.s32 $execute0_lowered;
	[smem:$0x3FD2] =	sst s25  }
0xa6: {  	s4 =	sshll.u32 s26, $0x1;
	_ =	strace $0x80000049;
	[dreg:$0x1] =	wrdreg $0xFFFFFFFF  }
0xa7: {  	s28 =	simm.s32 $_size_execute0_lowered;
	s2 =	sadd.s32 s2, s4;
	[dreg:$0x0] =	wrdreg $0x0  }
0xa8: {  	s4 =	sshll.u32 s28, $0x1;
	[dreg:$0x2] =	wrdreg s2  }
0xa9: {  	[dreg:$0x3] =	wrdreg s4  }
0xaa: {  	[dreg:$0x4] =	wrdreg $0xC0  }
0xab: {  	_ =	task [dreg:s6], $0x5FFFF  }
0xac: {  	[dreg:$0x1] =	wrdreg $0xFFFFFFFF  }
0xad: {  	[dreg:$0x0] =	wrdreg $0x60  }
0xae: {  	[dreg:$0x2] =	wrdreg s24  }
0xaf: {  	[dreg:$0x3] =	wrdreg $0x92000  }
0xb0: {  	[dreg:$0x4] =	wrdreg $0x9  }
0xb1: {  	_ =	task.clear_ibuf [dreg:s6], $0x5FFFF;
	_ =	strace $0x90000049  }
0xb2: {  	s29 =	simm.s32 $0x9;
	_ =	strace $0x8000004B  }
0xb3: {  	_ =	swait.ge [sflag:s29], $0x1  }
0xb4: {  	[sflag:s29] =	ssyncadd.s32 $0xFFFFFFFF  }
0xb5: {  	_ =	strace $0x9000004B  }
0xb6: {  	_ =	sfence  }
0xb7: {  	s30 =	sld [smem:$0x0];
	_ =	sdelay $0x2  }
0xb8: {  	s31 =	sshll.u32 s1, $0xD;
	s1 =	sshrl.u32 s1, $0x2  }
0xb9: {  	s3 =	sand.u32 $0x4000, s31;
	s1 =	sadd.s32 s1, s30  }
0xba: {  	s0 =	sor.u32 s3, s0;
	s1 =	sshll.u32 s1, $0x11  }
0xbb: {  	s0 =	sor.u32 s1, s0  }
0xbc: {  	s0 =	sadd.s32 $0x8F2B, s0  }
0xbd: {  	[sflag:s0] =	ssyncadd.remote.s32 $0x1  }
0xbe: {  	_ =	sfence.sel $0xFFFF  }
0xbf: {  	[dreg:$0x0] =	wrdreg $0xFFFFFFFF;
	(pc) =	sbr.abs _section_cstart, $3  }
0xc0: {  	[dreg:$0x1] =	wrdreg $0xFFFFFFFF  }
0xc1: {  	_ =	task.clear_ibuf [dreg:s6], $0x2FFFF;
	_ =	strace $0x9FFFFFFF  }
0xc2: {  	(tm) =	ssettm $0x7FFFFFFF  }
0xc3: {  	_ =	shalt  }
tec
execute0_lowered:
.L_overlay_start_1:
0x0: {  	(tag) =	ssettag $0x1  }
0x1: {  	s0 =	rddreg [dreg:$0x0];
	s13 =	stileid.u32  }
0x2: {  	s1 =	rddreg [dreg:$0x1];
	s7 =	smul.u32 $0x14000, s13  }
0x3: {  	s3 =	simm.s32 $0x0;
	s2 =	srdreg.scid;
	s10 =	smul.u32 $0x50000, s13  }
0x4: {  	[smem:$0x7FF] =	sst s3;
	s2 =	sand.u32 $0x1, s2;
	s12 =	smul.u32 $0x4F00, s13  }
0x5: {  	s4 =	sadd.s32 $0x17800, s0;
	s5 =	sadd.s32 $0x3EA00, s0;
	s19 =	smul.u32 $0x9E0, s13  }
0x6: {  	s8 =	sadd.s32 $0xDA00, s0;
	s9 =	sadd.s32 $0x3C00, s0;
	s6 =	smul.u32 $0x140000, s2  }
0x7: {  	_ =	strace $0x8000004A;
	s22 =	ssub.s32 $0x2, s2;
	p0 =	seq.s32 s2, $0x1  }
0x8: {  	s11 =	sshrl.u32 s22, $0x1;
	s23 =	sshrl.u32 s10, $0x2;
	s24 =	sshrl.u32 s12, $0x3  }
0x9: {  	s6 =	sadd.s32 s7, s6;
	s7 =	ssub.s32 s22, s11;
	s25 =	sadd.s32 s8, s24  }
0xa: {  	s26 =	sadd.s32 s9, s24;
	s2 =	sadd.s32 $0x9D0, s24;
	[dreg:$0x3] =	wrdreg s25  }
0xb: {  	s6 =	sshrl.u32 s6, $0x3;
	[dreg:$0x4] =	wrdreg s26;
	s11 =	sadd.s32 s8, s2  }
0xc: {  	s2 =	sadd.s32 s9, s2;
	s12 =	smax.u32 s7, $0x1;
	[dreg:$0x5] =	wrdreg s11  }
0xd: {  	s0 =	sadd.s32 s6, s0;
	s6 =	sadd.s32 s23, s1;
	[dreg:$0x6] =	wrdreg s2  }
0xe: {  	s13 =	simm.s32 $0x4180;
	[dreg:$0x7] =	wrdreg s12;
	s14 =	sadd.s32 $0x1000, s6  }
0xf: {  	s10 =	simm.s32 $0x80;
	s15 =	sadd.s32 $0x2000, s6;
	[dreg:$0x8] =	wrdreg s14  }
0x10: {  	s11 =	simm.s32 $0x100;
	s16 =	sadd.s32 $0x3000, s6;
	[dreg:$0x9] =	wrdreg s15  }
0x11: {  	s12 =	simm.s32 $0x4100;
	s17 =	sadd.s32 $0x4000, s6;
	[dreg:$0xa] =	wrdreg s16  }
0x12: {  	s18 =	sadd.s32 $0x5000, s6;
	s20 =	sadd.s32 $0x6000, s6;
	[dreg:$0xb] =	wrdreg s17  }
0x13: {  	s21 =	sadd.s32 $0x7000, s6;
	s22 =	sadd.s32 $0x8000, s6;
	[dreg:$0xc] =	wrdreg s18  }
0x14: {  	s23 =	sadd.s32 $0x9000, s6;
	s24 =	sadd.s32 $0xA000, s6;
	[dreg:$0xd] =	wrdreg s20  }
0x15: {  	s25 =	sadd.s32 $0xB000, s6;
	s26 =	sadd.s32 $0xC000, s6;
	[dreg:$0xe] =	wrdreg s21  }
0x16: {  	s28 =	sadd.s32 $0xD000, s6;
	s29 =	sadd.s32 $0xE000, s6;
	[dreg:$0xf] =	wrdreg s22  }
0x17: {  	s30 =	sadd.s32 $0xF000, s6;
	s31 =	sadd.s32 $0x10000, s6;
	[dreg:$0x10] =	wrdreg s23  }
0x18: {  	s2 =	sadd.s32 $0x12000, s6;
	s7 =	sadd.s32 $0x13000, s6;
	[dreg:$0x11] =	wrdreg s24  }
0x19: {  	s22 =	sadd.s32 s19, s9;
	s23 =	sadd.s32 s19, s8;
	[dreg:$0x12] =	wrdreg s25  }
0x1a: {  	s25 =	sadd.s32 $0x8CE00, s0;
	[dreg:$0x13] =	wrdreg s26;
	s0 =	sadd.s32 $0x11000, s6  }
0x1b: {  	s8 =	simm.s32 $0x8200;
	s9 =	simm.s32 $0x3;
	s14 =	simm.s32 $0x4200  }
0x1c: {  	v0 =	vimm.f32 $0.0e+00;
	s15 =	simm.s32 $0x1;
	s16 =	simm.s32 $0x2;
	s17 =	simm.s32 $0x0  }
.LBB2_1:
0x1d: {  	s18 =	sand.u32 $0x3E00, s3  }
0x1e: {  	s19 =	sand.u32 $0x70, s3;
	s20 =	sshrl.u32 s18, $0x2  }
0x1f: {  	s18 =	simm.s32 $0x40;
	s20 =	sor.u32 s19, s20;
	s19 =	simm.s32 $0x0  }
.LBB2_2:
0x20: {  	p1 =	sne.s32 s18, $0x3FC0  }
0x21: {  	[tilespmem:s20+$0x8200] =	vst v0;
	s19 =	sadd.s32 $0x10, s19;
	s20 =	smov.u32 s18;
	s18 =	sadd.s32 $0x40, s18  }
.Ltmp0:
0x22: {  	(pc) =	sbr.rel @p1 .LBB2_2-.Ltmp0, $4  }
0x23: {  	_ = 	snop  }
0x24: {  	s20 =	sand.u32 $0x3E00, s20  }
0x25: {  	s21 =	sand.u32 $0x70, s19;
	s20 =	sshrl.u32 s20, $0x2  }
0x26: {  	s20 =	sor.u32 s21, s20  }
0x27: {  	[tilespmem:s20+$0x8200] =	vst v0  }
0x28: {  	[spmem:s6] =	stream.linear.scatter [tilespmem:s8], [sflag:$0x3], $0x1000, $0x38;
	[tilespmem:$0x1D200] =	vst v63  }
0x29: {  	_ =	swait.ge [sflag:s9], $0x1000  }
0x2a: {  	[sflag:s9] =	ssyncset.done $0x0  }
0x2b: {  	s18 =	rddreg [dreg:$0x8];
	[sflag:s9] =	ssyncadd.s32 $0xFFFFF000  }
0x2c: {  	[spmem:s18] =	stream.linear.scatter [tilespmem:s8], [sflag:$0x3], $0x1000, $0x38;
	[tilespmem:$0x1D200] =	vst v63  }
0x2d: {  	_ =	swait.ge [sflag:s9], $0x1000  }
0x2e: {  	[sflag:s9] =	ssyncset.done $0x0  }
0x2f: {  	s21 =	rddreg [dreg:$0x9];
	[sflag:s9] =	ssyncadd.s32 $0xFFFFF000  }
0x30: {  	[spmem:s21] =	stream.linear.scatter [tilespmem:s8], [sflag:$0x3], $0x1000, $0x38;
	[tilespmem:$0x1D200] =	vst v63  }
0x31: {  	_ =	swait.ge [sflag:s9], $0x1000  }
0x32: {  	[sflag:s9] =	ssyncset.done $0x0  }
0x33: {  	s24 =	rddreg [dreg:$0xa];
	[sflag:s9] =	ssyncadd.s32 $0xFFFFF000  }
0x34: {  	[spmem:s24] =	stream.linear.scatter [tilespmem:s8], [sflag:$0x3], $0x1000, $0x38;
	[tilespmem:$0x1D200] =	vst v63  }
0x35: {  	_ =	swait.ge [sflag:s9], $0x1000  }
0x36: {  	[sflag:s9] =	ssyncset.done $0x0  }
0x37: {  	s26 =	rddreg [dreg:$0xb];
	[sflag:s9] =	ssyncadd.s32 $0xFFFFF000  }
0x38: {  	[spmem:s26] =	stream.linear.scatter [tilespmem:s8], [sflag:$0x3], $0x1000, $0x38;
	[tilespmem:$0x1D200] =	vst v63  }
0x39: {  	_ =	swait.ge [sflag:s9], $0x1000  }
0x3a: {  	[sflag:s9] =	ssyncset.done $0x0  }
0x3b: {  	s19 =	rddreg [dreg:$0xc];
	[sflag:s9] =	ssyncadd.s32 $0xFFFFF000  }
0x3c: {  	[spmem:s19] =	stream.linear.scatter [tilespmem:s8], [sflag:$0x3], $0x1000, $0x38;
	[tilespmem:$0x1D200] =	vst v63  }
0x3d: {  	_ =	swait.ge [sflag:s9], $0x1000  }
0x3e: {  	[sflag:s9] =	ssyncset.done $0x0  }
0x3f: {  	s20 =	rddreg [dreg:$0xd];
	[sflag:s9] =	ssyncadd.s32 $0xFFFFF000  }
0x40: {  	[spmem:s20] =	stream.linear.scatter [tilespmem:s8], [sflag:$0x3], $0x1000, $0x38;
	[tilespmem:$0x1D200] =	vst v63  }
0x41: {  	_ =	swait.ge [sflag:s9], $0x1000  }
0x42: {  	[sflag:s9] =	ssyncset.done $0x0  }
0x43: {  	s21 =	rddreg [dreg:$0xe];
	[sflag:s9] =	ssyncadd.s32 $0xFFFFF000  }
0x44: {  	[spmem:s21] =	stream.linear.scatter [tilespmem:s8], [sflag:$0x3], $0x1000, $0x38;
	[tilespmem:$0x1D200] =	vst v63  }
0x45: {  	_ =	swait.ge [sflag:s9], $0x1000  }
0x46: {  	[sflag:s9] =	ssyncset.done $0x0  }
0x47: {  	s24 =	rddreg [dreg:$0xf];
	[sflag:s9] =	ssyncadd.s32 $0xFFFFF000  }
0x48: {  	[spmem:s24] =	stream.linear.scatter [tilespmem:s8], [sflag:$0x3], $0x1000, $0x38;
	[tilespmem:$0x1D200] =	vst v63  }
0x49: {  	_ =	swait.ge [sflag:s9], $0x1000  }
0x4a: {  	[sflag:s9] =	ssyncset.done $0x0  }
0x4b: {  	s26 =	rddreg [dreg:$0x10];
	[sflag:s9] =	ssyncadd.s32 $0xFFFFF000  }
0x4c: {  	[spmem:s26] =	stream.linear.scatter [tilespmem:s8], [sflag:$0x3], $0x1000, $0x38;
	[tilespmem:$0x1D200] =	vst v63  }
0x4d: {  	_ =	swait.ge [sflag:s9], $0x1000  }
0x4e: {  	[sflag:s9] =	ssyncset.done $0x0  }
0x4f: {  	s19 =	rddreg [dreg:$0x11];
	[sflag:s9] =	ssyncadd.s32 $0xFFFFF000  }
0x50: {  	[spmem:s19] =	stream.linear.scatter [tilespmem:s8], [sflag:$0x3], $0x1000, $0x38;
	[tilespmem:$0x1D200] =	vst v63  }
0x51: {  	_ =	swait.ge [sflag:s9], $0x1000  }
0x52: {  	[sflag:s9] =	ssyncset.done $0x0  }
0x53: {  	s20 =	rddreg [dreg:$0x12];
	[sflag:s9] =	ssyncadd.s32 $0xFFFFF000  }
0x54: {  	[spmem:s20] =	stream.linear.scatter [tilespmem:s8], [sflag:$0x3], $0x1000, $0x38;
	[tilespmem:$0x1D200] =	vst v63  }
0x55: {  	_ =	swait.ge [sflag:s9], $0x1000  }
0x56: {  	[sflag:s9] =	ssyncset.done $0x0  }
0x57: {  	s21 =	rddreg [dreg:$0x13];
	[sflag:s9] =	ssyncadd.s32 $0xFFFFF000  }
0x58: {  	[spmem:s21] =	stream.linear.scatter [tilespmem:s8], [sflag:$0x3], $0x1000, $0x38;
	[tilespmem:$0x1D200] =	vst v63  }
0x59: {  	_ =	swait.ge [sflag:s9], $0x1000  }
0x5a: {  	[sflag:s9] =	ssyncset.done $0x0  }
0x5b: {  	[sflag:s9] =	ssyncadd.s32 $0xFFFFF000  }
0x5c: {  	[spmem:s28] =	stream.linear.scatter [tilespmem:s8], [sflag:$0x3], $0x1000, $0x38;
	[tilespmem:$0x1D200] =	vst v63  }
0x5d: {  	_ =	swait.ge [sflag:s9], $0x1000  }
0x5e: {  	[sflag:s9] =	ssyncset.done $0x0  }
0x5f: {  	[sflag:s9] =	ssyncadd.s32 $0xFFFFF000  }
0x60: {  	[spmem:s29] =	stream.linear.scatter [tilespmem:s8], [sflag:$0x3], $0x1000, $0x38;
	[tilespmem:$0x1D200] =	vst v63  }
0x61: {  	_ =	swait.ge [sflag:s9], $0x1000  }
0x62: {  	[sflag:s9] =	ssyncset.done $0x0  }
0x63: {  	[sflag:s9] =	ssyncadd.s32 $0xFFFFF000  }
0x64: {  	[spmem:s30] =	stream.linear.scatter [tilespmem:s8], [sflag:$0x3], $0x1000, $0x38;
	[tilespmem:$0x1D200] =	vst v63  }
0x65: {  	_ =	swait.ge [sflag:s9], $0x1000  }
0x66: {  	[sflag:s9] =	ssyncset.done $0x0  }
0x67: {  	[sflag:s9] =	ssyncadd.s32 $0xFFFFF000  }
0x68: {  	[spmem:s31] =	stream.linear.scatter [tilespmem:s8], [sflag:$0x3], $0x1000, $0x38;
	[tilespmem:$0x1D200] =	vst v63  }
0x69: {  	_ =	swait.ge [sflag:s9], $0x1000  }
0x6a: {  	[sflag:s9] =	ssyncset.done $0x0  }
0x6b: {  	[sflag:s9] =	ssyncadd.s32 $0xFFFFF000  }
0x6c: {  	[spmem:s0] =	stream.linear.scatter [tilespmem:s8], [sflag:$0x3], $0x1000, $0x38;
	[tilespmem:$0x1D200] =	vst v63  }
0x6d: {  	_ =	swait.ge [sflag:s9], $0x1000  }
0x6e: {  	[sflag:s9] =	ssyncset.done $0x0  }
0x6f: {  	[sflag:s9] =	ssyncadd.s32 $0xFFFFF000  }
0x70: {  	[spmem:s2] =	stream.linear.scatter [tilespmem:s8], [sflag:$0x3], $0x1000, $0x38;
	[tilespmem:$0x1D200] =	vst v63  }
0x71: {  	_ =	swait.ge [sflag:s9], $0x1000  }
0x72: {  	[sflag:s9] =	ssyncset.done $0x0  }
0x73: {  	[sflag:s9] =	ssyncadd.s32 $0xFFFFF000  }
0x74: {  	[spmem:s7] =	stream.linear.scatter [tilespmem:s8], [sflag:$0x3], $0x1000, $0x38;
	[tilespmem:$0x1D200] =	vst v63  }
0x75: {  	_ =	swait.ge [sflag:s9], $0x1000  }
0x76: {  	[sflag:s9] =	ssyncset.done $0x0  }
0x77: {  	[sflag:s9] =	ssyncadd.s32 $0xFFFFF000  }
0x78: {  	[bflag:$0x0] =	sbarrier.arrive $0xFFFF  }
0x79: {  	s24 =	rddreg [dreg:$0x3]  }
0x7a: {  	[tilespmem:s3], [sflag:$0x3] =	stream.linear.gather [hbm4b:s24+s3], $0x80, $0x38;
	[tilespmem:$0x1D200] =	vst v63  }
0x7b: {  	_ =	swait.ge [sflag:s9], $0x80  }
0x7c: {  	[sflag:s9] =	ssyncset.done $0x0  }
.Ltmp1:
0x7d: {  	s26 =	rddreg [dreg:$0x4];
	[sflag:s9] =	ssyncadd.s32 $0xFFFFFF80;
	(pc) =	sbr.rel @!p0 .LBB2_4-.Ltmp1, $4  }
0x7e: {  	[tilespmem:s10], [sflag:$0x3] =	stream.linear.gather [hbm4b:s26+s3], $0x80, $0x38;
	[tilespmem:$0x1D200] =	vst v63  }
0x7f: {  	_ =	swait.ge [sflag:s9], $0x80  }
0x80: {  	[sflag:s9] =	ssyncset.done $0x0  }
0x81: {  	[sflag:s9] =	ssyncadd.s32 $0xFFFFFF80  }
0x82: {  	[tilespmem:s11], [sflag:$0x1] =	stream.indirect.gather [hbm4b:s5+s10], $0x80, s3, s10, $0xb8;
	[tilespmem:$0x1D200] =	vst v63  }
0x83: {  	s18 =	sadd.s32 $0xFFFFF640, s23  }
0x84: {  	s19 =	sadd.s32 $0x9D0, s18  }
0x85: {  	[tilespmem:s12], [sflag:$0x3] =	stream.linear.gather [hbm4b:s19+s3], $0x80, $0x38;
	[tilespmem:$0x1D200] =	vst v63  }
0x86: {  	_ =	swait.ge [sflag:s9], $0x80  }
0x87: {  	s24 =	sadd.s32 $0xFFFFF640, s22;
	[sflag:s9] =	ssyncset.done $0x0  }
0x88: {  	s20 =	sadd.s32 $0x9D0, s24;
	[sflag:s9] =	ssyncadd.s32 $0xFFFFFF80  }
0x89: {  	[tilespmem:s13], [sflag:$0x3] =	stream.linear.gather [hbm4b:s20+s3], $0x80, $0x38;
	[tilespmem:$0x1D200] =	vst v63  }
0x8a: {  	_ =	swait.ge [sflag:s9], $0x80  }
0x8b: {  	[sflag:s9] =	ssyncset.done $0x0  }
0x8c: {  	[sflag:s9] =	ssyncadd.s32 $0xFFFFFF80  }
0x8d: {  	[tilespmem:s14], [sflag:$0x2] =	stream.indirect.gather [hbm4b:s5+s10], $0x80, s12, s10, $0xb8;
	[tilespmem:$0x1D200] =	vst v63  }
0x8e: {  	_ =	swait.ge [sflag:s15], $0x4000  }
0x8f: {  	[sflag:s15] =	ssyncset.done $0x0  }
0x90: {  	[sflag:s15] =	ssyncadd.s32 $0xFFFFC000  }
0x91: {  	[spmem:s1] =	stream.indirect.scatter.add.f32 [tilespmem:s11], [sflag:$0x3], $0x80, s10, s10, $0xb8;
	[tilespmem:$0x1D200] =	vst v63  }
0x92: {  	_ =	swait.ge [sflag:s9], $0x4000  }
0x93: {  	[sflag:s9] =	ssyncset.done $0x0  }
0x94: {  	s18 =	sadd.s32 $0x9E0, s18;
	[sflag:s9] =	ssyncadd.s32 $0xFFFFC000  }
0x95: {  	[tilespmem:s3], [sflag:$0x3] =	stream.linear.gather [hbm4b:s18+s3], $0x80, $0x38;
	[tilespmem:$0x1D200] =	vst v63  }
0x96: {  	_ =	swait.ge [sflag:s9], $0x80  }
0x97: {  	[sflag:s9] =	ssyncset.done $0x0  }
0x98: {  	s26 =	sadd.s32 $0x9E0, s24;
	[sflag:s9] =	ssyncadd.s32 $0xFFFFFF80  }
0x99: {  	[tilespmem:s10], [sflag:$0x3] =	stream.linear.gather [hbm4b:s26+s3], $0x80, $0x38;
	[tilespmem:$0x1D200] =	vst v63  }
0x9a: {  	_ =	swait.ge [sflag:s9], $0x80  }
0x9b: {  	[sflag:s9] =	ssyncset.done $0x0  }
0x9c: {  	[sflag:s9] =	ssyncadd.s32 $0xFFFFFF80  }
0x9d: {  	[tilespmem:s11], [sflag:$0x1] =	stream.indirect.gather [hbm4b:s5+s10], $0x80, s3, s10, $0xb8;
	[tilespmem:$0x1D200] =	vst v63  }
0x9e: {  	_ =	swait.ge [sflag:s16], $0x4000  }
0x9f: {  	[sflag:s16] =	ssyncset.done $0x0  }
0xa0: {  	[sflag:s16] =	ssyncadd.s32 $0xFFFFC000  }
0xa1: {  	[spmem:s1] =	stream.indirect.scatter.add.f32 [tilespmem:s14], [sflag:$0x3], $0x80, s13, s10, $0xb8;
	[tilespmem:$0x1D200] =	vst v63  }
0xa2: {  	s21 =	simm.s32 $0xFFFFF680;
	_ =	swait.ge [sflag:s9], $0x4000  }
0xa3: {  	s20 =	sadd.s32 $0xFFFFF660, s23;
	s18 =	simm.s32 $0xFFFFF660;
	[sflag:s9] =	ssyncset.done $0x0  }
.LBB2_8:
0xa4: {  	s24 =	sadd.s32 $0x9D0, s20  }
0xa5: {  	[sflag:s9] =	ssyncadd.s32 $0xFFFFC000;
	s26 =	smov.u32 s21;
	s19 =	sadd.s32 $0x20, s21  }
0xa6: {  	[tilespmem:s12], [sflag:$0x3] =	stream.linear.gather [hbm4b:s24+s3], $0x80, $0x38;
	[tilespmem:$0x1D200] =	vst v63  }
0xa7: {  	p1 =	sne.s32 s21, $0xFFFFFFE0;
	_ =	swait.ge [sflag:s9], $0x80  }
0xa8: {  	s21 =	sadd.s32 s18, s22;
	s18 =	smov.u32 s26;
	[sflag:s9] =	ssyncset.done $0x0  }
0xa9: {  	s24 =	sadd.s32 $0x9D0, s21;
	[sflag:s9] =	ssyncadd.s32 $0xFFFFFF80  }
0xaa: {  	[tilespmem:s13], [sflag:$0x3] =	stream.linear.gather [hbm4b:s24+s3], $0x80, $0x38;
	[tilespmem:$0x1D200] =	vst v63  }
0xab: {  	_ =	swait.ge [sflag:s9], $0x80  }
0xac: {  	[sflag:s9] =	ssyncset.done $0x0  }
0xad: {  	[sflag:s9] =	ssyncadd.s32 $0xFFFFFF80  }
0xae: {  	[tilespmem:s14], [sflag:$0x2] =	stream.indirect.gather [hbm4b:s5+s10], $0x80, s12, s10, $0xb8;
	[tilespmem:$0x1D200] =	vst v63  }
0xaf: {  	_ =	swait.ge [sflag:s15], $0x4000  }
0xb0: {  	[sflag:s15] =	ssyncset.done $0x0  }
0xb1: {  	[sflag:s15] =	ssyncadd.s32 $0xFFFFC000  }
0xb2: {  	[spmem:s1] =	stream.indirect.scatter.add.f32 [tilespmem:s11], [sflag:$0x3], $0x80, s10, s10, $0xb8;
	[tilespmem:$0x1D200] =	vst v63  }
0xb3: {  	_ =	swait.ge [sflag:s9], $0x4000  }
0xb4: {  	[sflag:s9] =	ssyncset.done $0x0  }
0xb5: {  	s20 =	sadd.s32 $0x9E0, s20;
	[sflag:s9] =	ssyncadd.s32 $0xFFFFC000  }
0xb6: {  	[tilespmem:s3], [sflag:$0x3] =	stream.linear.gather [hbm4b:s20+s3], $0x80, $0x38;
	[tilespmem:$0x1D200] =	vst v63  }
0xb7: {  	_ =	swait.ge [sflag:s9], $0x80  }
0xb8: {  	[sflag:s9] =	ssyncset.done $0x0  }
0xb9: {  	s20 =	sadd.s32 $0x9E0, s21;
	[sflag:s9] =	ssyncadd.s32 $0xFFFFFF80  }
0xba: {  	[tilespmem:s10], [sflag:$0x3] =	stream.linear.gather [hbm4b:s20+s3], $0x80, $0x38;
	[tilespmem:$0x1D200] =	vst v63  }
0xbb: {  	_ =	swait.ge [sflag:s9], $0x80  }
0xbc: {  	[sflag:s9] =	ssyncset.done $0x0  }
0xbd: {  	[sflag:s9] =	ssyncadd.s32 $0xFFFFFF80  }
0xbe: {  	[tilespmem:s11], [sflag:$0x1] =	stream.indirect.gather [hbm4b:s5+s10], $0x80, s3, s10, $0xb8;
	[tilespmem:$0x1D200] =	vst v63  }
0xbf: {  	_ =	swait.ge [sflag:s16], $0x4000  }
.Ltmp2:
0xc0: {  	[sflag:s16] =	ssyncset.done $0x0;
	(pc) =	sbr.rel @p1 .LBB2_8-.Ltmp2, $4  }
0xc1: {  	[sflag:s16] =	ssyncadd.s32 $0xFFFFC000  }
0xc2: {  	[spmem:s1] =	stream.indirect.scatter.add.f32 [tilespmem:s14], [sflag:$0x3], $0x80, s13, s10, $0xb8;
	[tilespmem:$0x1D200] =	vst v63  }
0xc3: {  	_ =	swait.ge [sflag:s9], $0x4000  }
0xc4: {  	s21 =	smov.u32 s19;
	s20 =	sadd.s32 s18, s23;
	[sflag:s9] =	ssyncset.done $0x0  }
0xc5: {  	s19 =	sadd.s32 $0x9D0, s20;
	[sflag:s9] =	ssyncadd.s32 $0xFFFFC000  }
0xc6: {  	[tilespmem:s12], [sflag:$0x3] =	stream.linear.gather [hbm4b:s19+s3], $0x80, $0x38;
	[tilespmem:$0x1D200] =	vst v63  }
0xc7: {  	_ =	swait.ge [sflag:s9], $0x80  }
0xc8: {  	s18 =	sadd.s32 s18, s22;
	[sflag:s9] =	ssyncset.done $0x0  }
0xc9: {  	s24 =	sadd.s32 $0x9D0, s18;
	[sflag:s9] =	ssyncadd.s32 $0xFFFFFF80  }
0xca: {  	[tilespmem:s13], [sflag:$0x3] =	stream.linear.gather [hbm4b:s24+s3], $0x80, $0x38;
	[tilespmem:$0x1D200] =	vst v63  }
0xcb: {  	_ =	swait.ge [sflag:s9], $0x80  }
0xcc: {  	[sflag:s9] =	ssyncset.done $0x0  }
0xcd: {  	[sflag:s9] =	ssyncadd.s32 $0xFFFFFF80  }
0xce: {  	[tilespmem:s14], [sflag:$0x2] =	stream.indirect.gather [hbm4b:s5+s10], $0x80, s12, s10, $0xb8;
	[tilespmem:$0x1D200] =	vst v63  }
0xcf: {  	_ =	swait.ge [sflag:s15], $0x4000  }
0xd0: {  	[sflag:s15] =	ssyncset.done $0x0  }
0xd1: {  	[sflag:s15] =	ssyncadd.s32 $0xFFFFC000  }
0xd2: {  	[spmem:s1] =	stream.indirect.scatter.add.f32 [tilespmem:s11], [sflag:$0x3], $0x80, s10, s10, $0xb8;
	[tilespmem:$0x1D200] =	vst v63  }
0xd3: {  	_ =	swait.ge [sflag:s9], $0x4000  }
0xd4: {  	[sflag:s9] =	ssyncset.done $0x0  }
0xd5: {  	s26 =	sadd.s32 $0x9E0, s20;
	[sflag:s9] =	ssyncadd.s32 $0xFFFFC000  }
0xd6: {  	[tilespmem:s3], [sflag:$0x3] =	stream.linear.gather [hbm4b:s26+s3], $0x80, $0x38;
	[tilespmem:$0x1D200] =	vst v63  }
0xd7: {  	_ =	swait.ge [sflag:s9], $0x80  }
0xd8: {  	[sflag:s9] =	ssyncset.done $0x0  }
0xd9: {  	s18 =	sadd.s32 $0x9E0, s18;
	[sflag:s9] =	ssyncadd.s32 $0xFFFFFF80  }
0xda: {  	[tilespmem:s10], [sflag:$0x3] =	stream.linear.gather [hbm4b:s18+s3], $0x80, $0x38;
	[tilespmem:$0x1D200] =	vst v63  }
0xdb: {  	_ =	swait.ge [sflag:s9], $0x80  }
0xdc: {  	[sflag:s9] =	ssyncset.done $0x0  }
0xdd: {  	[sflag:s9] =	ssyncadd.s32 $0xFFFFFF80  }
0xde: {  	[tilespmem:s11], [sflag:$0x1] =	stream.indirect.gather [hbm4b:s5+s10], $0x80, s3, s10, $0xb8;
	[tilespmem:$0x1D200] =	vst v63  }
0xdf: {  	_ =	swait.ge [sflag:s16], $0x4000  }
0xe0: {  	[sflag:s16] =	ssyncset.done $0x0  }
.Ltmp3:
0xe1: {  	[sflag:s16] =	ssyncadd.s32 $0xFFFFC000;
	(pc) =	sbr.rel .LBB2_10-.Ltmp3, $4  }
0xe2: {  	[spmem:s1] =	stream.indirect.scatter.add.f32 [tilespmem:s14], [sflag:$0x3], $0x80, s13, s10, $0xb8;
	[tilespmem:$0x1D200] =	vst v63  }
0xe3: {  	_ =	swait.ge [sflag:s9], $0x4000  }
0xe4: {  	[sflag:s9] =	ssyncset.done $0x0  }
0xe5: {  	s18 =	smov.u32 s5;
	[sflag:s9] =	ssyncadd.s32 $0xFFFFC000  }
.LBB2_4:
0xe6: {  	[tilespmem:s11], [sflag:$0x1] =	stream.indirect.gather [hbm4b:s4+s10], $0x80, s3, s10, $0xb8;
	[tilespmem:$0x1D200] =	vst v63  }
0xe7: {  	s18 =	sadd.s32 $0xFFFFF640, s23  }
0xe8: {  	s19 =	sadd.s32 $0x9D0, s18  }
0xe9: {  	[tilespmem:s12], [sflag:$0x3] =	stream.linear.gather [hbm4b:s19+s3], $0x80, $0x38;
	[tilespmem:$0x1D200] =	vst v63  }
0xea: {  	_ =	swait.ge [sflag:s9], $0x80  }
0xeb: {  	s24 =	sadd.s32 $0xFFFFF640, s22;
	[sflag:s9] =	ssyncset.done $0x0  }
0xec: {  	s20 =	sadd.s32 $0x9D0, s24;
	[sflag:s9] =	ssyncadd.s32 $0xFFFFFF80  }
0xed: {  	[tilespmem:s13], [sflag:$0x3] =	stream.linear.gather [hbm4b:s20+s3], $0x80, $0x38;
	[tilespmem:$0x1D200] =	vst v63  }
0xee: {  	_ =	swait.ge [sflag:s9], $0x80  }
0xef: {  	[sflag:s9] =	ssyncset.done $0x0  }
0xf0: {  	[sflag:s9] =	ssyncadd.s32 $0xFFFFFF80  }
0xf1: {  	[tilespmem:s14], [sflag:$0x2] =	stream.indirect.gather [hbm4b:s4+s10], $0x80, s12, s10, $0xb8;
	[tilespmem:$0x1D200] =	vst v63  }
0xf2: {  	_ =	swait.ge [sflag:s15], $0x4000  }
0xf3: {  	[sflag:s15] =	ssyncset.done $0x0  }
0xf4: {  	[sflag:s15] =	ssyncadd.s32 $0xFFFFC000  }
0xf5: {  	[spmem:s1] =	stream.indirect.scatter.add.f32 [tilespmem:s11], [sflag:$0x3], $0x80, s10, s10, $0xb8;
	[tilespmem:$0x1D200] =	vst v63  }
0xf6: {  	_ =	swait.ge [sflag:s9], $0x4000  }
0xf7: {  	[sflag:s9] =	ssyncset.done $0x0  }
0xf8: {  	s18 =	sadd.s32 $0x9E0, s18;
	[sflag:s9] =	ssyncadd.s32 $0xFFFFC000  }
0xf9: {  	[tilespmem:s3], [sflag:$0x3] =	stream.linear.gather [hbm4b:s18+s3], $0x80, $0x38;
	[tilespmem:$0x1D200] =	vst v63  }
0xfa: {  	_ =	swait.ge [sflag:s9], $0x80  }
0xfb: {  	[sflag:s9] =	ssyncset.done $0x0  }
0xfc: {  	s26 =	sadd.s32 $0x9E0, s24;
	[sflag:s9] =	ssyncadd.s32 $0xFFFFFF80  }
0xfd: {  	[tilespmem:s10], [sflag:$0x3] =	stream.linear.gather [hbm4b:s26+s3], $0x80, $0x38;
	[tilespmem:$0x1D200] =	vst v63  }
0xfe: {  	_ =	swait.ge [sflag:s9], $0x80  }
0xff: {  	[sflag:s9] =	ssyncset.done $0x0  }
0x100: {  	[sflag:s9] =	ssyncadd.s32 $0xFFFFFF80  }
0x101: {  	[tilespmem:s11], [sflag:$0x1] =	stream.indirect.gather [hbm4b:s4+s10], $0x80, s3, s10, $0xb8;
	[tilespmem:$0x1D200] =	vst v63  }
0x102: {  	_ =	swait.ge [sflag:s16], $0x4000  }
0x103: {  	[sflag:s16] =	ssyncset.done $0x0  }
0x104: {  	[sflag:s16] =	ssyncadd.s32 $0xFFFFC000  }
0x105: {  	[spmem:s1] =	stream.indirect.scatter.add.f32 [tilespmem:s14], [sflag:$0x3], $0x80, s13, s10, $0xb8;
	[tilespmem:$0x1D200] =	vst v63  }
0x106: {  	s19 =	simm.s32 $0xFFFFF680;
	_ =	swait.ge [sflag:s9], $0x4000  }
0x107: {  	s20 =	sadd.s32 $0xFFFFF660, s23;
	s18 =	simm.s32 $0xFFFFF660;
	[sflag:s9] =	ssyncset.done $0x0  }
.LBB2_5:
0x108: {  	s24 =	sadd.s32 $0x9D0, s20  }
0x109: {  	[sflag:s9] =	ssyncadd.s32 $0xFFFFC000;
	s26 =	smov.u32 s19;
	s21 =	sadd.s32 $0x20, s19  }
0x10a: {  	[tilespmem:s12], [sflag:$0x3] =	stream.linear.gather [hbm4b:s24+s3], $0x80, $0x38;
	[tilespmem:$0x1D200] =	vst v63  }
0x10b: {  	p1 =	seq.s32 s19, $0xFFFFFFE0;
	_ =	swait.ge [sflag:s9], $0x80  }
0x10c: {  	s19 =	sadd.s32 s18, s22;
	s18 =	smov.u32 s26;
	[sflag:s9] =	ssyncset.done $0x0  }
0x10d: {  	s24 =	sadd.s32 $0x9D0, s19;
	[sflag:s9] =	ssyncadd.s32 $0xFFFFFF80  }
0x10e: {  	[tilespmem:s13], [sflag:$0x3] =	stream.linear.gather [hbm4b:s24+s3], $0x80, $0x38;
	[tilespmem:$0x1D200] =	vst v63  }
0x10f: {  	_ =	swait.ge [sflag:s9], $0x80  }
0x110: {  	[sflag:s9] =	ssyncset.done $0x0  }
0x111: {  	[sflag:s9] =	ssyncadd.s32 $0xFFFFFF80  }
0x112: {  	[tilespmem:s14], [sflag:$0x2] =	stream.indirect.gather [hbm4b:s4+s10], $0x80, s12, s10, $0xb8;
	[tilespmem:$0x1D200] =	vst v63  }
0x113: {  	_ =	swait.ge [sflag:s15], $0x4000  }
0x114: {  	[sflag:s15] =	ssyncset.done $0x0  }
0x115: {  	[sflag:s15] =	ssyncadd.s32 $0xFFFFC000  }
0x116: {  	[spmem:s1] =	stream.indirect.scatter.add.f32 [tilespmem:s11], [sflag:$0x3], $0x80, s10, s10, $0xb8;
	[tilespmem:$0x1D200] =	vst v63  }
0x117: {  	_ =	swait.ge [sflag:s9], $0x4000  }
0x118: {  	[sflag:s9] =	ssyncset.done $0x0  }
0x119: {  	s20 =	sadd.s32 $0x9E0, s20;
	[sflag:s9] =	ssyncadd.s32 $0xFFFFC000  }
0x11a: {  	[tilespmem:s3], [sflag:$0x3] =	stream.linear.gather [hbm4b:s20+s3], $0x80, $0x38;
	[tilespmem:$0x1D200] =	vst v63  }
0x11b: {  	_ =	swait.ge [sflag:s9], $0x80  }
0x11c: {  	[sflag:s9] =	ssyncset.done $0x0  }
0x11d: {  	s19 =	sadd.s32 $0x9E0, s19;
	[sflag:s9] =	ssyncadd.s32 $0xFFFFFF80  }
0x11e: {  	[tilespmem:s10], [sflag:$0x3] =	stream.linear.gather [hbm4b:s19+s3], $0x80, $0x38;
	[tilespmem:$0x1D200] =	vst v63  }
0x11f: {  	_ =	swait.ge [sflag:s9], $0x80  }
0x120: {  	[sflag:s9] =	ssyncset.done $0x0  }
0x121: {  	[sflag:s9] =	ssyncadd.s32 $0xFFFFFF80  }
0x122: {  	[tilespmem:s11], [sflag:$0x1] =	stream.indirect.gather [hbm4b:s4+s10], $0x80, s3, s10, $0xb8;
	[tilespmem:$0x1D200] =	vst v63  }
0x123: {  	_ =	swait.ge [sflag:s16], $0x4000  }
.Ltmp4:
0x124: {  	[sflag:s16] =	ssyncset.done $0x0;
	(pc) =	sbr.rel @!p1 .LBB2_5-.Ltmp4, $4  }
0x125: {  	[sflag:s16] =	ssyncadd.s32 $0xFFFFC000  }
0x126: {  	[spmem:s1] =	stream.indirect.scatter.add.f32 [tilespmem:s14], [sflag:$0x3], $0x80, s13, s10, $0xb8;
	[tilespmem:$0x1D200] =	vst v63  }
0x127: {  	_ =	swait.ge [sflag:s9], $0x4000  }
0x128: {  	s20 =	sadd.s32 s18, s23;
	s19 =	smov.u32 s21;
	[sflag:s9] =	ssyncset.done $0x0  }
0x129: {  	s19 =	sadd.s32 $0x9D0, s20;
	[sflag:s9] =	ssyncadd.s32 $0xFFFFC000  }
0x12a: {  	[tilespmem:s12], [sflag:$0x3] =	stream.linear.gather [hbm4b:s19+s3], $0x80, $0x38;
	[tilespmem:$0x1D200] =	vst v63  }
0x12b: {  	_ =	swait.ge [sflag:s9], $0x80  }
0x12c: {  	s18 =	sadd.s32 s18, s22;
	[sflag:s9] =	ssyncset.done $0x0  }
0x12d: {  	s24 =	sadd.s32 $0x9D0, s18;
	[sflag:s9] =	ssyncadd.s32 $0xFFFFFF80  }
0x12e: {  	[tilespmem:s13], [sflag:$0x3] =	stream.linear.gather [hbm4b:s24+s3], $0x80, $0x38;
	[tilespmem:$0x1D200] =	vst v63  }
0x12f: {  	_ =	swait.ge [sflag:s9], $0x80  }
0x130: {  	[sflag:s9] =	ssyncset.done $0x0  }
0x131: {  	[sflag:s9] =	ssyncadd.s32 $0xFFFFFF80  }
0x132: {  	[tilespmem:s14], [sflag:$0x2] =	stream.indirect.gather [hbm4b:s4+s10], $0x80, s12, s10, $0xb8;
	[tilespmem:$0x1D200] =	vst v63  }
0x133: {  	_ =	swait.ge [sflag:s15], $0x4000  }
0x134: {  	[sflag:s15] =	ssyncset.done $0x0  }
0x135: {  	[sflag:s15] =	ssyncadd.s32 $0xFFFFC000  }
0x136: {  	[spmem:s1] =	stream.indirect.scatter.add.f32 [tilespmem:s11], [sflag:$0x3], $0x80, s10, s10, $0xb8;
	[tilespmem:$0x1D200] =	vst v63  }
0x137: {  	_ =	swait.ge [sflag:s9], $0x4000  }
0x138: {  	[sflag:s9] =	ssyncset.done $0x0  }
0x139: {  	s26 =	sadd.s32 $0x9E0, s20;
	[sflag:s9] =	ssyncadd.s32 $0xFFFFC000  }
0x13a: {  	[tilespmem:s3], [sflag:$0x3] =	stream.linear.gather [hbm4b:s26+s3], $0x80, $0x38;
	[tilespmem:$0x1D200] =	vst v63  }
0x13b: {  	_ =	swait.ge [sflag:s9], $0x80  }
0x13c: {  	[sflag:s9] =	ssyncset.done $0x0  }
0x13d: {  	s18 =	sadd.s32 $0x9E0, s18;
	[sflag:s9] =	ssyncadd.s32 $0xFFFFFF80  }
0x13e: {  	[tilespmem:s10], [sflag:$0x3] =	stream.linear.gather [hbm4b:s18+s3], $0x80, $0x38;
	[tilespmem:$0x1D200] =	vst v63  }
0x13f: {  	_ =	swait.ge [sflag:s9], $0x80  }
0x140: {  	[sflag:s9] =	ssyncset.done $0x0  }
0x141: {  	[sflag:s9] =	ssyncadd.s32 $0xFFFFFF80  }
0x142: {  	[tilespmem:s11], [sflag:$0x1] =	stream.indirect.gather [hbm4b:s4+s10], $0x80, s3, s10, $0xb8;
	[tilespmem:$0x1D200] =	vst v63  }
0x143: {  	_ =	swait.ge [sflag:s16], $0x4000  }
0x144: {  	[sflag:s16] =	ssyncset.done $0x0  }
0x145: {  	[sflag:s16] =	ssyncadd.s32 $0xFFFFC000  }
0x146: {  	[spmem:s1] =	stream.indirect.scatter.add.f32 [tilespmem:s14], [sflag:$0x3], $0x80, s13, s10, $0xb8;
	[tilespmem:$0x1D200] =	vst v63  }
0x147: {  	_ =	swait.ge [sflag:s9], $0x4000  }
0x148: {  	[sflag:s9] =	ssyncset.done $0x0  }
0x149: {  	s18 =	smov.u32 s4;
	[sflag:s9] =	ssyncadd.s32 $0xFFFFC000  }
.LBB2_10:
0x14a: {  	_ =	swait.ge [sflag:s15], $0x4000  }
0x14b: {  	[sflag:s15] =	ssyncset.done $0x0  }
0x14c: {  	[sflag:s15] =	ssyncadd.s32 $0xFFFFC000  }
0x14d: {  	[spmem:s1] =	stream.indirect.scatter.add.f32 [tilespmem:s11], [sflag:$0x3], $0x80, s10, s10, $0xb8;
	[tilespmem:$0x1D200] =	vst v63  }
0x14e: {  	_ =	swait.ge [sflag:s9], $0x4000  }
0x14f: {  	[sflag:s9] =	ssyncset.done $0x0  }
0x150: {  	s19 =	simm.s32 $0x0;
	s20 =	rddreg [dreg:$0x5];
	[sflag:s9] =	ssyncadd.s32 $0xFFFFC000  }
0x151: {  	[tilespmem:s12], [sflag:$0x3] =	stream.linear.gather [hbm4b:s20+s19], $0x80, $0x38;
	[tilespmem:$0x1D200] =	vst v63  }
0x152: {  	_ =	swait.ge [sflag:s9], $0x80  }
0x153: {  	[sflag:s9] =	ssyncset.done $0x0  }
0x154: {  	s24 =	rddreg [dreg:$0x6];
	[sflag:s9] =	ssyncadd.s32 $0xFFFFFF80  }
0x155: {  	[tilespmem:s13], [sflag:$0x3] =	stream.linear.gather [hbm4b:s24+s19], $0x80, $0x38;
	[tilespmem:$0x1D200] =	vst v63  }
0x156: {  	_ =	swait.ge [sflag:s9], $0x80  }
0x157: {  	[sflag:s9] =	ssyncset.done $0x0  }
0x158: {  	[sflag:s9] =	ssyncadd.s32 $0xFFFFFF80  }
0x159: {  	[tilespmem:s14], [sflag:$0x2] =	stream.indirect.gather [hbm4b:s18+s10], $0x80, s12, s10, $0xb8;
	[tilespmem:$0x1D200] =	vst v63  }
0x15a: {  	_ =	swait.ge [sflag:s16], $0x4000  }
0x15b: {  	[sflag:s16] =	ssyncset.done $0x0  }
0x15c: {  	[sflag:s16] =	ssyncadd.s32 $0xFFFFC000  }
0x15d: {  	[spmem:s1] =	stream.indirect.scatter.add.f32 [tilespmem:s14], [sflag:$0x3], $0x80, s13, s10, $0xb8;
	[tilespmem:$0x1D200] =	vst v63  }
0x15e: {  	_ =	swait.ge [sflag:s9], $0x4000  }
0x15f: {  	[sflag:s9] =	ssyncset.done $0x0  }
0x160: {  	[sflag:s9] =	ssyncadd.s32 $0xFFFFC000  }
0x161: {  	[bflag:$0x0] =	sbarrier.arrive $0xFFFF  }
0x162: {  	[tilespmem:s8], [sflag:$0x3] =	stream.linear.gather [spmem:s6], $0x1000, $0x38;
	[tilespmem:$0x1D200] =	vst v63  }
0x163: {  	_ =	swait.ge [sflag:s9], $0x1000  }
0x164: {  	[sflag:s9] =	ssyncset.done $0x0  }
0x165: {  	s26 =	sadd.s32 $0x0, s25;
	[sflag:s9] =	ssyncadd.s32 $0xFFFFF000  }
0x166: {  	[hbm4b:s26+s3] =	stream.linear.scatter [tilespmem:s8], [sflag:$0x3], $0x1000, $0x38;
	[tilespmem:$0x1D200] =	vst v63  }
0x167: {  	_ =	swait.ge [sflag:s9], $0x1000  }
0x168: {  	s19 =	smov.u32 s6;
	s18 =	simm.s32 $0x200;
	[sflag:s9] =	ssyncset.done $0x0  }
.LBB2_11:
0x169: {  	p1 =	sne.s32 s18, $0x2600;
	[sflag:s9] =	ssyncadd.s32 $0xFFFFF000;
	s19 =	sadd.s32 $0x1000, s19  }
0x16a: {  	[tilespmem:s8], [sflag:$0x3] =	stream.linear.gather [spmem:s19], $0x1000, $0x38;
	[tilespmem:$0x1D200] =	vst v63  }
0x16b: {  	s20 =	smov.u32 s18;
	s18 =	sadd.s32 $0x200, s18;
	_ =	swait.ge [sflag:s9], $0x1000  }
.Ltmp5:
0x16c: {  	[sflag:s9] =	ssyncset.done $0x0;
	(pc) =	sbr.rel @p1 .LBB2_11-.Ltmp5, $4  }
0x16d: {  	s20 =	sadd.s32 s20, s25;
	[sflag:s9] =	ssyncadd.s32 $0xFFFFF000  }
0x16e: {  	[hbm4b:s20+s3] =	stream.linear.scatter [tilespmem:s8], [sflag:$0x3], $0x1000, $0x38;
	[tilespmem:$0x1D200] =	vst v63  }
0x16f: {  	_ =	swait.ge [sflag:s9], $0x1000  }
0x170: {  	[sflag:s9] =	ssyncset.done $0x0  }
0x171: {  	s17 =	sadd.s32 $0x1, s17;
	s18 =	rddreg [dreg:$0x7]  }
0x172: {  	p1 =	sne.s32 s17, s18  }
.Ltmp6:
0x173: {  	_ = 	snop;
	(pc) =	sbr.rel @p1 .LBB2_1-.Ltmp6, $2  }
0x174: {  	_ =	sdelay $0x2  }
0x175: {  	[sflag:s9] =	ssyncadd.s32 $0xFFFFF000  }
0x176: {  	_ =	sfence.sel $0x180000  }
0x177: {  	[bflag:$0x0] =	sbarrier.arrive $0xFFFF  }
0x178: {  	_ =	strace $0x9000004A  }
0x179: {  	s0 =	stileid.u32;
	[bflag:$0x2] =	sbarrier.arrive $0xFFFF  }
0x17a: {  	p0 =	sne.s32 s0, $0x0;
	s0 =	rddreg [dreg:$0x2]  }
0x17b: {  	s0 =	sadd.s32 @!p0 $0x100000, s0  }
0x17c: {  	[sflag:s0] =	ssyncadd.tile.s32 @!p0 $0x1;
	_ =	shalt  }
.Lfunc_end2:
_tile_overlayer_lowered:
.L_overlay_start_2:
0x17d: {  	(tag) =	ssettag $0x2  }
0x17e: {  	s0 =	rddreg [dreg:$0x0];
	s2 =	stileid.u32  }
0x17f: {  	s1 =	rddreg [dreg:$0x1];
	p0 =	sne.s32 s2, $0x0  }
0x180: {  	s3 =	rddreg [dreg:$0x2];
	[bflag:$0x3] =	sbarrier.arrive $0xFFFF;
	s2 =	simm.s32 @!p0 $0x1C03  }
0x181: {  	[timem:s3], [sflag:s2] =	dma.local @!p0 [hbm:s0], s1  }
0x182: {  	s0 =	simm.s32 @!p0 $0x3  }
0x183: {  	_ =	swait.ge @!p0 [sflag:s0], s1  }
0x184: {  	s1 =	ssub.s32 @!p0 $0x0, s1;
	[sflag:s0] =	ssyncset.done @!p0 $0x0  }
0x185: {  	[sflag:s0] =	ssyncadd.s32 @!p0 s1  }
0x186: {  	[bflag:$0x3] =	sbarrier.arrive $0xFFFF  }
0x187: {  	_ =	shalt  }

// kernel: kernel.15.cloned.1.call-start
scs
__scs_entry_jumppad:
0x0: {  	(pc) =	sbr.rel $0x88, $3  }
0x1: {  	(tag) =	ssettag $0x0;
	lr =	simm.s32 $0x1  }
0x2: {  	[smem:$0x3F98] =	sst lr;
	_ =	strace $0xD0000000  }
0x3: {  	_ = 	snop  }
0x4: {  	_ = 	snop  }
0x5: {  	_ = 	snop  }
0x6: {  	_ = 	snop  }
0x7: {  	_ = 	snop  }
__scs_overlays_trampoline_lowered:
0x8: {  	[smem:$0x3FA7] =	sst s0  }
0x9: {  	[smem:$0x3FA8] =	sst s1  }
0xa: {  	[smem:$0x3FA9] =	sst s2  }
0xb: {  	[smem:$0x3FAA] =	sst s3  }
0xc: {  	[smem:$0x3FAB] =	sst s4  }
0xd: {  	[smem:$0x3FAC] =	sst s5  }
0xe: {  	[smem:$0x3FAD] =	sst s6  }
0xf: {  	[smem:$0x3FAE] =	sst s7  }
0x10: {  	[smem:$0x3FAF] =	sst s8  }
0x11: {  	[smem:$0x3FB0] =	sst s9;
	s0 =	simm.s32 @!p0 $0x0  }
0x12: {  	s1 =	sld [smem:$0x3F96];
	s0 =	simm.s32 @p0 $0x1  }
0x13: {  	[smem:$0x3FB1] =	sst s0;
	s0 =	simm.s32 @!p1 $0x0  }
0x14: {  	s2 =	sld [smem:$0x3F95];
	s0 =	simm.s32 @p1 $0x1  }
0x15: {  	[smem:$0x3FB2] =	sst s0;
	s0 =	simm.s32 @!p2 $0x0  }
0x16: {  	s3 =	sld [smem:$0x3FDB];
	s0 =	simm.s32 @p2 $0x1  }
0x17: {  	s4 =	simm.s32 $0x1BF5;
	[smem:$0x3FB4] =	sst s0  }
0x18: {  	s0 =	sld [smem:$0x3F97];
	_ =	swait.ge [sflag:s4], $0x0  }
0x19: {  	s7 =	sld [smem:$0x3F98]  }
0x1a: {  	s8 =	sadd.s32 $0xFFFFE003, lr  }
0x1b: {  	s9 =	sadd.s32 $0xFFFFFEF7, lr;
	s5 =	simm.s32 $0xFFFFFFFF;
	p2 =	slt.u32 s8, $0xFFFFF086  }
0x1c: {  	p1 =	slt.u32 s9, $0xF7A;
	s5 =	simm.s32 @!p2 $0x0  }
0x1d: {  	s5 =	simm.s32 @p1 $0x1;
	p0 =	seq.s32 s7, s2  }
0x1e: {  	s7 =	smul.u32 @!p0 $0xF7A, s2;
	p2 =	seq.s32 @!p0 s5, $0x0  }
0x1f: {  	s9 =	smul.u32 $0xF7A, s1;
	s8 =	simm.s32 @!p0 $0x1BF5;
	p2 =	por !p2, p0  }
0x20: {  	[sflag:s8] =	ssyncset.s32 @!p0 $0xFFFFF086;
	s6 =	sadd.s32 @!p0 s3, s7;
	s7 =	simm.s32 @!p0 $0x108  }
0x21: {  	s3 =	sadd.s32 s3, s9;
	s6 =	sadd.s32 @!p0 $0x88, s6;
	s7 =	simm.s32 @p2 $0x1082  }
0x22: {  	[simem:s7], [sflag:s8] =	dma.local @!p0 [hbm:s6], $0xF7A  }
0x23: {  	s9 =	sor.u32 $0xD0000000, s2;
	s6 =	simm.s32 $0x108;
	_ =	swait.ge @!p0 [sflag:s8], $0x0  }
0x24: {  	s3 =	sadd.s32 $0x88, s3;
	s6 =	simm.s32 @!p1 $0x1082;
	[sflag:s4] =	ssyncset.s32 $0xFFFFF086  }
0x25: {  	[simem:s6], [sflag:s4] =	dma.local [hbm:s3], $0xF7A  }
0x26: {  	[smem:$0x3F98] =	sst s1;
	(tag) =	ssettag s2;
	_ =	strace s9  }
0x27: {  	s1 =	sld [smem:$0x3FA8]  }
0x28: {  	s2 =	sld [smem:$0x3FA9]  }
0x29: {  	s4 =	sld [smem:$0x3FAB]  }
0x2a: {  	p0 =	seq.s32 s5, $0x0;
	s5 =	sld [smem:$0x3FAC]  }
0x2b: {  	s6 =	sld [smem:$0x3FAD]  }
0x2c: {  	s7 =	sld [smem:$0x3FAE]  }
0x2d: {  	s3 =	simm.s32 $0x108;
	s8 =	sld [smem:$0x3FAF]  }
0x2e: {  	s3 =	simm.s32 @!p0 $0x1082;
	s9 =	sld [smem:$0x3FB0]  }
0x2f: {  	lr =	sadd.s32 s0, s3;
	s0 =	sld [smem:$0x3FA7]  }
0x30: {  	s3 =	sld [smem:$0x3FAA]  }
0x31: {  	[smem:$0x3FB3] =	sst s10  }
0x32: {  	s10 =	sld [smem:$0x3FB1];
	_ =	sdelay $0x3  }
0x33: {  	p0 =	seq.s32 s10, $0x1;
	s10 =	sld [smem:$0x3FB3];
	_ =	sdelay $0x3  }
0x34: {  	[smem:$0x3FB3] =	sst s10  }
0x35: {  	s10 =	sld [smem:$0x3FB2];
	_ =	sdelay $0x3  }
0x36: {  	p1 =	seq.s32 s10, $0x1;
	s10 =	sld [smem:$0x3FB3];
	_ =	sdelay $0x3  }
0x37: {  	[smem:$0x3FB3] =	sst s10  }
0x38: {  	s10 =	sld [smem:$0x3FB4]  }
0x39: {  	_ = 	snop;
	(pc) =	sbr.ind lr, $3  }
0x3a: {  	_ = 	snop  }
0x3b: {  	_ = 	snop  }
0x3c: {  	p2 =	seq.s32 s10, $0x1;
	s10 =	sld [smem:$0x3FB3]  }
0x3d: {  	_ =	shalt  }
0x3e: {  	_ =	shalt  }
0x3f: {  	_ =	shalt  }
0x40: {  	_ =	shalt  }
0x41: {  	_ =	shalt  }
0x42: {  	_ =	shalt  }
0x43: {  	_ =	shalt  }
0x44: {  	_ =	shalt  }
0x45: {  	_ =	shalt  }
0x46: {  	_ =	shalt  }
0x47: {  	_ =	shalt  }
0x48: {  	_ =	shalt  }
0x49: {  	_ =	shalt  }
0x4a: {  	_ =	shalt  }
0x4b: {  	_ =	shalt  }
0x4c: {  	_ =	shalt  }
0x4d: {  	_ =	shalt  }
0x4e: {  	_ =	shalt  }
0x4f: {  	_ =	shalt  }
0x50: {  	_ =	shalt  }
0x51: {  	_ =	shalt  }
0x52: {  	_ =	shalt  }
0x53: {  	_ =	shalt  }
0x54: {  	_ =	shalt  }
0x55: {  	_ =	shalt  }
0x56: {  	_ =	shalt  }
0x57: {  	_ =	shalt  }
0x58: {  	_ =	shalt  }
0x59: {  	_ =	shalt  }
0x5a: {  	_ =	shalt  }
0x5b: {  	_ =	shalt  }
0x5c: {  	_ =	shalt  }
0x5d: {  	_ =	shalt  }
0x5e: {  	_ =	shalt  }
0x5f: {  	_ =	shalt  }
0x60: {  	_ =	shalt  }
0x61: {  	_ =	shalt  }
0x62: {  	_ =	shalt  }
0x63: {  	_ =	shalt  }
0x64: {  	_ =	shalt  }
0x65: {  	_ =	shalt  }
0x66: {  	_ =	shalt  }
0x67: {  	_ =	shalt  }
0x68: {  	_ =	shalt  }
0x69: {  	_ =	shalt  }
0x6a: {  	_ =	shalt  }
0x6b: {  	_ =	shalt  }
0x6c: {  	_ =	shalt  }
0x6d: {  	_ =	shalt  }
0x6e: {  	_ =	shalt  }
0x6f: {  	_ =	shalt  }
0x70: {  	_ =	shalt  }
0x71: {  	_ =	shalt  }
0x72: {  	_ =	shalt  }
0x73: {  	_ =	shalt  }
0x74: {  	_ =	shalt  }
0x75: {  	_ =	shalt  }
0x76: {  	_ =	shalt  }
0x77: {  	_ =	shalt  }
0x78: {  	_ =	shalt  }
0x79: {  	_ =	shalt  }
0x7a: {  	_ =	shalt  }
0x7b: {  	_ =	shalt  }
0x7c: {  	_ =	shalt  }
0x7d: {  	_ =	shalt  }
0x7e: {  	_ =	shalt  }
0x7f: {  	_ =	shalt  }
0x80: {  	_ =	shalt  }
0x81: {  	_ =	shalt  }
0x82: {  	_ =	shalt  }
0x83: {  	_ =	shalt  }
0x84: {  	_ =	shalt  }
0x85: {  	_ =	shalt  }
0x86: {  	_ =	shalt  }
0x87: {  	_ =	shalt  }
.Lfunc_end0:
.L_simem_size_0:
called_computation.2_lowered:
.L_overlay_start_0:
0x88: {  	s2 =	sld [smem:$0x3FD9]  }
0x89: {  	s3 =	sld [smem:$0x3FFE];
	_ =	sdelay $0x1  }
0x8a: {  	s1 =	srdreg.scid  }
0x8b: {  	s0 =	sand.u32 $0x1, s1  }
0x8c: {  	s16 =	sshll.u32 s0, $0xA;
	s2 =	sadd.s32 s3, s2  }
0x8d: {  	s2 =	sadd.s32 s2, s16  }
0x8e: {  	[smem:$0x3FBF] =	sst s2  }
0x8f: {  	_ = 	snop  }
0x90: {  	(tm) =	ssettm $0x1  }
0x91: {  	s17 =	sld [smem:$0x3FFB];
	_ =	sdelay $0x3  }
0x92: {  	_ =	strace s17  }
0x93: {  	s2 =	sld [smem:$0x3FFC];
	_ =	sdelay $0x3  }
0x94: {  	_ =	strace s2  }
0x95: {  	s2 =	sld [smem:$0x3FFD];
	_ =	sdelay $0x3  }
0x96: {  	_ =	strace s2  }
0x97: {  	_ =	strace $0x8FFFFFFF  }
0x98: {  	s18 =	sld [smem:$0x3FDB];
	_ =	sdelay $0x1  }
0x99: {  	s19 =	simm.s32 $_scs_section_size  }
0x9a: {  	s4 =	simm.s32 $_size__tile_overlayer_lowered;
	s5 =	simm.s32 $_tile_overlayer_lowered  }
0x9b: {  	s22 =	simm.s32 $0x1BFF;
	s21 =	sshll.u32 s5, $0x1;
	s2 =	sadd.s32 s19, s18  }
0x9c: {  	s6 =	simm.s32 $0x0;
	s20 =	sshll.u32 s4, $0x1;
	s4 =	sadd.s32 s21, s2  }
0x9d: {  	[timem:s6], [sflag:s22] =	dma.local [hbm:s4], s20  }
0x9e: {  	_ =	swait.ge [sflag:s22], s20  }
0x9f: {  	s3 =	ssub.s32 $0x0, s20;
	[sflag:s22] =	ssyncset.done $0x0  }
0xa0: {  	[sflag:s22] =	ssyncadd.s32 s3;
	_ =	sdelay $0x1  }
0xa1: {  	s23 =	simm.s32 $0x1B8B  }
0xa2: {  	_ =	swait.ge [sflag:s23], $0x1  }
0xa3: {  	[sflag:s23] =	ssyncset.done $0x0  }
0xa4: {  	s25 =	simm.s32 $0x1B8E;
	s24 =	sld [smem:$0x3FFE];
	[sflag:s23] =	ssyncadd.s32 $0xFFFFFFFF  }
0xa5: {  	s26 =	simm.s32 $execute0_lowered;
	[smem:$0x3FD2] =	sst s25  }
0xa6: {  	s4 =	sshll.u32 s26, $0x1;
	_ =	strace $0x8000004C;
	[dreg:$0x1] =	wrdreg $0xFFFFFFFF  }
0xa7: {  	s28 =	simm.s32 $_size_execute0_lowered;
	s2 =	sadd.s32 s2, s4;
	[dreg:$0x0] =	wrdreg $0x0  }
0xa8: {  	s4 =	sshll.u32 s28, $0x1;
	[dreg:$0x2] =	wrdreg s2  }
0xa9: {  	[dreg:$0x3] =	wrdreg s4  }
0xaa: {  	[dreg:$0x4] =	wrdreg $0xC0  }
0xab: {  	_ =	task [dreg:s6], $0x5FFFF  }
0xac: {  	[dreg:$0x1] =	wrdreg $0xFFFFFFFF  }
0xad: {  	[dreg:$0x0] =	wrdreg $0x60  }
0xae: {  	[dreg:$0x2] =	wrdreg s24  }
0xaf: {  	[dreg:$0x3] =	wrdreg $0x92000  }
0xb0: {  	[dreg:$0x4] =	wrdreg $0x9  }
0xb1: {  	_ =	task.clear_ibuf [dreg:s6], $0x5FFFF;
	_ =	strace $0x9000004C  }
0xb2: {  	s29 =	simm.s32 $0x9;
	_ =	strace $0x8000004E  }
0xb3: {  	_ =	swait.ge [sflag:s29], $0x1  }
0xb4: {  	[sflag:s29] =	ssyncadd.s32 $0xFFFFFFFF  }
0xb5: {  	_ =	strace $0x9000004E  }
0xb6: {  	_ =	sfence  }
0xb7: {  	s30 =	sld [smem:$0x0];
	_ =	sdelay $0x2  }
0xb8: {  	s31 =	sshll.u32 s1, $0xD;
	s1 =	sshrl.u32 s1, $0x2  }
0xb9: {  	s3 =	sand.u32 $0x4000, s31;
	s1 =	sadd.s32 s1, s30  }
0xba: {  	s0 =	sor.u32 s3, s0;
	s1 =	sshll.u32 s1, $0x11  }
0xbb: {  	s0 =	sor.u32 s1, s0  }
0xbc: {  	s0 =	sadd.s32 $0x8F2B, s0  }
0xbd: {  	[sflag:s0] =	ssyncadd.remote.s32 $0x1  }
0xbe: {  	_ =	sfence.sel $0xFFFF  }
0xbf: {  	[dreg:$0x0] =	wrdreg $0xFFFFFFFF;
	(pc) =	sbr.abs _section_cstart, $3  }
0xc0: {  	[dreg:$0x1] =	wrdreg $0xFFFFFFFF  }
0xc1: {  	_ =	task.clear_ibuf [dreg:s6], $0x2FFFF;
	_ =	strace $0x9FFFFFFF  }
0xc2: {  	(tm) =	ssettm $0x7FFFFFFF  }
0xc3: {  	_ =	shalt  }
tec
execute0_lowered:
.L_overlay_start_1:
0x0: {  	(tag) =	ssettag $0x1  }
0x1: {  	s0 =	rddreg [dreg:$0x0];
	s13 =	stileid.u32  }
0x2: {  	s1 =	rddreg [dreg:$0x1];
	s7 =	smul.u32 $0x14000, s13  }
0x3: {  	s3 =	simm.s32 $0x0;
	s2 =	srdreg.scid;
	s10 =	smul.u32 $0x50000, s13  }
0x4: {  	[smem:$0x7FF] =	sst s3;
	s2 =	sand.u32 $0x1, s2;
	s12 =	smul.u32 $0x4F00, s13  }
0x5: {  	s4 =	sadd.s32 $0x17800, s0;
	s5 =	sadd.s32 $0x3EA00, s0;
	s19 =	smul.u32 $0x9E0, s13  }
0x6: {  	s8 =	sadd.s32 $0xDA00, s0;
	s9 =	sadd.s32 $0x3C00, s0;
	s6 =	smul.u32 $0x140000, s2  }
0x7: {  	_ =	strace $0x8000004D;
	s22 =	ssub.s32 $0x2, s2;
	p0 =	seq.s32 s2, $0x1  }
0x8: {  	s11 =	sshrl.u32 s22, $0x1;
	s23 =	sshrl.u32 s10, $0x2;
	s24 =	sshrl.u32 s12, $0x3  }
0x9: {  	s6 =	sadd.s32 s7, s6;
	s7 =	ssub.s32 s22, s11;
	s25 =	sadd.s32 s8, s24  }
0xa: {  	s26 =	sadd.s32 s9, s24;
	s2 =	sadd.s32 $0x9D0, s24;
	[dreg:$0x3] =	wrdreg s25  }
0xb: {  	s6 =	sshrl.u32 s6, $0x3;
	[dreg:$0x4] =	wrdreg s26;
	s11 =	sadd.s32 s8, s2  }
0xc: {  	s2 =	sadd.s32 s9, s2;
	s12 =	smax.u32 s7, $0x1;
	[dreg:$0x5] =	wrdreg s11  }
0xd: {  	s0 =	sadd.s32 s6, s0;
	s6 =	sadd.s32 s23, s1;
	[dreg:$0x6] =	wrdreg s2  }
0xe: {  	s13 =	simm.s32 $0x4180;
	[dreg:$0x7] =	wrdreg s12;
	s14 =	sadd.s32 $0x1000, s6  }
0xf: {  	s10 =	simm.s32 $0x80;
	s15 =	sadd.s32 $0x2000, s6;
	[dreg:$0x8] =	wrdreg s14  }
0x10: {  	s11 =	simm.s32 $0x100;
	s16 =	sadd.s32 $0x3000, s6;
	[dreg:$0x9] =	wrdreg s15  }
0x11: {  	s12 =	simm.s32 $0x4100;
	s17 =	sadd.s32 $0x4000, s6;
	[dreg:$0xa] =	wrdreg s16  }
0x12: {  	s18 =	sadd.s32 $0x5000, s6;
	s20 =	sadd.s32 $0x6000, s6;
	[dreg:$0xb] =	wrdreg s17  }
0x13: {  	s21 =	sadd.s32 $0x7000, s6;
	s22 =	sadd.s32 $0x8000, s6;
	[dreg:$0xc] =	wrdreg s18  }
0x14: {  	s23 =	sadd.s32 $0x9000, s6;
	s24 =	sadd.s32 $0xA000, s6;
	[dreg:$0xd] =	wrdreg s20  }
0x15: {  	s25 =	sadd.s32 $0xB000, s6;
	s26 =	sadd.s32 $0xC000, s6;
	[dreg:$0xe] =	wrdreg s21  }
0x16: {  	s28 =	sadd.s32 $0xD000, s6;
	s29 =	sadd.s32 $0xE000, s6;
	[dreg:$0xf] =	wrdreg s22  }
0x17: {  	s30 =	sadd.s32 $0xF000, s6;
	s31 =	sadd.s32 $0x10000, s6;
	[dreg:$0x10] =	wrdreg s23  }
0x18: {  	s2 =	sadd.s32 $0x12000, s6;
	s7 =	sadd.s32 $0x13000, s6;
	[dreg:$0x11] =	wrdreg s24  }
0x19: {  	s22 =	sadd.s32 s19, s9;
	s23 =	sadd.s32 s19, s8;
	[dreg:$0x12] =	wrdreg s25  }
0x1a: {  	s25 =	sadd.s32 $0x8CE00, s0;
	[dreg:$0x13] =	wrdreg s26;
	s0 =	sadd.s32 $0x11000, s6  }
0x1b: {  	s8 =	simm.s32 $0x8200;
	s9 =	simm.s32 $0x3;
	s14 =	simm.s32 $0x4200  }
0x1c: {  	v0 =	vimm.f32 $0.0e+00;
	s15 =	simm.s32 $0x1;
	s16 =	simm.s32 $0x2;
	s17 =	simm.s32 $0x0  }
.LBB2_1:
0x1d: {  	s18 =	sand.u32 $0x3E00, s3  }
0x1e: {  	s19 =	sand.u32 $0x70, s3;
	s20 =	sshrl.u32 s18, $0x2  }
0x1f: {  	s18 =	simm.s32 $0x40;
	s20 =	sor.u32 s19, s20;
	s19 =	simm.s32 $0x0  }
.LBB2_2:
0x20: {  	p1 =	sne.s32 s18, $0x3FC0  }
0x21: {  	[tilespmem:s20+$0x8200] =	vst v0;
	s19 =	sadd.s32 $0x10, s19;
	s20 =	smov.u32 s18;
	s18 =	sadd.s32 $0x40, s18  }
.Ltmp0:
0x22: {  	(pc) =	sbr.rel @p1 .LBB2_2-.Ltmp0, $4  }
0x23: {  	_ = 	snop  }
0x24: {  	s20 =	sand.u32 $0x3E00, s20  }
0x25: {  	s21 =	sand.u32 $0x70, s19;
	s20 =	sshrl.u32 s20, $0x2  }
0x26: {  	s20 =	sor.u32 s21, s20  }
0x27: {  	[tilespmem:s20+$0x8200] =	vst v0  }
0x28: {  	[spmem:s6] =	stream.linear.scatter [tilespmem:s8], [sflag:$0x3], $0x1000, $0x38;
	[tilespmem:$0x1D200] =	vst v63  }
0x29: {  	_ =	swait.ge [sflag:s9], $0x1000  }
0x2a: {  	[sflag:s9] =	ssyncset.done $0x0  }
0x2b: {  	s18 =	rddreg [dreg:$0x8];
	[sflag:s9] =	ssyncadd.s32 $0xFFFFF000  }
0x2c: {  	[spmem:s18] =	stream.linear.scatter [tilespmem:s8], [sflag:$0x3], $0x1000, $0x38;
	[tilespmem:$0x1D200] =	vst v63  }
0x2d: {  	_ =	swait.ge [sflag:s9], $0x1000  }
0x2e: {  	[sflag:s9] =	ssyncset.done $0x0  }
0x2f: {  	s21 =	rddreg [dreg:$0x9];
	[sflag:s9] =	ssyncadd.s32 $0xFFFFF000  }
0x30: {  	[spmem:s21] =	stream.linear.scatter [tilespmem:s8], [sflag:$0x3], $0x1000, $0x38;
	[tilespmem:$0x1D200] =	vst v63  }
0x31: {  	_ =	swait.ge [sflag:s9], $0x1000  }
0x32: {  	[sflag:s9] =	ssyncset.done $0x0  }
0x33: {  	s24 =	rddreg [dreg:$0xa];
	[sflag:s9] =	ssyncadd.s32 $0xFFFFF000  }
0x34: {  	[spmem:s24] =	stream.linear.scatter [tilespmem:s8], [sflag:$0x3], $0x1000, $0x38;
	[tilespmem:$0x1D200] =	vst v63  }
0x35: {  	_ =	swait.ge [sflag:s9], $0x1000  }
0x36: {  	[sflag:s9] =	ssyncset.done $0x0  }
0x37: {  	s26 =	rddreg [dreg:$0xb];
	[sflag:s9] =	ssyncadd.s32 $0xFFFFF000  }
0x38: {  	[spmem:s26] =	stream.linear.scatter [tilespmem:s8], [sflag:$0x3], $0x1000, $0x38;
	[tilespmem:$0x1D200] =	vst v63  }
0x39: {  	_ =	swait.ge [sflag:s9], $0x1000  }
0x3a: {  	[sflag:s9] =	ssyncset.done $0x0  }
0x3b: {  	s19 =	rddreg [dreg:$0xc];
	[sflag:s9] =	ssyncadd.s32 $0xFFFFF000  }
0x3c: {  	[spmem:s19] =	stream.linear.scatter [tilespmem:s8], [sflag:$0x3], $0x1000, $0x38;
	[tilespmem:$0x1D200] =	vst v63  }
0x3d: {  	_ =	swait.ge [sflag:s9], $0x1000  }
0x3e: {  	[sflag:s9] =	ssyncset.done $0x0  }
0x3f: {  	s20 =	rddreg [dreg:$0xd];
	[sflag:s9] =	ssyncadd.s32 $0xFFFFF000  }
0x40: {  	[spmem:s20] =	stream.linear.scatter [tilespmem:s8], [sflag:$0x3], $0x1000, $0x38;
	[tilespmem:$0x1D200] =	vst v63  }
0x41: {  	_ =	swait.ge [sflag:s9], $0x1000  }
0x42: {  	[sflag:s9] =	ssyncset.done $0x0  }
0x43: {  	s21 =	rddreg [dreg:$0xe];
	[sflag:s9] =	ssyncadd.s32 $0xFFFFF000  }
0x44: {  	[spmem:s21] =	stream.linear.scatter [tilespmem:s8], [sflag:$0x3], $0x1000, $0x38;
	[tilespmem:$0x1D200] =	vst v63  }
0x45: {  	_ =	swait.ge [sflag:s9], $0x1000  }
0x46: {  	[sflag:s9] =	ssyncset.done $0x0  }
0x47: {  	s24 =	rddreg [dreg:$0xf];
	[sflag:s9] =	ssyncadd.s32 $0xFFFFF000  }
0x48: {  	[spmem:s24] =	stream.linear.scatter [tilespmem:s8], [sflag:$0x3], $0x1000, $0x38;
	[tilespmem:$0x1D200] =	vst v63  }
0x49: {  	_ =	swait.ge [sflag:s9], $0x1000  }
0x4a: {  	[sflag:s9] =	ssyncset.done $0x0  }
0x4b: {  	s26 =	rddreg [dreg:$0x10];
	[sflag:s9] =	ssyncadd.s32 $0xFFFFF000  }
0x4c: {  	[spmem:s26] =	stream.linear.scatter [tilespmem:s8], [sflag:$0x3], $0x1000, $0x38;
	[tilespmem:$0x1D200] =	vst v63  }
0x4d: {  	_ =	swait.ge [sflag:s9], $0x1000  }
0x4e: {  	[sflag:s9] =	ssyncset.done $0x0  }
0x4f: {  	s19 =	rddreg [dreg:$0x11];
	[sflag:s9] =	ssyncadd.s32 $0xFFFFF000  }
0x50: {  	[spmem:s19] =	stream.linear.scatter [tilespmem:s8], [sflag:$0x3], $0x1000, $0x38;
	[tilespmem:$0x1D200] =	vst v63  }
0x51: {  	_ =	swait.ge [sflag:s9], $0x1000  }
0x52: {  	[sflag:s9] =	ssyncset.done $0x0  }
0x53: {  	s20 =	rddreg [dreg:$0x12];
	[sflag:s9] =	ssyncadd.s32 $0xFFFFF000  }
0x54: {  	[spmem:s20] =	stream.linear.scatter [tilespmem:s8], [sflag:$0x3], $0x1000, $0x38;
	[tilespmem:$0x1D200] =	vst v63  }
0x55: {  	_ =	swait.ge [sflag:s9], $0x1000  }
0x56: {  	[sflag:s9] =	ssyncset.done $0x0  }
0x57: {  	s21 =	rddreg [dreg:$0x13];
	[sflag:s9] =	ssyncadd.s32 $0xFFFFF000  }
0x58: {  	[spmem:s21] =	stream.linear.scatter [tilespmem:s8], [sflag:$0x3], $0x1000, $0x38;
	[tilespmem:$0x1D200] =	vst v63  }
0x59: {  	_ =	swait.ge [sflag:s9], $0x1000  }
0x5a: {  	[sflag:s9] =	ssyncset.done $0x0  }
0x5b: {  	[sflag:s9] =	ssyncadd.s32 $0xFFFFF000  }
0x5c: {  	[spmem:s28] =	stream.linear.scatter [tilespmem:s8], [sflag:$0x3], $0x1000, $0x38;
	[tilespmem:$0x1D200] =	vst v63  }
0x5d: {  	_ =	swait.ge [sflag:s9], $0x1000  }
0x5e: {  	[sflag:s9] =	ssyncset.done $0x0  }
0x5f: {  	[sflag:s9] =	ssyncadd.s32 $0xFFFFF000  }
0x60: {  	[spmem:s29] =	stream.linear.scatter [tilespmem:s8], [sflag:$0x3], $0x1000, $0x38;
	[tilespmem:$0x1D200] =	vst v63  }
0x61: {  	_ =	swait.ge [sflag:s9], $0x1000  }
0x62: {  	[sflag:s9] =	ssyncset.done $0x0  }
0x63: {  	[sflag:s9] =	ssyncadd.s32 $0xFFFFF000  }
0x64: {  	[spmem:s30] =	stream.linear.scatter [tilespmem:s8], [sflag:$0x3], $0x1000, $0x38;
	[tilespmem:$0x1D200] =	vst v63  }
0x65: {  	_ =	swait.ge [sflag:s9], $0x1000  }
0x66: {  	[sflag:s9] =	ssyncset.done $0x0  }
0x67: {  	[sflag:s9] =	ssyncadd.s32 $0xFFFFF000  }
0x68: {  	[spmem:s31] =	stream.linear.scatter [tilespmem:s8], [sflag:$0x3], $0x1000, $0x38;
	[tilespmem:$0x1D200] =	vst v63  }
0x69: {  	_ =	swait.ge [sflag:s9], $0x1000  }
0x6a: {  	[sflag:s9] =	ssyncset.done $0x0  }
0x6b: {  	[sflag:s9] =	ssyncadd.s32 $0xFFFFF000  }
0x6c: {  	[spmem:s0] =	stream.linear.scatter [tilespmem:s8], [sflag:$0x3], $0x1000, $0x38;
	[tilespmem:$0x1D200] =	vst v63  }
0x6d: {  	_ =	swait.ge [sflag:s9], $0x1000  }
0x6e: {  	[sflag:s9] =	ssyncset.done $0x0  }
0x6f: {  	[sflag:s9] =	ssyncadd.s32 $0xFFFFF000  }
0x70: {  	[spmem:s2] =	stream.linear.scatter [tilespmem:s8], [sflag:$0x3], $0x1000, $0x38;
	[tilespmem:$0x1D200] =	vst v63  }
0x71: {  	_ =	swait.ge [sflag:s9], $0x1000  }
0x72: {  	[sflag:s9] =	ssyncset.done $0x0  }
0x73: {  	[sflag:s9] =	ssyncadd.s32 $0xFFFFF000  }
0x74: {  	[spmem:s7] =	stream.linear.scatter [tilespmem:s8], [sflag:$0x3], $0x1000, $0x38;
	[tilespmem:$0x1D200] =	vst v63  }
0x75: {  	_ =	swait.ge [sflag:s9], $0x1000  }
0x76: {  	[sflag:s9] =	ssyncset.done $0x0  }
0x77: {  	[sflag:s9] =	ssyncadd.s32 $0xFFFFF000  }
0x78: {  	[bflag:$0x0] =	sbarrier.arrive $0xFFFF  }
0x79: {  	s24 =	rddreg [dreg:$0x3]  }
0x7a: {  	[tilespmem:s3], [sflag:$0x3] =	stream.linear.gather [hbm4b:s24+s3], $0x80, $0x38;
	[tilespmem:$0x1D200] =	vst v63  }
0x7b: {  	_ =	swait.ge [sflag:s9], $0x80  }
0x7c: {  	[sflag:s9] =	ssyncset.done $0x0  }
.Ltmp1:
0x7d: {  	s26 =	rddreg [dreg:$0x4];
	[sflag:s9] =	ssyncadd.s32 $0xFFFFFF80;
	(pc) =	sbr.rel @!p0 .LBB2_4-.Ltmp1, $4  }
0x7e: {  	[tilespmem:s10], [sflag:$0x3] =	stream.linear.gather [hbm4b:s26+s3], $0x80, $0x38;
	[tilespmem:$0x1D200] =	vst v63  }
0x7f: {  	_ =	swait.ge [sflag:s9], $0x80  }
0x80: {  	[sflag:s9] =	ssyncset.done $0x0  }
0x81: {  	[sflag:s9] =	ssyncadd.s32 $0xFFFFFF80  }
0x82: {  	[tilespmem:s11], [sflag:$0x1] =	stream.indirect.gather [hbm4b:s5+s10], $0x80, s3, s10, $0xb8;
	[tilespmem:$0x1D200] =	vst v63  }
0x83: {  	s18 =	sadd.s32 $0xFFFFF640, s23  }
0x84: {  	s19 =	sadd.s32 $0x9D0, s18  }
0x85: {  	[tilespmem:s12], [sflag:$0x3] =	stream.linear.gather [hbm4b:s19+s3], $0x80, $0x38;
	[tilespmem:$0x1D200] =	vst v63  }
0x86: {  	_ =	swait.ge [sflag:s9], $0x80  }
0x87: {  	s24 =	sadd.s32 $0xFFFFF640, s22;
	[sflag:s9] =	ssyncset.done $0x0  }
0x88: {  	s20 =	sadd.s32 $0x9D0, s24;
	[sflag:s9] =	ssyncadd.s32 $0xFFFFFF80  }
0x89: {  	[tilespmem:s13], [sflag:$0x3] =	stream.linear.gather [hbm4b:s20+s3], $0x80, $0x38;
	[tilespmem:$0x1D200] =	vst v63  }
0x8a: {  	_ =	swait.ge [sflag:s9], $0x80  }
0x8b: {  	[sflag:s9] =	ssyncset.done $0x0  }
0x8c: {  	[sflag:s9] =	ssyncadd.s32 $0xFFFFFF80  }
0x8d: {  	[tilespmem:s14], [sflag:$0x2] =	stream.indirect.gather [hbm4b:s5+s10], $0x80, s12, s10, $0xb8;
	[tilespmem:$0x1D200] =	vst v63  }
0x8e: {  	_ =	swait.ge [sflag:s15], $0x4000  }
0x8f: {  	[sflag:s15] =	ssyncset.done $0x0  }
0x90: {  	[sflag:s15] =	ssyncadd.s32 $0xFFFFC000  }
0x91: {  	[spmem:s1] =	stream.indirect.scatter.add.f32 [tilespmem:s11], [sflag:$0x3], $0x80, s10, s10, $0xb8;
	[tilespmem:$0x1D200] =	vst v63  }
0x92: {  	_ =	swait.ge [sflag:s9], $0x4000  }
0x93: {  	[sflag:s9] =	ssyncset.done $0x0  }
0x94: {  	s18 =	sadd.s32 $0x9E0, s18;
	[sflag:s9] =	ssyncadd.s32 $0xFFFFC000  }
0x95: {  	[tilespmem:s3], [sflag:$0x3] =	stream.linear.gather [hbm4b:s18+s3], $0x80, $0x38;
	[tilespmem:$0x1D200] =	vst v63  }
0x96: {  	_ =	swait.ge [sflag:s9], $0x80  }
0x97: {  	[sflag:s9] =	ssyncset.done $0x0  }
0x98: {  	s26 =	sadd.s32 $0x9E0, s24;
	[sflag:s9] =	ssyncadd.s32 $0xFFFFFF80  }
0x99: {  	[tilespmem:s10], [sflag:$0x3] =	stream.linear.gather [hbm4b:s26+s3], $0x80, $0x38;
	[tilespmem:$0x1D200] =	vst v63  }
0x9a: {  	_ =	swait.ge [sflag:s9], $0x80  }
0x9b: {  	[sflag:s9] =	ssyncset.done $0x0  }
0x9c: {  	[sflag:s9] =	ssyncadd.s32 $0xFFFFFF80  }
0x9d: {  	[tilespmem:s11], [sflag:$0x1] =	stream.indirect.gather [hbm4b:s5+s10], $0x80, s3, s10, $0xb8;
	[tilespmem:$0x1D200] =	vst v63  }
0x9e: {  	_ =	swait.ge [sflag:s16], $0x4000  }
0x9f: {  	[sflag:s16] =	ssyncset.done $0x0  }
0xa0: {  	[sflag:s16] =	ssyncadd.s32 $0xFFFFC000  }
0xa1: {  	[spmem:s1] =	stream.indirect.scatter.add.f32 [tilespmem:s14], [sflag:$0x3], $0x80, s13, s10, $0xb8;
	[tilespmem:$0x1D200] =	vst v63  }
0xa2: {  	s21 =	simm.s32 $0xFFFFF680;
	_ =	swait.ge [sflag:s9], $0x4000  }
0xa3: {  	s20 =	sadd.s32 $0xFFFFF660, s23;
	s18 =	simm.s32 $0xFFFFF660;
	[sflag:s9] =	ssyncset.done $0x0  }
.LBB2_8:
0xa4: {  	s24 =	sadd.s32 $0x9D0, s20  }
0xa5: {  	[sflag:s9] =	ssyncadd.s32 $0xFFFFC000;
	s26 =	smov.u32 s21;
	s19 =	sadd.s32 $0x20, s21  }
0xa6: {  	[tilespmem:s12], [sflag:$0x3] =	stream.linear.gather [hbm4b:s24+s3], $0x80, $0x38;
	[tilespmem:$0x1D200] =	vst v63  }
0xa7: {  	p1 =	sne.s32 s21, $0xFFFFFFE0;
	_ =	swait.ge [sflag:s9], $0x80  }
0xa8: {  	s21 =	sadd.s32 s18, s22;
	s18 =	smov.u32 s26;
	[sflag:s9] =	ssyncset.done $0x0  }
0xa9: {  	s24 =	sadd.s32 $0x9D0, s21;
	[sflag:s9] =	ssyncadd.s32 $0xFFFFFF80  }
0xaa: {  	[tilespmem:s13], [sflag:$0x3] =	stream.linear.gather [hbm4b:s24+s3], $0x80, $0x38;
	[tilespmem:$0x1D200] =	vst v63  }
0xab: {  	_ =	swait.ge [sflag:s9], $0x80  }
0xac: {  	[sflag:s9] =	ssyncset.done $0x0  }
0xad: {  	[sflag:s9] =	ssyncadd.s32 $0xFFFFFF80  }
0xae: {  	[tilespmem:s14], [sflag:$0x2] =	stream.indirect.gather [hbm4b:s5+s10], $0x80, s12, s10, $0xb8;
	[tilespmem:$0x1D200] =	vst v63  }
0xaf: {  	_ =	swait.ge [sflag:s15], $0x4000  }
0xb0: {  	[sflag:s15] =	ssyncset.done $0x0  }
0xb1: {  	[sflag:s15] =	ssyncadd.s32 $0xFFFFC000  }
0xb2: {  	[spmem:s1] =	stream.indirect.scatter.add.f32 [tilespmem:s11], [sflag:$0x3], $0x80, s10, s10, $0xb8;
	[tilespmem:$0x1D200] =	vst v63  }
0xb3: {  	_ =	swait.ge [sflag:s9], $0x4000  }
0xb4: {  	[sflag:s9] =	ssyncset.done $0x0  }
0xb5: {  	s20 =	sadd.s32 $0x9E0, s20;
	[sflag:s9] =	ssyncadd.s32 $0xFFFFC000  }
0xb6: {  	[tilespmem:s3], [sflag:$0x3] =	stream.linear.gather [hbm4b:s20+s3], $0x80, $0x38;
	[tilespmem:$0x1D200] =	vst v63  }
0xb7: {  	_ =	swait.ge [sflag:s9], $0x80  }
0xb8: {  	[sflag:s9] =	ssyncset.done $0x0  }
0xb9: {  	s20 =	sadd.s32 $0x9E0, s21;
	[sflag:s9] =	ssyncadd.s32 $0xFFFFFF80  }
0xba: {  	[tilespmem:s10], [sflag:$0x3] =	stream.linear.gather [hbm4b:s20+s3], $0x80, $0x38;
	[tilespmem:$0x1D200] =	vst v63  }
0xbb: {  	_ =	swait.ge [sflag:s9], $0x80  }
0xbc: {  	[sflag:s9] =	ssyncset.done $0x0  }
0xbd: {  	[sflag:s9] =	ssyncadd.s32 $0xFFFFFF80  }
0xbe: {  	[tilespmem:s11], [sflag:$0x1] =	stream.indirect.gather [hbm4b:s5+s10], $0x80, s3, s10, $0xb8;
	[tilespmem:$0x1D200] =	vst v63  }
0xbf: {  	_ =	swait.ge [sflag:s16], $0x4000  }
.Ltmp2:
0xc0: {  	[sflag:s16] =	ssyncset.done $0x0;
	(pc) =	sbr.rel @p1 .LBB2_8-.Ltmp2, $4  }
0xc1: {  	[sflag:s16] =	ssyncadd.s32 $0xFFFFC000  }
0xc2: {  	[spmem:s1] =	stream.indirect.scatter.add.f32 [tilespmem:s14], [sflag:$0x3], $0x80, s13, s10, $0xb8;
	[tilespmem:$0x1D200] =	vst v63  }
0xc3: {  	_ =	swait.ge [sflag:s9], $0x4000  }
0xc4: {  	s21 =	smov.u32 s19;
	s20 =	sadd.s32 s18, s23;
	[sflag:s9] =	ssyncset.done $0x0  }
0xc5: {  	s19 =	sadd.s32 $0x9D0, s20;
	[sflag:s9] =	ssyncadd.s32 $0xFFFFC000  }
0xc6: {  	[tilespmem:s12], [sflag:$0x3] =	stream.linear.gather [hbm4b:s19+s3], $0x80, $0x38;
	[tilespmem:$0x1D200] =	vst v63  }
0xc7: {  	_ =	swait.ge [sflag:s9], $0x80  }
0xc8: {  	s18 =	sadd.s32 s18, s22;
	[sflag:s9] =	ssyncset.done $0x0  }
0xc9: {  	s24 =	sadd.s32 $0x9D0, s18;
	[sflag:s9] =	ssyncadd.s32 $0xFFFFFF80  }
0xca: {  	[tilespmem:s13], [sflag:$0x3] =	stream.linear.gather [hbm4b:s24+s3], $0x80, $0x38;
	[tilespmem:$0x1D200] =	vst v63  }
0xcb: {  	_ =	swait.ge [sflag:s9], $0x80  }
0xcc: {  	[sflag:s9] =	ssyncset.done $0x0  }
0xcd: {  	[sflag:s9] =	ssyncadd.s32 $0xFFFFFF80  }
0xce: {  	[tilespmem:s14], [sflag:$0x2] =	stream.indirect.gather [hbm4b:s5+s10], $0x80, s12, s10, $0xb8;
	[tilespmem:$0x1D200] =	vst v63  }
0xcf: {  	_ =	swait.ge [sflag:s15], $0x4000  }
0xd0: {  	[sflag:s15] =	ssyncset.done $0x0  }
0xd1: {  	[sflag:s15] =	ssyncadd.s32 $0xFFFFC000  }
0xd2: {  	[spmem:s1] =	stream.indirect.scatter.add.f32 [tilespmem:s11], [sflag:$0x3], $0x80, s10, s10, $0xb8;
	[tilespmem:$0x1D200] =	vst v63  }
0xd3: {  	_ =	swait.ge [sflag:s9], $0x4000  }
0xd4: {  	[sflag:s9] =	ssyncset.done $0x0  }
0xd5: {  	s26 =	sadd.s32 $0x9E0, s20;
	[sflag:s9] =	ssyncadd.s32 $0xFFFFC000  }
0xd6: {  	[tilespmem:s3], [sflag:$0x3] =	stream.linear.gather [hbm4b:s26+s3], $0x80, $0x38;
	[tilespmem:$0x1D200] =	vst v63  }
0xd7: {  	_ =	swait.ge [sflag:s9], $0x80  }
0xd8: {  	[sflag:s9] =	ssyncset.done $0x0  }
0xd9: {  	s18 =	sadd.s32 $0x9E0, s18;
	[sflag:s9] =	ssyncadd.s32 $0xFFFFFF80  }
0xda: {  	[tilespmem:s10], [sflag:$0x3] =	stream.linear.gather [hbm4b:s18+s3], $0x80, $0x38;
	[tilespmem:$0x1D200] =	vst v63  }
0xdb: {  	_ =	swait.ge [sflag:s9], $0x80  }
0xdc: {  	[sflag:s9] =	ssyncset.done $0x0  }
0xdd: {  	[sflag:s9] =	ssyncadd.s32 $0xFFFFFF80  }
0xde: {  	[tilespmem:s11], [sflag:$0x1] =	stream.indirect.gather [hbm4b:s5+s10], $0x80, s3, s10, $0xb8;
	[tilespmem:$0x1D200] =	vst v63  }
0xdf: {  	_ =	swait.ge [sflag:s16], $0x4000  }
0xe0: {  	[sflag:s16] =	ssyncset.done $0x0  }
.Ltmp3:
0xe1: {  	[sflag:s16] =	ssyncadd.s32 $0xFFFFC000;
	(pc) =	sbr.rel .LBB2_10-.Ltmp3, $4  }
0xe2: {  	[spmem:s1] =	stream.indirect.scatter.add.f32 [tilespmem:s14], [sflag:$0x3], $0x80, s13, s10, $0xb8;
	[tilespmem:$0x1D200] =	vst v63  }
0xe3: {  	_ =	swait.ge [sflag:s9], $0x4000  }
0xe4: {  	[sflag:s9] =	ssyncset.done $0x0  }
0xe5: {  	s18 =	smov.u32 s5;
	[sflag:s9] =	ssyncadd.s32 $0xFFFFC000  }
.LBB2_4:
0xe6: {  	[tilespmem:s11], [sflag:$0x1] =	stream.indirect.gather [hbm4b:s4+s10], $0x80, s3, s10, $0xb8;
	[tilespmem:$0x1D200] =	vst v63  }
0xe7: {  	s18 =	sadd.s32 $0xFFFFF640, s23  }
0xe8: {  	s19 =	sadd.s32 $0x9D0, s18  }
0xe9: {  	[tilespmem:s12], [sflag:$0x3] =	stream.linear.gather [hbm4b:s19+s3], $0x80, $0x38;
	[tilespmem:$0x1D200] =	vst v63  }
0xea: {  	_ =	swait.ge [sflag:s9], $0x80  }
0xeb: {  	s24 =	sadd.s32 $0xFFFFF640, s22;
	[sflag:s9] =	ssyncset.done $0x0  }
0xec: {  	s20 =	sadd.s32 $0x9D0, s24;
	[sflag:s9] =	ssyncadd.s32 $0xFFFFFF80  }
0xed: {  	[tilespmem:s13], [sflag:$0x3] =	stream.linear.gather [hbm4b:s20+s3], $0x80, $0x38;
	[tilespmem:$0x1D200] =	vst v63  }
0xee: {  	_ =	swait.ge [sflag:s9], $0x80  }
0xef: {  	[sflag:s9] =	ssyncset.done $0x0  }
0xf0: {  	[sflag:s9] =	ssyncadd.s32 $0xFFFFFF80  }
0xf1: {  	[tilespmem:s14], [sflag:$0x2] =	stream.indirect.gather [hbm4b:s4+s10], $0x80, s12, s10, $0xb8;
	[tilespmem:$0x1D200] =	vst v63  }
0xf2: {  	_ =	swait.ge [sflag:s15], $0x4000  }
0xf3: {  	[sflag:s15] =	ssyncset.done $0x0  }
0xf4: {  	[sflag:s15] =	ssyncadd.s32 $0xFFFFC000  }
0xf5: {  	[spmem:s1] =	stream.indirect.scatter.add.f32 [tilespmem:s11], [sflag:$0x3], $0x80, s10, s10, $0xb8;
	[tilespmem:$0x1D200] =	vst v63  }
0xf6: {  	_ =	swait.ge [sflag:s9], $0x4000  }
0xf7: {  	[sflag:s9] =	ssyncset.done $0x0  }
0xf8: {  	s18 =	sadd.s32 $0x9E0, s18;
	[sflag:s9] =	ssyncadd.s32 $0xFFFFC000  }
0xf9: {  	[tilespmem:s3], [sflag:$0x3] =	stream.linear.gather [hbm4b:s18+s3], $0x80, $0x38;
	[tilespmem:$0x1D200] =	vst v63  }
0xfa: {  	_ =	swait.ge [sflag:s9], $0x80  }
0xfb: {  	[sflag:s9] =	ssyncset.done $0x0  }
0xfc: {  	s26 =	sadd.s32 $0x9E0, s24;
	[sflag:s9] =	ssyncadd.s32 $0xFFFFFF80  }
0xfd: {  	[tilespmem:s10], [sflag:$0x3] =	stream.linear.gather [hbm4b:s26+s3], $0x80, $0x38;
	[tilespmem:$0x1D200] =	vst v63  }
0xfe: {  	_ =	swait.ge [sflag:s9], $0x80  }
0xff: {  	[sflag:s9] =	ssyncset.done $0x0  }
0x100: {  	[sflag:s9] =	ssyncadd.s32 $0xFFFFFF80  }
0x101: {  	[tilespmem:s11], [sflag:$0x1] =	stream.indirect.gather [hbm4b:s4+s10], $0x80, s3, s10, $0xb8;
	[tilespmem:$0x1D200] =	vst v63  }
0x102: {  	_ =	swait.ge [sflag:s16], $0x4000  }
0x103: {  	[sflag:s16] =	ssyncset.done $0x0  }
0x104: {  	[sflag:s16] =	ssyncadd.s32 $0xFFFFC000  }
0x105: {  	[spmem:s1] =	stream.indirect.scatter.add.f32 [tilespmem:s14], [sflag:$0x3], $0x80, s13, s10, $0xb8;
	[tilespmem:$0x1D200] =	vst v63  }
0x106: {  	s19 =	simm.s32 $0xFFFFF680;
	_ =	swait.ge [sflag:s9], $0x4000  }
0x107: {  	s20 =	sadd.s32 $0xFFFFF660, s23;
	s18 =	simm.s32 $0xFFFFF660;
	[sflag:s9] =	ssyncset.done $0x0  }
.LBB2_5:
0x108: {  	s24 =	sadd.s32 $0x9D0, s20  }
0x109: {  	[sflag:s9] =	ssyncadd.s32 $0xFFFFC000;
	s26 =	smov.u32 s19;
	s21 =	sadd.s32 $0x20, s19  }
0x10a: {  	[tilespmem:s12], [sflag:$0x3] =	stream.linear.gather [hbm4b:s24+s3], $0x80, $0x38;
	[tilespmem:$0x1D200] =	vst v63  }
0x10b: {  	p1 =	seq.s32 s19, $0xFFFFFFE0;
	_ =	swait.ge [sflag:s9], $0x80  }
0x10c: {  	s19 =	sadd.s32 s18, s22;
	s18 =	smov.u32 s26;
	[sflag:s9] =	ssyncset.done $0x0  }
0x10d: {  	s24 =	sadd.s32 $0x9D0, s19;
	[sflag:s9] =	ssyncadd.s32 $0xFFFFFF80  }
0x10e: {  	[tilespmem:s13], [sflag:$0x3] =	stream.linear.gather [hbm4b:s24+s3], $0x80, $0x38;
	[tilespmem:$0x1D200] =	vst v63  }
0x10f: {  	_ =	swait.ge [sflag:s9], $0x80  }
0x110: {  	[sflag:s9] =	ssyncset.done $0x0  }
0x111: {  	[sflag:s9] =	ssyncadd.s32 $0xFFFFFF80  }
0x112: {  	[tilespmem:s14], [sflag:$0x2] =	stream.indirect.gather [hbm4b:s4+s10], $0x80, s12, s10, $0xb8;
	[tilespmem:$0x1D200] =	vst v63  }
0x113: {  	_ =	swait.ge [sflag:s15], $0x4000  }
0x114: {  	[sflag:s15] =	ssyncset.done $0x0  }
0x115: {  	[sflag:s15] =	ssyncadd.s32 $0xFFFFC000  }
0x116: {  	[spmem:s1] =	stream.indirect.scatter.add.f32 [tilespmem:s11], [sflag:$0x3], $0x80, s10, s10, $0xb8;
	[tilespmem:$0x1D200] =	vst v63  }
0x117: {  	_ =	swait.ge [sflag:s9], $0x4000  }
0x118: {  	[sflag:s9] =	ssyncset.done $0x0  }
0x119: {  	s20 =	sadd.s32 $0x9E0, s20;
	[sflag:s9] =	ssyncadd.s32 $0xFFFFC000  }
0x11a: {  	[tilespmem:s3], [sflag:$0x3] =	stream.linear.gather [hbm4b:s20+s3], $0x80, $0x38;
	[tilespmem:$0x1D200] =	vst v63  }
0x11b: {  	_ =	swait.ge [sflag:s9], $0x80  }
0x11c: {  	[sflag:s9] =	ssyncset.done $0x0  }
0x11d: {  	s19 =	sadd.s32 $0x9E0, s19;
	[sflag:s9] =	ssyncadd.s32 $0xFFFFFF80  }
0x11e: {  	[tilespmem:s10], [sflag:$0x3] =	stream.linear.gather [hbm4b:s19+s3], $0x80, $0x38;
	[tilespmem:$0x1D200] =	vst v63  }
0x11f: {  	_ =	swait.ge [sflag:s9], $0x80  }
0x120: {  	[sflag:s9] =	ssyncset.done $0x0  }
0x121: {  	[sflag:s9] =	ssyncadd.s32 $0xFFFFFF80  }
0x122: {  	[tilespmem:s11], [sflag:$0x1] =	stream.indirect.gather [hbm4b:s4+s10], $0x80, s3, s10, $0xb8;
	[tilespmem:$0x1D200] =	vst v63  }
0x123: {  	_ =	swait.ge [sflag:s16], $0x4000  }
.Ltmp4:
0x124: {  	[sflag:s16] =	ssyncset.done $0x0;
	(pc) =	sbr.rel @!p1 .LBB2_5-.Ltmp4, $4  }
0x125: {  	[sflag:s16] =	ssyncadd.s32 $0xFFFFC000  }
0x126: {  	[spmem:s1] =	stream.indirect.scatter.add.f32 [tilespmem:s14], [sflag:$0x3], $0x80, s13, s10, $0xb8;
	[tilespmem:$0x1D200] =	vst v63  }
0x127: {  	_ =	swait.ge [sflag:s9], $0x4000  }
0x128: {  	s20 =	sadd.s32 s18, s23;
	s19 =	smov.u32 s21;
	[sflag:s9] =	ssyncset.done $0x0  }
0x129: {  	s19 =	sadd.s32 $0x9D0, s20;
	[sflag:s9] =	ssyncadd.s32 $0xFFFFC000  }
0x12a: {  	[tilespmem:s12], [sflag:$0x3] =	stream.linear.gather [hbm4b:s19+s3], $0x80, $0x38;
	[tilespmem:$0x1D200] =	vst v63  }
0x12b: {  	_ =	swait.ge [sflag:s9], $0x80  }
0x12c: {  	s18 =	sadd.s32 s18, s22;
	[sflag:s9] =	ssyncset.done $0x0  }
0x12d: {  	s24 =	sadd.s32 $0x9D0, s18;
	[sflag:s9] =	ssyncadd.s32 $0xFFFFFF80  }
0x12e: {  	[tilespmem:s13], [sflag:$0x3] =	stream.linear.gather [hbm4b:s24+s3], $0x80, $0x38;
	[tilespmem:$0x1D200] =	vst v63  }
0x12f: {  	_ =	swait.ge [sflag:s9], $0x80  }
0x130: {  	[sflag:s9] =	ssyncset.done $0x0  }
0x131: {  	[sflag:s9] =	ssyncadd.s32 $0xFFFFFF80  }
0x132: {  	[tilespmem:s14], [sflag:$0x2] =	stream.indirect.gather [hbm4b:s4+s10], $0x80, s12, s10, $0xb8;
	[tilespmem:$0x1D200] =	vst v63  }
0x133: {  	_ =	swait.ge [sflag:s15], $0x4000  }
0x134: {  	[sflag:s15] =	ssyncset.done $0x0  }
0x135: {  	[sflag:s15] =	ssyncadd.s32 $0xFFFFC000  }
0x136: {  	[spmem:s1] =	stream.indirect.scatter.add.f32 [tilespmem:s11], [sflag:$0x3], $0x80, s10, s10, $0xb8;
	[tilespmem:$0x1D200] =	vst v63  }
0x137: {  	_ =	swait.ge [sflag:s9], $0x4000  }
0x138: {  	[sflag:s9] =	ssyncset.done $0x0  }
0x139: {  	s26 =	sadd.s32 $0x9E0, s20;
	[sflag:s9] =	ssyncadd.s32 $0xFFFFC000  }
0x13a: {  	[tilespmem:s3], [sflag:$0x3] =	stream.linear.gather [hbm4b:s26+s3], $0x80, $0x38;
	[tilespmem:$0x1D200] =	vst v63  }
0x13b: {  	_ =	swait.ge [sflag:s9], $0x80  }
0x13c: {  	[sflag:s9] =	ssyncset.done $0x0  }
0x13d: {  	s18 =	sadd.s32 $0x9E0, s18;
	[sflag:s9] =	ssyncadd.s32 $0xFFFFFF80  }
0x13e: {  	[tilespmem:s10], [sflag:$0x3] =	stream.linear.gather [hbm4b:s18+s3], $0x80, $0x38;
	[tilespmem:$0x1D200] =	vst v63  }
0x13f: {  	_ =	swait.ge [sflag:s9], $0x80  }
0x140: {  	[sflag:s9] =	ssyncset.done $0x0  }
0x141: {  	[sflag:s9] =	ssyncadd.s32 $0xFFFFFF80  }
0x142: {  	[tilespmem:s11], [sflag:$0x1] =	stream.indirect.gather [hbm4b:s4+s10], $0x80, s3, s10, $0xb8;
	[tilespmem:$0x1D200] =	vst v63  }
0x143: {  	_ =	swait.ge [sflag:s16], $0x4000  }
0x144: {  	[sflag:s16] =	ssyncset.done $0x0  }
0x145: {  	[sflag:s16] =	ssyncadd.s32 $0xFFFFC000  }
0x146: {  	[spmem:s1] =	stream.indirect.scatter.add.f32 [tilespmem:s14], [sflag:$0x3], $0x80, s13, s10, $0xb8;
	[tilespmem:$0x1D200] =	vst v63  }
0x147: {  	_ =	swait.ge [sflag:s9], $0x4000  }
0x148: {  	[sflag:s9] =	ssyncset.done $0x0  }
0x149: {  	s18 =	smov.u32 s4;
	[sflag:s9] =	ssyncadd.s32 $0xFFFFC000  }
.LBB2_10:
0x14a: {  	_ =	swait.ge [sflag:s15], $0x4000  }
0x14b: {  	[sflag:s15] =	ssyncset.done $0x0  }
0x14c: {  	[sflag:s15] =	ssyncadd.s32 $0xFFFFC000  }
0x14d: {  	[spmem:s1] =	stream.indirect.scatter.add.f32 [tilespmem:s11], [sflag:$0x3], $0x80, s10, s10, $0xb8;
	[tilespmem:$0x1D200] =	vst v63  }
0x14e: {  	_ =	swait.ge [sflag:s9], $0x4000  }
0x14f: {  	[sflag:s9] =	ssyncset.done $0x0  }
0x150: {  	s19 =	simm.s32 $0x0;
	s20 =	rddreg [dreg:$0x5];
	[sflag:s9] =	ssyncadd.s32 $0xFFFFC000  }
0x151: {  	[tilespmem:s12], [sflag:$0x3] =	stream.linear.gather [hbm4b:s20+s19], $0x80, $0x38;
	[tilespmem:$0x1D200] =	vst v63  }
0x152: {  	_ =	swait.ge [sflag:s9], $0x80  }
0x153: {  	[sflag:s9] =	ssyncset.done $0x0  }
0x154: {  	s24 =	rddreg [dreg:$0x6];
	[sflag:s9] =	ssyncadd.s32 $0xFFFFFF80  }
0x155: {  	[tilespmem:s13], [sflag:$0x3] =	stream.linear.gather [hbm4b:s24+s19], $0x80, $0x38;
	[tilespmem:$0x1D200] =	vst v63  }
0x156: {  	_ =	swait.ge [sflag:s9], $0x80  }
0x157: {  	[sflag:s9] =	ssyncset.done $0x0  }
0x158: {  	[sflag:s9] =	ssyncadd.s32 $0xFFFFFF80  }
0x159: {  	[tilespmem:s14], [sflag:$0x2] =	stream.indirect.gather [hbm4b:s18+s10], $0x80, s12, s10, $0xb8;
	[tilespmem:$0x1D200] =	vst v63  }
0x15a: {  	_ =	swait.ge [sflag:s16], $0x4000  }
0x15b: {  	[sflag:s16] =	ssyncset.done $0x0  }
0x15c: {  	[sflag:s16] =	ssyncadd.s32 $0xFFFFC000  }
0x15d: {  	[spmem:s1] =	stream.indirect.scatter.add.f32 [tilespmem:s14], [sflag:$0x3], $0x80, s13, s10, $0xb8;
	[tilespmem:$0x1D200] =	vst v63  }
0x15e: {  	_ =	swait.ge [sflag:s9], $0x4000  }
0x15f: {  	[sflag:s9] =	ssyncset.done $0x0  }
0x160: {  	[sflag:s9] =	ssyncadd.s32 $0xFFFFC000  }
0x161: {  	[bflag:$0x0] =	sbarrier.arrive $0xFFFF  }
0x162: {  	[tilespmem:s8], [sflag:$0x3] =	stream.linear.gather [spmem:s6], $0x1000, $0x38;
	[tilespmem:$0x1D200] =	vst v63  }
0x163: {  	_ =	swait.ge [sflag:s9], $0x1000  }
0x164: {  	[sflag:s9] =	ssyncset.done $0x0  }
0x165: {  	s26 =	sadd.s32 $0x0, s25;
	[sflag:s9] =	ssyncadd.s32 $0xFFFFF000  }
0x166: {  	[hbm4b:s26+s3] =	stream.linear.scatter [tilespmem:s8], [sflag:$0x3], $0x1000, $0x38;
	[tilespmem:$0x1D200] =	vst v63  }
0x167: {  	_ =	swait.ge [sflag:s9], $0x1000  }
0x168: {  	s19 =	smov.u32 s6;
	s18 =	simm.s32 $0x200;
	[sflag:s9] =	ssyncset.done $0x0  }
.LBB2_11:
0x169: {  	p1 =	sne.s32 s18, $0x2600;
	[sflag:s9] =	ssyncadd.s32 $0xFFFFF000;
	s19 =	sadd.s32 $0x1000, s19  }
0x16a: {  	[tilespmem:s8], [sflag:$0x3] =	stream.linear.gather [spmem:s19], $0x1000, $0x38;
	[tilespmem:$0x1D200] =	vst v63  }
0x16b: {  	s20 =	smov.u32 s18;
	s18 =	sadd.s32 $0x200, s18;
	_ =	swait.ge [sflag:s9], $0x1000  }
.Ltmp5:
0x16c: {  	[sflag:s9] =	ssyncset.done $0x0;
	(pc) =	sbr.rel @p1 .LBB2_11-.Ltmp5, $4  }
0x16d: {  	s20 =	sadd.s32 s20, s25;
	[sflag:s9] =	ssyncadd.s32 $0xFFFFF000  }
0x16e: {  	[hbm4b:s20+s3] =	stream.linear.scatter [tilespmem:s8], [sflag:$0x3], $0x1000, $0x38;
	[tilespmem:$0x1D200] =	vst v63  }
0x16f: {  	_ =	swait.ge [sflag:s9], $0x1000  }
0x170: {  	[sflag:s9] =	ssyncset.done $0x0  }
0x171: {  	s17 =	sadd.s32 $0x1, s17;
	s18 =	rddreg [dreg:$0x7]  }
0x172: {  	p1 =	sne.s32 s17, s18  }
.Ltmp6:
0x173: {  	_ = 	snop;
	(pc) =	sbr.rel @p1 .LBB2_1-.Ltmp6, $2  }
0x174: {  	_ =	sdelay $0x2  }
0x175: {  	[sflag:s9] =	ssyncadd.s32 $0xFFFFF000  }
0x176: {  	_ =	sfence.sel $0x180000  }
0x177: {  	[bflag:$0x0] =	sbarrier.arrive $0xFFFF  }
0x178: {  	_ =	strace $0x9000004D  }
0x179: {  	s0 =	stileid.u32;
	[bflag:$0x2] =	sbarrier.arrive $0xFFFF  }
0x17a: {  	p0 =	sne.s32 s0, $0x0;
	s0 =	rddreg [dreg:$0x2]  }
0x17b: {  	s0 =	sadd.s32 @!p0 $0x100000, s0  }
0x17c: {  	[sflag:s0] =	ssyncadd.tile.s32 @!p0 $0x1;
	_ =	shalt  }
.Lfunc_end2:
_tile_overlayer_lowered:
.L_overlay_start_2:
0x17d: {  	(tag) =	ssettag $0x2  }
0x17e: {  	s0 =	rddreg [dreg:$0x0];
	s2 =	stileid.u32  }
0x17f: {  	s1 =	rddreg [dreg:$0x1];
	p0 =	sne.s32 s2, $0x0  }
0x180: {  	s3 =	rddreg [dreg:$0x2];
	[bflag:$0x3] =	sbarrier.arrive $0xFFFF;
	s2 =	simm.s32 @!p0 $0x1C03  }
0x181: {  	[timem:s3], [sflag:s2] =	dma.local @!p0 [hbm:s0], s1  }
0x182: {  	s0 =	simm.s32 @!p0 $0x3  }
0x183: {  	_ =	swait.ge @!p0 [sflag:s0], s1  }
0x184: {  	s1 =	ssub.s32 @!p0 $0x0, s1;
	[sflag:s0] =	ssyncset.done @!p0 $0x0  }
0x185: {  	[sflag:s0] =	ssyncadd.s32 @!p0 s1  }
0x186: {  	[bflag:$0x3] =	sbarrier.arrive $0xFFFF  }
0x187: {  	_ =	shalt  }

// kernel: kernel.9.cloned.1.call-start
scs
__scs_entry_jumppad:
0x0: {  	(pc) =	sbr.rel $0x88, $3  }
0x1: {  	(tag) =	ssettag $0x0;
	lr =	simm.s32 $0x1  }
0x2: {  	[smem:$0x3F98] =	sst lr;
	_ =	strace $0xD0000000  }
0x3: {  	_ = 	snop  }
0x4: {  	_ = 	snop  }
0x5: {  	_ = 	snop  }
0x6: {  	_ = 	snop  }
0x7: {  	_ = 	snop  }
__scs_overlays_trampoline_lowered:
0x8: {  	[smem:$0x3FA7] =	sst s0  }
0x9: {  	[smem:$0x3FA8] =	sst s1  }
0xa: {  	[smem:$0x3FA9] =	sst s2  }
0xb: {  	[smem:$0x3FAA] =	sst s3  }
0xc: {  	[smem:$0x3FAB] =	sst s4  }
0xd: {  	[smem:$0x3FAC] =	sst s5  }
0xe: {  	[smem:$0x3FAD] =	sst s6  }
0xf: {  	[smem:$0x3FAE] =	sst s7  }
0x10: {  	[smem:$0x3FAF] =	sst s8  }
0x11: {  	[smem:$0x3FB0] =	sst s9;
	s0 =	simm.s32 @!p0 $0x0  }
0x12: {  	s1 =	sld [smem:$0x3F96];
	s0 =	simm.s32 @p0 $0x1  }
0x13: {  	[smem:$0x3FB1] =	sst s0;
	s0 =	simm.s32 @!p1 $0x0  }
0x14: {  	s2 =	sld [smem:$0x3F95];
	s0 =	simm.s32 @p1 $0x1  }
0x15: {  	[smem:$0x3FB2] =	sst s0;
	s0 =	simm.s32 @!p2 $0x0  }
0x16: {  	s3 =	sld [smem:$0x3FDB];
	s0 =	simm.s32 @p2 $0x1  }
0x17: {  	s4 =	simm.s32 $0x1BF5;
	[smem:$0x3FB4] =	sst s0  }
0x18: {  	s0 =	sld [smem:$0x3F97];
	_ =	swait.ge [sflag:s4], $0x0  }
0x19: {  	s7 =	sld [smem:$0x3F98]  }
0x1a: {  	s8 =	sadd.s32 $0xFFFFE003, lr  }
0x1b: {  	s9 =	sadd.s32 $0xFFFFFEF7, lr;
	s5 =	simm.s32 $0xFFFFFFFF;
	p2 =	slt.u32 s8, $0xFFFFF086  }
0x1c: {  	p1 =	slt.u32 s9, $0xF7A;
	s5 =	simm.s32 @!p2 $0x0  }
0x1d: {  	s5 =	simm.s32 @p1 $0x1;
	p0 =	seq.s32 s7, s2  }
0x1e: {  	s7 =	smul.u32 @!p0 $0xF7A, s2;
	p2 =	seq.s32 @!p0 s5, $0x0  }
0x1f: {  	s9 =	smul.u32 $0xF7A, s1;
	s8 =	simm.s32 @!p0 $0x1BF5;
	p2 =	por !p2, p0  }
0x20: {  	[sflag:s8] =	ssyncset.s32 @!p0 $0xFFFFF086;
	s6 =	sadd.s32 @!p0 s3, s7;
	s7 =	simm.s32 @!p0 $0x108  }
0x21: {  	s3 =	sadd.s32 s3, s9;
	s6 =	sadd.s32 @!p0 $0x88, s6;
	s7 =	simm.s32 @p2 $0x1082  }
0x22: {  	[simem:s7], [sflag:s8] =	dma.local @!p0 [hbm:s6], $0xF7A  }
0x23: {  	s9 =	sor.u32 $0xD0000000, s2;
	s6 =	simm.s32 $0x108;
	_ =	swait.ge @!p0 [sflag:s8], $0x0  }
0x24: {  	s3 =	sadd.s32 $0x88, s3;
	s6 =	simm.s32 @!p1 $0x1082;
	[sflag:s4] =	ssyncset.s32 $0xFFFFF086  }
0x25: {  	[simem:s6], [sflag:s4] =	dma.local [hbm:s3], $0xF7A  }
0x26: {  	[smem:$0x3F98] =	sst s1;
	(tag) =	ssettag s2;
	_ =	strace s9  }
0x27: {  	s1 =	sld [smem:$0x3FA8]  }
0x28: {  	s2 =	sld [smem:$0x3FA9]  }
0x29: {  	s4 =	sld [smem:$0x3FAB]  }
0x2a: {  	p0 =	seq.s32 s5, $0x0;
	s5 =	sld [smem:$0x3FAC]  }
0x2b: {  	s6 =	sld [smem:$0x3FAD]  }
0x2c: {  	s7 =	sld [smem:$0x3FAE]  }
0x2d: {  	s3 =	simm.s32 $0x108;
	s8 =	sld [smem:$0x3FAF]  }
0x2e: {  	s3 =	simm.s32 @!p0 $0x1082;
	s9 =	sld [smem:$0x3FB0]  }
0x2f: {  	lr =	sadd.s32 s0, s3;
	s0 =	sld [smem:$0x3FA7]  }
0x30: {  	s3 =	sld [smem:$0x3FAA]  }
0x31: {  	[smem:$0x3FB3] =	sst s10  }
0x32: {  	s10 =	sld [smem:$0x3FB1];
	_ =	sdelay $0x3  }
0x33: {  	p0 =	seq.s32 s10, $0x1;
	s10 =	sld [smem:$0x3FB3];
	_ =	sdelay $0x3  }
0x34: {  	[smem:$0x3FB3] =	sst s10  }
0x35: {  	s10 =	sld [smem:$0x3FB2];
	_ =	sdelay $0x3  }
0x36: {  	p1 =	seq.s32 s10, $0x1;
	s10 =	sld [smem:$0x3FB3];
	_ =	sdelay $0x3  }
0x37: {  	[smem:$0x3FB3] =	sst s10  }
0x38: {  	s10 =	sld [smem:$0x3FB4]  }
0x39: {  	_ = 	snop;
	(pc) =	sbr.ind lr, $3  }
0x3a: {  	_ = 	snop  }
0x3b: {  	_ = 	snop  }
0x3c: {  	p2 =	seq.s32 s10, $0x1;
	s10 =	sld [smem:$0x3FB3]  }
0x3d: {  	_ =	shalt  }
0x3e: {  	_ =	shalt  }
0x3f: {  	_ =	shalt  }
0x40: {  	_ =	shalt  }
0x41: {  	_ =	shalt  }
0x42: {  	_ =	shalt  }
0x43: {  	_ =	shalt  }
0x44: {  	_ =	shalt  }
0x45: {  	_ =	shalt  }
0x46: {  	_ =	shalt  }
0x47: {  	_ =	shalt  }
0x48: {  	_ =	shalt  }
0x49: {  	_ =	shalt  }
0x4a: {  	_ =	shalt  }
0x4b: {  	_ =	shalt  }
0x4c: {  	_ =	shalt  }
0x4d: {  	_ =	shalt  }
0x4e: {  	_ =	shalt  }
0x4f: {  	_ =	shalt  }
0x50: {  	_ =	shalt  }
0x51: {  	_ =	shalt  }
0x52: {  	_ =	shalt  }
0x53: {  	_ =	shalt  }
0x54: {  	_ =	shalt  }
0x55: {  	_ =	shalt  }
0x56: {  	_ =	shalt  }
0x57: {  	_ =	shalt  }
0x58: {  	_ =	shalt  }
0x59: {  	_ =	shalt  }
0x5a: {  	_ =	shalt  }
0x5b: {  	_ =	shalt  }
0x5c: {  	_ =	shalt  }
0x5d: {  	_ =	shalt  }
0x5e: {  	_ =	shalt  }
0x5f: {  	_ =	shalt  }
0x60: {  	_ =	shalt  }
0x61: {  	_ =	shalt  }
0x62: {  	_ =	shalt  }
0x63: {  	_ =	shalt  }
0x64: {  	_ =	shalt  }
0x65: {  	_ =	shalt  }
0x66: {  	_ =	shalt  }
0x67: {  	_ =	shalt  }
0x68: {  	_ =	shalt  }
0x69: {  	_ =	shalt  }
0x6a: {  	_ =	shalt  }
0x6b: {  	_ =	shalt  }
0x6c: {  	_ =	shalt  }
0x6d: {  	_ =	shalt  }
0x6e: {  	_ =	shalt  }
0x6f: {  	_ =	shalt  }
0x70: {  	_ =	shalt  }
0x71: {  	_ =	shalt  }
0x72: {  	_ =	shalt  }
0x73: {  	_ =	shalt  }
0x74: {  	_ =	shalt  }
0x75: {  	_ =	shalt  }
0x76: {  	_ =	shalt  }
0x77: {  	_ =	shalt  }
0x78: {  	_ =	shalt  }
0x79: {  	_ =	shalt  }
0x7a: {  	_ =	shalt  }
0x7b: {  	_ =	shalt  }
0x7c: {  	_ =	shalt  }
0x7d: {  	_ =	shalt  }
0x7e: {  	_ =	shalt  }
0x7f: {  	_ =	shalt  }
0x80: {  	_ =	shalt  }
0x81: {  	_ =	shalt  }
0x82: {  	_ =	shalt  }
0x83: {  	_ =	shalt  }
0x84: {  	_ =	shalt  }
0x85: {  	_ =	shalt  }
0x86: {  	_ =	shalt  }
0x87: {  	_ =	shalt  }
.Lfunc_end0:
.L_simem_size_0:
called_computation_lowered:
.L_overlay_start_0:
0x88: {  	s2 =	sld [smem:$0x3FD9]  }
0x89: {  	s3 =	sld [smem:$0x3FFE];
	_ =	sdelay $0x1  }
0x8a: {  	s1 =	srdreg.scid  }
0x8b: {  	s0 =	sand.u32 $0x1, s1  }
0x8c: {  	s16 =	sshll.u32 s0, $0xA;
	s2 =	sadd.s32 s3, s2  }
0x8d: {  	s2 =	sadd.s32 s2, s16  }
0x8e: {  	[smem:$0x3FBF] =	sst s2  }
0x8f: {  	_ = 	snop  }
0x90: {  	(tm) =	ssettm $0x1  }
0x91: {  	s17 =	sld [smem:$0x3FFB];
	_ =	sdelay $0x3  }
0x92: {  	_ =	strace s17  }
0x93: {  	s2 =	sld [smem:$0x3FFC];
	_ =	sdelay $0x3  }
0x94: {  	_ =	strace s2  }
0x95: {  	s2 =	sld [smem:$0x3FFD];
	_ =	sdelay $0x3  }
0x96: {  	_ =	strace s2  }
0x97: {  	_ =	strace $0x8FFFFFFF  }
0x98: {  	s18 =	sld [smem:$0x3FDB];
	_ =	sdelay $0x1  }
0x99: {  	s19 =	simm.s32 $_scs_section_size  }
0x9a: {  	s4 =	simm.s32 $_size__tile_overlayer_lowered;
	s5 =	simm.s32 $_tile_overlayer_lowered  }
0x9b: {  	s22 =	simm.s32 $0x1BFF;
	s21 =	sshll.u32 s5, $0x1;
	s2 =	sadd.s32 s19, s18  }
0x9c: {  	s6 =	simm.s32 $0x0;
	s20 =	sshll.u32 s4, $0x1;
	s4 =	sadd.s32 s21, s2  }
0x9d: {  	[timem:s6], [sflag:s22] =	dma.local [hbm:s4], s20  }
0x9e: {  	_ =	swait.ge [sflag:s22], s20  }
0x9f: {  	s3 =	ssub.s32 $0x0, s20;
	[sflag:s22] =	ssyncset.done $0x0  }
0xa0: {  	[sflag:s22] =	ssyncadd.s32 s3;
	_ =	sdelay $0x1  }
0xa1: {  	s23 =	simm.s32 $0x1B8B  }
0xa2: {  	_ =	swait.ge [sflag:s23], $0x1  }
0xa3: {  	[sflag:s23] =	ssyncset.done $0x0  }
0xa4: {  	s25 =	simm.s32 $0x1B8E;
	s24 =	sld [smem:$0x3FFE];
	[sflag:s23] =	ssyncadd.s32 $0xFFFFFFFF  }
0xa5: {  	s26 =	simm.s32 $execute0_lowered;
	[smem:$0x3FD2] =	sst s25  }
0xa6: {  	s4 =	sshll.u32 s26, $0x1;
	_ =	strace $0x80000046;
	[dreg:$0x1] =	wrdreg $0xFFFFFFFF  }
0xa7: {  	s28 =	simm.s32 $_size_execute0_lowered;
	s2 =	sadd.s32 s2, s4;
	[dreg:$0x0] =	wrdreg $0x0  }
0xa8: {  	s4 =	sshll.u32 s28, $0x1;
	[dreg:$0x2] =	wrdreg s2  }
0xa9: {  	[dreg:$0x3] =	wrdreg s4  }
0xaa: {  	[dreg:$0x4] =	wrdreg $0xC0  }
0xab: {  	_ =	task [dreg:s6], $0x5FFFF  }
0xac: {  	[dreg:$0x1] =	wrdreg $0xFFFFFFFF  }
0xad: {  	[dreg:$0x0] =	wrdreg $0x60  }
0xae: {  	[dreg:$0x2] =	wrdreg s24  }
0xaf: {  	[dreg:$0x3] =	wrdreg $0x4000  }
0xb0: {  	[dreg:$0x4] =	wrdreg $0x9  }
0xb1: {  	_ =	task.clear_ibuf [dreg:s6], $0x5FFFF;
	_ =	strace $0x90000046  }
0xb2: {  	s29 =	simm.s32 $0x9;
	_ =	strace $0x80000048  }
0xb3: {  	_ =	swait.ge [sflag:s29], $0x1  }
0xb4: {  	[sflag:s29] =	ssyncadd.s32 $0xFFFFFFFF  }
0xb5: {  	_ =	strace $0x90000048  }
0xb6: {  	_ =	sfence  }
0xb7: {  	s30 =	sld [smem:$0x0];
	_ =	sdelay $0x2  }
0xb8: {  	s31 =	sshll.u32 s1, $0xD;
	s1 =	sshrl.u32 s1, $0x2  }
0xb9: {  	s3 =	sand.u32 $0x4000, s31;
	s1 =	sadd.s32 s1, s30  }
0xba: {  	s0 =	sor.u32 s3, s0;
	s1 =	sshll.u32 s1, $0x11  }
0xbb: {  	s0 =	sor.u32 s1, s0  }
0xbc: {  	s0 =	sadd.s32 $0x8F2B, s0  }
0xbd: {  	[sflag:s0] =	ssyncadd.remote.s32 $0x1  }
0xbe: {  	_ =	sfence.sel $0xFFFF  }
0xbf: {  	[dreg:$0x0] =	wrdreg $0xFFFFFFFF;
	(pc) =	sbr.abs _section_cstart, $3  }
0xc0: {  	[dreg:$0x1] =	wrdreg $0xFFFFFFFF  }
0xc1: {  	_ =	task.clear_ibuf [dreg:s6], $0x2FFFF;
	_ =	strace $0x9FFFFFFF  }
0xc2: {  	(tm) =	ssettm $0x7FFFFFFF  }
0xc3: {  	_ =	shalt  }
tec
execute0_lowered:
.L_overlay_start_1:
0x0: {  	(tag) =	ssettag $0x1  }
0x1: {  	s5 =	rddreg [dreg:$0x0]  }
0x2: {  	s2 =	rddreg [dreg:$0x1];
	s3 =	srdreg.scid  }
0x3: {  	s0 =	rddreg [dreg:$0x2];
	s1 =	stileid.u32;
	s14 =	simm.s32 $0x100  }
0x4: {  	s15 =	simm.s32 $0x1;
	s16 =	simm.s32 $0x2;
	s6 =	smul.u32 $0x500, s1  }
0x5: {  	s17 =	simm.s32 $0x0;
	s4 =	sand.u32 $0x1, s3;
	s8 =	smul.u32 $0xA00, s1  }
0x6: {  	s3 =	simm.s32 $0x0;
	s12 =	smul.u32 $0x2780, s1;
	s7 =	sshll.u32 s4, $0x4  }
0x7: {  	[smem:$0x7FF] =	sst s3;
	s9 =	sshll.u32 s4, $0x7;
	s26 =	ssub.s32 $0x2, s4  }
0x8: {  	s10 =	smul.u32 $0x27800, s4;
	s4 =	sadd.s32 $0x3C00, s5;
	s7 =	sor.u32 s1, s7  }
0x9: {  	_ =	strace $0x80000047;
	s6 =	sor.u32 s9, s6;
	s11 =	sshrl.u32 s26, $0x1  }
0xa: {  	s28 =	sshrl.u32 s8, $0x2;
	s7 =	smul.u32 $0x2780, s7;
	s6 =	sshrl.u32 s6, $0x3  }
0xb: {  	s9 =	ssub.s32 s26, s11;
	s10 =	sadd.s32 s12, s10;
	s11 =	simm.s32 $0x180  }
0xc: {  	s12 =	simm.s32 $0x3;
	s13 =	sadd.s32 s6, s5;
	s5 =	sadd.s32 s28, s2  }
0xd: {  	s30 =	sadd.s32 $0x80, s10;
	s8 =	smax.u32 s9, $0x1;
	s10 =	sadd.s32 $0x100, s10  }
0xe: {  	s29 =	sshrl.u32 s7, $0x3;
	s7 =	sadd.s32 $0x17800, s13;
	s31 =	sshrl.u32 s30, $0x3  }
0xf: {  	v0 =	vimm.f32 $1.000000000e+00;
	v1 =	vimm.f32 $0.0e+00;
	s13 =	simm.s32 $0x80;
	s6 =	sadd.s32 s4, s29;
	s9 =	sadd.s32 s31, s4  }
.LBB2_1:
0x10: {  	[tilespmem:$0x100] =	vst v0  }
0x11: {  	[tilespmem:$0x110] =	vst v0  }
0x12: {  	[tilespmem:$0x120] =	vst v0  }
0x13: {  	[tilespmem:$0x130] =	vst v0  }
0x14: {  	[tilespmem:$0x140] =	vst v0  }
0x15: {  	[tilespmem:$0x150] =	vst v0  }
0x16: {  	[tilespmem:$0x160] =	vst v0  }
0x17: {  	[tilespmem:$0x170] =	vst v0  }
0x18: {  	[tilespmem:$0x180] =	vst v1  }
0x19: {  	[tilespmem:$0x190] =	vst v1  }
0x1a: {  	[tilespmem:$0x1A0] =	vst v1  }
0x1b: {  	[tilespmem:$0x1B0] =	vst v1  }
0x1c: {  	[tilespmem:$0x1C0] =	vst v1  }
0x1d: {  	[tilespmem:$0x1D0] =	vst v1  }
0x1e: {  	[tilespmem:$0x1E0] =	vst v1  }
0x1f: {  	[tilespmem:$0x1F0] =	vst v1  }
0x20: {  	[tilespmem:$0x200] =	vst v1  }
0x21: {  	[tilespmem:$0x210] =	vst v1  }
0x22: {  	[tilespmem:$0x220] =	vst v1  }
0x23: {  	[tilespmem:$0x230] =	vst v1  }
0x24: {  	[tilespmem:$0x240] =	vst v1  }
0x25: {  	[tilespmem:$0x250] =	vst v1  }
0x26: {  	[tilespmem:$0x260] =	vst v1  }
0x27: {  	[tilespmem:$0x270] =	vst v1  }
0x28: {  	[tilespmem:$0x280] =	vst v1  }
0x29: {  	[tilespmem:$0x290] =	vst v1  }
0x2a: {  	[tilespmem:$0x2A0] =	vst v1  }
0x2b: {  	[tilespmem:$0x2B0] =	vst v1  }
0x2c: {  	[tilespmem:$0x2C0] =	vst v1  }
0x2d: {  	[tilespmem:$0x2D0] =	vst v1  }
0x2e: {  	[tilespmem:$0x2E0] =	vst v1  }
0x2f: {  	[tilespmem:$0x2F0] =	vst v1  }
0x30: {  	[tilespmem:$0x300] =	vst v1  }
0x31: {  	[tilespmem:$0x310] =	vst v1  }
0x32: {  	[tilespmem:$0x320] =	vst v1  }
0x33: {  	[tilespmem:$0x330] =	vst v1  }
0x34: {  	[tilespmem:$0x340] =	vst v1  }
0x35: {  	[tilespmem:$0x350] =	vst v1  }
0x36: {  	[tilespmem:$0x360] =	vst v1  }
0x37: {  	[tilespmem:$0x370] =	vst v1  }
0x38: {  	[tilespmem:$0x380] =	vst v1  }
0x39: {  	[tilespmem:$0x390] =	vst v1  }
0x3a: {  	[tilespmem:$0x3A0] =	vst v1  }
0x3b: {  	[tilespmem:$0x3B0] =	vst v1  }
0x3c: {  	[tilespmem:$0x3C0] =	vst v1  }
0x3d: {  	[tilespmem:$0x3D0] =	vst v1  }
0x3e: {  	[tilespmem:$0x3E0] =	vst v1  }
0x3f: {  	[tilespmem:$0x3F0] =	vst v1  }
0x40: {  	[spmem:s5] =	stream.linear.scatter [tilespmem:s11], [sflag:$0x3], $0x280, $0x38;
	[tilespmem:$0x680] =	vst v63  }
0x41: {  	_ =	swait.ge [sflag:s12], $0x280  }
0x42: {  	[sflag:s12] =	ssyncset.done $0x0  }
0x43: {  	[sflag:s12] =	ssyncadd.s32 $0xFFFFFD80  }
0x44: {  	[bflag:$0x0] =	sbarrier.arrive $0xFFFF  }
0x45: {  	[tilespmem:s3], [sflag:$0x3] =	stream.linear.gather [hbm4b:s6+s3], $0x80, $0x38;
	[tilespmem:$0x680] =	vst v63  }
0x46: {  	_ =	swait.ge [sflag:s12], $0x80  }
0x47: {  	[sflag:s12] =	ssyncset.done $0x0  }
0x48: {  	[sflag:s12] =	ssyncadd.s32 $0xFFFFFF80  }
0x49: {  	[spmem:s2] =	stream.indirect.scatter.add.f32 [tilespmem:s14], [sflag:$0x1], $0x1, s3, s13, $0xb8;
	[tilespmem:$0x680] =	vst v63  }
0x4a: {  	s18 =	sadd.s32 $0x0, s9  }
0x4b: {  	[tilespmem:s13], [sflag:$0x3] =	stream.linear.gather [hbm4b:s18+s3], $0x80, $0x38;
	[tilespmem:$0x680] =	vst v63  }
0x4c: {  	_ =	swait.ge [sflag:s12], $0x80  }
0x4d: {  	[sflag:s12] =	ssyncset.done $0x0  }
0x4e: {  	[sflag:s12] =	ssyncadd.s32 $0xFFFFFF80  }
0x4f: {  	[spmem:s2] =	stream.indirect.scatter.add.f32 [tilespmem:s14], [sflag:$0x2], $0x1, s13, s13, $0xb8;
	[tilespmem:$0x680] =	vst v63  }
0x50: {  	_ =	swait.ge [sflag:s15], $0x80  }
0x51: {  	s31 =	sshrl.u32 s10, $0x3;
	[sflag:s15] =	ssyncset.done $0x0  }
0x52: {  	s18 =	sadd.s32 s4, s31;
	[sflag:s15] =	ssyncadd.s32 $0xFFFFFF80  }
0x53: {  	[tilespmem:s3], [sflag:$0x3] =	stream.linear.gather [hbm4b:s18+s3], $0x80, $0x38;
	[tilespmem:$0x680] =	vst v63  }
0x54: {  	_ =	swait.ge [sflag:s12], $0x80  }
0x55: {  	[sflag:s12] =	ssyncset.done $0x0  }
0x56: {  	[sflag:s12] =	ssyncadd.s32 $0xFFFFFF80  }
0x57: {  	[spmem:s2] =	stream.indirect.scatter.add.f32 [tilespmem:s14], [sflag:$0x1], $0x1, s3, s13, $0xb8;
	[tilespmem:$0x680] =	vst v63  }
0x58: {  	s19 =	simm.s32 $0x20;
	_ =	swait.ge [sflag:s16], $0x80  }
0x59: {  	s20 =	simm.s32 $0x40;
	s18 =	sadd.s32 $0x100, s10;
	[sflag:s16] =	ssyncset.done $0x0  }
.LBB2_2:
0x5a: {  	s21 =	sadd.s32 s19, s9  }
0x5b: {  	[sflag:s16] =	ssyncadd.s32 $0xFFFFFF80;
	s19 =	smov.u32 s20;
	s22 =	sadd.s32 $0x20, s20  }
0x5c: {  	[tilespmem:s13], [sflag:$0x3] =	stream.linear.gather [hbm4b:s21+s3], $0x80, $0x38;
	[tilespmem:$0x680] =	vst v63  }
0x5d: {  	p0 =	sne.s32 s20, $0x4C0;
	_ =	swait.ge [sflag:s12], $0x80  }
0x5e: {  	[sflag:s12] =	ssyncset.done $0x0  }
0x5f: {  	[sflag:s12] =	ssyncadd.s32 $0xFFFFFF80  }
0x60: {  	[spmem:s2] =	stream.indirect.scatter.add.f32 [tilespmem:s14], [sflag:$0x2], $0x1, s13, s13, $0xb8;
	[tilespmem:$0x680] =	vst v63  }
0x61: {  	_ =	swait.ge [sflag:s15], $0x80  }
0x62: {  	s20 =	sshrl.u32 s18, $0x3;
	[sflag:s15] =	ssyncset.done $0x0  }
0x63: {  	s20 =	sadd.s32 s4, s20;
	[sflag:s15] =	ssyncadd.s32 $0xFFFFFF80  }
0x64: {  	[tilespmem:s3], [sflag:$0x3] =	stream.linear.gather [hbm4b:s20+s3], $0x80, $0x38;
	[tilespmem:$0x680] =	vst v63  }
0x65: {  	_ =	swait.ge [sflag:s12], $0x80  }
.Ltmp0:
0x66: {  	[sflag:s12] =	ssyncset.done $0x0;
	(pc) =	sbr.rel @p0 .LBB2_2-.Ltmp0, $4  }
0x67: {  	[sflag:s12] =	ssyncadd.s32 $0xFFFFFF80  }
0x68: {  	[spmem:s2] =	stream.indirect.scatter.add.f32 [tilespmem:s14], [sflag:$0x1], $0x1, s3, s13, $0xb8;
	[tilespmem:$0x680] =	vst v63  }
0x69: {  	_ =	swait.ge [sflag:s16], $0x80  }
0x6a: {  	s18 =	sadd.s32 $0x100, s18;
	s20 =	smov.u32 s22;
	[sflag:s16] =	ssyncset.done $0x0  }
0x6b: {  	s19 =	sadd.s32 s19, s9;
	[sflag:s16] =	ssyncadd.s32 $0xFFFFFF80  }
0x6c: {  	[tilespmem:s13], [sflag:$0x3] =	stream.linear.gather [hbm4b:s19+s3], $0x80, $0x38;
	[tilespmem:$0x680] =	vst v63  }
0x6d: {  	_ =	swait.ge [sflag:s12], $0x80  }
0x6e: {  	[sflag:s12] =	ssyncset.done $0x0  }
0x6f: {  	[sflag:s12] =	ssyncadd.s32 $0xFFFFFF80  }
0x70: {  	[spmem:s2] =	stream.indirect.scatter.add.f32 [tilespmem:s14], [sflag:$0x2], $0x1, s13, s13, $0xb8;
	[tilespmem:$0x680] =	vst v63  }
0x71: {  	_ =	swait.ge [sflag:s15], $0x80  }
0x72: {  	s18 =	sshrl.u32 s18, $0x3;
	[sflag:s15] =	ssyncset.done $0x0  }
0x73: {  	s18 =	sadd.s32 s4, s18;
	[sflag:s15] =	ssyncadd.s32 $0xFFFFFF80  }
0x74: {  	[tilespmem:s3], [sflag:$0x3] =	stream.linear.gather [hbm4b:s18+s3], $0x80, $0x38;
	[tilespmem:$0x680] =	vst v63  }
0x75: {  	_ =	swait.ge [sflag:s12], $0x80  }
0x76: {  	[sflag:s12] =	ssyncset.done $0x0  }
0x77: {  	[sflag:s12] =	ssyncadd.s32 $0xFFFFFF80  }
0x78: {  	[spmem:s2] =	stream.indirect.scatter.add.f32 [tilespmem:s14], [sflag:$0x1], $0x1, s3, s13, $0xb8;
	[tilespmem:$0x680] =	vst v63  }
0x79: {  	_ =	swait.ge [sflag:s16], $0x80  }
0x7a: {  	[sflag:s16] =	ssyncset.done $0x0  }
0x7b: {  	[sflag:s16] =	ssyncadd.s32 $0xFFFFFF80  }
0x7c: {  	_ =	swait.ge [sflag:s15], $0x80  }
0x7d: {  	[sflag:s15] =	ssyncset.done $0x0  }
0x7e: {  	[sflag:s15] =	ssyncadd.s32 $0xFFFFFF80  }
0x7f: {  	[bflag:$0x0] =	sbarrier.arrive $0xFFFF  }
0x80: {  	[tilespmem:s11], [sflag:$0x3] =	stream.linear.gather [spmem:s5], $0x280, $0x38;
	[tilespmem:$0x680] =	vst v63  }
0x81: {  	s17 =	sadd.s32 $0x1, s17;
	_ =	swait.ge [sflag:s12], $0x280  }
0x82: {  	p0 =	sne.s32 s17, s8;
	[sflag:s12] =	ssyncset.done $0x0  }
.Ltmp1:
0x83: {  	[sflag:s12] =	ssyncadd.s32 $0xFFFFFD80;
	(pc) =	sbr.rel @p0 .LBB2_1-.Ltmp1, $4  }
0x84: {  	[hbm4b:s7+s13] =	stream.strided.scatter [tilespmem:s11], [sflag:$0x3], $0x280, s14, s13, $0x38;
	[tilespmem:$0x680] =	vst v63  }
0x85: {  	_ =	swait.ge [sflag:s12], $0x280  }
0x86: {  	[sflag:s12] =	ssyncset.done $0x0  }
0x87: {  	[sflag:s12] =	ssyncadd.s32 $0xFFFFFD80  }
0x88: {  	_ =	sfence.sel $0x180000  }
0x89: {  	[bflag:$0x0] =	sbarrier.arrive $0xFFFF  }
0x8a: {  	p0 =	sne.s32 s1, $0x0;
	_ =	strace $0x90000047  }
0x8b: {  	s0 =	sadd.s32 @!p0 $0x100000, s0;
	[bflag:$0x2] =	sbarrier.arrive $0xFFFF  }
0x8c: {  	[sflag:s0] =	ssyncadd.tile.s32 @!p0 $0x1;
	_ =	shalt  }
.Lfunc_end2:
_tile_overlayer_lowered:
.L_overlay_start_2:
0x8d: {  	(tag) =	ssettag $0x2  }
0x8e: {  	s0 =	rddreg [dreg:$0x0];
	s2 =	stileid.u32  }
0x8f: {  	s1 =	rddreg [dreg:$0x1];
	p0 =	sne.s32 s2, $0x0  }
0x90: {  	s3 =	rddreg [dreg:$0x2];
	[bflag:$0x3] =	sbarrier.arrive $0xFFFF;
	s2 =	simm.s32 @!p0 $0x1C03  }
0x91: {  	[timem:s3], [sflag:s2] =	dma.local @!p0 [hbm:s0], s1  }
0x92: {  	s0 =	simm.s32 @!p0 $0x3  }
0x93: {  	_ =	swait.ge @!p0 [sflag:s0], s1  }
0x94: {  	s1 =	ssub.s32 @!p0 $0x0, s1;
	[sflag:s0] =	ssyncset.done @!p0 $0x0  }
0x95: {  	[sflag:s0] =	ssyncadd.s32 @!p0 s1  }
0x96: {  	[bflag:$0x3] =	sbarrier.arrive $0xFFFF  }
0x97: {  	_ =	shalt  }

</sc_bundles>
